<compile_context>
chip_gen: v7x
topology: tpu7x:2x2x1
jax: 0.10.2.dev20260603
libtpu: 0.0.44.dev20260713+nightly
codegen_flags: <defaults>
</compile_context>

<pallas_src>
import functools

import jax
import jax.numpy as jnp
from jax import lax
from jax.experimental import pallas as pl
from jax.experimental.pallas import tpu as pltpu
from jax.experimental.pallas import tpu_sc as plsc

N_USERS = 50000
N_ITEMS = 50000
D = 32
N = N_USERS + N_ITEMS

NC = 2
NS = 16
LANES = 16

BLK = 128
CHUNK_ROWS = 4
CHUNK_E = BLK * CHUNK_ROWS
NSETS = 3

N_ACC = 100096
ROWS_PER_TILE_OUT = N_ACC // NS


def _sc_body(table, src, dst, val, out, *args, chunks_per_tile):
  bufs = []
  for k in range(NSETS):
    bufs.append(tuple(args[4 * k: 4 * k + 4]))
  acc = args[4 * NSETS]
  sem_g = args[4 * NSETS + 1]
  sem_i = args[4 * NSETS + 2]
  sem_s = args[4 * NSETS + 3: 4 * NSETS + 6]

  c = lax.axis_index("c")
  s = lax.axis_index("s")
  rows_per_tile = chunks_per_tile * CHUNK_ROWS
  tile_row0 = s * rows_per_tile

  rows0 = bufs[0][3]
  def zero_rows(i, _):
    rows0[i, :] = jnp.zeros((LANES,), jnp.float32)
    return 0
  lax.fori_loop(0, CHUNK_E, zero_rows, 0, unroll=4)
  zbase = s * ROWS_PER_TILE_OUT
  for r in range(ROWS_PER_TILE_OUT // CHUNK_E):
    pltpu.sync_copy(rows0, acc.at[pl.ds(zbase + r * CHUNK_E, CHUNK_E)])
  rem = ROWS_PER_TILE_OUT % CHUNK_E
  if rem:
    pltpu.sync_copy(
        rows0.at[pl.ds(0, rem)],
        acc.at[pl.ds(zbase + (ROWS_PER_TILE_OUT // CHUNK_E) * CHUNK_E, rem)])
  plsc.subcore_barrier()

  def load_idx(k, chunk):
    sidx, didx, vv, _ = bufs[k]
    row0 = tile_row0 + chunk * CHUNK_ROWS
    pltpu.async_copy(src.at[pl.ds(row0, CHUNK_ROWS)], sidx, sem_i)
    pltpu.async_copy(dst.at[pl.ds(row0, CHUNK_ROWS)], didx, sem_i)
    pltpu.async_copy(val.at[pl.ds(row0, CHUNK_ROWS)], vv, sem_i)

  def wait_idx(k, chunk):
    sidx, didx, vv, _ = bufs[k]
    row0 = tile_row0 + chunk * CHUNK_ROWS
    pltpu.make_async_copy(src.at[pl.ds(row0, CHUNK_ROWS)], sidx, sem_i).wait()
    pltpu.make_async_copy(dst.at[pl.ds(row0, CHUNK_ROWS)], didx, sem_i).wait()
    pltpu.make_async_copy(val.at[pl.ds(row0, CHUNK_ROWS)], vv, sem_i).wait()

  def fix_idx(k):
    sidx = bufs[k][0]
    def body(i, _):
      for j in range(BLK // LANES):
        sl = pl.ds(j * LANES, LANES)
        sidx[i, sl] = sidx[i, sl] * 2 + c
      return 0
    lax.fori_loop(0, CHUNK_ROWS, body, 0)

  def fire_gather(k):
    sidx, _, _, rows = bufs[k]
    for j in range(CHUNK_ROWS):
      pltpu.async_copy(table.at[sidx.at[j]],
                       rows.at[pl.ds(j * BLK, BLK)], sem_g)

  def wait_gather(k):
    sidx, _, _, rows = bufs[k]
    for j in range(CHUNK_ROWS):
      pltpu.make_async_copy(table.at[sidx.at[j]],
                            rows.at[pl.ds(j * BLK, BLK)], sem_g).wait()

  def scale(k):
    _, _, vv, rows = bufs[k]
    def scale_row(i, _):
      def scale_blk(kb, _):
        base = kb * LANES
        vvec = vv[i, pl.ds(base, LANES)]
        for u in range(LANES):
          e = i * BLK + base + u
          rows[e, :] = rows[e, :] * vvec[u]
        return 0
      lax.fori_loop(0, BLK // LANES, scale_blk, 0)
      return 0
    lax.fori_loop(0, CHUNK_ROWS, scale_row, 0)

  def fire_scatter(k):
    _, didx, _, rows = bufs[k]
    for j in range(CHUNK_ROWS):
      pltpu.async_copy(rows.at[pl.ds(j * BLK, BLK)],
                       acc.at[didx.at[j]], sem_s[k], add=True)

  def drain_scatter(k):
    _, didx, _, rows = bufs[k]
    for j in range(CHUNK_ROWS):
      pltpu.make_async_copy(rows.at[pl.ds(j * BLK, BLK)],
                            acc.at[didx.at[j]], sem_s[k]).wait()

  load_idx(0, 0)
  wait_idx(0, 0)
  fix_idx(0)
  fire_gather(0)

  groups = chunks_per_tile // NSETS

  def group(g, _):
    for p in range(NSETS):
      t = g * NSETS + p
      x = p
      z = (p + 1) % NSETS

      if p < 2:
        @pl.when(g > 0)
        def _():
          drain_scatter(z)
      else:
        drain_scatter(z)

      last = (p == NSETS - 1)

      def refill_front():
        load_idx(z, t + 1)

      def refill_back():
        wait_idx(z, t + 1)
        fix_idx(z)
        fire_gather(z)

      if last:
        @pl.when(g < groups - 1)
        def _():
          refill_front()
      else:
        refill_front()

      wait_gather(x)

      if last:
        @pl.when(g < groups - 1)
        def _():
          refill_back()
      else:
        refill_back()

      scale(x)
      fire_scatter(x)
    return 0

  lax.fori_loop(0, groups, group, 0)
  drain_scatter(NSETS - 2)
  drain_scatter(NSETS - 1)
  plsc.subcore_barrier()

  pltpu.sync_copy(acc.at[pl.ds(s * ROWS_PER_TILE_OUT, ROWS_PER_TILE_OUT)],
                  out.at[c, pl.ds(s * ROWS_PER_TILE_OUT, ROWS_PER_TILE_OUT)])


@jax.jit
def kernel(user_emb, item_emb, norm_adj_indices, norm_adj_values):
  e = norm_adj_indices.shape[1]
  per_unit = NS * CHUNK_E * NSETS
  e_pad = ((e + per_unit - 1) // per_unit) * per_unit
  pad = e_pad - e
  chunks_per_tile = e_pad // (NS * CHUNK_E)

  all_emb = jnp.concatenate([user_emb, item_emb], axis=0)
  table = all_emb.reshape(2 * N, D // 2)

  dst = norm_adj_indices[0].astype(jnp.int32)
  src = norm_adj_indices[1].astype(jnp.int32)
  val = norm_adj_values
  if pad:
    spread = (jnp.arange(pad, dtype=jnp.int32) * 61) % N
    dst = jnp.concatenate([dst, spread])
    src = jnp.concatenate([src, spread])
    val = jnp.concatenate([val, jnp.zeros((pad,), val.dtype)])
  src2 = src.reshape(e_pad // BLK, BLK)
  dst2 = dst.reshape(e_pad // BLK, BLK)
  val2 = val.reshape(e_pad // BLK, BLK)

  set_scratch = []
  for _ in range(NSETS):
    set_scratch += [
        pltpu.VMEM((CHUNK_ROWS, BLK), jnp.int32),
        pltpu.VMEM((CHUNK_ROWS, BLK), jnp.int32),
        pltpu.VMEM((CHUNK_ROWS, BLK), jnp.float32),
        pltpu.VMEM((CHUNK_E, LANES), jnp.float32),
    ]

  mesh = plsc.VectorSubcoreMesh(core_axis_name="c", subcore_axis_name="s")
  out = pl.kernel(
      functools.partial(_sc_body, chunks_per_tile=chunks_per_tile),
      out_type=jax.ShapeDtypeStruct((NC, N_ACC, D // 2), jnp.float32),
      mesh=mesh,
      compiler_params=pltpu.CompilerParams(use_tc_tiling_on_sc=False),
      scratch_types=set_scratch + [
          pltpu.VMEM_SHARED((N_ACC, D // 2), jnp.float32),
          pltpu.SemaphoreType.DMA,
          pltpu.SemaphoreType.DMA,
          pltpu.SemaphoreType.DMA,
          pltpu.SemaphoreType.DMA,
          pltpu.SemaphoreType.DMA,
      ],
  )(table, src2, dst2, val2)

  result = jnp.concatenate([out[0, :N], out[1, :N]], axis=1)
  return (result[:N_USERS], result[N_USERS:])

# --- scband reference (transcript-rebuilt; emitter-appended) ---
"""Pipeline reference for scband-light-gcnlayer-27642409517754 (READ-ONLY COPY).

The authoritative reference and input builder live on the scoring server;
editing this copy changes nothing except your own understanding.
"""

import jax, jax.numpy as jnp
import numpy as np

N_USERS = 50000
N_ITEMS = 50000
D = 32
E = 1600000
N = N_USERS + N_ITEMS


def setup_inputs(seed: int = 0) -> dict:
    key = jax.random.key(seed)
    k1, k2, k3, k4 = jax.random.split(key, 4)
    user_emb = jax.random.normal(k1, (N_USERS, D), dtype=jnp.float32)
    item_emb = jax.random.normal(k2, (N_ITEMS, D), dtype=jnp.float32)
    norm_adj_indices = jax.random.randint(k3, (2, E), 0, N, dtype=jnp.int64 if jax.config.jax_enable_x64 else jnp.int32)
    norm_adj_values = jax.random.uniform(k4, (E,), dtype=jnp.float32)
    return {
        "user_emb": user_emb,
        "item_emb": item_emb,
        "norm_adj_indices": norm_adj_indices,
        "norm_adj_values": norm_adj_values,
    }


def reference(user_emb, item_emb, norm_adj_indices, norm_adj_values):
    # LightGCN propagation: all_emb_new = norm_adj @ all_emb (sparse COO matmul)
    all_emb = jnp.concatenate([user_emb, item_emb], axis=0)
    dst = norm_adj_indices[0]
    src = norm_adj_indices[1]
    # gather source rows, scale by adjacency values (memory-bound)
    msgs = jnp.take(all_emb, src, axis=0) * norm_adj_values[:, None]
    # scatter-add into destination rows
    all_emb_new = jax.ops.segment_sum(msgs, dst, num_segments=N)
    new_user_emb = all_emb_new[:N_USERS]
    new_item_emb = all_emb_new[N_USERS:]
    return (new_user_emb, new_item_emb)

if __name__ == "__main__":
    import jax
    _d = setup_inputs()
    print(jax.jit(kernel)(*tuple(_d.values())))

</pallas_src>

<mosaic_0001>
#map = affine_map<(d0, d1) -> (0, 0)>
#map1 = affine_map<(d0, d1) -> (0, 0, 0)>
module attributes {stable_mosaic.version = 14 : i64} {
  func.func @_sc_body(%arg0: i32, %arg1: i32, %arg2: memref<200000x16xf32, #tpu.memory_space<hbm>>, %arg3: memref<12672x128xi32, #tpu.memory_space<hbm>>, %arg4: memref<12672x128xi32, #tpu.memory_space<hbm>>, %arg5: memref<12672x128xf32, #tpu.memory_space<hbm>>, %arg6: memref<2x100096x16xf32, #tpu.memory_space<hbm>>, %arg7: memref<4x128xi32, #tpu.memory_space<vmem>>, %arg8: memref<4x128xi32, #tpu.memory_space<vmem>>, %arg9: memref<4x128xf32, #tpu.memory_space<vmem>>, %arg10: memref<512x16xf32, #tpu.memory_space<vmem>>, %arg11: memref<4x128xi32, #tpu.memory_space<vmem>>, %arg12: memref<4x128xi32, #tpu.memory_space<vmem>>, %arg13: memref<4x128xf32, #tpu.memory_space<vmem>>, %arg14: memref<512x16xf32, #tpu.memory_space<vmem>>, %arg15: memref<4x128xi32, #tpu.memory_space<vmem>>, %arg16: memref<4x128xi32, #tpu.memory_space<vmem>>, %arg17: memref<4x128xf32, #tpu.memory_space<vmem>>, %arg18: memref<512x16xf32, #tpu.memory_space<vmem>>, %arg19: memref<100096x16xf32, #tpu.memory_space<vmem_shared>>, %arg20: memref<!tpu.dma_semaphore, #tpu.memory_space<semaphore_mem>>, %arg21: memref<!tpu.dma_semaphore, #tpu.memory_space<semaphore_mem>>, %arg22: memref<!tpu.dma_semaphore, #tpu.memory_space<semaphore_mem>>, %arg23: memref<!tpu.dma_semaphore, #tpu.memory_space<semaphore_mem>>, %arg24: memref<!tpu.dma_semaphore, #tpu.memory_space<semaphore_mem>>) attributes {dimension_semantics = [#tpu.dimension_semantics<core_parallel>, #tpu.dimension_semantics<subcore_parallel>], iteration_bounds = array<i64: 2, 16>, scalar_prefetch = 0 : i64, scratch_operands = 18 : i64, tpu.core_type = #tpu.core_type<sc_vector_subcore>, window_params = [{transform_indices = #map}, {transform_indices = #map}, {transform_indices = #map}, {transform_indices = #map}, {transform_indices = #map1}]} {
    %mul3A = arith.constant 792 : i32
    %mul3A_0 = arith.muli %arg1, %mul3A : i32
    %scan3A = arith.constant 0 : i32
    %scan3A_1 = arith.constant 0 : i32
    %scan3A_2 = arith.constant 512 : i32
    %scan3A_3 = arith.addi %scan3A_1, %scan3A_2 : i32
    %scan3A_4 = arith.constant 4 : i32
    %scan3A_5 = scf.for %scan3A_199 = %scan3A_1 to %scan3A_3 step %scan3A_4 iter_args(%scan3A_200 = %scan3A) -> (i32)  : i32 {
      %broadcast_in_dim3A = arith.constant 0.000000e+00 : f32
      %broadcast_in_dim3A_201 = vector.broadcast %broadcast_in_dim3A : f32 to vector<16xf32>
      %swap3A = arith.index_cast %scan3A_199 : i32 to index
      %swap3A_202 = arith.constant 0 : index
      %swap3A_203 = tpu.vector_load %arg10[%swap3A, %swap3A_202] {strides = array<i32>} : memref<512x16xf32, #tpu.memory_space<vmem>>, vector<1x16xf32>,
      %swap3A_204 = vector.shape_cast %swap3A_203 : vector<1x16xf32> to vector<16xf32>
      %swap3A_205 = vector.shape_cast %broadcast_in_dim3A_201 : vector<16xf32> to vector<1x16xf32>
      tpu.vector_store %arg10[%swap3A, %swap3A_202], %swap3A_205 {strides = array<i32>} : memref<512x16xf32, #tpu.memory_space<vmem>>, vector<1x16xf32>,
      %scan3A_206 = arith.constant 0 : i32
      %scan3A_207 = arith.constant 1 : i32
      %scan3A_208 = arith.addi %scan3A_199, %scan3A_207 : i32
      %broadcast_in_dim3A_209 = arith.constant 0.000000e+00 : f32
      %broadcast_in_dim3A_210 = vector.broadcast %broadcast_in_dim3A_209 : f32 to vector<16xf32>
      %swap3A_211 = arith.index_cast %scan3A_208 : i32 to index
      %swap3A_212 = arith.constant 0 : index
      %swap3A_213 = tpu.vector_load %arg10[%swap3A_211, %swap3A_212] {strides = array<i32>} : memref<512x16xf32, #tpu.memory_space<vmem>>, vector<1x16xf32>,
      %swap3A_214 = vector.shape_cast %swap3A_213 : vector<1x16xf32> to vector<16xf32>
      %swap3A_215 = vector.shape_cast %broadcast_in_dim3A_210 : vector<16xf32> to vector<1x16xf32>
      tpu.vector_store %arg10[%swap3A_211, %swap3A_212], %swap3A_215 {strides = array<i32>} : memref<512x16xf32, #tpu.memory_space<vmem>>, vector<1x16xf32>,
      %scan3A_216 = arith.constant 0 : i32
      %scan3A_217 = arith.constant 2 : i32
      %scan3A_218 = arith.addi %scan3A_199, %scan3A_217 : i32
      %broadcast_in_dim3A_219 = arith.constant 0.000000e+00 : f32
      %broadcast_in_dim3A_220 = vector.broadcast %broadcast_in_dim3A_219 : f32 to vector<16xf32>
      %swap3A_221 = arith.index_cast %scan3A_218 : i32 to index
      %swap3A_222 = arith.constant 0 : index
      %swap3A_223 = tpu.vector_load %arg10[%swap3A_221, %swap3A_222] {strides = array<i32>} : memref<512x16xf32, #tpu.memory_space<vmem>>, vector<1x16xf32>,
      %swap3A_224 = vector.shape_cast %swap3A_223 : vector<1x16xf32> to vector<16xf32>
      %swap3A_225 = vector.shape_cast %broadcast_in_dim3A_220 : vector<16xf32> to vector<1x16xf32>
      tpu.vector_store %arg10[%swap3A_221, %swap3A_222], %swap3A_225 {strides = array<i32>} : memref<512x16xf32, #tpu.memory_space<vmem>>, vector<1x16xf32>,
      %scan3A_226 = arith.constant 0 : i32
      %scan3A_227 = arith.constant 3 : i32
      %scan3A_228 = arith.addi %scan3A_199, %scan3A_227 : i32
      %broadcast_in_dim3A_229 = arith.constant 0.000000e+00 : f32
      %broadcast_in_dim3A_230 = vector.broadcast %broadcast_in_dim3A_229 : f32 to vector<16xf32>
      %swap3A_231 = arith.index_cast %scan3A_228 : i32 to index
      %swap3A_232 = arith.constant 0 : index
      %swap3A_233 = tpu.vector_load %arg10[%swap3A_231, %swap3A_232] {strides = array<i32>} : memref<512x16xf32, #tpu.memory_space<vmem>>, vector<1x16xf32>,
      %swap3A_234 = vector.shape_cast %swap3A_233 : vector<1x16xf32> to vector<16xf32>
      %swap3A_235 = vector.shape_cast %broadcast_in_dim3A_230 : vector<16xf32> to vector<1x16xf32>
      tpu.vector_store %arg10[%swap3A_231, %swap3A_232], %swap3A_235 {strides = array<i32>} : memref<512x16xf32, #tpu.memory_space<vmem>>, vector<1x16xf32>,
      %scan3A_236 = arith.constant 0 : i32
      scf.yield %scan3A_236 : i32
    }
    %scan3A_6 = arith.constant 512 : i32
    %mul3A_7 = arith.constant 6256 : i32
    %mul3A_8 = arith.muli %arg1, %mul3A_7 : i32
    %add3A = arith.constant 0 : i32
    %add3A_9 = arith.addi %mul3A_8, %add3A : i32
    "tpu.region"() ({
      %run_scoped3A = tpu.sem_alloc : memref<!tpu.dma_semaphore, #tpu.memory_space<semaphore_mem>>
      %dma_start3A_199 = arith.constant 0 : i32
      %dma_start3A_200 = tpu.memref_slice %arg19[%add3A_9, %dma_start3A_199] : memref<100096x16xf32, #tpu.memory_space<vmem_shared>> -> memref<512x16xf32, #tpu.memory_space<vmem_shared>>
      %dma_start3A_201 = arith.constant 0 : i32
      %dma_start3A_202 = tpu.memref_slice %arg19[%add3A_9, %dma_start3A_201] : memref<100096x16xf32, #tpu.memory_space<vmem_shared>> -> memref<512x16xf32, #tpu.memory_space<vmem_shared>>
      tpu.enqueue_dma source(%arg10 : memref<512x16xf32, #tpu.memory_space<vmem>>) target(%dma_start3A_202 : memref<512x16xf32, #tpu.memory_space<vmem_shared>>) target_semaphore(%run_scoped3A : memref<!tpu.dma_semaphore, #tpu.memory_space<semaphore_mem>>)
      %dma_wait3A_203 = arith.constant 0 : i32
      %dma_wait3A_204 = tpu.memref_slice %arg19[%add3A_9, %dma_wait3A_203] : memref<100096x16xf32, #tpu.memory_space<vmem_shared>> -> memref<512x16xf32, #tpu.memory_space<vmem_shared>>
      %dma_wait3A_205 = arith.constant 0 : i32
      %dma_wait3A_206 = tpu.memref_slice %arg19[%add3A_9, %dma_wait3A_205] : memref<100096x16xf32, #tpu.memory_space<vmem_shared>> -> memref<512x16xf32, #tpu.memory_space<vmem_shared>>
      tpu.wait_dma2 semaphore(%run_scoped3A : memref<!tpu.dma_semaphore, #tpu.memory_space<semaphore_mem>>) src(%arg10 : memref<512x16xf32, #tpu.memory_space<vmem>>) dst(%dma_wait3A_206 : memref<512x16xf32, #tpu.memory_space<vmem_shared>>)
      tpu.yield
    }) : () -> ()
    %add3A_10 = arith.constant 512 : i32
    %add3A_11 = arith.addi %mul3A_8, %add3A_10 : i32
    "tpu.region"() ({
      %run_scoped3A = tpu.sem_alloc : memref<!tpu.dma_semaphore, #tpu.memory_space<semaphore_mem>>
      %dma_start3A_199 = arith.constant 0 : i32
      %dma_start3A_200 = tpu.memref_slice %arg19[%add3A_11, %dma_start3A_199] : memref<100096x16xf32, #tpu.memory_space<vmem_shared>> -> memref<512x16xf32, #tpu.memory_space<vmem_shared>>
      %dma_start3A_201 = arith.constant 0 : i32
      %dma_start3A_202 = tpu.memref_slice %arg19[%add3A_11, %dma_start3A_201] : memref<100096x16xf32, #tpu.memory_space<vmem_shared>> -> memref<512x16xf32, #tpu.memory_space<vmem_shared>>
      tpu.enqueue_dma source(%arg10 : memref<512x16xf32, #tpu.memory_space<vmem>>) target(%dma_start3A_202 : memref<512x16xf32, #tpu.memory_space<vmem_shared>>) target_semaphore(%run_scoped3A : memref<!tpu.dma_semaphore, #tpu.memory_space<semaphore_mem>>)
      %dma_wait3A_203 = arith.constant 0 : i32
      %dma_wait3A_204 = tpu.memref_slice %arg19[%add3A_11, %dma_wait3A_203] : memref<100096x16xf32, #tpu.memory_space<vmem_shared>> -> memref<512x16xf32, #tpu.memory_space<vmem_shared>>
      %dma_wait3A_205 = arith.constant 0 : i32
      %dma_wait3A_206 = tpu.memref_slice %arg19[%add3A_11, %dma_wait3A_205] : memref<100096x16xf32, #tpu.memory_space<vmem_shared>> -> memref<512x16xf32, #tpu.memory_space<vmem_shared>>
      tpu.wait_dma2 semaphore(%run_scoped3A : memref<!tpu.dma_semaphore, #tpu.memory_space<semaphore_mem>>) src(%arg10 : memref<512x16xf32, #tpu.memory_space<vmem>>) dst(%dma_wait3A_206 : memref<512x16xf32, #tpu.memory_space<vmem_shared>>)
      tpu.yield
    }) : () -> ()
    %add3A_12 = arith.constant 1024 : i32
    %add3A_13 = arith.addi %mul3A_8, %add3A_12 : i32
    "tpu.region"() ({
      %run_scoped3A = tpu.sem_alloc : memref<!tpu.dma_semaphore, #tpu.memory_space<semaphore_mem>>
      %dma_start3A_199 = arith.constant 0 : i32
      %dma_start3A_200 = tpu.memref_slice %arg19[%add3A_13, %dma_start3A_199] : memref<100096x16xf32, #tpu.memory_space<vmem_shared>> -> memref<512x16xf32, #tpu.memory_space<vmem_shared>>
      %dma_start3A_201 = arith.constant 0 : i32
      %dma_start3A_202 = tpu.memref_slice %arg19[%add3A_13, %dma_start3A_201] : memref<100096x16xf32, #tpu.memory_space<vmem_shared>> -> memref<512x16xf32, #tpu.memory_space<vmem_shared>>
      tpu.enqueue_dma source(%arg10 : memref<512x16xf32, #tpu.memory_space<vmem>>) target(%dma_start3A_202 : memref<512x16xf32, #tpu.memory_space<vmem_shared>>) target_semaphore(%run_scoped3A : memref<!tpu.dma_semaphore, #tpu.memory_space<semaphore_mem>>)
      %dma_wait3A_203 = arith.constant 0 : i32
      %dma_wait3A_204 = tpu.memref_slice %arg19[%add3A_13, %dma_wait3A_203] : memref<100096x16xf32, #tpu.memory_space<vmem_shared>> -> memref<512x16xf32, #tpu.memory_space<vmem_shared>>
      %dma_wait3A_205 = arith.constant 0 : i32
      %dma_wait3A_206 = tpu.memref_slice %arg19[%add3A_13, %dma_wait3A_205] : memref<100096x16xf32, #tpu.memory_space<vmem_shared>> -> memref<512x16xf32, #tpu.memory_space<vmem_shared>>
      tpu.wait_dma2 semaphore(%run_scoped3A : memref<!tpu.dma_semaphore, #tpu.memory_space<semaphore_mem>>) src(%arg10 : memref<512x16xf32, #tpu.memory_space<vmem>>) dst(%dma_wait3A_206 : memref<512x16xf32, #tpu.memory_space<vmem_shared>>)
      tpu.yield
    }) : () -> ()
    %add3A_14 = arith.constant 1536 : i32
    %add3A_15 = arith.addi %mul3A_8, %add3A_14 : i32
    "tpu.region"() ({
      %run_scoped3A = tpu.sem_alloc : memref<!tpu.dma_semaphore, #tpu.memory_space<semaphore_mem>>
      %dma_start3A_199 = arith.constant 0 : i32
      %dma_start3A_200 = tpu.memref_slice %arg19[%add3A_15, %dma_start3A_199] : memref<100096x16xf32, #tpu.memory_space<vmem_shared>> -> memref<512x16xf32, #tpu.memory_space<vmem_shared>>
      %dma_start3A_201 = arith.constant 0 : i32
      %dma_start3A_202 = tpu.memref_slice %arg19[%add3A_15, %dma_start3A_201] : memref<100096x16xf32, #tpu.memory_space<vmem_shared>> -> memref<512x16xf32, #tpu.memory_space<vmem_shared>>
      tpu.enqueue_dma source(%arg10 : memref<512x16xf32, #tpu.memory_space<vmem>>) target(%dma_start3A_202 : memref<512x16xf32, #tpu.memory_space<vmem_shared>>) target_semaphore(%run_scoped3A : memref<!tpu.dma_semaphore, #tpu.memory_space<semaphore_mem>>)
      %dma_wait3A_203 = arith.constant 0 : i32
      %dma_wait3A_204 = tpu.memref_slice %arg19[%add3A_15, %dma_wait3A_203] : memref<100096x16xf32, #tpu.memory_space<vmem_shared>> -> memref<512x16xf32, #tpu.memory_space<vmem_shared>>
      %dma_wait3A_205 = arith.constant 0 : i32
      %dma_wait3A_206 = tpu.memref_slice %arg19[%add3A_15, %dma_wait3A_205] : memref<100096x16xf32, #tpu.memory_space<vmem_shared>> -> memref<512x16xf32, #tpu.memory_space<vmem_shared>>
      tpu.wait_dma2 semaphore(%run_scoped3A : memref<!tpu.dma_semaphore, #tpu.memory_space<semaphore_mem>>) src(%arg10 : memref<512x16xf32, #tpu.memory_space<vmem>>) dst(%dma_wait3A_206 : memref<512x16xf32, #tpu.memory_space<vmem_shared>>)
      tpu.yield
    }) : () -> ()
    %add3A_16 = arith.constant 2048 : i32
    %add3A_17 = arith.addi %mul3A_8, %add3A_16 : i32
    "tpu.region"() ({
      %run_scoped3A = tpu.sem_alloc : memref<!tpu.dma_semaphore, #tpu.memory_space<semaphore_mem>>
      %dma_start3A_199 = arith.constant 0 : i32
      %dma_start3A_200 = tpu.memref_slice %arg19[%add3A_17, %dma_start3A_199] : memref<100096x16xf32, #tpu.memory_space<vmem_shared>> -> memref<512x16xf32, #tpu.memory_space<vmem_shared>>
      %dma_start3A_201 = arith.constant 0 : i32
      %dma_start3A_202 = tpu.memref_slice %arg19[%add3A_17, %dma_start3A_201] : memref<100096x16xf32, #tpu.memory_space<vmem_shared>> -> memref<512x16xf32, #tpu.memory_space<vmem_shared>>
      tpu.enqueue_dma source(%arg10 : memref<512x16xf32, #tpu.memory_space<vmem>>) target(%dma_start3A_202 : memref<512x16xf32, #tpu.memory_space<vmem_shared>>) target_semaphore(%run_scoped3A : memref<!tpu.dma_semaphore, #tpu.memory_space<semaphore_mem>>)
      %dma_wait3A_203 = arith.constant 0 : i32
      %dma_wait3A_204 = tpu.memref_slice %arg19[%add3A_17, %dma_wait3A_203] : memref<100096x16xf32, #tpu.memory_space<vmem_shared>> -> memref<512x16xf32, #tpu.memory_space<vmem_shared>>
      %dma_wait3A_205 = arith.constant 0 : i32
      %dma_wait3A_206 = tpu.memref_slice %arg19[%add3A_17, %dma_wait3A_205] : memref<100096x16xf32, #tpu.memory_space<vmem_shared>> -> memref<512x16xf32, #tpu.memory_space<vmem_shared>>
      tpu.wait_dma2 semaphore(%run_scoped3A : memref<!tpu.dma_semaphore, #tpu.memory_space<semaphore_mem>>) src(%arg10 : memref<512x16xf32, #tpu.memory_space<vmem>>) dst(%dma_wait3A_206 : memref<512x16xf32, #tpu.memory_space<vmem_shared>>)
      tpu.yield
    }) : () -> ()
    %add3A_18 = arith.constant 2560 : i32
    %add3A_19 = arith.addi %mul3A_8, %add3A_18 : i32
    "tpu.region"() ({
      %run_scoped3A = tpu.sem_alloc : memref<!tpu.dma_semaphore, #tpu.memory_space<semaphore_mem>>
      %dma_start3A_199 = arith.constant 0 : i32
      %dma_start3A_200 = tpu.memref_slice %arg19[%add3A_19, %dma_start3A_199] : memref<100096x16xf32, #tpu.memory_space<vmem_shared>> -> memref<512x16xf32, #tpu.memory_space<vmem_shared>>
      %dma_start3A_201 = arith.constant 0 : i32
      %dma_start3A_202 = tpu.memref_slice %arg19[%add3A_19, %dma_start3A_201] : memref<100096x16xf32, #tpu.memory_space<vmem_shared>> -> memref<512x16xf32, #tpu.memory_space<vmem_shared>>
      tpu.enqueue_dma source(%arg10 : memref<512x16xf32, #tpu.memory_space<vmem>>) target(%dma_start3A_202 : memref<512x16xf32, #tpu.memory_space<vmem_shared>>) target_semaphore(%run_scoped3A : memref<!tpu.dma_semaphore, #tpu.memory_space<semaphore_mem>>)
      %dma_wait3A_203 = arith.constant 0 : i32
      %dma_wait3A_204 = tpu.memref_slice %arg19[%add3A_19, %dma_wait3A_203] : memref<100096x16xf32, #tpu.memory_space<vmem_shared>> -> memref<512x16xf32, #tpu.memory_space<vmem_shared>>
      %dma_wait3A_205 = arith.constant 0 : i32
      %dma_wait3A_206 = tpu.memref_slice %arg19[%add3A_19, %dma_wait3A_205] : memref<100096x16xf32, #tpu.memory_space<vmem_shared>> -> memref<512x16xf32, #tpu.memory_space<vmem_shared>>
      tpu.wait_dma2 semaphore(%run_scoped3A : memref<!tpu.dma_semaphore, #tpu.memory_space<semaphore_mem>>) src(%arg10 : memref<512x16xf32, #tpu.memory_space<vmem>>) dst(%dma_wait3A_206 : memref<512x16xf32, #tpu.memory_space<vmem_shared>>)
      tpu.yield
    }) : () -> ()
    %add3A_20 = arith.constant 3072 : i32
    %add3A_21 = arith.addi %mul3A_8, %add3A_20 : i32
    "tpu.region"() ({
      %run_scoped3A = tpu.sem_alloc : memref<!tpu.dma_semaphore, #tpu.memory_space<semaphore_mem>>
      %dma_start3A_199 = arith.constant 0 : i32
      %dma_start3A_200 = tpu.memref_slice %arg19[%add3A_21, %dma_start3A_199] : memref<100096x16xf32, #tpu.memory_space<vmem_shared>> -> memref<512x16xf32, #tpu.memory_space<vmem_shared>>
      %dma_start3A_201 = arith.constant 0 : i32
      %dma_start3A_202 = tpu.memref_slice %arg19[%add3A_21, %dma_start3A_201] : memref<100096x16xf32, #tpu.memory_space<vmem_shared>> -> memref<512x16xf32, #tpu.memory_space<vmem_shared>>
      tpu.enqueue_dma source(%arg10 : memref<512x16xf32, #tpu.memory_space<vmem>>) target(%dma_start3A_202 : memref<512x16xf32, #tpu.memory_space<vmem_shared>>) target_semaphore(%run_scoped3A : memref<!tpu.dma_semaphore, #tpu.memory_space<semaphore_mem>>)
      %dma_wait3A_203 = arith.constant 0 : i32
      %dma_wait3A_204 = tpu.memref_slice %arg19[%add3A_21, %dma_wait3A_203] : memref<100096x16xf32, #tpu.memory_space<vmem_shared>> -> memref<512x16xf32, #tpu.memory_space<vmem_shared>>
      %dma_wait3A_205 = arith.constant 0 : i32
      %dma_wait3A_206 = tpu.memref_slice %arg19[%add3A_21, %dma_wait3A_205] : memref<100096x16xf32, #tpu.memory_space<vmem_shared>> -> memref<512x16xf32, #tpu.memory_space<vmem_shared>>
      tpu.wait_dma2 semaphore(%run_scoped3A : memref<!tpu.dma_semaphore, #tpu.memory_space<semaphore_mem>>) src(%arg10 : memref<512x16xf32, #tpu.memory_space<vmem>>) dst(%dma_wait3A_206 : memref<512x16xf32, #tpu.memory_space<vmem_shared>>)
      tpu.yield
    }) : () -> ()
    %add3A_22 = arith.constant 3584 : i32
    %add3A_23 = arith.addi %mul3A_8, %add3A_22 : i32
    "tpu.region"() ({
      %run_scoped3A = tpu.sem_alloc : memref<!tpu.dma_semaphore, #tpu.memory_space<semaphore_mem>>
      %dma_start3A_199 = arith.constant 0 : i32
      %dma_start3A_200 = tpu.memref_slice %arg19[%add3A_23, %dma_start3A_199] : memref<100096x16xf32, #tpu.memory_space<vmem_shared>> -> memref<512x16xf32, #tpu.memory_space<vmem_shared>>
      %dma_start3A_201 = arith.constant 0 : i32
      %dma_start3A_202 = tpu.memref_slice %arg19[%add3A_23, %dma_start3A_201] : memref<100096x16xf32, #tpu.memory_space<vmem_shared>> -> memref<512x16xf32, #tpu.memory_space<vmem_shared>>
      tpu.enqueue_dma source(%arg10 : memref<512x16xf32, #tpu.memory_space<vmem>>) target(%dma_start3A_202 : memref<512x16xf32, #tpu.memory_space<vmem_shared>>) target_semaphore(%run_scoped3A : memref<!tpu.dma_semaphore, #tpu.memory_space<semaphore_mem>>)
      %dma_wait3A_203 = arith.constant 0 : i32
      %dma_wait3A_204 = tpu.memref_slice %arg19[%add3A_23, %dma_wait3A_203] : memref<100096x16xf32, #tpu.memory_space<vmem_shared>> -> memref<512x16xf32, #tpu.memory_space<vmem_shared>>
      %dma_wait3A_205 = arith.constant 0 : i32
      %dma_wait3A_206 = tpu.memref_slice %arg19[%add3A_23, %dma_wait3A_205] : memref<100096x16xf32, #tpu.memory_space<vmem_shared>> -> memref<512x16xf32, #tpu.memory_space<vmem_shared>>
      tpu.wait_dma2 semaphore(%run_scoped3A : memref<!tpu.dma_semaphore, #tpu.memory_space<semaphore_mem>>) src(%arg10 : memref<512x16xf32, #tpu.memory_space<vmem>>) dst(%dma_wait3A_206 : memref<512x16xf32, #tpu.memory_space<vmem_shared>>)
      tpu.yield
    }) : () -> ()
    %add3A_24 = arith.constant 4096 : i32
    %add3A_25 = arith.addi %mul3A_8, %add3A_24 : i32
    "tpu.region"() ({
      %run_scoped3A = tpu.sem_alloc : memref<!tpu.dma_semaphore, #tpu.memory_space<semaphore_mem>>
      %dma_start3A_199 = arith.constant 0 : i32
      %dma_start3A_200 = tpu.memref_slice %arg19[%add3A_25, %dma_start3A_199] : memref<100096x16xf32, #tpu.memory_space<vmem_shared>> -> memref<512x16xf32, #tpu.memory_space<vmem_shared>>
      %dma_start3A_201 = arith.constant 0 : i32
      %dma_start3A_202 = tpu.memref_slice %arg19[%add3A_25, %dma_start3A_201] : memref<100096x16xf32, #tpu.memory_space<vmem_shared>> -> memref<512x16xf32, #tpu.memory_space<vmem_shared>>
      tpu.enqueue_dma source(%arg10 : memref<512x16xf32, #tpu.memory_space<vmem>>) target(%dma_start3A_202 : memref<512x16xf32, #tpu.memory_space<vmem_shared>>) target_semaphore(%run_scoped3A : memref<!tpu.dma_semaphore, #tpu.memory_space<semaphore_mem>>)
      %dma_wait3A_203 = arith.constant 0 : i32
      %dma_wait3A_204 = tpu.memref_slice %arg19[%add3A_25, %dma_wait3A_203] : memref<100096x16xf32, #tpu.memory_space<vmem_shared>> -> memref<512x16xf32, #tpu.memory_space<vmem_shared>>
      %dma_wait3A_205 = arith.constant 0 : i32
      %dma_wait3A_206 = tpu.memref_slice %arg19[%add3A_25, %dma_wait3A_205] : memref<100096x16xf32, #tpu.memory_space<vmem_shared>> -> memref<512x16xf32, #tpu.memory_space<vmem_shared>>
      tpu.wait_dma2 semaphore(%run_scoped3A : memref<!tpu.dma_semaphore, #tpu.memory_space<semaphore_mem>>) src(%arg10 : memref<512x16xf32, #tpu.memory_space<vmem>>) dst(%dma_wait3A_206 : memref<512x16xf32, #tpu.memory_space<vmem_shared>>)
      tpu.yield
    }) : () -> ()
    %add3A_26 = arith.constant 4608 : i32
    %add3A_27 = arith.addi %mul3A_8, %add3A_26 : i32
    "tpu.region"() ({
      %run_scoped3A = tpu.sem_alloc : memref<!tpu.dma_semaphore, #tpu.memory_space<semaphore_mem>>
      %dma_start3A_199 = arith.constant 0 : i32
      %dma_start3A_200 = tpu.memref_slice %arg19[%add3A_27, %dma_start3A_199] : memref<100096x16xf32, #tpu.memory_space<vmem_shared>> -> memref<512x16xf32, #tpu.memory_space<vmem_shared>>
      %dma_start3A_201 = arith.constant 0 : i32
      %dma_start3A_202 = tpu.memref_slice %arg19[%add3A_27, %dma_start3A_201] : memref<100096x16xf32, #tpu.memory_space<vmem_shared>> -> memref<512x16xf32, #tpu.memory_space<vmem_shared>>
      tpu.enqueue_dma source(%arg10 : memref<512x16xf32, #tpu.memory_space<vmem>>) target(%dma_start3A_202 : memref<512x16xf32, #tpu.memory_space<vmem_shared>>) target_semaphore(%run_scoped3A : memref<!tpu.dma_semaphore, #tpu.memory_space<semaphore_mem>>)
      %dma_wait3A_203 = arith.constant 0 : i32
      %dma_wait3A_204 = tpu.memref_slice %arg19[%add3A_27, %dma_wait3A_203] : memref<100096x16xf32, #tpu.memory_space<vmem_shared>> -> memref<512x16xf32, #tpu.memory_space<vmem_shared>>
      %dma_wait3A_205 = arith.constant 0 : i32
      %dma_wait3A_206 = tpu.memref_slice %arg19[%add3A_27, %dma_wait3A_205] : memref<100096x16xf32, #tpu.memory_space<vmem_shared>> -> memref<512x16xf32, #tpu.memory_space<vmem_shared>>
      tpu.wait_dma2 semaphore(%run_scoped3A : memref<!tpu.dma_semaphore, #tpu.memory_space<semaphore_mem>>) src(%arg10 : memref<512x16xf32, #tpu.memory_space<vmem>>) dst(%dma_wait3A_206 : memref<512x16xf32, #tpu.memory_space<vmem_shared>>)
      tpu.yield
    }) : () -> ()
    %add3A_28 = arith.constant 5120 : i32
    %add3A_29 = arith.addi %mul3A_8, %add3A_28 : i32
    "tpu.region"() ({
      %run_scoped3A = tpu.sem_alloc : memref<!tpu.dma_semaphore, #tpu.memory_space<semaphore_mem>>
      %dma_start3A_199 = arith.constant 0 : i32
      %dma_start3A_200 = tpu.memref_slice %arg19[%add3A_29, %dma_start3A_199] : memref<100096x16xf32, #tpu.memory_space<vmem_shared>> -> memref<512x16xf32, #tpu.memory_space<vmem_shared>>
      %dma_start3A_201 = arith.constant 0 : i32
      %dma_start3A_202 = tpu.memref_slice %arg19[%add3A_29, %dma_start3A_201] : memref<100096x16xf32, #tpu.memory_space<vmem_shared>> -> memref<512x16xf32, #tpu.memory_space<vmem_shared>>
      tpu.enqueue_dma source(%arg10 : memref<512x16xf32, #tpu.memory_space<vmem>>) target(%dma_start3A_202 : memref<512x16xf32, #tpu.memory_space<vmem_shared>>) target_semaphore(%run_scoped3A : memref<!tpu.dma_semaphore, #tpu.memory_space<semaphore_mem>>)
      %dma_wait3A_203 = arith.constant 0 : i32
      %dma_wait3A_204 = tpu.memref_slice %arg19[%add3A_29, %dma_wait3A_203] : memref<100096x16xf32, #tpu.memory_space<vmem_shared>> -> memref<512x16xf32, #tpu.memory_space<vmem_shared>>
      %dma_wait3A_205 = arith.constant 0 : i32
      %dma_wait3A_206 = tpu.memref_slice %arg19[%add3A_29, %dma_wait3A_205] : memref<100096x16xf32, #tpu.memory_space<vmem_shared>> -> memref<512x16xf32, #tpu.memory_space<vmem_shared>>
      tpu.wait_dma2 semaphore(%run_scoped3A : memref<!tpu.dma_semaphore, #tpu.memory_space<semaphore_mem>>) src(%arg10 : memref<512x16xf32, #tpu.memory_space<vmem>>) dst(%dma_wait3A_206 : memref<512x16xf32, #tpu.memory_space<vmem_shared>>)
      tpu.yield
    }) : () -> ()
    %add3A_30 = arith.constant 5632 : i32
    %add3A_31 = arith.addi %mul3A_8, %add3A_30 : i32
    "tpu.region"() ({
      %run_scoped3A = tpu.sem_alloc : memref<!tpu.dma_semaphore, #tpu.memory_space<semaphore_mem>>
      %dma_start3A_199 = arith.constant 0 : i32
      %dma_start3A_200 = tpu.memref_slice %arg19[%add3A_31, %dma_start3A_199] : memref<100096x16xf32, #tpu.memory_space<vmem_shared>> -> memref<512x16xf32, #tpu.memory_space<vmem_shared>>
      %dma_start3A_201 = arith.constant 0 : i32
      %dma_start3A_202 = tpu.memref_slice %arg19[%add3A_31, %dma_start3A_201] : memref<100096x16xf32, #tpu.memory_space<vmem_shared>> -> memref<512x16xf32, #tpu.memory_space<vmem_shared>>
      tpu.enqueue_dma source(%arg10 : memref<512x16xf32, #tpu.memory_space<vmem>>) target(%dma_start3A_202 : memref<512x16xf32, #tpu.memory_space<vmem_shared>>) target_semaphore(%run_scoped3A : memref<!tpu.dma_semaphore, #tpu.memory_space<semaphore_mem>>)
      %dma_wait3A_203 = arith.constant 0 : i32
      %dma_wait3A_204 = tpu.memref_slice %arg19[%add3A_31, %dma_wait3A_203] : memref<100096x16xf32, #tpu.memory_space<vmem_shared>> -> memref<512x16xf32, #tpu.memory_space<vmem_shared>>
      %dma_wait3A_205 = arith.constant 0 : i32
      %dma_wait3A_206 = tpu.memref_slice %arg19[%add3A_31, %dma_wait3A_205] : memref<100096x16xf32, #tpu.memory_space<vmem_shared>> -> memref<512x16xf32, #tpu.memory_space<vmem_shared>>
      tpu.wait_dma2 semaphore(%run_scoped3A : memref<!tpu.dma_semaphore, #tpu.memory_space<semaphore_mem>>) src(%arg10 : memref<512x16xf32, #tpu.memory_space<vmem>>) dst(%dma_wait3A_206 : memref<512x16xf32, #tpu.memory_space<vmem_shared>>)
      tpu.yield
    }) : () -> ()
    %add3A_32 = arith.constant 6144 : i32
    %add3A_33 = arith.addi %mul3A_8, %add3A_32 : i32
    "tpu.region"() ({
      %run_scoped3A = tpu.sem_alloc : memref<!tpu.dma_semaphore, #tpu.memory_space<semaphore_mem>>
      %dma_start3A_199 = arith.constant 0 : i32
      %dma_start3A_200 = arith.constant 0 : i32
      %dma_start3A_201 = tpu.memref_slice %arg10[%dma_start3A_199, %dma_start3A_200] : memref<512x16xf32, #tpu.memory_space<vmem>> -> memref<112x16xf32, #tpu.memory_space<vmem>>
      %dma_start3A_202 = arith.constant 0 : i32
      %dma_start3A_203 = tpu.memref_slice %arg19[%add3A_33, %dma_start3A_202] : memref<100096x16xf32, #tpu.memory_space<vmem_shared>> -> memref<112x16xf32, #tpu.memory_space<vmem_shared>>
      %dma_start3A_204 = arith.constant 0 : i32
      %dma_start3A_205 = tpu.memref_slice %arg19[%add3A_33, %dma_start3A_204] : memref<100096x16xf32, #tpu.memory_space<vmem_shared>> -> memref<112x16xf32, #tpu.memory_space<vmem_shared>>
      %dma_start3A_206 = arith.constant 0 : i32
      %dma_start3A_207 = arith.constant 0 : i32
      %dma_start3A_208 = tpu.memref_slice %arg10[%dma_start3A_206, %dma_start3A_207] : memref<512x16xf32, #tpu.memory_space<vmem>> -> memref<112x16xf32, #tpu.memory_space<vmem>>
      tpu.enqueue_dma source(%dma_start3A_208 : memref<112x16xf32, #tpu.memory_space<vmem>>) target(%dma_start3A_205 : memref<112x16xf32, #tpu.memory_space<vmem_shared>>) target_semaphore(%run_scoped3A : memref<!tpu.dma_semaphore, #tpu.memory_space<semaphore_mem>>)
      %dma_wait3A_209 = arith.constant 0 : i32
      %dma_wait3A_210 = arith.constant 0 : i32
      %dma_wait3A_211 = tpu.memref_slice %arg10[%dma_wait3A_209, %dma_wait3A_210] : memref<512x16xf32, #tpu.memory_space<vmem>> -> memref<112x16xf32, #tpu.memory_space<vmem>>
      %dma_wait3A_212 = arith.constant 0 : i32
      %dma_wait3A_213 = tpu.memref_slice %arg19[%add3A_33, %dma_wait3A_212] : memref<100096x16xf32, #tpu.memory_space<vmem_shared>> -> memref<112x16xf32, #tpu.memory_space<vmem_shared>>
      %dma_wait3A_214 = arith.constant 0 : i32
      %dma_wait3A_215 = tpu.memref_slice %arg19[%add3A_33, %dma_wait3A_214] : memref<100096x16xf32, #tpu.memory_space<vmem_shared>> -> memref<112x16xf32, #tpu.memory_space<vmem_shared>>
      %dma_wait3A_216 = arith.constant 0 : i32
      %dma_wait3A_217 = arith.constant 0 : i32
      %dma_wait3A_218 = tpu.memref_slice %arg10[%dma_wait3A_216, %dma_wait3A_217] : memref<512x16xf32, #tpu.memory_space<vmem>> -> memref<112x16xf32, #tpu.memory_space<vmem>>
      tpu.wait_dma2 semaphore(%run_scoped3A : memref<!tpu.dma_semaphore, #tpu.memory_space<semaphore_mem>>) src(%dma_wait3A_218 : memref<112x16xf32, #tpu.memory_space<vmem>>) dst(%dma_wait3A_215 : memref<112x16xf32, #tpu.memory_space<vmem_shared>>)
      tpu.yield
    }) : () -> ()
    %barrier3A = arith.constant 0 : index
    tpu.barrier barrier_id(%barrier3A)
    %add3A_34 = arith.constant 0 : i32
    %add3A_35 = arith.addi %mul3A_0, %add3A_34 : i32
    %dma_start3A = arith.constant 0 : i32
    %dma_start3A_36 = tpu.memref_slice %arg3[%add3A_35, %dma_start3A] : memref<12672x128xi32, #tpu.memory_space<hbm>> -> memref<4x128xi32, #tpu.memory_space<hbm>>
    %dma_start3A_37 = arith.constant 0 : i32
    %dma_start3A_38 = tpu.memref_slice %arg3[%add3A_35, %dma_start3A_37] : memref<12672x128xi32, #tpu.memory_space<hbm>> -> memref<4x128xi32, #tpu.memory_space<hbm>>
    tpu.enqueue_dma source(%dma_start3A_38 : memref<4x128xi32, #tpu.memory_space<hbm>>) target(%arg7 : memref<4x128xi32, #tpu.memory_space<vmem>>) target_semaphore(%arg21 : memref<!tpu.dma_semaphore, #tpu.memory_space<semaphore_mem>>)
    %dma_start3A_39 = arith.constant 0 : i32
    %dma_start3A_40 = tpu.memref_slice %arg4[%add3A_35, %dma_start3A_39] : memref<12672x128xi32, #tpu.memory_space<hbm>> -> memref<4x128xi32, #tpu.memory_space<hbm>>
    %dma_start3A_41 = arith.constant 0 : i32
    %dma_start3A_42 = tpu.memref_slice %arg4[%add3A_35, %dma_start3A_41] : memref<12672x128xi32, #tpu.memory_space<hbm>> -> memref<4x128xi32, #tpu.memory_space<hbm>>
    tpu.enqueue_dma source(%dma_start3A_42 : memref<4x128xi32, #tpu.memory_space<hbm>>) target(%arg8 : memref<4x128xi32, #tpu.memory_space<vmem>>) target_semaphore(%arg21 : memref<!tpu.dma_semaphore, #tpu.memory_space<semaphore_mem>>)
    %dma_start3A_43 = arith.constant 0 : i32
    %dma_start3A_44 = tpu.memref_slice %arg5[%add3A_35, %dma_start3A_43] : memref<12672x128xf32, #tpu.memory_space<hbm>> -> memref<4x128xf32, #tpu.memory_space<hbm>>
    %dma_start3A_45 = arith.constant 0 : i32
    %dma_start3A_46 = tpu.memref_slice %arg5[%add3A_35, %dma_start3A_45] : memref<12672x128xf32, #tpu.memory_space<hbm>> -> memref<4x128xf32, #tpu.memory_space<hbm>>
    tpu.enqueue_dma source(%dma_start3A_46 : memref<4x128xf32, #tpu.memory_space<hbm>>) target(%arg9 : memref<4x128xf32, #tpu.memory_space<vmem>>) target_semaphore(%arg21 : memref<!tpu.dma_semaphore, #tpu.memory_space<semaphore_mem>>)
    %add3A_47 = arith.constant 0 : i32
    %add3A_48 = arith.addi %mul3A_0, %add3A_47 : i32
    %dma_wait3A = arith.constant 0 : i32
    %dma_wait3A_49 = tpu.memref_slice %arg3[%add3A_48, %dma_wait3A] : memref<12672x128xi32, #tpu.memory_space<hbm>> -> memref<4x128xi32, #tpu.memory_space<hbm>>
    %dma_wait3A_50 = arith.constant 0 : i32
    %dma_wait3A_51 = tpu.memref_slice %arg3[%add3A_48, %dma_wait3A_50] : memref<12672x128xi32, #tpu.memory_space<hbm>> -> memref<4x128xi32, #tpu.memory_space<hbm>>
    tpu.wait_dma2 semaphore(%arg21 : memref<!tpu.dma_semaphore, #tpu.memory_space<semaphore_mem>>) src(%dma_wait3A_51 : memref<4x128xi32, #tpu.memory_space<hbm>>) dst(%arg7 : memref<4x128xi32, #tpu.memory_space<vmem>>)
    %dma_wait3A_52 = arith.constant 0 : i32
    %dma_wait3A_53 = tpu.memref_slice %arg4[%add3A_48, %dma_wait3A_52] : memref<12672x128xi32, #tpu.memory_space<hbm>> -> memref<4x128xi32, #tpu.memory_space<hbm>>
    %dma_wait3A_54 = arith.constant 0 : i32
    %dma_wait3A_55 = tpu.memref_slice %arg4[%add3A_48, %dma_wait3A_54] : memref<12672x128xi32, #tpu.memory_space<hbm>> -> memref<4x128xi32, #tpu.memory_space<hbm>>
    tpu.wait_dma2 semaphore(%arg21 : memref<!tpu.dma_semaphore, #tpu.memory_space<semaphore_mem>>) src(%dma_wait3A_55 : memref<4x128xi32, #tpu.memory_space<hbm>>) dst(%arg8 : memref<4x128xi32, #tpu.memory_space<vmem>>)
    %dma_wait3A_56 = arith.constant 0 : i32
    %dma_wait3A_57 = tpu.memref_slice %arg5[%add3A_48, %dma_wait3A_56] : memref<12672x128xf32, #tpu.memory_space<hbm>> -> memref<4x128xf32, #tpu.memory_space<hbm>>
    %dma_wait3A_58 = arith.constant 0 : i32
    %dma_wait3A_59 = tpu.memref_slice %arg5[%add3A_48, %dma_wait3A_58] : memref<12672x128xf32, #tpu.memory_space<hbm>> -> memref<4x128xf32, #tpu.memory_space<hbm>>
    tpu.wait_dma2 semaphore(%arg21 : memref<!tpu.dma_semaphore, #tpu.memory_space<semaphore_mem>>) src(%dma_wait3A_59 : memref<4x128xf32, #tpu.memory_space<hbm>>) dst(%arg9 : memref<4x128xf32, #tpu.memory_space<vmem>>)
    %scan3A_60 = arith.constant 0 : i32
    %scan3A_61 = arith.constant 0 : i32
    %scan3A_62 = arith.constant 4 : i32
    %scan3A_63 = arith.addi %scan3A_61, %scan3A_62 : i32
    %scan3A_64 = arith.constant 1 : i32
    %scan3A_65 = scf.for %scan3A_199 = %scan3A_61 to %scan3A_63 step %scan3A_64 iter_args(%scan3A_200 = %scan3A_60) -> (i32)  : i32 {
      %get3A = arith.index_cast %scan3A_199 : i32 to index
      %get3A_201 = arith.constant 0 : index
      %get3A_202 = tpu.vector_load %arg7[%get3A, %get3A_201] {strides = array<i32>} : memref<4x128xi32, #tpu.memory_space<vmem>>, vector<1x16xi32>,
      %get3A_203 = vector.shape_cast %get3A_202 : vector<1x16xi32> to vector<16xi32>
      %mul3A_204 = arith.constant 2 : i32
      %mul3A_205 = vector.broadcast %mul3A_204 : i32 to vector<16xi32>
      %mul3A_206 = arith.muli %get3A_203, %mul3A_205 : vector<16xi32>
      %add3A_207 = vector.broadcast %arg0 : i32 to vector<16xi32>
      %add3A_208 = arith.addi %mul3A_206, %add3A_207 : vector<16xi32>
      %swap3A = arith.index_cast %scan3A_199 : i32 to index
      %swap3A_209 = arith.constant 0 : index
      %swap3A_210 = tpu.vector_load %arg7[%swap3A, %swap3A_209] {strides = array<i32>} : memref<4x128xi32, #tpu.memory_space<vmem>>, vector<1x16xi32>,
      %swap3A_211 = vector.shape_cast %swap3A_210 : vector<1x16xi32> to vector<16xi32>
      %swap3A_212 = vector.shape_cast %add3A_208 : vector<16xi32> to vector<1x16xi32>
      tpu.vector_store %arg7[%swap3A, %swap3A_209], %swap3A_212 {strides = array<i32>} : memref<4x128xi32, #tpu.memory_space<vmem>>, vector<1x16xi32>,
      %get3A_213 = arith.index_cast %scan3A_199 : i32 to index
      %get3A_214 = arith.constant 16 : index
      %get3A_215 = tpu.vector_load %arg7[%get3A_213, %get3A_214] {strides = array<i32>} : memref<4x128xi32, #tpu.memory_space<vmem>>, vector<1x16xi32>,
      %get3A_216 = vector.shape_cast %get3A_215 : vector<1x16xi32> to vector<16xi32>
      %mul3A_217 = arith.constant 2 : i32
      %mul3A_218 = vector.broadcast %mul3A_217 : i32 to vector<16xi32>
      %mul3A_219 = arith.muli %get3A_216, %mul3A_218 : vector<16xi32>
      %add3A_220 = vector.broadcast %arg0 : i32 to vector<16xi32>
      %add3A_221 = arith.addi %mul3A_219, %add3A_220 : vector<16xi32>
      %swap3A_222 = arith.index_cast %scan3A_199 : i32 to index
      %swap3A_223 = arith.constant 16 : index
      %swap3A_224 = tpu.vector_load %arg7[%swap3A_222, %swap3A_223] {strides = array<i32>} : memref<4x128xi32, #tpu.memory_space<vmem>>, vector<1x16xi32>,
      %swap3A_225 = vector.shape_cast %swap3A_224 : vector<1x16xi32> to vector<16xi32>
      %swap3A_226 = vector.shape_cast %add3A_221 : vector<16xi32> to vector<1x16xi32>
      tpu.vector_store %arg7[%swap3A_222, %swap3A_223], %swap3A_226 {strides = array<i32>} : memref<4x128xi32, #tpu.memory_space<vmem>>, vector<1x16xi32>,
      %get3A_227 = arith.index_cast %scan3A_199 : i32 to index
      %get3A_228 = arith.constant 32 : index
      %get3A_229 = tpu.vector_load %arg7[%get3A_227, %get3A_228] {strides = array<i32>} : memref<4x128xi32, #tpu.memory_space<vmem>>, vector<1x16xi32>,
      %get3A_230 = vector.shape_cast %get3A_229 : vector<1x16xi32> to vector<16xi32>
      %mul3A_231 = arith.constant 2 : i32
      %mul3A_232 = vector.broadcast %mul3A_231 : i32 to vector<16xi32>
      %mul3A_233 = arith.muli %get3A_230, %mul3A_232 : vector<16xi32>
      %add3A_234 = vector.broadcast %arg0 : i32 to vector<16xi32>
      %add3A_235 = arith.addi %mul3A_233, %add3A_234 : vector<16xi32>
      %swap3A_236 = arith.index_cast %scan3A_199 : i32 to index
      %swap3A_237 = arith.constant 32 : index
      %swap3A_238 = tpu.vector_load %arg7[%swap3A_236, %swap3A_237] {strides = array<i32>} : memref<4x128xi32, #tpu.memory_space<vmem>>, vector<1x16xi32>,
      %swap3A_239 = vector.shape_cast %swap3A_238 : vector<1x16xi32> to vector<16xi32>
      %swap3A_240 = vector.shape_cast %add3A_235 : vector<16xi32> to vector<1x16xi32>
      tpu.vector_store %arg7[%swap3A_236, %swap3A_237], %swap3A_240 {strides = array<i32>} : memref<4x128xi32, #tpu.memory_space<vmem>>, vector<1x16xi32>,
      %get3A_241 = arith.index_cast %scan3A_199 : i32 to index
      %get3A_242 = arith.constant 48 : index
      %get3A_243 = tpu.vector_load %arg7[%get3A_241, %get3A_242] {strides = array<i32>} : memref<4x128xi32, #tpu.memory_space<vmem>>, vector<1x16xi32>,
      %get3A_244 = vector.shape_cast %get3A_243 : vector<1x16xi32> to vector<16xi32>
      %mul3A_245 = arith.constant 2 : i32
      %mul3A_246 = vector.broadcast %mul3A_245 : i32 to vector<16xi32>
      %mul3A_247 = arith.muli %get3A_244, %mul3A_246 : vector<16xi32>
      %add3A_248 = vector.broadcast %arg0 : i32 to vector<16xi32>
      %add3A_249 = arith.addi %mul3A_247, %add3A_248 : vector<16xi32>
      %swap3A_250 = arith.index_cast %scan3A_199 : i32 to index
      %swap3A_251 = arith.constant 48 : index
      %swap3A_252 = tpu.vector_load %arg7[%swap3A_250, %swap3A_251] {strides = array<i32>} : memref<4x128xi32, #tpu.memory_space<vmem>>, vector<1x16xi32>,
      %swap3A_253 = vector.shape_cast %swap3A_252 : vector<1x16xi32> to vector<16xi32>
      %swap3A_254 = vector.shape_cast %add3A_249 : vector<16xi32> to vector<1x16xi32>
      tpu.vector_store %arg7[%swap3A_250, %swap3A_251], %swap3A_254 {strides = array<i32>} : memref<4x128xi32, #tpu.memory_space<vmem>>, vector<1x16xi32>,
      %get3A_255 = arith.index_cast %scan3A_199 : i32 to index
      %get3A_256 = arith.constant 64 : index
      %get3A_257 = tpu.vector_load %arg7[%get3A_255, %get3A_256] {strides = array<i32>} : memref<4x128xi32, #tpu.memory_space<vmem>>, vector<1x16xi32>,
      %get3A_258 = vector.shape_cast %get3A_257 : vector<1x16xi32> to vector<16xi32>
      %mul3A_259 = arith.constant 2 : i32
      %mul3A_260 = vector.broadcast %mul3A_259 : i32 to vector<16xi32>
      %mul3A_261 = arith.muli %get3A_258, %mul3A_260 : vector<16xi32>
      %add3A_262 = vector.broadcast %arg0 : i32 to vector<16xi32>
      %add3A_263 = arith.addi %mul3A_261, %add3A_262 : vector<16xi32>
      %swap3A_264 = arith.index_cast %scan3A_199 : i32 to index
      %swap3A_265 = arith.constant 64 : index
      %swap3A_266 = tpu.vector_load %arg7[%swap3A_264, %swap3A_265] {strides = array<i32>} : memref<4x128xi32, #tpu.memory_space<vmem>>, vector<1x16xi32>,
      %swap3A_267 = vector.shape_cast %swap3A_266 : vector<1x16xi32> to vector<16xi32>
      %swap3A_268 = vector.shape_cast %add3A_263 : vector<16xi32> to vector<1x16xi32>
      tpu.vector_store %arg7[%swap3A_264, %swap3A_265], %swap3A_268 {strides = array<i32>} : memref<4x128xi32, #tpu.memory_space<vmem>>, vector<1x16xi32>,
      %get3A_269 = arith.index_cast %scan3A_199 : i32 to index
      %get3A_270 = arith.constant 80 : index
      %get3A_271 = tpu.vector_load %arg7[%get3A_269, %get3A_270] {strides = array<i32>} : memref<4x128xi32, #tpu.memory_space<vmem>>, vector<1x16xi32>,
      %get3A_272 = vector.shape_cast %get3A_271 : vector<1x16xi32> to vector<16xi32>
      %mul3A_273 = arith.constant 2 : i32
      %mul3A_274 = vector.broadcast %mul3A_273 : i32 to vector<16xi32>
      %mul3A_275 = arith.muli %get3A_272, %mul3A_274 : vector<16xi32>
      %add3A_276 = vector.broadcast %arg0 : i32 to vector<16xi32>
      %add3A_277 = arith.addi %mul3A_275, %add3A_276 : vector<16xi32>
      %swap3A_278 = arith.index_cast %scan3A_199 : i32 to index
      %swap3A_279 = arith.constant 80 : index
      %swap3A_280 = tpu.vector_load %arg7[%swap3A_278, %swap3A_279] {strides = array<i32>} : memref<4x128xi32, #tpu.memory_space<vmem>>, vector<1x16xi32>,
      %swap3A_281 = vector.shape_cast %swap3A_280 : vector<1x16xi32> to vector<16xi32>
      %swap3A_282 = vector.shape_cast %add3A_277 : vector<16xi32> to vector<1x16xi32>
      tpu.vector_store %arg7[%swap3A_278, %swap3A_279], %swap3A_282 {strides = array<i32>} : memref<4x128xi32, #tpu.memory_space<vmem>>, vector<1x16xi32>,
      %get3A_283 = arith.index_cast %scan3A_199 : i32 to index
      %get3A_284 = arith.constant 96 : index
      %get3A_285 = tpu.vector_load %arg7[%get3A_283, %get3A_284] {strides = array<i32>} : memref<4x128xi32, #tpu.memory_space<vmem>>, vector<1x16xi32>,
      %get3A_286 = vector.shape_cast %get3A_285 : vector<1x16xi32> to vector<16xi32>
      %mul3A_287 = arith.constant 2 : i32
      %mul3A_288 = vector.broadcast %mul3A_287 : i32 to vector<16xi32>
      %mul3A_289 = arith.muli %get3A_286, %mul3A_288 : vector<16xi32>
      %add3A_290 = vector.broadcast %arg0 : i32 to vector<16xi32>
      %add3A_291 = arith.addi %mul3A_289, %add3A_290 : vector<16xi32>
      %swap3A_292 = arith.index_cast %scan3A_199 : i32 to index
      %swap3A_293 = arith.constant 96 : index
      %swap3A_294 = tpu.vector_load %arg7[%swap3A_292, %swap3A_293] {strides = array<i32>} : memref<4x128xi32, #tpu.memory_space<vmem>>, vector<1x16xi32>,
      %swap3A_295 = vector.shape_cast %swap3A_294 : vector<1x16xi32> to vector<16xi32>
      %swap3A_296 = vector.shape_cast %add3A_291 : vector<16xi32> to vector<1x16xi32>
      tpu.vector_store %arg7[%swap3A_292, %swap3A_293], %swap3A_296 {strides = array<i32>} : memref<4x128xi32, #tpu.memory_space<vmem>>, vector<1x16xi32>,
      %get3A_297 = arith.index_cast %scan3A_199 : i32 to index
      %get3A_298 = arith.constant 112 : index
      %get3A_299 = tpu.vector_load %arg7[%get3A_297, %get3A_298] {strides = array<i32>} : memref<4x128xi32, #tpu.memory_space<vmem>>, vector<1x16xi32>,
      %get3A_300 = vector.shape_cast %get3A_299 : vector<1x16xi32> to vector<16xi32>
      %mul3A_301 = arith.constant 2 : i32
      %mul3A_302 = vector.broadcast %mul3A_301 : i32 to vector<16xi32>
      %mul3A_303 = arith.muli %get3A_300, %mul3A_302 : vector<16xi32>
      %add3A_304 = vector.broadcast %arg0 : i32 to vector<16xi32>
      %add3A_305 = arith.addi %mul3A_303, %add3A_304 : vector<16xi32>
      %swap3A_306 = arith.index_cast %scan3A_199 : i32 to index
      %swap3A_307 = arith.constant 112 : index
      %swap3A_308 = tpu.vector_load %arg7[%swap3A_306, %swap3A_307] {strides = array<i32>} : memref<4x128xi32, #tpu.memory_space<vmem>>, vector<1x16xi32>,
      %swap3A_309 = vector.shape_cast %swap3A_308 : vector<1x16xi32> to vector<16xi32>
      %swap3A_310 = vector.shape_cast %add3A_305 : vector<16xi32> to vector<1x16xi32>
      tpu.vector_store %arg7[%swap3A_306, %swap3A_307], %swap3A_310 {strides = array<i32>} : memref<4x128xi32, #tpu.memory_space<vmem>>, vector<1x16xi32>,
      %scan3A_311 = arith.constant 0 : i32
      scf.yield %scan3A_311 : i32
    }
    %scan3A_66 = arith.constant 4 : i32
    %dma_start3A_67 = arith.constant 0 : i32
    %dma_start3A_68 = arith.constant 0 : i32
    %dma_start3A_69 = arith.constant 0 : i32
    %dma_start3A_70 = tpu.memref_slice %arg10[%dma_start3A_68, %dma_start3A_69] : memref<512x16xf32, #tpu.memory_space<vmem>> -> memref<128x16xf32, #tpu.memory_space<vmem>>
    %dma_start3A_71 = arith.constant 0 : i32
    %dma_start3A_72 = tpu.memref_slice %arg7[%dma_start3A_67, %dma_start3A_71] : memref<4x128xi32, #tpu.memory_space<vmem>> -> memref<1x128xi32, #tpu.memory_space<vmem>>
    %dma_start3A_73 = tpu.memref_squeeze %dma_start3A_72 : memref<1x128xi32, #tpu.memory_space<vmem>> -> memref<128xi32, #tpu.memory_space<vmem>>
    %dma_start3A_74 = arith.constant 0 : i32
    %dma_start3A_75 = arith.constant 0 : i32
    %dma_start3A_76 = tpu.memref_slice %arg2[%dma_start3A_74, %dma_start3A_75] : memref<200000x16xf32, #tpu.memory_space<hbm>> -> memref<200000x16xf32, #tpu.memory_space<hbm>>
    tpu.enqueue_indirect_dma source(%dma_start3A_76 : memref<200000x16xf32, #tpu.memory_space<hbm>>) target(%dma_start3A_70 : memref<128x16xf32, #tpu.memory_space<vmem>>) offsets(%dma_start3A_73 : memref<128xi32, #tpu.memory_space<vmem>>) semaphore(%arg20 : memref<!tpu.dma_semaphore, #tpu.memory_space<semaphore_mem>>)
    %dma_start3A_77 = arith.constant 1 : i32
    %dma_start3A_78 = arith.constant 128 : i32
    %dma_start3A_79 = arith.constant 0 : i32
    %dma_start3A_80 = tpu.memref_slice %arg10[%dma_start3A_78, %dma_start3A_79] : memref<512x16xf32, #tpu.memory_space<vmem>> -> memref<128x16xf32, #tpu.memory_space<vmem>>
    %dma_start3A_81 = arith.constant 0 : i32
    %dma_start3A_82 = tpu.memref_slice %arg7[%dma_start3A_77, %dma_start3A_81] : memref<4x128xi32, #tpu.memory_space<vmem>> -> memref<1x128xi32, #tpu.memory_space<vmem>>
    %dma_start3A_83 = tpu.memref_squeeze %dma_start3A_82 : memref<1x128xi32, #tpu.memory_space<vmem>> -> memref<128xi32, #tpu.memory_space<vmem>>
    %dma_start3A_84 = arith.constant 0 : i32
    %dma_start3A_85 = arith.constant 0 : i32
    %dma_start3A_86 = tpu.memref_slice %arg2[%dma_start3A_84, %dma_start3A_85] : memref<200000x16xf32, #tpu.memory_space<hbm>> -> memref<200000x16xf32, #tpu.memory_space<hbm>>
    tpu.enqueue_indirect_dma source(%dma_start3A_86 : memref<200000x16xf32, #tpu.memory_space<hbm>>) target(%dma_start3A_80 : memref<128x16xf32, #tpu.memory_space<vmem>>) offsets(%dma_start3A_83 : memref<128xi32, #tpu.memory_space<vmem>>) semaphore(%arg20 : memref<!tpu.dma_semaphore, #tpu.memory_space<semaphore_mem>>)
    %dma_start3A_87 = arith.constant 2 : i32
    %dma_start3A_88 = arith.constant 256 : i32
    %dma_start3A_89 = arith.constant 0 : i32
    %dma_start3A_90 = tpu.memref_slice %arg10[%dma_start3A_88, %dma_start3A_89] : memref<512x16xf32, #tpu.memory_space<vmem>> -> memref<128x16xf32, #tpu.memory_space<vmem>>
    %dma_start3A_91 = arith.constant 0 : i32
    %dma_start3A_92 = tpu.memref_slice %arg7[%dma_start3A_87, %dma_start3A_91] : memref<4x128xi32, #tpu.memory_space<vmem>> -> memref<1x128xi32, #tpu.memory_space<vmem>>
    %dma_start3A_93 = tpu.memref_squeeze %dma_start3A_92 : memref<1x128xi32, #tpu.memory_space<vmem>> -> memref<128xi32, #tpu.memory_space<vmem>>
    %dma_start3A_94 = arith.constant 0 : i32
    %dma_start3A_95 = arith.constant 0 : i32
    %dma_start3A_96 = tpu.memref_slice %arg2[%dma_start3A_94, %dma_start3A_95] : memref<200000x16xf32, #tpu.memory_space<hbm>> -> memref<200000x16xf32, #tpu.memory_space<hbm>>
    tpu.enqueue_indirect_dma source(%dma_start3A_96 : memref<200000x16xf32, #tpu.memory_space<hbm>>) target(%dma_start3A_90 : memref<128x16xf32, #tpu.memory_space<vmem>>) offsets(%dma_start3A_93 : memref<128xi32, #tpu.memory_space<vmem>>) semaphore(%arg20 : memref<!tpu.dma_semaphore, #tpu.memory_space<semaphore_mem>>)
    %dma_start3A_97 = arith.constant 3 : i32
    %dma_start3A_98 = arith.constant 384 : i32
    %dma_start3A_99 = arith.constant 0 : i32
    %dma_start3A_100 = tpu.memref_slice %arg10[%dma_start3A_98, %dma_start3A_99] : memref<512x16xf32, #tpu.memory_space<vmem>> -> memref<128x16xf32, #tpu.memory_space<vmem>>
    %dma_start3A_101 = arith.constant 0 : i32
    %dma_start3A_102 = tpu.memref_slice %arg7[%dma_start3A_97, %dma_start3A_101] : memref<4x128xi32, #tpu.memory_space<vmem>> -> memref<1x128xi32, #tpu.memory_space<vmem>>
    %dma_start3A_103 = tpu.memref_squeeze %dma_start3A_102 : memref<1x128xi32, #tpu.memory_space<vmem>> -> memref<128xi32, #tpu.memory_space<vmem>>
    %dma_start3A_104 = arith.constant 0 : i32
    %dma_start3A_105 = arith.constant 0 : i32
    %dma_start3A_106 = tpu.memref_slice %arg2[%dma_start3A_104, %dma_start3A_105] : memref<200000x16xf32, #tpu.memory_space<hbm>> -> memref<200000x16xf32, #tpu.memory_space<hbm>>
    tpu.enqueue_indirect_dma source(%dma_start3A_106 : memref<200000x16xf32, #tpu.memory_space<hbm>>) target(%dma_start3A_100 : memref<128x16xf32, #tpu.memory_space<vmem>>) offsets(%dma_start3A_103 : memref<128xi32, #tpu.memory_space<vmem>>) semaphore(%arg20 : memref<!tpu.dma_semaphore, #tpu.memory_space<semaphore_mem>>)
    %scan3A_107 = arith.constant 0 : i32
    %scan3A_108 = arith.constant 0 : i32
    %scan3A_109 = arith.constant 66 : i32
    %scan3A_110 = arith.addi %scan3A_108, %scan3A_109 : i32
    %scan3A_111 = arith.constant 1 : i32
    %scan3A_112 = scf.for %scan3A_199 = %scan3A_108 to %scan3A_110 step %scan3A_111 iter_args(%scan3A_200 = %scan3A_107) -> (i32)  : i32 {
      %mul3A_201 = arith.constant 3 : i32
      %mul3A_202 = arith.muli %scan3A_199, %mul3A_201 : i32
      %add3A_203 = arith.constant 0 : i32
      %add3A_204 = arith.addi %mul3A_202, %add3A_203 : i32
      %gt3A = arith.constant 0 : i32
      %gt3A_205 = arith.cmpi sgt, %scan3A_199, %gt3A : i32
      %convert_element_type3A = arith.extui %gt3A_205 : i1 to i32
      %cond3A = arith.constant 0 : i32
      %cond3A_206 = arith.cmpi ne, %convert_element_type3A, %cond3A : i32
      scf.if %cond3A_206 {
        %dma_wait3A_693 = arith.constant 0 : i32
        %dma_wait3A_694 = arith.constant 0 : i32
        %dma_wait3A_695 = arith.constant 0 : i32
        %dma_wait3A_696 = tpu.memref_slice %arg14[%dma_wait3A_694, %dma_wait3A_695] : memref<512x16xf32, #tpu.memory_space<vmem>> -> memref<128x16xf32, #tpu.memory_space<vmem>>
        %dma_wait3A_697 = arith.constant 0 : i32
        %dma_wait3A_698 = tpu.memref_slice %arg12[%dma_wait3A_693, %dma_wait3A_697] : memref<4x128xi32, #tpu.memory_space<vmem>> -> memref<1x128xi32, #tpu.memory_space<vmem>>
        %dma_wait3A_699 = tpu.memref_squeeze %dma_wait3A_698 : memref<1x128xi32, #tpu.memory_space<vmem>> -> memref<128xi32, #tpu.memory_space<vmem>>
        %dma_wait3A_700 = arith.constant 0 : i32
        %dma_wait3A_701 = arith.constant 0 : i32
        %dma_wait3A_702 = tpu.memref_slice %arg19[%dma_wait3A_700, %dma_wait3A_701] : memref<100096x16xf32, #tpu.memory_space<vmem_shared>> -> memref<100096x16xf32, #tpu.memory_space<vmem_shared>>
        tpu.wait_indirect_dma semaphore(%arg23 : memref<!tpu.dma_semaphore, #tpu.memory_space<semaphore_mem>>) src(%dma_wait3A_696 : memref<128x16xf32, #tpu.memory_space<vmem>>) dst(%dma_wait3A_702 : memref<100096x16xf32, #tpu.memory_space<vmem_shared>>)
        %dma_wait3A_703 = arith.constant 1 : i32
        %dma_wait3A_704 = arith.constant 128 : i32
        %dma_wait3A_705 = arith.constant 0 : i32
        %dma_wait3A_706 = tpu.memref_slice %arg14[%dma_wait3A_704, %dma_wait3A_705] : memref<512x16xf32, #tpu.memory_space<vmem>> -> memref<128x16xf32, #tpu.memory_space<vmem>>
        %dma_wait3A_707 = arith.constant 0 : i32
        %dma_wait3A_708 = tpu.memref_slice %arg12[%dma_wait3A_703, %dma_wait3A_707] : memref<4x128xi32, #tpu.memory_space<vmem>> -> memref<1x128xi32, #tpu.memory_space<vmem>>
        %dma_wait3A_709 = tpu.memref_squeeze %dma_wait3A_708 : memref<1x128xi32, #tpu.memory_space<vmem>> -> memref<128xi32, #tpu.memory_space<vmem>>
        %dma_wait3A_710 = arith.constant 0 : i32
        %dma_wait3A_711 = arith.constant 0 : i32
        %dma_wait3A_712 = tpu.memref_slice %arg19[%dma_wait3A_710, %dma_wait3A_711] : memref<100096x16xf32, #tpu.memory_space<vmem_shared>> -> memref<100096x16xf32, #tpu.memory_space<vmem_shared>>
        tpu.wait_indirect_dma semaphore(%arg23 : memref<!tpu.dma_semaphore, #tpu.memory_space<semaphore_mem>>) src(%dma_wait3A_706 : memref<128x16xf32, #tpu.memory_space<vmem>>) dst(%dma_wait3A_712 : memref<100096x16xf32, #tpu.memory_space<vmem_shared>>)
        %dma_wait3A_713 = arith.constant 2 : i32
        %dma_wait3A_714 = arith.constant 256 : i32
        %dma_wait3A_715 = arith.constant 0 : i32
        %dma_wait3A_716 = tpu.memref_slice %arg14[%dma_wait3A_714, %dma_wait3A_715] : memref<512x16xf32, #tpu.memory_space<vmem>> -> memref<128x16xf32, #tpu.memory_space<vmem>>
        %dma_wait3A_717 = arith.constant 0 : i32
        %dma_wait3A_718 = tpu.memref_slice %arg12[%dma_wait3A_713, %dma_wait3A_717] : memref<4x128xi32, #tpu.memory_space<vmem>> -> memref<1x128xi32, #tpu.memory_space<vmem>>
        %dma_wait3A_719 = tpu.memref_squeeze %dma_wait3A_718 : memref<1x128xi32, #tpu.memory_space<vmem>> -> memref<128xi32, #tpu.memory_space<vmem>>
        %dma_wait3A_720 = arith.constant 0 : i32
        %dma_wait3A_721 = arith.constant 0 : i32
        %dma_wait3A_722 = tpu.memref_slice %arg19[%dma_wait3A_720, %dma_wait3A_721] : memref<100096x16xf32, #tpu.memory_space<vmem_shared>> -> memref<100096x16xf32, #tpu.memory_space<vmem_shared>>
        tpu.wait_indirect_dma semaphore(%arg23 : memref<!tpu.dma_semaphore, #tpu.memory_space<semaphore_mem>>) src(%dma_wait3A_716 : memref<128x16xf32, #tpu.memory_space<vmem>>) dst(%dma_wait3A_722 : memref<100096x16xf32, #tpu.memory_space<vmem_shared>>)
        %dma_wait3A_723 = arith.constant 3 : i32
        %dma_wait3A_724 = arith.constant 384 : i32
        %dma_wait3A_725 = arith.constant 0 : i32
        %dma_wait3A_726 = tpu.memref_slice %arg14[%dma_wait3A_724, %dma_wait3A_725] : memref<512x16xf32, #tpu.memory_space<vmem>> -> memref<128x16xf32, #tpu.memory_space<vmem>>
        %dma_wait3A_727 = arith.constant 0 : i32
        %dma_wait3A_728 = tpu.memref_slice %arg12[%dma_wait3A_723, %dma_wait3A_727] : memref<4x128xi32, #tpu.memory_space<vmem>> -> memref<1x128xi32, #tpu.memory_space<vmem>>
        %dma_wait3A_729 = tpu.memref_squeeze %dma_wait3A_728 : memref<1x128xi32, #tpu.memory_space<vmem>> -> memref<128xi32, #tpu.memory_space<vmem>>
        %dma_wait3A_730 = arith.constant 0 : i32
        %dma_wait3A_731 = arith.constant 0 : i32
        %dma_wait3A_732 = tpu.memref_slice %arg19[%dma_wait3A_730, %dma_wait3A_731] : memref<100096x16xf32, #tpu.memory_space<vmem_shared>> -> memref<100096x16xf32, #tpu.memory_space<vmem_shared>>
        tpu.wait_indirect_dma semaphore(%arg23 : memref<!tpu.dma_semaphore, #tpu.memory_space<semaphore_mem>>) src(%dma_wait3A_726 : memref<128x16xf32, #tpu.memory_space<vmem>>) dst(%dma_wait3A_732 : memref<100096x16xf32, #tpu.memory_space<vmem_shared>>)
      } else {
      }
      %add3A_207 = arith.constant 1 : i32
      %add3A_208 = arith.addi %add3A_204, %add3A_207 : i32
      %mul3A_209 = arith.constant 4 : i32
      %mul3A_210 = arith.muli %add3A_208, %mul3A_209 : i32
      %add3A_211 = arith.addi %mul3A_0, %mul3A_210 : i32
      %dma_start3A_212 = arith.constant 0 : i32
      %dma_start3A_213 = tpu.memref_slice %arg3[%add3A_211, %dma_start3A_212] : memref<12672x128xi32, #tpu.memory_space<hbm>> -> memref<4x128xi32, #tpu.memory_space<hbm>>
      %dma_start3A_214 = arith.constant 0 : i32
      %dma_start3A_215 = tpu.memref_slice %arg3[%add3A_211, %dma_start3A_214] : memref<12672x128xi32, #tpu.memory_space<hbm>> -> memref<4x128xi32, #tpu.memory_space<hbm>>
      tpu.enqueue_dma source(%dma_start3A_215 : memref<4x128xi32, #tpu.memory_space<hbm>>) target(%arg11 : memref<4x128xi32, #tpu.memory_space<vmem>>) target_semaphore(%arg21 : memref<!tpu.dma_semaphore, #tpu.memory_space<semaphore_mem>>)
      %dma_start3A_216 = arith.constant 0 : i32
      %dma_start3A_217 = tpu.memref_slice %arg4[%add3A_211, %dma_start3A_216] : memref<12672x128xi32, #tpu.memory_space<hbm>> -> memref<4x128xi32, #tpu.memory_space<hbm>>
      %dma_start3A_218 = arith.constant 0 : i32
      %dma_start3A_219 = tpu.memref_slice %arg4[%add3A_211, %dma_start3A_218] : memref<12672x128xi32, #tpu.memory_space<hbm>> -> memref<4x128xi32, #tpu.memory_space<hbm>>
      tpu.enqueue_dma source(%dma_start3A_219 : memref<4x128xi32, #tpu.memory_space<hbm>>) target(%arg12 : memref<4x128xi32, #tpu.memory_space<vmem>>) target_semaphore(%arg21 : memref<!tpu.dma_semaphore, #tpu.memory_space<semaphore_mem>>)
      %dma_start3A_220 = arith.constant 0 : i32
      %dma_start3A_221 = tpu.memref_slice %arg5[%add3A_211, %dma_start3A_220] : memref<12672x128xf32, #tpu.memory_space<hbm>> -> memref<4x128xf32, #tpu.memory_space<hbm>>
      %dma_start3A_222 = arith.constant 0 : i32
      %dma_start3A_223 = tpu.memref_slice %arg5[%add3A_211, %dma_start3A_222] : memref<12672x128xf32, #tpu.memory_space<hbm>> -> memref<4x128xf32, #tpu.memory_space<hbm>>
      tpu.enqueue_dma source(%dma_start3A_223 : memref<4x128xf32, #tpu.memory_space<hbm>>) target(%arg13 : memref<4x128xf32, #tpu.memory_space<vmem>>) target_semaphore(%arg21 : memref<!tpu.dma_semaphore, #tpu.memory_space<semaphore_mem>>)
      %dma_wait3A_224 = arith.constant 0 : i32
      %dma_wait3A_225 = arith.constant 0 : i32
      %dma_wait3A_226 = arith.constant 0 : i32
      %dma_wait3A_227 = tpu.memref_slice %arg10[%dma_wait3A_225, %dma_wait3A_226] : memref<512x16xf32, #tpu.memory_space<vmem>> -> memref<128x16xf32, #tpu.memory_space<vmem>>
      %dma_wait3A_228 = arith.constant 0 : i32
      %dma_wait3A_229 = tpu.memref_slice %arg7[%dma_wait3A_224, %dma_wait3A_228] : memref<4x128xi32, #tpu.memory_space<vmem>> -> memref<1x128xi32, #tpu.memory_space<vmem>>
      %dma_wait3A_230 = tpu.memref_squeeze %dma_wait3A_229 : memref<1x128xi32, #tpu.memory_space<vmem>> -> memref<128xi32, #tpu.memory_space<vmem>>
      %dma_wait3A_231 = arith.constant 0 : i32
      %dma_wait3A_232 = arith.constant 0 : i32
      %dma_wait3A_233 = tpu.memref_slice %arg2[%dma_wait3A_231, %dma_wait3A_232] : memref<200000x16xf32, #tpu.memory_space<hbm>> -> memref<200000x16xf32, #tpu.memory_space<hbm>>
      tpu.wait_indirect_dma semaphore(%arg20 : memref<!tpu.dma_semaphore, #tpu.memory_space<semaphore_mem>>) src(%dma_wait3A_233 : memref<200000x16xf32, #tpu.memory_space<hbm>>) dst(%dma_wait3A_227 : memref<128x16xf32, #tpu.memory_space<vmem>>)
      %dma_wait3A_234 = arith.constant 1 : i32
      %dma_wait3A_235 = arith.constant 128 : i32
      %dma_wait3A_236 = arith.constant 0 : i32
      %dma_wait3A_237 = tpu.memref_slice %arg10[%dma_wait3A_235, %dma_wait3A_236] : memref<512x16xf32, #tpu.memory_space<vmem>> -> memref<128x16xf32, #tpu.memory_space<vmem>>
      %dma_wait3A_238 = arith.constant 0 : i32
      %dma_wait3A_239 = tpu.memref_slice %arg7[%dma_wait3A_234, %dma_wait3A_238] : memref<4x128xi32, #tpu.memory_space<vmem>> -> memref<1x128xi32, #tpu.memory_space<vmem>>
      %dma_wait3A_240 = tpu.memref_squeeze %dma_wait3A_239 : memref<1x128xi32, #tpu.memory_space<vmem>> -> memref<128xi32, #tpu.memory_space<vmem>>
      %dma_wait3A_241 = arith.constant 0 : i32
      %dma_wait3A_242 = arith.constant 0 : i32
      %dma_wait3A_243 = tpu.memref_slice %arg2[%dma_wait3A_241, %dma_wait3A_242] : memref<200000x16xf32, #tpu.memory_space<hbm>> -> memref<200000x16xf32, #tpu.memory_space<hbm>>
      tpu.wait_indirect_dma semaphore(%arg20 : memref<!tpu.dma_semaphore, #tpu.memory_space<semaphore_mem>>) src(%dma_wait3A_243 : memref<200000x16xf32, #tpu.memory_space<hbm>>) dst(%dma_wait3A_237 : memref<128x16xf32, #tpu.memory_space<vmem>>)
      %dma_wait3A_244 = arith.constant 2 : i32
      %dma_wait3A_245 = arith.constant 256 : i32
      %dma_wait3A_246 = arith.constant 0 : i32
      %dma_wait3A_247 = tpu.memref_slice %arg10[%dma_wait3A_245, %dma_wait3A_246] : memref<512x16xf32, #tpu.memory_space<vmem>> -> memref<128x16xf32, #tpu.memory_space<vmem>>
      %dma_wait3A_248 = arith.constant 0 : i32
      %dma_wait3A_249 = tpu.memref_slice %arg7[%dma_wait3A_244, %dma_wait3A_248] : memref<4x128xi32, #tpu.memory_space<vmem>> -> memref<1x128xi32, #tpu.memory_space<vmem>>
      %dma_wait3A_250 = tpu.memref_squeeze %dma_wait3A_249 : memref<1x128xi32, #tpu.memory_space<vmem>> -> memref<128xi32, #tpu.memory_space<vmem>>
      %dma_wait3A_251 = arith.constant 0 : i32
      %dma_wait3A_252 = arith.constant 0 : i32
      %dma_wait3A_253 = tpu.memref_slice %arg2[%dma_wait3A_251, %dma_wait3A_252] : memref<200000x16xf32, #tpu.memory_space<hbm>> -> memref<200000x16xf32, #tpu.memory_space<hbm>>
      tpu.wait_indirect_dma semaphore(%arg20 : memref<!tpu.dma_semaphore, #tpu.memory_space<semaphore_mem>>) src(%dma_wait3A_253 : memref<200000x16xf32, #tpu.memory_space<hbm>>) dst(%dma_wait3A_247 : memref<128x16xf32, #tpu.memory_space<vmem>>)
      %dma_wait3A_254 = arith.constant 3 : i32
      %dma_wait3A_255 = arith.constant 384 : i32
      %dma_wait3A_256 = arith.constant 0 : i32
      %dma_wait3A_257 = tpu.memref_slice %arg10[%dma_wait3A_255, %dma_wait3A_256] : memref<512x16xf32, #tpu.memory_space<vmem>> -> memref<128x16xf32, #tpu.memory_space<vmem>>
      %dma_wait3A_258 = arith.constant 0 : i32
      %dma_wait3A_259 = tpu.memref_slice %arg7[%dma_wait3A_254, %dma_wait3A_258] : memref<4x128xi32, #tpu.memory_space<vmem>> -> memref<1x128xi32, #tpu.memory_space<vmem>>
      %dma_wait3A_260 = tpu.memref_squeeze %dma_wait3A_259 : memref<1x128xi32, #tpu.memory_space<vmem>> -> memref<128xi32, #tpu.memory_space<vmem>>
      %dma_wait3A_261 = arith.constant 0 : i32
      %dma_wait3A_262 = arith.constant 0 : i32
      %dma_wait3A_263 = tpu.memref_slice %arg2[%dma_wait3A_261, %dma_wait3A_262] : memref<200000x16xf32, #tpu.memory_space<hbm>> -> memref<200000x16xf32, #tpu.memory_space<hbm>>
      tpu.wait_indirect_dma semaphore(%arg20 : memref<!tpu.dma_semaphore, #tpu.memory_space<semaphore_mem>>) src(%dma_wait3A_263 : memref<200000x16xf32, #tpu.memory_space<hbm>>) dst(%dma_wait3A_257 : memref<128x16xf32, #tpu.memory_space<vmem>>)
      %add3A_264 = arith.constant 1 : i32
      %add3A_265 = arith.addi %add3A_204, %add3A_264 : i32
      %mul3A_266 = arith.constant 4 : i32
      %mul3A_267 = arith.muli %add3A_265, %mul3A_266 : i32
      %add3A_268 = arith.addi %mul3A_0, %mul3A_267 : i32
      %dma_wait3A_269 = arith.constant 0 : i32
      %dma_wait3A_270 = tpu.memref_slice %arg3[%add3A_268, %dma_wait3A_269] : memref<12672x128xi32, #tpu.memory_space<hbm>> -> memref<4x128xi32, #tpu.memory_space<hbm>>
      %dma_wait3A_271 = arith.constant 0 : i32
      %dma_wait3A_272 = tpu.memref_slice %arg3[%add3A_268, %dma_wait3A_271] : memref<12672x128xi32, #tpu.memory_space<hbm>> -> memref<4x128xi32, #tpu.memory_space<hbm>>
      tpu.wait_dma2 semaphore(%arg21 : memref<!tpu.dma_semaphore, #tpu.memory_space<semaphore_mem>>) src(%dma_wait3A_272 : memref<4x128xi32, #tpu.memory_space<hbm>>) dst(%arg11 : memref<4x128xi32, #tpu.memory_space<vmem>>)
      %dma_wait3A_273 = arith.constant 0 : i32
      %dma_wait3A_274 = tpu.memref_slice %arg4[%add3A_268, %dma_wait3A_273] : memref<12672x128xi32, #tpu.memory_space<hbm>> -> memref<4x128xi32, #tpu.memory_space<hbm>>
      %dma_wait3A_275 = arith.constant 0 : i32
      %dma_wait3A_276 = tpu.memref_slice %arg4[%add3A_268, %dma_wait3A_275] : memref<12672x128xi32, #tpu.memory_space<hbm>> -> memref<4x128xi32, #tpu.memory_space<hbm>>
      tpu.wait_dma2 semaphore(%arg21 : memref<!tpu.dma_semaphore, #tpu.memory_space<semaphore_mem>>) src(%dma_wait3A_276 : memref<4x128xi32, #tpu.memory_space<hbm>>) dst(%arg12 : memref<4x128xi32, #tpu.memory_space<vmem>>)
      %dma_wait3A_277 = arith.constant 0 : i32
      %dma_wait3A_278 = tpu.memref_slice %arg5[%add3A_268, %dma_wait3A_277] : memref<12672x128xf32, #tpu.memory_space<hbm>> -> memref<4x128xf32, #tpu.memory_space<hbm>>
      %dma_wait3A_279 = arith.constant 0 : i32
      %dma_wait3A_280 = tpu.memref_slice %arg5[%add3A_268, %dma_wait3A_279] : memref<12672x128xf32, #tpu.memory_space<hbm>> -> memref<4x128xf32, #tpu.memory_space<hbm>>
      tpu.wait_dma2 semaphore(%arg21 : memref<!tpu.dma_semaphore, #tpu.memory_space<semaphore_mem>>) src(%dma_wait3A_280 : memref<4x128xf32, #tpu.memory_space<hbm>>) dst(%arg13 : memref<4x128xf32, #tpu.memory_space<vmem>>)
      %scan3A_281 = arith.constant 0 : i32
      %scan3A_282 = arith.constant 0 : i32
      %scan3A_283 = arith.constant 4 : i32
      %scan3A_284 = arith.addi %scan3A_282, %scan3A_283 : i32
      %scan3A_285 = arith.constant 1 : i32
      %scan3A_286 = scf.for %scan3A_693 = %scan3A_282 to %scan3A_284 step %scan3A_285 iter_args(%scan3A_694 = %scan3A_281) -> (i32)  : i32 {
        %get3A = arith.index_cast %scan3A_693 : i32 to index
        %get3A_695 = arith.constant 0 : index
        %get3A_696 = tpu.vector_load %arg11[%get3A, %get3A_695] {strides = array<i32>} : memref<4x128xi32, #tpu.memory_space<vmem>>, vector<1x16xi32>,
        %get3A_697 = vector.shape_cast %get3A_696 : vector<1x16xi32> to vector<16xi32>
        %mul3A_698 = arith.constant 2 : i32
        %mul3A_699 = vector.broadcast %mul3A_698 : i32 to vector<16xi32>
        %mul3A_700 = arith.muli %get3A_697, %mul3A_699 : vector<16xi32>
        %add3A_701 = vector.broadcast %arg0 : i32 to vector<16xi32>
        %add3A_702 = arith.addi %mul3A_700, %add3A_701 : vector<16xi32>
        %swap3A = arith.index_cast %scan3A_693 : i32 to index
        %swap3A_703 = arith.constant 0 : index
        %swap3A_704 = tpu.vector_load %arg11[%swap3A, %swap3A_703] {strides = array<i32>} : memref<4x128xi32, #tpu.memory_space<vmem>>, vector<1x16xi32>,
        %swap3A_705 = vector.shape_cast %swap3A_704 : vector<1x16xi32> to vector<16xi32>
        %swap3A_706 = vector.shape_cast %add3A_702 : vector<16xi32> to vector<1x16xi32>
        tpu.vector_store %arg11[%swap3A, %swap3A_703], %swap3A_706 {strides = array<i32>} : memref<4x128xi32, #tpu.memory_space<vmem>>, vector<1x16xi32>,
        %get3A_707 = arith.index_cast %scan3A_693 : i32 to index
        %get3A_708 = arith.constant 16 : index
        %get3A_709 = tpu.vector_load %arg11[%get3A_707, %get3A_708] {strides = array<i32>} : memref<4x128xi32, #tpu.memory_space<vmem>>, vector<1x16xi32>,
        %get3A_710 = vector.shape_cast %get3A_709 : vector<1x16xi32> to vector<16xi32>
        %mul3A_711 = arith.constant 2 : i32
        %mul3A_712 = vector.broadcast %mul3A_711 : i32 to vector<16xi32>
        %mul3A_713 = arith.muli %get3A_710, %mul3A_712 : vector<16xi32>
        %add3A_714 = vector.broadcast %arg0 : i32 to vector<16xi32>
        %add3A_715 = arith.addi %mul3A_713, %add3A_714 : vector<16xi32>
        %swap3A_716 = arith.index_cast %scan3A_693 : i32 to index
        %swap3A_717 = arith.constant 16 : index
        %swap3A_718 = tpu.vector_load %arg11[%swap3A_716, %swap3A_717] {strides = array<i32>} : memref<4x128xi32, #tpu.memory_space<vmem>>, vector<1x16xi32>,
        %swap3A_719 = vector.shape_cast %swap3A_718 : vector<1x16xi32> to vector<16xi32>
        %swap3A_720 = vector.shape_cast %add3A_715 : vector<16xi32> to vector<1x16xi32>
        tpu.vector_store %arg11[%swap3A_716, %swap3A_717], %swap3A_720 {strides = array<i32>} : memref<4x128xi32, #tpu.memory_space<vmem>>, vector<1x16xi32>,
        %get3A_721 = arith.index_cast %scan3A_693 : i32 to index
        %get3A_722 = arith.constant 32 : index
        %get3A_723 = tpu.vector_load %arg11[%get3A_721, %get3A_722] {strides = array<i32>} : memref<4x128xi32, #tpu.memory_space<vmem>>, vector<1x16xi32>,
        %get3A_724 = vector.shape_cast %get3A_723 : vector<1x16xi32> to vector<16xi32>
        %mul3A_725 = arith.constant 2 : i32
        %mul3A_726 = vector.broadcast %mul3A_725 : i32 to vector<16xi32>
        %mul3A_727 = arith.muli %get3A_724, %mul3A_726 : vector<16xi32>
        %add3A_728 = vector.broadcast %arg0 : i32 to vector<16xi32>
        %add3A_729 = arith.addi %mul3A_727, %add3A_728 : vector<16xi32>
        %swap3A_730 = arith.index_cast %scan3A_693 : i32 to index
        %swap3A_731 = arith.constant 32 : index
        %swap3A_732 = tpu.vector_load %arg11[%swap3A_730, %swap3A_731] {strides = array<i32>} : memref<4x128xi32, #tpu.memory_space<vmem>>, vector<1x16xi32>,
        %swap3A_733 = vector.shape_cast %swap3A_732 : vector<1x16xi32> to vector<16xi32>
        %swap3A_734 = vector.shape_cast %add3A_729 : vector<16xi32> to vector<1x16xi32>
        tpu.vector_store %arg11[%swap3A_730, %swap3A_731], %swap3A_734 {strides = array<i32>} : memref<4x128xi32, #tpu.memory_space<vmem>>, vector<1x16xi32>,
        %get3A_735 = arith.index_cast %scan3A_693 : i32 to index
        %get3A_736 = arith.constant 48 : index
        %get3A_737 = tpu.vector_load %arg11[%get3A_735, %get3A_736] {strides = array<i32>} : memref<4x128xi32, #tpu.memory_space<vmem>>, vector<1x16xi32>,
        %get3A_738 = vector.shape_cast %get3A_737 : vector<1x16xi32> to vector<16xi32>
        %mul3A_739 = arith.constant 2 : i32
        %mul3A_740 = vector.broadcast %mul3A_739 : i32 to vector<16xi32>
        %mul3A_741 = arith.muli %get3A_738, %mul3A_740 : vector<16xi32>
        %add3A_742 = vector.broadcast %arg0 : i32 to vector<16xi32>
        %add3A_743 = arith.addi %mul3A_741, %add3A_742 : vector<16xi32>
        %swap3A_744 = arith.index_cast %scan3A_693 : i32 to index
        %swap3A_745 = arith.constant 48 : index
        %swap3A_746 = tpu.vector_load %arg11[%swap3A_744, %swap3A_745] {strides = array<i32>} : memref<4x128xi32, #tpu.memory_space<vmem>>, vector<1x16xi32>,
        %swap3A_747 = vector.shape_cast %swap3A_746 : vector<1x16xi32> to vector<16xi32>
        %swap3A_748 = vector.shape_cast %add3A_743 : vector<16xi32> to vector<1x16xi32>
        tpu.vector_store %arg11[%swap3A_744, %swap3A_745], %swap3A_748 {strides = array<i32>} : memref<4x128xi32, #tpu.memory_space<vmem>>, vector<1x16xi32>,
        %get3A_749 = arith.index_cast %scan3A_693 : i32 to index
        %get3A_750 = arith.constant 64 : index
        %get3A_751 = tpu.vector_load %arg11[%get3A_749, %get3A_750] {strides = array<i32>} : memref<4x128xi32, #tpu.memory_space<vmem>>, vector<1x16xi32>,
        %get3A_752 = vector.shape_cast %get3A_751 : vector<1x16xi32> to vector<16xi32>
        %mul3A_753 = arith.constant 2 : i32
        %mul3A_754 = vector.broadcast %mul3A_753 : i32 to vector<16xi32>
        %mul3A_755 = arith.muli %get3A_752, %mul3A_754 : vector<16xi32>
        %add3A_756 = vector.broadcast %arg0 : i32 to vector<16xi32>
        %add3A_757 = arith.addi %mul3A_755, %add3A_756 : vector<16xi32>
        %swap3A_758 = arith.index_cast %scan3A_693 : i32 to index
        %swap3A_759 = arith.constant 64 : index
        %swap3A_760 = tpu.vector_load %arg11[%swap3A_758, %swap3A_759] {strides = array<i32>} : memref<4x128xi32, #tpu.memory_space<vmem>>, vector<1x16xi32>,
        %swap3A_761 = vector.shape_cast %swap3A_760 : vector<1x16xi32> to vector<16xi32>
        %swap3A_762 = vector.shape_cast %add3A_757 : vector<16xi32> to vector<1x16xi32>
        tpu.vector_store %arg11[%swap3A_758, %swap3A_759], %swap3A_762 {strides = array<i32>} : memref<4x128xi32, #tpu.memory_space<vmem>>, vector<1x16xi32>,
        %get3A_763 = arith.index_cast %scan3A_693 : i32 to index
        %get3A_764 = arith.constant 80 : index
        %get3A_765 = tpu.vector_load %arg11[%get3A_763, %get3A_764] {strides = array<i32>} : memref<4x128xi32, #tpu.memory_space<vmem>>, vector<1x16xi32>,
        %get3A_766 = vector.shape_cast %get3A_765 : vector<1x16xi32> to vector<16xi32>
        %mul3A_767 = arith.constant 2 : i32
        %mul3A_768 = vector.broadcast %mul3A_767 : i32 to vector<16xi32>
        %mul3A_769 = arith.muli %get3A_766, %mul3A_768 : vector<16xi32>
        %add3A_770 = vector.broadcast %arg0 : i32 to vector<16xi32>
        %add3A_771 = arith.addi %mul3A_769, %add3A_770 : vector<16xi32>
        %swap3A_772 = arith.index_cast %scan3A_693 : i32 to index
        %swap3A_773 = arith.constant 80 : index
        %swap3A_774 = tpu.vector_load %arg11[%swap3A_772, %swap3A_773] {strides = array<i32>} : memref<4x128xi32, #tpu.memory_space<vmem>>, vector<1x16xi32>,
        %swap3A_775 = vector.shape_cast %swap3A_774 : vector<1x16xi32> to vector<16xi32>
        %swap3A_776 = vector.shape_cast %add3A_771 : vector<16xi32> to vector<1x16xi32>
        tpu.vector_store %arg11[%swap3A_772, %swap3A_773], %swap3A_776 {strides = array<i32>} : memref<4x128xi32, #tpu.memory_space<vmem>>, vector<1x16xi32>,
        %get3A_777 = arith.index_cast %scan3A_693 : i32 to index
        %get3A_778 = arith.constant 96 : index
        %get3A_779 = tpu.vector_load %arg11[%get3A_777, %get3A_778] {strides = array<i32>} : memref<4x128xi32, #tpu.memory_space<vmem>>, vector<1x16xi32>,
        %get3A_780 = vector.shape_cast %get3A_779 : vector<1x16xi32> to vector<16xi32>
        %mul3A_781 = arith.constant 2 : i32
        %mul3A_782 = vector.broadcast %mul3A_781 : i32 to vector<16xi32>
        %mul3A_783 = arith.muli %get3A_780, %mul3A_782 : vector<16xi32>
        %add3A_784 = vector.broadcast %arg0 : i32 to vector<16xi32>
        %add3A_785 = arith.addi %mul3A_783, %add3A_784 : vector<16xi32>
        %swap3A_786 = arith.index_cast %scan3A_693 : i32 to index
        %swap3A_787 = arith.constant 96 : index
        %swap3A_788 = tpu.vector_load %arg11[%swap3A_786, %swap3A_787] {strides = array<i32>} : memref<4x128xi32, #tpu.memory_space<vmem>>, vector<1x16xi32>,
        %swap3A_789 = vector.shape_cast %swap3A_788 : vector<1x16xi32> to vector<16xi32>
        %swap3A_790 = vector.shape_cast %add3A_785 : vector<16xi32> to vector<1x16xi32>
        tpu.vector_store %arg11[%swap3A_786, %swap3A_787], %swap3A_790 {strides = array<i32>} : memref<4x128xi32, #tpu.memory_space<vmem>>, vector<1x16xi32>,
        %get3A_791 = arith.index_cast %scan3A_693 : i32 to index
        %get3A_792 = arith.constant 112 : index
        %get3A_793 = tpu.vector_load %arg11[%get3A_791, %get3A_792] {strides = array<i32>} : memref<4x128xi32, #tpu.memory_space<vmem>>, vector<1x16xi32>,
        %get3A_794 = vector.shape_cast %get3A_793 : vector<1x16xi32> to vector<16xi32>
        %mul3A_795 = arith.constant 2 : i32
        %mul3A_796 = vector.broadcast %mul3A_795 : i32 to vector<16xi32>
        %mul3A_797 = arith.muli %get3A_794, %mul3A_796 : vector<16xi32>
        %add3A_798 = vector.broadcast %arg0 : i32 to vector<16xi32>
        %add3A_799 = arith.addi %mul3A_797, %add3A_798 : vector<16xi32>
        %swap3A_800 = arith.index_cast %scan3A_693 : i32 to index
        %swap3A_801 = arith.constant 112 : index
        %swap3A_802 = tpu.vector_load %arg11[%swap3A_800, %swap3A_801] {strides = array<i32>} : memref<4x128xi32, #tpu.memory_space<vmem>>, vector<1x16xi32>,
        %swap3A_803 = vector.shape_cast %swap3A_802 : vector<1x16xi32> to vector<16xi32>
        %swap3A_804 = vector.shape_cast %add3A_799 : vector<16xi32> to vector<1x16xi32>
        tpu.vector_store %arg11[%swap3A_800, %swap3A_801], %swap3A_804 {strides = array<i32>} : memref<4x128xi32, #tpu.memory_space<vmem>>, vector<1x16xi32>,
        %scan3A_805 = arith.constant 0 : i32
        scf.yield %scan3A_805 : i32
      }
      %scan3A_287 = arith.constant 4 : i32
      %dma_start3A_288 = arith.constant 0 : i32
      %dma_start3A_289 = arith.constant 0 : i32
      %dma_start3A_290 = arith.constant 0 : i32
      %dma_start3A_291 = tpu.memref_slice %arg14[%dma_start3A_289, %dma_start3A_290] : memref<512x16xf32, #tpu.memory_space<vmem>> -> memref<128x16xf32, #tpu.memory_space<vmem>>
      %dma_start3A_292 = arith.constant 0 : i32
      %dma_start3A_293 = tpu.memref_slice %arg11[%dma_start3A_288, %dma_start3A_292] : memref<4x128xi32, #tpu.memory_space<vmem>> -> memref<1x128xi32, #tpu.memory_space<vmem>>
      %dma_start3A_294 = tpu.memref_squeeze %dma_start3A_293 : memref<1x128xi32, #tpu.memory_space<vmem>> -> memref<128xi32, #tpu.memory_space<vmem>>
      %dma_start3A_295 = arith.constant 0 : i32
      %dma_start3A_296 = arith.constant 0 : i32
      %dma_start3A_297 = tpu.memref_slice %arg2[%dma_start3A_295, %dma_start3A_296] : memref<200000x16xf32, #tpu.memory_space<hbm>> -> memref<200000x16xf32, #tpu.memory_space<hbm>>
      tpu.enqueue_indirect_dma source(%dma_start3A_297 : memref<200000x16xf32, #tpu.memory_space<hbm>>) target(%dma_start3A_291 : memref<128x16xf32, #tpu.memory_space<vmem>>) offsets(%dma_start3A_294 : memref<128xi32, #tpu.memory_space<vmem>>) semaphore(%arg20 : memref<!tpu.dma_semaphore, #tpu.memory_space<semaphore_mem>>)
      %dma_start3A_298 = arith.constant 1 : i32
      %dma_start3A_299 = arith.constant 128 : i32
      %dma_start3A_300 = arith.constant 0 : i32
      %dma_start3A_301 = tpu.memref_slice %arg14[%dma_start3A_299, %dma_start3A_300] : memref<512x16xf32, #tpu.memory_space<vmem>> -> memref<128x16xf32, #tpu.memory_space<vmem>>
      %dma_start3A_302 = arith.constant 0 : i32
      %dma_start3A_303 = tpu.memref_slice %arg11[%dma_start3A_298, %dma_start3A_302] : memref<4x128xi32, #tpu.memory_space<vmem>> -> memref<1x128xi32, #tpu.memory_space<vmem>>
      %dma_start3A_304 = tpu.memref_squeeze %dma_start3A_303 : memref<1x128xi32, #tpu.memory_space<vmem>> -> memref<128xi32, #tpu.memory_space<vmem>>
      %dma_start3A_305 = arith.constant 0 : i32
      %dma_start3A_306 = arith.constant 0 : i32
      %dma_start3A_307 = tpu.memref_slice %arg2[%dma_start3A_305, %dma_start3A_306] : memref<200000x16xf32, #tpu.memory_space<hbm>> -> memref<200000x16xf32, #tpu.memory_space<hbm>>
      tpu.enqueue_indirect_dma source(%dma_start3A_307 : memref<200000x16xf32, #tpu.memory_space<hbm>>) target(%dma_start3A_301 : memref<128x16xf32, #tpu.memory_space<vmem>>) offsets(%dma_start3A_304 : memref<128xi32, #tpu.memory_space<vmem>>) semaphore(%arg20 : memref<!tpu.dma_semaphore, #tpu.memory_space<semaphore_mem>>)
      %dma_start3A_308 = arith.constant 2 : i32
      %dma_start3A_309 = arith.constant 256 : i32
      %dma_start3A_310 = arith.constant 0 : i32
      %dma_start3A_311 = tpu.memref_slice %arg14[%dma_start3A_309, %dma_start3A_310] : memref<512x16xf32, #tpu.memory_space<vmem>> -> memref<128x16xf32, #tpu.memory_space<vmem>>
      %dma_start3A_312 = arith.constant 0 : i32
      %dma_start3A_313 = tpu.memref_slice %arg11[%dma_start3A_308, %dma_start3A_312] : memref<4x128xi32, #tpu.memory_space<vmem>> -> memref<1x128xi32, #tpu.memory_space<vmem>>
      %dma_start3A_314 = tpu.memref_squeeze %dma_start3A_313 : memref<1x128xi32, #tpu.memory_space<vmem>> -> memref<128xi32, #tpu.memory_space<vmem>>
      %dma_start3A_315 = arith.constant 0 : i32
      %dma_start3A_316 = arith.constant 0 : i32
      %dma_start3A_317 = tpu.memref_slice %arg2[%dma_start3A_315, %dma_start3A_316] : memref<200000x16xf32, #tpu.memory_space<hbm>> -> memref<200000x16xf32, #tpu.memory_space<hbm>>
      tpu.enqueue_indirect_dma source(%dma_start3A_317 : memref<200000x16xf32, #tpu.memory_space<hbm>>) target(%dma_start3A_311 : memref<128x16xf32, #tpu.memory_space<vmem>>) offsets(%dma_start3A_314 : memref<128xi32, #tpu.memory_space<vmem>>) semaphore(%arg20 : memref<!tpu.dma_semaphore, #tpu.memory_space<semaphore_mem>>)
      %dma_start3A_318 = arith.constant 3 : i32
      %dma_start3A_319 = arith.constant 384 : i32
      %dma_start3A_320 = arith.constant 0 : i32
      %dma_start3A_321 = tpu.memref_slice %arg14[%dma_start3A_319, %dma_start3A_320] : memref<512x16xf32, #tpu.memory_space<vmem>> -> memref<128x16xf32, #tpu.memory_space<vmem>>
      %dma_start3A_322 = arith.constant 0 : i32
      %dma_start3A_323 = tpu.memref_slice %arg11[%dma_start3A_318, %dma_start3A_322] : memref<4x128xi32, #tpu.memory_space<vmem>> -> memref<1x128xi32, #tpu.memory_space<vmem>>
      %dma_start3A_324 = tpu.memref_squeeze %dma_start3A_323 : memref<1x128xi32, #tpu.memory_space<vmem>> -> memref<128xi32, #tpu.memory_space<vmem>>
      %dma_start3A_325 = arith.constant 0 : i32
      %dma_start3A_326 = arith.constant 0 : i32
      %dma_start3A_327 = tpu.memref_slice %arg2[%dma_start3A_325, %dma_start3A_326] : memref<200000x16xf32, #tpu.memory_space<hbm>> -> memref<200000x16xf32, #tpu.memory_space<hbm>>
      tpu.enqueue_indirect_dma source(%dma_start3A_327 : memref<200000x16xf32, #tpu.memory_space<hbm>>) target(%dma_start3A_321 : memref<128x16xf32, #tpu.memory_space<vmem>>) offsets(%dma_start3A_324 : memref<128xi32, #tpu.memory_space<vmem>>) semaphore(%arg20 : memref<!tpu.dma_semaphore, #tpu.memory_space<semaphore_mem>>)
      %scan3A_328 = arith.constant 0 : i32
      %scan3A_329 = arith.constant 0 : i32
      %scan3A_330 = arith.constant 4 : i32
      %scan3A_331 = arith.addi %scan3A_329, %scan3A_330 : i32
      %scan3A_332 = arith.constant 1 : i32
      %scan3A_333 = scf.for %scan3A_693 = %scan3A_329 to %scan3A_331 step %scan3A_332 iter_args(%scan3A_694 = %scan3A_328) -> (i32)  : i32 {
        %scan3A_695 = arith.constant 0 : i32
        %scan3A_696 = arith.constant 0 : i32
        %scan3A_697 = arith.constant 8 : i32
        %scan3A_698 = arith.addi %scan3A_696, %scan3A_697 : i32
        %scan3A_699 = arith.constant 1 : i32
        %scan3A_700 = scf.for %scan3A_703 = %scan3A_696 to %scan3A_698 step %scan3A_699 iter_args(%scan3A_704 = %scan3A_695) -> (i32)  : i32 {
          %mul3A_705 = arith.constant 16 : i32
          %mul3A_706 = arith.muli %scan3A_703, %mul3A_705 : i32
          %get3A = arith.index_cast %scan3A_693 : i32 to index
          %get3A_707 = arith.index_cast %mul3A_706 : i32 to index
          %get3A_708 = tpu.vector_load %arg9[%get3A, %get3A_707] {strides = array<i32>} : memref<4x128xf32, #tpu.memory_space<vmem>>, vector<1x16xf32>,
          %get3A_709 = vector.shape_cast %get3A_708 : vector<1x16xf32> to vector<16xf32>
          %mul3A_710 = arith.constant 128 : i32
          %mul3A_711 = arith.muli %scan3A_693, %mul3A_710 : i32
          %add3A_712 = arith.addi %mul3A_711, %mul3A_706 : i32
          %add3A_713 = arith.constant 0 : i32
          %add3A_714 = arith.addi %add3A_712, %add3A_713 : i32
          %get3A_715 = arith.index_cast %add3A_714 : i32 to index
          %get3A_716 = arith.constant 0 : index
          %get3A_717 = tpu.vector_load %arg10[%get3A_715, %get3A_716] {strides = array<i32>} : memref<512x16xf32, #tpu.memory_space<vmem>>, vector<1x16xf32>,
          %get3A_718 = vector.shape_cast %get3A_717 : vector<1x16xf32> to vector<16xf32>
          %slice3A = vector.extract_strided_slice %get3A_709 {offsets = [0], sizes = [1], strides = [1]} : vector<16xf32> to vector<1xf32>
          %squeeze3A = vector.extract %slice3A[0] : f32 from vector<1xf32>
          %mul3A_719 = vector.broadcast %squeeze3A : f32 to vector<16xf32>
          %mul3A_720 = arith.mulf %get3A_718, %mul3A_719 : vector<16xf32>
          %swap3A = arith.index_cast %add3A_714 : i32 to index
          %swap3A_721 = arith.constant 0 : index
          %swap3A_722 = tpu.vector_load %arg10[%swap3A, %swap3A_721] {strides = array<i32>} : memref<512x16xf32, #tpu.memory_space<vmem>>, vector<1x16xf32>,
          %swap3A_723 = vector.shape_cast %swap3A_722 : vector<1x16xf32> to vector<16xf32>
          %swap3A_724 = vector.shape_cast %mul3A_720 : vector<16xf32> to vector<1x16xf32>
          tpu.vector_store %arg10[%swap3A, %swap3A_721], %swap3A_724 {strides = array<i32>} : memref<512x16xf32, #tpu.memory_space<vmem>>, vector<1x16xf32>,
          %mul3A_725 = arith.constant 128 : i32
          %mul3A_726 = arith.muli %scan3A_693, %mul3A_725 : i32
          %add3A_727 = arith.addi %mul3A_726, %mul3A_706 : i32
          %add3A_728 = arith.constant 1 : i32
          %add3A_729 = arith.addi %add3A_727, %add3A_728 : i32
          %get3A_730 = arith.index_cast %add3A_729 : i32 to index
          %get3A_731 = arith.constant 0 : index
          %get3A_732 = tpu.vector_load %arg10[%get3A_730, %get3A_731] {strides = array<i32>} : memref<512x16xf32, #tpu.memory_space<vmem>>, vector<1x16xf32>,
          %get3A_733 = vector.shape_cast %get3A_732 : vector<1x16xf32> to vector<16xf32>
          %slice3A_734 = vector.extract_strided_slice %get3A_709 {offsets = [1], sizes = [1], strides = [1]} : vector<16xf32> to vector<1xf32>
          %squeeze3A_735 = vector.extract %slice3A_734[0] : f32 from vector<1xf32>
          %mul3A_736 = vector.broadcast %squeeze3A_735 : f32 to vector<16xf32>
          %mul3A_737 = arith.mulf %get3A_733, %mul3A_736 : vector<16xf32>
          %swap3A_738 = arith.index_cast %add3A_729 : i32 to index
          %swap3A_739 = arith.constant 0 : index
          %swap3A_740 = tpu.vector_load %arg10[%swap3A_738, %swap3A_739] {strides = array<i32>} : memref<512x16xf32, #tpu.memory_space<vmem>>, vector<1x16xf32>,
          %swap3A_741 = vector.shape_cast %swap3A_740 : vector<1x16xf32> to vector<16xf32>
          %swap3A_742 = vector.shape_cast %mul3A_737 : vector<16xf32> to vector<1x16xf32>
          tpu.vector_store %arg10[%swap3A_738, %swap3A_739], %swap3A_742 {strides = array<i32>} : memref<512x16xf32, #tpu.memory_space<vmem>>, vector<1x16xf32>,
          %mul3A_743 = arith.constant 128 : i32
          %mul3A_744 = arith.muli %scan3A_693, %mul3A_743 : i32
          %add3A_745 = arith.addi %mul3A_744, %mul3A_706 : i32
          %add3A_746 = arith.constant 2 : i32
          %add3A_747 = arith.addi %add3A_745, %add3A_746 : i32
          %get3A_748 = arith.index_cast %add3A_747 : i32 to index
          %get3A_749 = arith.constant 0 : index
          %get3A_750 = tpu.vector_load %arg10[%get3A_748, %get3A_749] {strides = array<i32>} : memref<512x16xf32, #tpu.memory_space<vmem>>, vector<1x16xf32>,
          %get3A_751 = vector.shape_cast %get3A_750 : vector<1x16xf32> to vector<16xf32>
          %slice3A_752 = vector.extract_strided_slice %get3A_709 {offsets = [2], sizes = [1], strides = [1]} : vector<16xf32> to vector<1xf32>
          %squeeze3A_753 = vector.extract %slice3A_752[0] : f32 from vector<1xf32>
          %mul3A_754 = vector.broadcast %squeeze3A_753 : f32 to vector<16xf32>
          %mul3A_755 = arith.mulf %get3A_751, %mul3A_754 : vector<16xf32>
          %swap3A_756 = arith.index_cast %add3A_747 : i32 to index
          %swap3A_757 = arith.constant 0 : index
          %swap3A_758 = tpu.vector_load %arg10[%swap3A_756, %swap3A_757] {strides = array<i32>} : memref<512x16xf32, #tpu.memory_space<vmem>>, vector<1x16xf32>,
          %swap3A_759 = vector.shape_cast %swap3A_758 : vector<1x16xf32> to vector<16xf32>
          %swap3A_760 = vector.shape_cast %mul3A_755 : vector<16xf32> to vector<1x16xf32>
          tpu.vector_store %arg10[%swap3A_756, %swap3A_757], %swap3A_760 {strides = array<i32>} : memref<512x16xf32, #tpu.memory_space<vmem>>, vector<1x16xf32>,
          %mul3A_761 = arith.constant 128 : i32
          %mul3A_762 = arith.muli %scan3A_693, %mul3A_761 : i32
          %add3A_763 = arith.addi %mul3A_762, %mul3A_706 : i32
          %add3A_764 = arith.constant 3 : i32
          %add3A_765 = arith.addi %add3A_763, %add3A_764 : i32
          %get3A_766 = arith.index_cast %add3A_765 : i32 to index
          %get3A_767 = arith.constant 0 : index
          %get3A_768 = tpu.vector_load %arg10[%get3A_766, %get3A_767] {strides = array<i32>} : memref<512x16xf32, #tpu.memory_space<vmem>>, vector<1x16xf32>,
          %get3A_769 = vector.shape_cast %get3A_768 : vector<1x16xf32> to vector<16xf32>
          %slice3A_770 = vector.extract_strided_slice %get3A_709 {offsets = [3], sizes = [1], strides = [1]} : vector<16xf32> to vector<1xf32>
          %squeeze3A_771 = vector.extract %slice3A_770[0] : f32 from vector<1xf32>
          %mul3A_772 = vector.broadcast %squeeze3A_771 : f32 to vector<16xf32>
          %mul3A_773 = arith.mulf %get3A_769, %mul3A_772 : vector<16xf32>
          %swap3A_774 = arith.index_cast %add3A_765 : i32 to index
          %swap3A_775 = arith.constant 0 : index
          %swap3A_776 = tpu.vector_load %arg10[%swap3A_774, %swap3A_775] {strides = array<i32>} : memref<512x16xf32, #tpu.memory_space<vmem>>, vector<1x16xf32>,
          %swap3A_777 = vector.shape_cast %swap3A_776 : vector<1x16xf32> to vector<16xf32>
          %swap3A_778 = vector.shape_cast %mul3A_773 : vector<16xf32> to vector<1x16xf32>
          tpu.vector_store %arg10[%swap3A_774, %swap3A_775], %swap3A_778 {strides = array<i32>} : memref<512x16xf32, #tpu.memory_space<vmem>>, vector<1x16xf32>,
          %mul3A_779 = arith.constant 128 : i32
          %mul3A_780 = arith.muli %scan3A_693, %mul3A_779 : i32
          %add3A_781 = arith.addi %mul3A_780, %mul3A_706 : i32
          %add3A_782 = arith.constant 4 : i32
          %add3A_783 = arith.addi %add3A_781, %add3A_782 : i32
          %get3A_784 = arith.index_cast %add3A_783 : i32 to index
          %get3A_785 = arith.constant 0 : index
          %get3A_786 = tpu.vector_load %arg10[%get3A_784, %get3A_785] {strides = array<i32>} : memref<512x16xf32, #tpu.memory_space<vmem>>, vector<1x16xf32>,
          %get3A_787 = vector.shape_cast %get3A_786 : vector<1x16xf32> to vector<16xf32>
          %slice3A_788 = vector.extract_strided_slice %get3A_709 {offsets = [4], sizes = [1], strides = [1]} : vector<16xf32> to vector<1xf32>
          %squeeze3A_789 = vector.extract %slice3A_788[0] : f32 from vector<1xf32>
          %mul3A_790 = vector.broadcast %squeeze3A_789 : f32 to vector<16xf32>
          %mul3A_791 = arith.mulf %get3A_787, %mul3A_790 : vector<16xf32>
          %swap3A_792 = arith.index_cast %add3A_783 : i32 to index
          %swap3A_793 = arith.constant 0 : index
          %swap3A_794 = tpu.vector_load %arg10[%swap3A_792, %swap3A_793] {strides = array<i32>} : memref<512x16xf32, #tpu.memory_space<vmem>>, vector<1x16xf32>,
          %swap3A_795 = vector.shape_cast %swap3A_794 : vector<1x16xf32> to vector<16xf32>
          %swap3A_796 = vector.shape_cast %mul3A_791 : vector<16xf32> to vector<1x16xf32>
          tpu.vector_store %arg10[%swap3A_792, %swap3A_793], %swap3A_796 {strides = array<i32>} : memref<512x16xf32, #tpu.memory_space<vmem>>, vector<1x16xf32>,
          %mul3A_797 = arith.constant 128 : i32
          %mul3A_798 = arith.muli %scan3A_693, %mul3A_797 : i32
          %add3A_799 = arith.addi %mul3A_798, %mul3A_706 : i32
          %add3A_800 = arith.constant 5 : i32
          %add3A_801 = arith.addi %add3A_799, %add3A_800 : i32
          %get3A_802 = arith.index_cast %add3A_801 : i32 to index
          %get3A_803 = arith.constant 0 : index
          %get3A_804 = tpu.vector_load %arg10[%get3A_802, %get3A_803] {strides = array<i32>} : memref<512x16xf32, #tpu.memory_space<vmem>>, vector<1x16xf32>,
          %get3A_805 = vector.shape_cast %get3A_804 : vector<1x16xf32> to vector<16xf32>
          %slice3A_806 = vector.extract_strided_slice %get3A_709 {offsets = [5], sizes = [1], strides = [1]} : vector<16xf32> to vector<1xf32>
          %squeeze3A_807 = vector.extract %slice3A_806[0] : f32 from vector<1xf32>
          %mul3A_808 = vector.broadcast %squeeze3A_807 : f32 to vector<16xf32>
          %mul3A_809 = arith.mulf %get3A_805, %mul3A_808 : vector<16xf32>
          %swap3A_810 = arith.index_cast %add3A_801 : i32 to index
          %swap3A_811 = arith.constant 0 : index
          %swap3A_812 = tpu.vector_load %arg10[%swap3A_810, %swap3A_811] {strides = array<i32>} : memref<512x16xf32, #tpu.memory_space<vmem>>, vector<1x16xf32>,
          %swap3A_813 = vector.shape_cast %swap3A_812 : vector<1x16xf32> to vector<16xf32>
          %swap3A_814 = vector.shape_cast %mul3A_809 : vector<16xf32> to vector<1x16xf32>
          tpu.vector_store %arg10[%swap3A_810, %swap3A_811], %swap3A_814 {strides = array<i32>} : memref<512x16xf32, #tpu.memory_space<vmem>>, vector<1x16xf32>,
          %mul3A_815 = arith.constant 128 : i32
          %mul3A_816 = arith.muli %scan3A_693, %mul3A_815 : i32
          %add3A_817 = arith.addi %mul3A_816, %mul3A_706 : i32
          %add3A_818 = arith.constant 6 : i32
          %add3A_819 = arith.addi %add3A_817, %add3A_818 : i32
          %get3A_820 = arith.index_cast %add3A_819 : i32 to index
          %get3A_821 = arith.constant 0 : index
          %get3A_822 = tpu.vector_load %arg10[%get3A_820, %get3A_821] {strides = array<i32>} : memref<512x16xf32, #tpu.memory_space<vmem>>, vector<1x16xf32>,
          %get3A_823 = vector.shape_cast %get3A_822 : vector<1x16xf32> to vector<16xf32>
          %slice3A_824 = vector.extract_strided_slice %get3A_709 {offsets = [6], sizes = [1], strides = [1]} : vector<16xf32> to vector<1xf32>
          %squeeze3A_825 = vector.extract %slice3A_824[0] : f32 from vector<1xf32>
          %mul3A_826 = vector.broadcast %squeeze3A_825 : f32 to vector<16xf32>
          %mul3A_827 = arith.mulf %get3A_823, %mul3A_826 : vector<16xf32>
          %swap3A_828 = arith.index_cast %add3A_819 : i32 to index
          %swap3A_829 = arith.constant 0 : index
          %swap3A_830 = tpu.vector_load %arg10[%swap3A_828, %swap3A_829] {strides = array<i32>} : memref<512x16xf32, #tpu.memory_space<vmem>>, vector<1x16xf32>,
          %swap3A_831 = vector.shape_cast %swap3A_830 : vector<1x16xf32> to vector<16xf32>
          %swap3A_832 = vector.shape_cast %mul3A_827 : vector<16xf32> to vector<1x16xf32>
          tpu.vector_store %arg10[%swap3A_828, %swap3A_829], %swap3A_832 {strides = array<i32>} : memref<512x16xf32, #tpu.memory_space<vmem>>, vector<1x16xf32>,
          %mul3A_833 = arith.constant 128 : i32
          %mul3A_834 = arith.muli %scan3A_693, %mul3A_833 : i32
          %add3A_835 = arith.addi %mul3A_834, %mul3A_706 : i32
          %add3A_836 = arith.constant 7 : i32
          %add3A_837 = arith.addi %add3A_835, %add3A_836 : i32
          %get3A_838 = arith.index_cast %add3A_837 : i32 to index
          %get3A_839 = arith.constant 0 : index
          %get3A_840 = tpu.vector_load %arg10[%get3A_838, %get3A_839] {strides = array<i32>} : memref<512x16xf32, #tpu.memory_space<vmem>>, vector<1x16xf32>,
          %get3A_841 = vector.shape_cast %get3A_840 : vector<1x16xf32> to vector<16xf32>
          %slice3A_842 = vector.extract_strided_slice %get3A_709 {offsets = [7], sizes = [1], strides = [1]} : vector<16xf32> to vector<1xf32>
          %squeeze3A_843 = vector.extract %slice3A_842[0] : f32 from vector<1xf32>
          %mul3A_844 = vector.broadcast %squeeze3A_843 : f32 to vector<16xf32>
          %mul3A_845 = arith.mulf %get3A_841, %mul3A_844 : vector<16xf32>
          %swap3A_846 = arith.index_cast %add3A_837 : i32 to index
          %swap3A_847 = arith.constant 0 : index
          %swap3A_848 = tpu.vector_load %arg10[%swap3A_846, %swap3A_847] {strides = array<i32>} : memref<512x16xf32, #tpu.memory_space<vmem>>, vector<1x16xf32>,
          %swap3A_849 = vector.shape_cast %swap3A_848 : vector<1x16xf32> to vector<16xf32>
          %swap3A_850 = vector.shape_cast %mul3A_845 : vector<16xf32> to vector<1x16xf32>
          tpu.vector_store %arg10[%swap3A_846, %swap3A_847], %swap3A_850 {strides = array<i32>} : memref<512x16xf32, #tpu.memory_space<vmem>>, vector<1x16xf32>,
          %mul3A_851 = arith.constant 128 : i32
          %mul3A_852 = arith.muli %scan3A_693, %mul3A_851 : i32
          %add3A_853 = arith.addi %mul3A_852, %mul3A_706 : i32
          %add3A_854 = arith.constant 8 : i32
          %add3A_855 = arith.addi %add3A_853, %add3A_854 : i32
          %get3A_856 = arith.index_cast %add3A_855 : i32 to index
          %get3A_857 = arith.constant 0 : index
          %get3A_858 = tpu.vector_load %arg10[%get3A_856, %get3A_857] {strides = array<i32>} : memref<512x16xf32, #tpu.memory_space<vmem>>, vector<1x16xf32>,
          %get3A_859 = vector.shape_cast %get3A_858 : vector<1x16xf32> to vector<16xf32>
          %slice3A_860 = vector.extract_strided_slice %get3A_709 {offsets = [8], sizes = [1], strides = [1]} : vector<16xf32> to vector<1xf32>
          %squeeze3A_861 = vector.extract %slice3A_860[0] : f32 from vector<1xf32>
          %mul3A_862 = vector.broadcast %squeeze3A_861 : f32 to vector<16xf32>
          %mul3A_863 = arith.mulf %get3A_859, %mul3A_862 : vector<16xf32>
          %swap3A_864 = arith.index_cast %add3A_855 : i32 to index
          %swap3A_865 = arith.constant 0 : index
          %swap3A_866 = tpu.vector_load %arg10[%swap3A_864, %swap3A_865] {strides = array<i32>} : memref<512x16xf32, #tpu.memory_space<vmem>>, vector<1x16xf32>,
          %swap3A_867 = vector.shape_cast %swap3A_866 : vector<1x16xf32> to vector<16xf32>
          %swap3A_868 = vector.shape_cast %mul3A_863 : vector<16xf32> to vector<1x16xf32>
          tpu.vector_store %arg10[%swap3A_864, %swap3A_865], %swap3A_868 {strides = array<i32>} : memref<512x16xf32, #tpu.memory_space<vmem>>, vector<1x16xf32>,
          %mul3A_869 = arith.constant 128 : i32
          %mul3A_870 = arith.muli %scan3A_693, %mul3A_869 : i32
          %add3A_871 = arith.addi %mul3A_870, %mul3A_706 : i32
          %add3A_872 = arith.constant 9 : i32
          %add3A_873 = arith.addi %add3A_871, %add3A_872 : i32
          %get3A_874 = arith.index_cast %add3A_873 : i32 to index
          %get3A_875 = arith.constant 0 : index
          %get3A_876 = tpu.vector_load %arg10[%get3A_874, %get3A_875] {strides = array<i32>} : memref<512x16xf32, #tpu.memory_space<vmem>>, vector<1x16xf32>,
          %get3A_877 = vector.shape_cast %get3A_876 : vector<1x16xf32> to vector<16xf32>
          %slice3A_878 = vector.extract_strided_slice %get3A_709 {offsets = [9], sizes = [1], strides = [1]} : vector<16xf32> to vector<1xf32>
          %squeeze3A_879 = vector.extract %slice3A_878[0] : f32 from vector<1xf32>
          %mul3A_880 = vector.broadcast %squeeze3A_879 : f32 to vector<16xf32>
          %mul3A_881 = arith.mulf %get3A_877, %mul3A_880 : vector<16xf32>
          %swap3A_882 = arith.index_cast %add3A_873 : i32 to index
          %swap3A_883 = arith.constant 0 : index
          %swap3A_884 = tpu.vector_load %arg10[%swap3A_882, %swap3A_883] {strides = array<i32>} : memref<512x16xf32, #tpu.memory_space<vmem>>, vector<1x16xf32>,
          %swap3A_885 = vector.shape_cast %swap3A_884 : vector<1x16xf32> to vector<16xf32>
          %swap3A_886 = vector.shape_cast %mul3A_881 : vector<16xf32> to vector<1x16xf32>
          tpu.vector_store %arg10[%swap3A_882, %swap3A_883], %swap3A_886 {strides = array<i32>} : memref<512x16xf32, #tpu.memory_space<vmem>>, vector<1x16xf32>,
          %mul3A_887 = arith.constant 128 : i32
          %mul3A_888 = arith.muli %scan3A_693, %mul3A_887 : i32
          %add3A_889 = arith.addi %mul3A_888, %mul3A_706 : i32
          %add3A_890 = arith.constant 10 : i32
          %add3A_891 = arith.addi %add3A_889, %add3A_890 : i32
          %get3A_892 = arith.index_cast %add3A_891 : i32 to index
          %get3A_893 = arith.constant 0 : index
          %get3A_894 = tpu.vector_load %arg10[%get3A_892, %get3A_893] {strides = array<i32>} : memref<512x16xf32, #tpu.memory_space<vmem>>, vector<1x16xf32>,
          %get3A_895 = vector.shape_cast %get3A_894 : vector<1x16xf32> to vector<16xf32>
          %slice3A_896 = vector.extract_strided_slice %get3A_709 {offsets = [10], sizes = [1], strides = [1]} : vector<16xf32> to vector<1xf32>
          %squeeze3A_897 = vector.extract %slice3A_896[0] : f32 from vector<1xf32>
          %mul3A_898 = vector.broadcast %squeeze3A_897 : f32 to vector<16xf32>
          %mul3A_899 = arith.mulf %get3A_895, %mul3A_898 : vector<16xf32>
          %swap3A_900 = arith.index_cast %add3A_891 : i32 to index
          %swap3A_901 = arith.constant 0 : index
          %swap3A_902 = tpu.vector_load %arg10[%swap3A_900, %swap3A_901] {strides = array<i32>} : memref<512x16xf32, #tpu.memory_space<vmem>>, vector<1x16xf32>,
          %swap3A_903 = vector.shape_cast %swap3A_902 : vector<1x16xf32> to vector<16xf32>
          %swap3A_904 = vector.shape_cast %mul3A_899 : vector<16xf32> to vector<1x16xf32>
          tpu.vector_store %arg10[%swap3A_900, %swap3A_901], %swap3A_904 {strides = array<i32>} : memref<512x16xf32, #tpu.memory_space<vmem>>, vector<1x16xf32>,
          %mul3A_905 = arith.constant 128 : i32
          %mul3A_906 = arith.muli %scan3A_693, %mul3A_905 : i32
          %add3A_907 = arith.addi %mul3A_906, %mul3A_706 : i32
          %add3A_908 = arith.constant 11 : i32
          %add3A_909 = arith.addi %add3A_907, %add3A_908 : i32
          %get3A_910 = arith.index_cast %add3A_909 : i32 to index
          %get3A_911 = arith.constant 0 : index
          %get3A_912 = tpu.vector_load %arg10[%get3A_910, %get3A_911] {strides = array<i32>} : memref<512x16xf32, #tpu.memory_space<vmem>>, vector<1x16xf32>,
          %get3A_913 = vector.shape_cast %get3A_912 : vector<1x16xf32> to vector<16xf32>
          %slice3A_914 = vector.extract_strided_slice %get3A_709 {offsets = [11], sizes = [1], strides = [1]} : vector<16xf32> to vector<1xf32>
          %squeeze3A_915 = vector.extract %slice3A_914[0] : f32 from vector<1xf32>
          %mul3A_916 = vector.broadcast %squeeze3A_915 : f32 to vector<16xf32>
          %mul3A_917 = arith.mulf %get3A_913, %mul3A_916 : vector<16xf32>
          %swap3A_918 = arith.index_cast %add3A_909 : i32 to index
          %swap3A_919 = arith.constant 0 : index
          %swap3A_920 = tpu.vector_load %arg10[%swap3A_918, %swap3A_919] {strides = array<i32>} : memref<512x16xf32, #tpu.memory_space<vmem>>, vector<1x16xf32>,
          %swap3A_921 = vector.shape_cast %swap3A_920 : vector<1x16xf32> to vector<16xf32>
          %swap3A_922 = vector.shape_cast %mul3A_917 : vector<16xf32> to vector<1x16xf32>
          tpu.vector_store %arg10[%swap3A_918, %swap3A_919], %swap3A_922 {strides = array<i32>} : memref<512x16xf32, #tpu.memory_space<vmem>>, vector<1x16xf32>,
          %mul3A_923 = arith.constant 128 : i32
          %mul3A_924 = arith.muli %scan3A_693, %mul3A_923 : i32
          %add3A_925 = arith.addi %mul3A_924, %mul3A_706 : i32
          %add3A_926 = arith.constant 12 : i32
          %add3A_927 = arith.addi %add3A_925, %add3A_926 : i32
          %get3A_928 = arith.index_cast %add3A_927 : i32 to index
          %get3A_929 = arith.constant 0 : index
          %get3A_930 = tpu.vector_load %arg10[%get3A_928, %get3A_929] {strides = array<i32>} : memref<512x16xf32, #tpu.memory_space<vmem>>, vector<1x16xf32>,
          %get3A_931 = vector.shape_cast %get3A_930 : vector<1x16xf32> to vector<16xf32>
          %slice3A_932 = vector.extract_strided_slice %get3A_709 {offsets = [12], sizes = [1], strides = [1]} : vector<16xf32> to vector<1xf32>
          %squeeze3A_933 = vector.extract %slice3A_932[0] : f32 from vector<1xf32>
          %mul3A_934 = vector.broadcast %squeeze3A_933 : f32 to vector<16xf32>
          %mul3A_935 = arith.mulf %get3A_931, %mul3A_934 : vector<16xf32>
          %swap3A_936 = arith.index_cast %add3A_927 : i32 to index
          %swap3A_937 = arith.constant 0 : index
          %swap3A_938 = tpu.vector_load %arg10[%swap3A_936, %swap3A_937] {strides = array<i32>} : memref<512x16xf32, #tpu.memory_space<vmem>>, vector<1x16xf32>,
          %swap3A_939 = vector.shape_cast %swap3A_938 : vector<1x16xf32> to vector<16xf32>
          %swap3A_940 = vector.shape_cast %mul3A_935 : vector<16xf32> to vector<1x16xf32>
          tpu.vector_store %arg10[%swap3A_936, %swap3A_937], %swap3A_940 {strides = array<i32>} : memref<512x16xf32, #tpu.memory_space<vmem>>, vector<1x16xf32>,
          %mul3A_941 = arith.constant 128 : i32
          %mul3A_942 = arith.muli %scan3A_693, %mul3A_941 : i32
          %add3A_943 = arith.addi %mul3A_942, %mul3A_706 : i32
          %add3A_944 = arith.constant 13 : i32
          %add3A_945 = arith.addi %add3A_943, %add3A_944 : i32
          %get3A_946 = arith.index_cast %add3A_945 : i32 to index
          %get3A_947 = arith.constant 0 : index
          %get3A_948 = tpu.vector_load %arg10[%get3A_946, %get3A_947] {strides = array<i32>} : memref<512x16xf32, #tpu.memory_space<vmem>>, vector<1x16xf32>,
          %get3A_949 = vector.shape_cast %get3A_948 : vector<1x16xf32> to vector<16xf32>
          %slice3A_950 = vector.extract_strided_slice %get3A_709 {offsets = [13], sizes = [1], strides = [1]} : vector<16xf32> to vector<1xf32>
          %squeeze3A_951 = vector.extract %slice3A_950[0] : f32 from vector<1xf32>
          %mul3A_952 = vector.broadcast %squeeze3A_951 : f32 to vector<16xf32>
          %mul3A_953 = arith.mulf %get3A_949, %mul3A_952 : vector<16xf32>
          %swap3A_954 = arith.index_cast %add3A_945 : i32 to index
          %swap3A_955 = arith.constant 0 : index
          %swap3A_956 = tpu.vector_load %arg10[%swap3A_954, %swap3A_955] {strides = array<i32>} : memref<512x16xf32, #tpu.memory_space<vmem>>, vector<1x16xf32>,
          %swap3A_957 = vector.shape_cast %swap3A_956 : vector<1x16xf32> to vector<16xf32>
          %swap3A_958 = vector.shape_cast %mul3A_953 : vector<16xf32> to vector<1x16xf32>
          tpu.vector_store %arg10[%swap3A_954, %swap3A_955], %swap3A_958 {strides = array<i32>} : memref<512x16xf32, #tpu.memory_space<vmem>>, vector<1x16xf32>,
          %mul3A_959 = arith.constant 128 : i32
          %mul3A_960 = arith.muli %scan3A_693, %mul3A_959 : i32
          %add3A_961 = arith.addi %mul3A_960, %mul3A_706 : i32
          %add3A_962 = arith.constant 14 : i32
          %add3A_963 = arith.addi %add3A_961, %add3A_962 : i32
          %get3A_964 = arith.index_cast %add3A_963 : i32 to index
          %get3A_965 = arith.constant 0 : index
          %get3A_966 = tpu.vector_load %arg10[%get3A_964, %get3A_965] {strides = array<i32>} : memref<512x16xf32, #tpu.memory_space<vmem>>, vector<1x16xf32>,
          %get3A_967 = vector.shape_cast %get3A_966 : vector<1x16xf32> to vector<16xf32>
          %slice3A_968 = vector.extract_strided_slice %get3A_709 {offsets = [14], sizes = [1], strides = [1]} : vector<16xf32> to vector<1xf32>
          %squeeze3A_969 = vector.extract %slice3A_968[0] : f32 from vector<1xf32>
          %mul3A_970 = vector.broadcast %squeeze3A_969 : f32 to vector<16xf32>
          %mul3A_971 = arith.mulf %get3A_967, %mul3A_970 : vector<16xf32>
          %swap3A_972 = arith.index_cast %add3A_963 : i32 to index
          %swap3A_973 = arith.constant 0 : index
          %swap3A_974 = tpu.vector_load %arg10[%swap3A_972, %swap3A_973] {strides = array<i32>} : memref<512x16xf32, #tpu.memory_space<vmem>>, vector<1x16xf32>,
          %swap3A_975 = vector.shape_cast %swap3A_974 : vector<1x16xf32> to vector<16xf32>
          %swap3A_976 = vector.shape_cast %mul3A_971 : vector<16xf32> to vector<1x16xf32>
          tpu.vector_store %arg10[%swap3A_972, %swap3A_973], %swap3A_976 {strides = array<i32>} : memref<512x16xf32, #tpu.memory_space<vmem>>, vector<1x16xf32>,
          %mul3A_977 = arith.constant 128 : i32
          %mul3A_978 = arith.muli %scan3A_693, %mul3A_977 : i32
          %add3A_979 = arith.addi %mul3A_978, %mul3A_706 : i32
          %add3A_980 = arith.constant 15 : i32
          %add3A_981 = arith.addi %add3A_979, %add3A_980 : i32
          %get3A_982 = arith.index_cast %add3A_981 : i32 to index
          %get3A_983 = arith.constant 0 : index
          %get3A_984 = tpu.vector_load %arg10[%get3A_982, %get3A_983] {strides = array<i32>} : memref<512x16xf32, #tpu.memory_space<vmem>>, vector<1x16xf32>,
          %get3A_985 = vector.shape_cast %get3A_984 : vector<1x16xf32> to vector<16xf32>
          %slice3A_986 = vector.extract_strided_slice %get3A_709 {offsets = [15], sizes = [1], strides = [1]} : vector<16xf32> to vector<1xf32>
          %squeeze3A_987 = vector.extract %slice3A_986[0] : f32 from vector<1xf32>
          %mul3A_988 = vector.broadcast %squeeze3A_987 : f32 to vector<16xf32>
          %mul3A_989 = arith.mulf %get3A_985, %mul3A_988 : vector<16xf32>
          %swap3A_990 = arith.index_cast %add3A_981 : i32 to index
          %swap3A_991 = arith.constant 0 : index
          %swap3A_992 = tpu.vector_load %arg10[%swap3A_990, %swap3A_991] {strides = array<i32>} : memref<512x16xf32, #tpu.memory_space<vmem>>, vector<1x16xf32>,
          %swap3A_993 = vector.shape_cast %swap3A_992 : vector<1x16xf32> to vector<16xf32>
          %swap3A_994 = vector.shape_cast %mul3A_989 : vector<16xf32> to vector<1x16xf32>
          tpu.vector_store %arg10[%swap3A_990, %swap3A_991], %swap3A_994 {strides = array<i32>} : memref<512x16xf32, #tpu.memory_space<vmem>>, vector<1x16xf32>,
          %scan3A_995 = arith.constant 0 : i32
          scf.yield %scan3A_995 : i32
        }
        %scan3A_701 = arith.constant 8 : i32
        %scan3A_702 = arith.constant 0 : i32
        scf.yield %scan3A_702 : i32
      }
      %scan3A_334 = arith.constant 4 : i32
      %dma_start3A_335 = arith.constant 0 : i32
      %dma_start3A_336 = arith.constant 0 : i32
      %dma_start3A_337 = arith.constant 0 : i32
      %dma_start3A_338 = tpu.memref_slice %arg10[%dma_start3A_336, %dma_start3A_337] : memref<512x16xf32, #tpu.memory_space<vmem>> -> memref<128x16xf32, #tpu.memory_space<vmem>>
      %dma_start3A_339 = arith.constant 0 : i32
      %dma_start3A_340 = tpu.memref_slice %arg8[%dma_start3A_335, %dma_start3A_339] : memref<4x128xi32, #tpu.memory_space<vmem>> -> memref<1x128xi32, #tpu.memory_space<vmem>>
      %dma_start3A_341 = tpu.memref_squeeze %dma_start3A_340 : memref<1x128xi32, #tpu.memory_space<vmem>> -> memref<128xi32, #tpu.memory_space<vmem>>
      %dma_start3A_342 = arith.constant 0 : i32
      %dma_start3A_343 = arith.constant 0 : i32
      %dma_start3A_344 = tpu.memref_slice %arg19[%dma_start3A_342, %dma_start3A_343] : memref<100096x16xf32, #tpu.memory_space<vmem_shared>> -> memref<100096x16xf32, #tpu.memory_space<vmem_shared>>
      tpu.enqueue_indirect_dma source(%dma_start3A_338 : memref<128x16xf32, #tpu.memory_space<vmem>>) target(%dma_start3A_344 : memref<100096x16xf32, #tpu.memory_space<vmem_shared>>) offsets(%dma_start3A_341 : memref<128xi32, #tpu.memory_space<vmem>>) semaphore(%arg22 : memref<!tpu.dma_semaphore, #tpu.memory_space<semaphore_mem>>) {add = true}
      %dma_start3A_345 = arith.constant 1 : i32
      %dma_start3A_346 = arith.constant 128 : i32
      %dma_start3A_347 = arith.constant 0 : i32
      %dma_start3A_348 = tpu.memref_slice %arg10[%dma_start3A_346, %dma_start3A_347] : memref<512x16xf32, #tpu.memory_space<vmem>> -> memref<128x16xf32, #tpu.memory_space<vmem>>
      %dma_start3A_349 = arith.constant 0 : i32
      %dma_start3A_350 = tpu.memref_slice %arg8[%dma_start3A_345, %dma_start3A_349] : memref<4x128xi32, #tpu.memory_space<vmem>> -> memref<1x128xi32, #tpu.memory_space<vmem>>
      %dma_start3A_351 = tpu.memref_squeeze %dma_start3A_350 : memref<1x128xi32, #tpu.memory_space<vmem>> -> memref<128xi32, #tpu.memory_space<vmem>>
      %dma_start3A_352 = arith.constant 0 : i32
      %dma_start3A_353 = arith.constant 0 : i32
      %dma_start3A_354 = tpu.memref_slice %arg19[%dma_start3A_352, %dma_start3A_353] : memref<100096x16xf32, #tpu.memory_space<vmem_shared>> -> memref<100096x16xf32, #tpu.memory_space<vmem_shared>>
      tpu.enqueue_indirect_dma source(%dma_start3A_348 : memref<128x16xf32, #tpu.memory_space<vmem>>) target(%dma_start3A_354 : memref<100096x16xf32, #tpu.memory_space<vmem_shared>>) offsets(%dma_start3A_351 : memref<128xi32, #tpu.memory_space<vmem>>) semaphore(%arg22 : memref<!tpu.dma_semaphore, #tpu.memory_space<semaphore_mem>>) {add = true}
      %dma_start3A_355 = arith.constant 2 : i32
      %dma_start3A_356 = arith.constant 256 : i32
      %dma_start3A_357 = arith.constant 0 : i32
      %dma_start3A_358 = tpu.memref_slice %arg10[%dma_start3A_356, %dma_start3A_357] : memref<512x16xf32, #tpu.memory_space<vmem>> -> memref<128x16xf32, #tpu.memory_space<vmem>>
      %dma_start3A_359 = arith.constant 0 : i32
      %dma_start3A_360 = tpu.memref_slice %arg8[%dma_start3A_355, %dma_start3A_359] : memref<4x128xi32, #tpu.memory_space<vmem>> -> memref<1x128xi32, #tpu.memory_space<vmem>>
      %dma_start3A_361 = tpu.memref_squeeze %dma_start3A_360 : memref<1x128xi32, #tpu.memory_space<vmem>> -> memref<128xi32, #tpu.memory_space<vmem>>
      %dma_start3A_362 = arith.constant 0 : i32
      %dma_start3A_363 = arith.constant 0 : i32
      %dma_start3A_364 = tpu.memref_slice %arg19[%dma_start3A_362, %dma_start3A_363] : memref<100096x16xf32, #tpu.memory_space<vmem_shared>> -> memref<100096x16xf32, #tpu.memory_space<vmem_shared>>
      tpu.enqueue_indirect_dma source(%dma_start3A_358 : memref<128x16xf32, #tpu.memory_space<vmem>>) target(%dma_start3A_364 : memref<100096x16xf32, #tpu.memory_space<vmem_shared>>) offsets(%dma_start3A_361 : memref<128xi32, #tpu.memory_space<vmem>>) semaphore(%arg22 : memref<!tpu.dma_semaphore, #tpu.memory_space<semaphore_mem>>) {add = true}
      %dma_start3A_365 = arith.constant 3 : i32
      %dma_start3A_366 = arith.constant 384 : i32
      %dma_start3A_367 = arith.constant 0 : i32
      %dma_start3A_368 = tpu.memref_slice %arg10[%dma_start3A_366, %dma_start3A_367] : memref<512x16xf32, #tpu.memory_space<vmem>> -> memref<128x16xf32, #tpu.memory_space<vmem>>
      %dma_start3A_369 = arith.constant 0 : i32
      %dma_start3A_370 = tpu.memref_slice %arg8[%dma_start3A_365, %dma_start3A_369] : memref<4x128xi32, #tpu.memory_space<vmem>> -> memref<1x128xi32, #tpu.memory_space<vmem>>
      %dma_start3A_371 = tpu.memref_squeeze %dma_start3A_370 : memref<1x128xi32, #tpu.memory_space<vmem>> -> memref<128xi32, #tpu.memory_space<vmem>>
      %dma_start3A_372 = arith.constant 0 : i32
      %dma_start3A_373 = arith.constant 0 : i32
      %dma_start3A_374 = tpu.memref_slice %arg19[%dma_start3A_372, %dma_start3A_373] : memref<100096x16xf32, #tpu.memory_space<vmem_shared>> -> memref<100096x16xf32, #tpu.memory_space<vmem_shared>>
      tpu.enqueue_indirect_dma source(%dma_start3A_368 : memref<128x16xf32, #tpu.memory_space<vmem>>) target(%dma_start3A_374 : memref<100096x16xf32, #tpu.memory_space<vmem_shared>>) offsets(%dma_start3A_371 : memref<128xi32, #tpu.memory_space<vmem>>) semaphore(%arg22 : memref<!tpu.dma_semaphore, #tpu.memory_space<semaphore_mem>>) {add = true}
      %mul3A_375 = arith.constant 3 : i32
      %mul3A_376 = arith.muli %scan3A_199, %mul3A_375 : i32
      %add3A_377 = arith.constant 1 : i32
      %add3A_378 = arith.addi %mul3A_376, %add3A_377 : i32
      %gt3A_379 = arith.constant 0 : i32
      %gt3A_380 = arith.cmpi sgt, %scan3A_199, %gt3A_379 : i32
      %convert_element_type3A_381 = arith.extui %gt3A_380 : i1 to i32
      %cond3A_382 = arith.constant 0 : i32
      %cond3A_383 = arith.cmpi ne, %convert_element_type3A_381, %cond3A_382 : i32
      scf.if %cond3A_383 {
        %dma_wait3A_693 = arith.constant 0 : i32
        %dma_wait3A_694 = arith.constant 0 : i32
        %dma_wait3A_695 = arith.constant 0 : i32
        %dma_wait3A_696 = tpu.memref_slice %arg18[%dma_wait3A_694, %dma_wait3A_695] : memref<512x16xf32, #tpu.memory_space<vmem>> -> memref<128x16xf32, #tpu.memory_space<vmem>>
        %dma_wait3A_697 = arith.constant 0 : i32
        %dma_wait3A_698 = tpu.memref_slice %arg16[%dma_wait3A_693, %dma_wait3A_697] : memref<4x128xi32, #tpu.memory_space<vmem>> -> memref<1x128xi32, #tpu.memory_space<vmem>>
        %dma_wait3A_699 = tpu.memref_squeeze %dma_wait3A_698 : memref<1x128xi32, #tpu.memory_space<vmem>> -> memref<128xi32, #tpu.memory_space<vmem>>
        %dma_wait3A_700 = arith.constant 0 : i32
        %dma_wait3A_701 = arith.constant 0 : i32
        %dma_wait3A_702 = tpu.memref_slice %arg19[%dma_wait3A_700, %dma_wait3A_701] : memref<100096x16xf32, #tpu.memory_space<vmem_shared>> -> memref<100096x16xf32, #tpu.memory_space<vmem_shared>>
        tpu.wait_indirect_dma semaphore(%arg24 : memref<!tpu.dma_semaphore, #tpu.memory_space<semaphore_mem>>) src(%dma_wait3A_696 : memref<128x16xf32, #tpu.memory_space<vmem>>) dst(%dma_wait3A_702 : memref<100096x16xf32, #tpu.memory_space<vmem_shared>>)
        %dma_wait3A_703 = arith.constant 1 : i32
        %dma_wait3A_704 = arith.constant 128 : i32
        %dma_wait3A_705 = arith.constant 0 : i32
        %dma_wait3A_706 = tpu.memref_slice %arg18[%dma_wait3A_704, %dma_wait3A_705] : memref<512x16xf32, #tpu.memory_space<vmem>> -> memref<128x16xf32, #tpu.memory_space<vmem>>
        %dma_wait3A_707 = arith.constant 0 : i32
        %dma_wait3A_708 = tpu.memref_slice %arg16[%dma_wait3A_703, %dma_wait3A_707] : memref<4x128xi32, #tpu.memory_space<vmem>> -> memref<1x128xi32, #tpu.memory_space<vmem>>
        %dma_wait3A_709 = tpu.memref_squeeze %dma_wait3A_708 : memref<1x128xi32, #tpu.memory_space<vmem>> -> memref<128xi32, #tpu.memory_space<vmem>>
        %dma_wait3A_710 = arith.constant 0 : i32
        %dma_wait3A_711 = arith.constant 0 : i32
        %dma_wait3A_712 = tpu.memref_slice %arg19[%dma_wait3A_710, %dma_wait3A_711] : memref<100096x16xf32, #tpu.memory_space<vmem_shared>> -> memref<100096x16xf32, #tpu.memory_space<vmem_shared>>
        tpu.wait_indirect_dma semaphore(%arg24 : memref<!tpu.dma_semaphore, #tpu.memory_space<semaphore_mem>>) src(%dma_wait3A_706 : memref<128x16xf32, #tpu.memory_space<vmem>>) dst(%dma_wait3A_712 : memref<100096x16xf32, #tpu.memory_space<vmem_shared>>)
        %dma_wait3A_713 = arith.constant 2 : i32
        %dma_wait3A_714 = arith.constant 256 : i32
        %dma_wait3A_715 = arith.constant 0 : i32
        %dma_wait3A_716 = tpu.memref_slice %arg18[%dma_wait3A_714, %dma_wait3A_715] : memref<512x16xf32, #tpu.memory_space<vmem>> -> memref<128x16xf32, #tpu.memory_space<vmem>>
        %dma_wait3A_717 = arith.constant 0 : i32
        %dma_wait3A_718 = tpu.memref_slice %arg16[%dma_wait3A_713, %dma_wait3A_717] : memref<4x128xi32, #tpu.memory_space<vmem>> -> memref<1x128xi32, #tpu.memory_space<vmem>>
        %dma_wait3A_719 = tpu.memref_squeeze %dma_wait3A_718 : memref<1x128xi32, #tpu.memory_space<vmem>> -> memref<128xi32, #tpu.memory_space<vmem>>
        %dma_wait3A_720 = arith.constant 0 : i32
        %dma_wait3A_721 = arith.constant 0 : i32
        %dma_wait3A_722 = tpu.memref_slice %arg19[%dma_wait3A_720, %dma_wait3A_721] : memref<100096x16xf32, #tpu.memory_space<vmem_shared>> -> memref<100096x16xf32, #tpu.memory_space<vmem_shared>>
        tpu.wait_indirect_dma semaphore(%arg24 : memref<!tpu.dma_semaphore, #tpu.memory_space<semaphore_mem>>) src(%dma_wait3A_716 : memref<128x16xf32, #tpu.memory_space<vmem>>) dst(%dma_wait3A_722 : memref<100096x16xf32, #tpu.memory_space<vmem_shared>>)
        %dma_wait3A_723 = arith.constant 3 : i32
        %dma_wait3A_724 = arith.constant 384 : i32
        %dma_wait3A_725 = arith.constant 0 : i32
        %dma_wait3A_726 = tpu.memref_slice %arg18[%dma_wait3A_724, %dma_wait3A_725] : memref<512x16xf32, #tpu.memory_space<vmem>> -> memref<128x16xf32, #tpu.memory_space<vmem>>
        %dma_wait3A_727 = arith.constant 0 : i32
        %dma_wait3A_728 = tpu.memref_slice %arg16[%dma_wait3A_723, %dma_wait3A_727] : memref<4x128xi32, #tpu.memory_space<vmem>> -> memref<1x128xi32, #tpu.memory_space<vmem>>
        %dma_wait3A_729 = tpu.memref_squeeze %dma_wait3A_728 : memref<1x128xi32, #tpu.memory_space<vmem>> -> memref<128xi32, #tpu.memory_space<vmem>>
        %dma_wait3A_730 = arith.constant 0 : i32
        %dma_wait3A_731 = arith.constant 0 : i32
        %dma_wait3A_732 = tpu.memref_slice %arg19[%dma_wait3A_730, %dma_wait3A_731] : memref<100096x16xf32, #tpu.memory_space<vmem_shared>> -> memref<100096x16xf32, #tpu.memory_space<vmem_shared>>
        tpu.wait_indirect_dma semaphore(%arg24 : memref<!tpu.dma_semaphore, #tpu.memory_space<semaphore_mem>>) src(%dma_wait3A_726 : memref<128x16xf32, #tpu.memory_space<vmem>>) dst(%dma_wait3A_732 : memref<100096x16xf32, #tpu.memory_space<vmem_shared>>)
      } else {
      }
      %add3A_384 = arith.constant 1 : i32
      %add3A_385 = arith.addi %add3A_378, %add3A_384 : i32
      %mul3A_386 = arith.constant 4 : i32
      %mul3A_387 = arith.muli %add3A_385, %mul3A_386 : i32
      %add3A_388 = arith.addi %mul3A_0, %mul3A_387 : i32
      %dma_start3A_389 = arith.constant 0 : i32
      %dma_start3A_390 = tpu.memref_slice %arg3[%add3A_388, %dma_start3A_389] : memref<12672x128xi32, #tpu.memory_space<hbm>> -> memref<4x128xi32, #tpu.memory_space<hbm>>
      %dma_start3A_391 = arith.constant 0 : i32
      %dma_start3A_392 = tpu.memref_slice %arg3[%add3A_388, %dma_start3A_391] : memref<12672x128xi32, #tpu.memory_space<hbm>> -> memref<4x128xi32, #tpu.memory_space<hbm>>
      tpu.enqueue_dma source(%dma_start3A_392 : memref<4x128xi32, #tpu.memory_space<hbm>>) target(%arg15 : memref<4x128xi32, #tpu.memory_space<vmem>>) target_semaphore(%arg21 : memref<!tpu.dma_semaphore, #tpu.memory_space<semaphore_mem>>)
      %dma_start3A_393 = arith.constant 0 : i32
      %dma_start3A_394 = tpu.memref_slice %arg4[%add3A_388, %dma_start3A_393] : memref<12672x128xi32, #tpu.memory_space<hbm>> -> memref<4x128xi32, #tpu.memory_space<hbm>>
      %dma_start3A_395 = arith.constant 0 : i32
      %dma_start3A_396 = tpu.memref_slice %arg4[%add3A_388, %dma_start3A_395] : memref<12672x128xi32, #tpu.memory_space<hbm>> -> memref<4x128xi32, #tpu.memory_space<hbm>>
      tpu.enqueue_dma source(%dma_start3A_396 : memref<4x128xi32, #tpu.memory_space<hbm>>) target(%arg16 : memref<4x128xi32, #tpu.memory_space<vmem>>) target_semaphore(%arg21 : memref<!tpu.dma_semaphore, #tpu.memory_space<semaphore_mem>>)
      %dma_start3A_397 = arith.constant 0 : i32
      %dma_start3A_398 = tpu.memref_slice %arg5[%add3A_388, %dma_start3A_397] : memref<12672x128xf32, #tpu.memory_space<hbm>> -> memref<4x128xf32, #tpu.memory_space<hbm>>
      %dma_start3A_399 = arith.constant 0 : i32
      %dma_start3A_400 = tpu.memref_slice %arg5[%add3A_388, %dma_start3A_399] : memref<12672x128xf32, #tpu.memory_space<hbm>> -> memref<4x128xf32, #tpu.memory_space<hbm>>
      tpu.enqueue_dma source(%dma_start3A_400 : memref<4x128xf32, #tpu.memory_space<hbm>>) target(%arg17 : memref<4x128xf32, #tpu.memory_space<vmem>>) target_semaphore(%arg21 : memref<!tpu.dma_semaphore, #tpu.memory_space<semaphore_mem>>)
      %dma_wait3A_401 = arith.constant 0 : i32
      %dma_wait3A_402 = arith.constant 0 : i32
      %dma_wait3A_403 = arith.constant 0 : i32
      %dma_wait3A_404 = tpu.memref_slice %arg14[%dma_wait3A_402, %dma_wait3A_403] : memref<512x16xf32, #tpu.memory_space<vmem>> -> memref<128x16xf32, #tpu.memory_space<vmem>>
      %dma_wait3A_405 = arith.constant 0 : i32
      %dma_wait3A_406 = tpu.memref_slice %arg11[%dma_wait3A_401, %dma_wait3A_405] : memref<4x128xi32, #tpu.memory_space<vmem>> -> memref<1x128xi32, #tpu.memory_space<vmem>>
      %dma_wait3A_407 = tpu.memref_squeeze %dma_wait3A_406 : memref<1x128xi32, #tpu.memory_space<vmem>> -> memref<128xi32, #tpu.memory_space<vmem>>
      %dma_wait3A_408 = arith.constant 0 : i32
      %dma_wait3A_409 = arith.constant 0 : i32
      %dma_wait3A_410 = tpu.memref_slice %arg2[%dma_wait3A_408, %dma_wait3A_409] : memref<200000x16xf32, #tpu.memory_space<hbm>> -> memref<200000x16xf32, #tpu.memory_space<hbm>>
      tpu.wait_indirect_dma semaphore(%arg20 : memref<!tpu.dma_semaphore, #tpu.memory_space<semaphore_mem>>) src(%dma_wait3A_410 : memref<200000x16xf32, #tpu.memory_space<hbm>>) dst(%dma_wait3A_404 : memref<128x16xf32, #tpu.memory_space<vmem>>)
      %dma_wait3A_411 = arith.constant 1 : i32
      %dma_wait3A_412 = arith.constant 128 : i32
      %dma_wait3A_413 = arith.constant 0 : i32
      %dma_wait3A_414 = tpu.memref_slice %arg14[%dma_wait3A_412, %dma_wait3A_413] : memref<512x16xf32, #tpu.memory_space<vmem>> -> memref<128x16xf32, #tpu.memory_space<vmem>>
      %dma_wait3A_415 = arith.constant 0 : i32
      %dma_wait3A_416 = tpu.memref_slice %arg11[%dma_wait3A_411, %dma_wait3A_415] : memref<4x128xi32, #tpu.memory_space<vmem>> -> memref<1x128xi32, #tpu.memory_space<vmem>>
      %dma_wait3A_417 = tpu.memref_squeeze %dma_wait3A_416 : memref<1x128xi32, #tpu.memory_space<vmem>> -> memref<128xi32, #tpu.memory_space<vmem>>
      %dma_wait3A_418 = arith.constant 0 : i32
      %dma_wait3A_419 = arith.constant 0 : i32
      %dma_wait3A_420 = tpu.memref_slice %arg2[%dma_wait3A_418, %dma_wait3A_419] : memref<200000x16xf32, #tpu.memory_space<hbm>> -> memref<200000x16xf32, #tpu.memory_space<hbm>>
      tpu.wait_indirect_dma semaphore(%arg20 : memref<!tpu.dma_semaphore, #tpu.memory_space<semaphore_mem>>) src(%dma_wait3A_420 : memref<200000x16xf32, #tpu.memory_space<hbm>>) dst(%dma_wait3A_414 : memref<128x16xf32, #tpu.memory_space<vmem>>)
      %dma_wait3A_421 = arith.constant 2 : i32
      %dma_wait3A_422 = arith.constant 256 : i32
      %dma_wait3A_423 = arith.constant 0 : i32
      %dma_wait3A_424 = tpu.memref_slice %arg14[%dma_wait3A_422, %dma_wait3A_423] : memref<512x16xf32, #tpu.memory_space<vmem>> -> memref<128x16xf32, #tpu.memory_space<vmem>>
      %dma_wait3A_425 = arith.constant 0 : i32
      %dma_wait3A_426 = tpu.memref_slice %arg11[%dma_wait3A_421, %dma_wait3A_425] : memref<4x128xi32, #tpu.memory_space<vmem>> -> memref<1x128xi32, #tpu.memory_space<vmem>>
      %dma_wait3A_427 = tpu.memref_squeeze %dma_wait3A_426 : memref<1x128xi32, #tpu.memory_space<vmem>> -> memref<128xi32, #tpu.memory_space<vmem>>
      %dma_wait3A_428 = arith.constant 0 : i32
      %dma_wait3A_429 = arith.constant 0 : i32
      %dma_wait3A_430 = tpu.memref_slice %arg2[%dma_wait3A_428, %dma_wait3A_429] : memref<200000x16xf32, #tpu.memory_space<hbm>> -> memref<200000x16xf32, #tpu.memory_space<hbm>>
      tpu.wait_indirect_dma semaphore(%arg20 : memref<!tpu.dma_semaphore, #tpu.memory_space<semaphore_mem>>) src(%dma_wait3A_430 : memref<200000x16xf32, #tpu.memory_space<hbm>>) dst(%dma_wait3A_424 : memref<128x16xf32, #tpu.memory_space<vmem>>)
      %dma_wait3A_431 = arith.constant 3 : i32
      %dma_wait3A_432 = arith.constant 384 : i32
      %dma_wait3A_433 = arith.constant 0 : i32
      %dma_wait3A_434 = tpu.memref_slice %arg14[%dma_wait3A_432, %dma_wait3A_433] : memref<512x16xf32, #tpu.memory_space<vmem>> -> memref<128x16xf32, #tpu.memory_space<vmem>>
      %dma_wait3A_435 = arith.constant 0 : i32
      %dma_wait3A_436 = tpu.memref_slice %arg11[%dma_wait3A_431, %dma_wait3A_435] : memref<4x128xi32, #tpu.memory_space<vmem>> -> memref<1x128xi32, #tpu.memory_space<vmem>>
      %dma_wait3A_437 = tpu.memref_squeeze %dma_wait3A_436 : memref<1x128xi32, #tpu.memory_space<vmem>> -> memref<128xi32, #tpu.memory_space<vmem>>
      %dma_wait3A_438 = arith.constant 0 : i32
      %dma_wait3A_439 = arith.constant 0 : i32
      %dma_wait3A_440 = tpu.memref_slice %arg2[%dma_wait3A_438, %dma_wait3A_439] : memref<200000x16xf32, #tpu.memory_space<hbm>> -> memref<200000x16xf32, #tpu.memory_space<hbm>>
      tpu.wait_indirect_dma semaphore(%arg20 : memref<!tpu.dma_semaphore, #tpu.memory_space<semaphore_mem>>) src(%dma_wait3A_440 : memref<200000x16xf32, #tpu.memory_space<hbm>>) dst(%dma_wait3A_434 : memref<128x16xf32, #tpu.memory_space<vmem>>)
      %add3A_441 = arith.constant 1 : i32
      %add3A_442 = arith.addi %add3A_378, %add3A_441 : i32
      %mul3A_443 = arith.constant 4 : i32
      %mul3A_444 = arith.muli %add3A_442, %mul3A_443 : i32
      %add3A_445 = arith.addi %mul3A_0, %mul3A_444 : i32
      %dma_wait3A_446 = arith.constant 0 : i32
      %dma_wait3A_447 = tpu.memref_slice %arg3[%add3A_445, %dma_wait3A_446] : memref<12672x128xi32, #tpu.memory_space<hbm>> -> memref<4x128xi32, #tpu.memory_space<hbm>>
      %dma_wait3A_448 = arith.constant 0 : i32
      %dma_wait3A_449 = tpu.memref_slice %arg3[%add3A_445, %dma_wait3A_448] : memref<12672x128xi32, #tpu.memory_space<hbm>> -> memref<4x128xi32, #tpu.memory_space<hbm>>
      tpu.wait_dma2 semaphore(%arg21 : memref<!tpu.dma_semaphore, #tpu.memory_space<semaphore_mem>>) src(%dma_wait3A_449 : memref<4x128xi32, #tpu.memory_space<hbm>>) dst(%arg15 : memref<4x128xi32, #tpu.memory_space<vmem>>)
      %dma_wait3A_450 = arith.constant 0 : i32
      %dma_wait3A_451 = tpu.memref_slice %arg4[%add3A_445, %dma_wait3A_450] : memref<12672x128xi32, #tpu.memory_space<hbm>> -> memref<4x128xi32, #tpu.memory_space<hbm>>
      %dma_wait3A_452 = arith.constant 0 : i32
      %dma_wait3A_453 = tpu.memref_slice %arg4[%add3A_445, %dma_wait3A_452] : memref<12672x128xi32, #tpu.memory_space<hbm>> -> memref<4x128xi32, #tpu.memory_space<hbm>>
      tpu.wait_dma2 semaphore(%arg21 : memref<!tpu.dma_semaphore, #tpu.memory_space<semaphore_mem>>) src(%dma_wait3A_453 : memref<4x128xi32, #tpu.memory_space<hbm>>) dst(%arg16 : memref<4x128xi32, #tpu.memory_space<vmem>>)
      %dma_wait3A_454 = arith.constant 0 : i32
      %dma_wait3A_455 = tpu.memref_slice %arg5[%add3A_445, %dma_wait3A_454] : memref<12672x128xf32, #tpu.memory_space<hbm>> -> memref<4x128xf32, #tpu.memory_space<hbm>>
      %dma_wait3A_456 = arith.constant 0 : i32
      %dma_wait3A_457 = tpu.memref_slice %arg5[%add3A_445, %dma_wait3A_456] : memref<12672x128xf32, #tpu.memory_space<hbm>> -> memref<4x128xf32, #tpu.memory_space<hbm>>
      tpu.wait_dma2 semaphore(%arg21 : memref<!tpu.dma_semaphore, #tpu.memory_space<semaphore_mem>>) src(%dma_wait3A_457 : memref<4x128xf32, #tpu.memory_space<hbm>>) dst(%arg17 : memref<4x128xf32, #tpu.memory_space<vmem>>)
      %scan3A_458 = arith.constant 0 : i32
      %scan3A_459 = arith.constant 0 : i32
      %scan3A_460 = arith.constant 4 : i32
      %scan3A_461 = arith.addi %scan3A_459, %scan3A_460 : i32
      %scan3A_462 = arith.constant 1 : i32
      %scan3A_463 = scf.for %scan3A_693 = %scan3A_459 to %scan3A_461 step %scan3A_462 iter_args(%scan3A_694 = %scan3A_458) -> (i32)  : i32 {
        %get3A = arith.index_cast %scan3A_693 : i32 to index
        %get3A_695 = arith.constant 0 : index
        %get3A_696 = tpu.vector_load %arg15[%get3A, %get3A_695] {strides = array<i32>} : memref<4x128xi32, #tpu.memory_space<vmem>>, vector<1x16xi32>,
        %get3A_697 = vector.shape_cast %get3A_696 : vector<1x16xi32> to vector<16xi32>
        %mul3A_698 = arith.constant 2 : i32
        %mul3A_699 = vector.broadcast %mul3A_698 : i32 to vector<16xi32>
        %mul3A_700 = arith.muli %get3A_697, %mul3A_699 : vector<16xi32>
        %add3A_701 = vector.broadcast %arg0 : i32 to vector<16xi32>
        %add3A_702 = arith.addi %mul3A_700, %add3A_701 : vector<16xi32>
        %swap3A = arith.index_cast %scan3A_693 : i32 to index
        %swap3A_703 = arith.constant 0 : index
        %swap3A_704 = tpu.vector_load %arg15[%swap3A, %swap3A_703] {strides = array<i32>} : memref<4x128xi32, #tpu.memory_space<vmem>>, vector<1x16xi32>,
        %swap3A_705 = vector.shape_cast %swap3A_704 : vector<1x16xi32> to vector<16xi32>
        %swap3A_706 = vector.shape_cast %add3A_702 : vector<16xi32> to vector<1x16xi32>
        tpu.vector_store %arg15[%swap3A, %swap3A_703], %swap3A_706 {strides = array<i32>} : memref<4x128xi32, #tpu.memory_space<vmem>>, vector<1x16xi32>,
        %get3A_707 = arith.index_cast %scan3A_693 : i32 to index
        %get3A_708 = arith.constant 16 : index
        %get3A_709 = tpu.vector_load %arg15[%get3A_707, %get3A_708] {strides = array<i32>} : memref<4x128xi32, #tpu.memory_space<vmem>>, vector<1x16xi32>,
        %get3A_710 = vector.shape_cast %get3A_709 : vector<1x16xi32> to vector<16xi32>
        %mul3A_711 = arith.constant 2 : i32
        %mul3A_712 = vector.broadcast %mul3A_711 : i32 to vector<16xi32>
        %mul3A_713 = arith.muli %get3A_710, %mul3A_712 : vector<16xi32>
        %add3A_714 = vector.broadcast %arg0 : i32 to vector<16xi32>
        %add3A_715 = arith.addi %mul3A_713, %add3A_714 : vector<16xi32>
        %swap3A_716 = arith.index_cast %scan3A_693 : i32 to index
        %swap3A_717 = arith.constant 16 : index
        %swap3A_718 = tpu.vector_load %arg15[%swap3A_716, %swap3A_717] {strides = array<i32>} : memref<4x128xi32, #tpu.memory_space<vmem>>, vector<1x16xi32>,
        %swap3A_719 = vector.shape_cast %swap3A_718 : vector<1x16xi32> to vector<16xi32>
        %swap3A_720 = vector.shape_cast %add3A_715 : vector<16xi32> to vector<1x16xi32>
        tpu.vector_store %arg15[%swap3A_716, %swap3A_717], %swap3A_720 {strides = array<i32>} : memref<4x128xi32, #tpu.memory_space<vmem>>, vector<1x16xi32>,
        %get3A_721 = arith.index_cast %scan3A_693 : i32 to index
        %get3A_722 = arith.constant 32 : index
        %get3A_723 = tpu.vector_load %arg15[%get3A_721, %get3A_722] {strides = array<i32>} : memref<4x128xi32, #tpu.memory_space<vmem>>, vector<1x16xi32>,
        %get3A_724 = vector.shape_cast %get3A_723 : vector<1x16xi32> to vector<16xi32>
        %mul3A_725 = arith.constant 2 : i32
        %mul3A_726 = vector.broadcast %mul3A_725 : i32 to vector<16xi32>
        %mul3A_727 = arith.muli %get3A_724, %mul3A_726 : vector<16xi32>
        %add3A_728 = vector.broadcast %arg0 : i32 to vector<16xi32>
        %add3A_729 = arith.addi %mul3A_727, %add3A_728 : vector<16xi32>
        %swap3A_730 = arith.index_cast %scan3A_693 : i32 to index
        %swap3A_731 = arith.constant 32 : index
        %swap3A_732 = tpu.vector_load %arg15[%swap3A_730, %swap3A_731] {strides = array<i32>} : memref<4x128xi32, #tpu.memory_space<vmem>>, vector<1x16xi32>,
        %swap3A_733 = vector.shape_cast %swap3A_732 : vector<1x16xi32> to vector<16xi32>
        %swap3A_734 = vector.shape_cast %add3A_729 : vector<16xi32> to vector<1x16xi32>
        tpu.vector_store %arg15[%swap3A_730, %swap3A_731], %swap3A_734 {strides = array<i32>} : memref<4x128xi32, #tpu.memory_space<vmem>>, vector<1x16xi32>,
        %get3A_735 = arith.index_cast %scan3A_693 : i32 to index
        %get3A_736 = arith.constant 48 : index
        %get3A_737 = tpu.vector_load %arg15[%get3A_735, %get3A_736] {strides = array<i32>} : memref<4x128xi32, #tpu.memory_space<vmem>>, vector<1x16xi32>,
        %get3A_738 = vector.shape_cast %get3A_737 : vector<1x16xi32> to vector<16xi32>
        %mul3A_739 = arith.constant 2 : i32
        %mul3A_740 = vector.broadcast %mul3A_739 : i32 to vector<16xi32>
        %mul3A_741 = arith.muli %get3A_738, %mul3A_740 : vector<16xi32>
        %add3A_742 = vector.broadcast %arg0 : i32 to vector<16xi32>
        %add3A_743 = arith.addi %mul3A_741, %add3A_742 : vector<16xi32>
        %swap3A_744 = arith.index_cast %scan3A_693 : i32 to index
        %swap3A_745 = arith.constant 48 : index
        %swap3A_746 = tpu.vector_load %arg15[%swap3A_744, %swap3A_745] {strides = array<i32>} : memref<4x128xi32, #tpu.memory_space<vmem>>, vector<1x16xi32>,
        %swap3A_747 = vector.shape_cast %swap3A_746 : vector<1x16xi32> to vector<16xi32>
        %swap3A_748 = vector.shape_cast %add3A_743 : vector<16xi32> to vector<1x16xi32>
        tpu.vector_store %arg15[%swap3A_744, %swap3A_745], %swap3A_748 {strides = array<i32>} : memref<4x128xi32, #tpu.memory_space<vmem>>, vector<1x16xi32>,
        %get3A_749 = arith.index_cast %scan3A_693 : i32 to index
        %get3A_750 = arith.constant 64 : index
        %get3A_751 = tpu.vector_load %arg15[%get3A_749, %get3A_750] {strides = array<i32>} : memref<4x128xi32, #tpu.memory_space<vmem>>, vector<1x16xi32>,
        %get3A_752 = vector.shape_cast %get3A_751 : vector<1x16xi32> to vector<16xi32>
        %mul3A_753 = arith.constant 2 : i32
        %mul3A_754 = vector.broadcast %mul3A_753 : i32 to vector<16xi32>
        %mul3A_755 = arith.muli %get3A_752, %mul3A_754 : vector<16xi32>
        %add3A_756 = vector.broadcast %arg0 : i32 to vector<16xi32>
        %add3A_757 = arith.addi %mul3A_755, %add3A_756 : vector<16xi32>
        %swap3A_758 = arith.index_cast %scan3A_693 : i32 to index
        %swap3A_759 = arith.constant 64 : index
        %swap3A_760 = tpu.vector_load %arg15[%swap3A_758, %swap3A_759] {strides = array<i32>} : memref<4x128xi32, #tpu.memory_space<vmem>>, vector<1x16xi32>,
        %swap3A_761 = vector.shape_cast %swap3A_760 : vector<1x16xi32> to vector<16xi32>
        %swap3A_762 = vector.shape_cast %add3A_757 : vector<16xi32> to vector<1x16xi32>
        tpu.vector_store %arg15[%swap3A_758, %swap3A_759], %swap3A_762 {strides = array<i32>} : memref<4x128xi32, #tpu.memory_space<vmem>>, vector<1x16xi32>,
        %get3A_763 = arith.index_cast %scan3A_693 : i32 to index
        %get3A_764 = arith.constant 80 : index
        %get3A_765 = tpu.vector_load %arg15[%get3A_763, %get3A_764] {strides = array<i32>} : memref<4x128xi32, #tpu.memory_space<vmem>>, vector<1x16xi32>,
        %get3A_766 = vector.shape_cast %get3A_765 : vector<1x16xi32> to vector<16xi32>
        %mul3A_767 = arith.constant 2 : i32
        %mul3A_768 = vector.broadcast %mul3A_767 : i32 to vector<16xi32>
        %mul3A_769 = arith.muli %get3A_766, %mul3A_768 : vector<16xi32>
        %add3A_770 = vector.broadcast %arg0 : i32 to vector<16xi32>
        %add3A_771 = arith.addi %mul3A_769, %add3A_770 : vector<16xi32>
        %swap3A_772 = arith.index_cast %scan3A_693 : i32 to index
        %swap3A_773 = arith.constant 80 : index
        %swap3A_774 = tpu.vector_load %arg15[%swap3A_772, %swap3A_773] {strides = array<i32>} : memref<4x128xi32, #tpu.memory_space<vmem>>, vector<1x16xi32>,
        %swap3A_775 = vector.shape_cast %swap3A_774 : vector<1x16xi32> to vector<16xi32>
        %swap3A_776 = vector.shape_cast %add3A_771 : vector<16xi32> to vector<1x16xi32>
        tpu.vector_store %arg15[%swap3A_772, %swap3A_773], %swap3A_776 {strides = array<i32>} : memref<4x128xi32, #tpu.memory_space<vmem>>, vector<1x16xi32>,
        %get3A_777 = arith.index_cast %scan3A_693 : i32 to index
        %get3A_778 = arith.constant 96 : index
        %get3A_779 = tpu.vector_load %arg15[%get3A_777, %get3A_778] {strides = array<i32>} : memref<4x128xi32, #tpu.memory_space<vmem>>, vector<1x16xi32>,
        %get3A_780 = vector.shape_cast %get3A_779 : vector<1x16xi32> to vector<16xi32>
        %mul3A_781 = arith.constant 2 : i32
        %mul3A_782 = vector.broadcast %mul3A_781 : i32 to vector<16xi32>
        %mul3A_783 = arith.muli %get3A_780, %mul3A_782 : vector<16xi32>
        %add3A_784 = vector.broadcast %arg0 : i32 to vector<16xi32>
        %add3A_785 = arith.addi %mul3A_783, %add3A_784 : vector<16xi32>
        %swap3A_786 = arith.index_cast %scan3A_693 : i32 to index
        %swap3A_787 = arith.constant 96 : index
        %swap3A_788 = tpu.vector_load %arg15[%swap3A_786, %swap3A_787] {strides = array<i32>} : memref<4x128xi32, #tpu.memory_space<vmem>>, vector<1x16xi32>,
        %swap3A_789 = vector.shape_cast %swap3A_788 : vector<1x16xi32> to vector<16xi32>
        %swap3A_790 = vector.shape_cast %add3A_785 : vector<16xi32> to vector<1x16xi32>
        tpu.vector_store %arg15[%swap3A_786, %swap3A_787], %swap3A_790 {strides = array<i32>} : memref<4x128xi32, #tpu.memory_space<vmem>>, vector<1x16xi32>,
        %get3A_791 = arith.index_cast %scan3A_693 : i32 to index
        %get3A_792 = arith.constant 112 : index
        %get3A_793 = tpu.vector_load %arg15[%get3A_791, %get3A_792] {strides = array<i32>} : memref<4x128xi32, #tpu.memory_space<vmem>>, vector<1x16xi32>,
        %get3A_794 = vector.shape_cast %get3A_793 : vector<1x16xi32> to vector<16xi32>
        %mul3A_795 = arith.constant 2 : i32
        %mul3A_796 = vector.broadcast %mul3A_795 : i32 to vector<16xi32>
        %mul3A_797 = arith.muli %get3A_794, %mul3A_796 : vector<16xi32>
        %add3A_798 = vector.broadcast %arg0 : i32 to vector<16xi32>
        %add3A_799 = arith.addi %mul3A_797, %add3A_798 : vector<16xi32>
        %swap3A_800 = arith.index_cast %scan3A_693 : i32 to index
        %swap3A_801 = arith.constant 112 : index
        %swap3A_802 = tpu.vector_load %arg15[%swap3A_800, %swap3A_801] {strides = array<i32>} : memref<4x128xi32, #tpu.memory_space<vmem>>, vector<1x16xi32>,
        %swap3A_803 = vector.shape_cast %swap3A_802 : vector<1x16xi32> to vector<16xi32>
        %swap3A_804 = vector.shape_cast %add3A_799 : vector<16xi32> to vector<1x16xi32>
        tpu.vector_store %arg15[%swap3A_800, %swap3A_801], %swap3A_804 {strides = array<i32>} : memref<4x128xi32, #tpu.memory_space<vmem>>, vector<1x16xi32>,
        %scan3A_805 = arith.constant 0 : i32
        scf.yield %scan3A_805 : i32
      }
      %scan3A_464 = arith.constant 4 : i32
      %dma_start3A_465 = arith.constant 0 : i32
      %dma_start3A_466 = arith.constant 0 : i32
      %dma_start3A_467 = arith.constant 0 : i32
      %dma_start3A_468 = tpu.memref_slice %arg18[%dma_start3A_466, %dma_start3A_467] : memref<512x16xf32, #tpu.memory_space<vmem>> -> memref<128x16xf32, #tpu.memory_space<vmem>>
      %dma_start3A_469 = arith.constant 0 : i32
      %dma_start3A_470 = tpu.memref_slice %arg15[%dma_start3A_465, %dma_start3A_469] : memref<4x128xi32, #tpu.memory_space<vmem>> -> memref<1x128xi32, #tpu.memory_space<vmem>>
      %dma_start3A_471 = tpu.memref_squeeze %dma_start3A_470 : memref<1x128xi32, #tpu.memory_space<vmem>> -> memref<128xi32, #tpu.memory_space<vmem>>
      %dma_start3A_472 = arith.constant 0 : i32
      %dma_start3A_473 = arith.constant 0 : i32
      %dma_start3A_474 = tpu.memref_slice %arg2[%dma_start3A_472, %dma_start3A_473] : memref<200000x16xf32, #tpu.memory_space<hbm>> -> memref<200000x16xf32, #tpu.memory_space<hbm>>
      tpu.enqueue_indirect_dma source(%dma_start3A_474 : memref<200000x16xf32, #tpu.memory_space<hbm>>) target(%dma_start3A_468 : memref<128x16xf32, #tpu.memory_space<vmem>>) offsets(%dma_start3A_471 : memref<128xi32, #tpu.memory_space<vmem>>) semaphore(%arg20 : memref<!tpu.dma_semaphore, #tpu.memory_space<semaphore_mem>>)
      %dma_start3A_475 = arith.constant 1 : i32
      %dma_start3A_476 = arith.constant 128 : i32
      %dma_start3A_477 = arith.constant 0 : i32
      %dma_start3A_478 = tpu.memref_slice %arg18[%dma_start3A_476, %dma_start3A_477] : memref<512x16xf32, #tpu.memory_space<vmem>> -> memref<128x16xf32, #tpu.memory_space<vmem>>
      %dma_start3A_479 = arith.constant 0 : i32
      %dma_start3A_480 = tpu.memref_slice %arg15[%dma_start3A_475, %dma_start3A_479] : memref<4x128xi32, #tpu.memory_space<vmem>> -> memref<1x128xi32, #tpu.memory_space<vmem>>
      %dma_start3A_481 = tpu.memref_squeeze %dma_start3A_480 : memref<1x128xi32, #tpu.memory_space<vmem>> -> memref<128xi32, #tpu.memory_space<vmem>>
      %dma_start3A_482 = arith.constant 0 : i32
      %dma_start3A_483 = arith.constant 0 : i32
      %dma_start3A_484 = tpu.memref_slice %arg2[%dma_start3A_482, %dma_start3A_483] : memref<200000x16xf32, #tpu.memory_space<hbm>> -> memref<200000x16xf32, #tpu.memory_space<hbm>>
      tpu.enqueue_indirect_dma source(%dma_start3A_484 : memref<200000x16xf32, #tpu.memory_space<hbm>>) target(%dma_start3A_478 : memref<128x16xf32, #tpu.memory_space<vmem>>) offsets(%dma_start3A_481 : memref<128xi32, #tpu.memory_space<vmem>>) semaphore(%arg20 : memref<!tpu.dma_semaphore, #tpu.memory_space<semaphore_mem>>)
      %dma_start3A_485 = arith.constant 2 : i32
      %dma_start3A_486 = arith.constant 256 : i32
      %dma_start3A_487 = arith.constant 0 : i32
      %dma_start3A_488 = tpu.memref_slice %arg18[%dma_start3A_486, %dma_start3A_487] : memref<512x16xf32, #tpu.memory_space<vmem>> -> memref<128x16xf32, #tpu.memory_space<vmem>>
      %dma_start3A_489 = arith.constant 0 : i32
      %dma_start3A_490 = tpu.memref_slice %arg15[%dma_start3A_485, %dma_start3A_489] : memref<4x128xi32, #tpu.memory_space<vmem>> -> memref<1x128xi32, #tpu.memory_space<vmem>>
      %dma_start3A_491 = tpu.memref_squeeze %dma_start3A_490 : memref<1x128xi32, #tpu.memory_space<vmem>> -> memref<128xi32, #tpu.memory_space<vmem>>
      %dma_start3A_492 = arith.constant 0 : i32
      %dma_start3A_493 = arith.constant 0 : i32
      %dma_start3A_494 = tpu.memref_slice %arg2[%dma_start3A_492, %dma_start3A_493] : memref<200000x16xf32, #tpu.memory_space<hbm>> -> memref<200000x16xf32, #tpu.memory_space<hbm>>
      tpu.enqueue_indirect_dma source(%dma_start3A_494 : memref<200000x16xf32, #tpu.memory_space<hbm>>) target(%dma_start3A_488 : memref<128x16xf32, #tpu.memory_space<vmem>>) offsets(%dma_start3A_491 : memref<128xi32, #tpu.memory_space<vmem>>) semaphore(%arg20 : memref<!tpu.dma_semaphore, #tpu.memory_space<semaphore_mem>>)
      %dma_start3A_495 = arith.constant 3 : i32
      %dma_start3A_496 = arith.constant 384 : i32
      %dma_start3A_497 = arith.constant 0 : i32
      %dma_start3A_498 = tpu.memref_slice %arg18[%dma_start3A_496, %dma_start3A_497] : memref<512x16xf32, #tpu.memory_space<vmem>> -> memref<128x16xf32, #tpu.memory_space<vmem>>
      %dma_start3A_499 = arith.constant 0 : i32
      %dma_start3A_500 = tpu.memref_slice %arg15[%dma_start3A_495, %dma_start3A_499] : memref<4x128xi32, #tpu.memory_space<vmem>> -> memref<1x128xi32, #tpu.memory_space<vmem>>
      %dma_start3A_501 = tpu.memref_squeeze %dma_start3A_500 : memref<1x128xi32, #tpu.memory_space<vmem>> -> memref<128xi32, #tpu.memory_space<vmem>>
      %dma_start3A_502 = arith.constant 0 : i32
      %dma_start3A_503 = arith.constant 0 : i32
      %dma_start3A_504 = tpu.memref_slice %arg2[%dma_start3A_502, %dma_start3A_503] : memref<200000x16xf32, #tpu.memory_space<hbm>> -> memref<200000x16xf32, #tpu.memory_space<hbm>>
      tpu.enqueue_indirect_dma source(%dma_start3A_504 : memref<200000x16xf32, #tpu.memory_space<hbm>>) target(%dma_start3A_498 : memref<128x16xf32, #tpu.memory_space<vmem>>) offsets(%dma_start3A_501 : memref<128xi32, #tpu.memory_space<vmem>>) semaphore(%arg20 : memref<!tpu.dma_semaphore, #tpu.memory_space<semaphore_mem>>)
      %scan3A_505 = arith.constant 0 : i32
      %scan3A_506 = arith.constant 0 : i32
      %scan3A_507 = arith.constant 4 : i32
      %scan3A_508 = arith.addi %scan3A_506, %scan3A_507 : i32
      %scan3A_509 = arith.constant 1 : i32
      %scan3A_510 = scf.for %scan3A_693 = %scan3A_506 to %scan3A_508 step %scan3A_509 iter_args(%scan3A_694 = %scan3A_505) -> (i32)  : i32 {
        %scan3A_695 = arith.constant 0 : i32
        %scan3A_696 = arith.constant 0 : i32
        %scan3A_697 = arith.constant 8 : i32
        %scan3A_698 = arith.addi %scan3A_696, %scan3A_697 : i32
        %scan3A_699 = arith.constant 1 : i32
        %scan3A_700 = scf.for %scan3A_703 = %scan3A_696 to %scan3A_698 step %scan3A_699 iter_args(%scan3A_704 = %scan3A_695) -> (i32)  : i32 {
          %mul3A_705 = arith.constant 16 : i32
          %mul3A_706 = arith.muli %scan3A_703, %mul3A_705 : i32
          %get3A = arith.index_cast %scan3A_693 : i32 to index
          %get3A_707 = arith.index_cast %mul3A_706 : i32 to index
          %get3A_708 = tpu.vector_load %arg13[%get3A, %get3A_707] {strides = array<i32>} : memref<4x128xf32, #tpu.memory_space<vmem>>, vector<1x16xf32>,
          %get3A_709 = vector.shape_cast %get3A_708 : vector<1x16xf32> to vector<16xf32>
          %mul3A_710 = arith.constant 128 : i32
          %mul3A_711 = arith.muli %scan3A_693, %mul3A_710 : i32
          %add3A_712 = arith.addi %mul3A_711, %mul3A_706 : i32
          %add3A_713 = arith.constant 0 : i32
          %add3A_714 = arith.addi %add3A_712, %add3A_713 : i32
          %get3A_715 = arith.index_cast %add3A_714 : i32 to index
          %get3A_716 = arith.constant 0 : index
          %get3A_717 = tpu.vector_load %arg14[%get3A_715, %get3A_716] {strides = array<i32>} : memref<512x16xf32, #tpu.memory_space<vmem>>, vector<1x16xf32>,
          %get3A_718 = vector.shape_cast %get3A_717 : vector<1x16xf32> to vector<16xf32>
          %slice3A = vector.extract_strided_slice %get3A_709 {offsets = [0], sizes = [1], strides = [1]} : vector<16xf32> to vector<1xf32>
          %squeeze3A = vector.extract %slice3A[0] : f32 from vector<1xf32>
          %mul3A_719 = vector.broadcast %squeeze3A : f32 to vector<16xf32>
          %mul3A_720 = arith.mulf %get3A_718, %mul3A_719 : vector<16xf32>
          %swap3A = arith.index_cast %add3A_714 : i32 to index
          %swap3A_721 = arith.constant 0 : index
          %swap3A_722 = tpu.vector_load %arg14[%swap3A, %swap3A_721] {strides = array<i32>} : memref<512x16xf32, #tpu.memory_space<vmem>>, vector<1x16xf32>,
          %swap3A_723 = vector.shape_cast %swap3A_722 : vector<1x16xf32> to vector<16xf32>
          %swap3A_724 = vector.shape_cast %mul3A_720 : vector<16xf32> to vector<1x16xf32>
          tpu.vector_store %arg14[%swap3A, %swap3A_721], %swap3A_724 {strides = array<i32>} : memref<512x16xf32, #tpu.memory_space<vmem>>, vector<1x16xf32>,
          %mul3A_725 = arith.constant 128 : i32
          %mul3A_726 = arith.muli %scan3A_693, %mul3A_725 : i32
          %add3A_727 = arith.addi %mul3A_726, %mul3A_706 : i32
          %add3A_728 = arith.constant 1 : i32
          %add3A_729 = arith.addi %add3A_727, %add3A_728 : i32
          %get3A_730 = arith.index_cast %add3A_729 : i32 to index
          %get3A_731 = arith.constant 0 : index
          %get3A_732 = tpu.vector_load %arg14[%get3A_730, %get3A_731] {strides = array<i32>} : memref<512x16xf32, #tpu.memory_space<vmem>>, vector<1x16xf32>,
          %get3A_733 = vector.shape_cast %get3A_732 : vector<1x16xf32> to vector<16xf32>
          %slice3A_734 = vector.extract_strided_slice %get3A_709 {offsets = [1], sizes = [1], strides = [1]} : vector<16xf32> to vector<1xf32>
          %squeeze3A_735 = vector.extract %slice3A_734[0] : f32 from vector<1xf32>
          %mul3A_736 = vector.broadcast %squeeze3A_735 : f32 to vector<16xf32>
          %mul3A_737 = arith.mulf %get3A_733, %mul3A_736 : vector<16xf32>
          %swap3A_738 = arith.index_cast %add3A_729 : i32 to index
          %swap3A_739 = arith.constant 0 : index
          %swap3A_740 = tpu.vector_load %arg14[%swap3A_738, %swap3A_739] {strides = array<i32>} : memref<512x16xf32, #tpu.memory_space<vmem>>, vector<1x16xf32>,
          %swap3A_741 = vector.shape_cast %swap3A_740 : vector<1x16xf32> to vector<16xf32>
          %swap3A_742 = vector.shape_cast %mul3A_737 : vector<16xf32> to vector<1x16xf32>
          tpu.vector_store %arg14[%swap3A_738, %swap3A_739], %swap3A_742 {strides = array<i32>} : memref<512x16xf32, #tpu.memory_space<vmem>>, vector<1x16xf32>,
          %mul3A_743 = arith.constant 128 : i32
          %mul3A_744 = arith.muli %scan3A_693, %mul3A_743 : i32
          %add3A_745 = arith.addi %mul3A_744, %mul3A_706 : i32
          %add3A_746 = arith.constant 2 : i32
          %add3A_747 = arith.addi %add3A_745, %add3A_746 : i32
          %get3A_748 = arith.index_cast %add3A_747 : i32 to index
          %get3A_749 = arith.constant 0 : index
          %get3A_750 = tpu.vector_load %arg14[%get3A_748, %get3A_749] {strides = array<i32>} : memref<512x16xf32, #tpu.memory_space<vmem>>, vector<1x16xf32>,
          %get3A_751 = vector.shape_cast %get3A_750 : vector<1x16xf32> to vector<16xf32>
          %slice3A_752 = vector.extract_strided_slice %get3A_709 {offsets = [2], sizes = [1], strides = [1]} : vector<16xf32> to vector<1xf32>
          %squeeze3A_753 = vector.extract %slice3A_752[0] : f32 from vector<1xf32>
          %mul3A_754 = vector.broadcast %squeeze3A_753 : f32 to vector<16xf32>
          %mul3A_755 = arith.mulf %get3A_751, %mul3A_754 : vector<16xf32>
          %swap3A_756 = arith.index_cast %add3A_747 : i32 to index
          %swap3A_757 = arith.constant 0 : index
          %swap3A_758 = tpu.vector_load %arg14[%swap3A_756, %swap3A_757] {strides = array<i32>} : memref<512x16xf32, #tpu.memory_space<vmem>>, vector<1x16xf32>,
          %swap3A_759 = vector.shape_cast %swap3A_758 : vector<1x16xf32> to vector<16xf32>
          %swap3A_760 = vector.shape_cast %mul3A_755 : vector<16xf32> to vector<1x16xf32>
          tpu.vector_store %arg14[%swap3A_756, %swap3A_757], %swap3A_760 {strides = array<i32>} : memref<512x16xf32, #tpu.memory_space<vmem>>, vector<1x16xf32>,
          %mul3A_761 = arith.constant 128 : i32
          %mul3A_762 = arith.muli %scan3A_693, %mul3A_761 : i32
          %add3A_763 = arith.addi %mul3A_762, %mul3A_706 : i32
          %add3A_764 = arith.constant 3 : i32
          %add3A_765 = arith.addi %add3A_763, %add3A_764 : i32
          %get3A_766 = arith.index_cast %add3A_765 : i32 to index
          %get3A_767 = arith.constant 0 : index
          %get3A_768 = tpu.vector_load %arg14[%get3A_766, %get3A_767] {strides = array<i32>} : memref<512x16xf32, #tpu.memory_space<vmem>>, vector<1x16xf32>,
          %get3A_769 = vector.shape_cast %get3A_768 : vector<1x16xf32> to vector<16xf32>
          %slice3A_770 = vector.extract_strided_slice %get3A_709 {offsets = [3], sizes = [1], strides = [1]} : vector<16xf32> to vector<1xf32>
          %squeeze3A_771 = vector.extract %slice3A_770[0] : f32 from vector<1xf32>
          %mul3A_772 = vector.broadcast %squeeze3A_771 : f32 to vector<16xf32>
          %mul3A_773 = arith.mulf %get3A_769, %mul3A_772 : vector<16xf32>
          %swap3A_774 = arith.index_cast %add3A_765 : i32 to index
          %swap3A_775 = arith.constant 0 : index
          %swap3A_776 = tpu.vector_load %arg14[%swap3A_774, %swap3A_775] {strides = array<i32>} : memref<512x16xf32, #tpu.memory_space<vmem>>, vector<1x16xf32>,
          %swap3A_777 = vector.shape_cast %swap3A_776 : vector<1x16xf32> to vector<16xf32>
          %swap3A_778 = vector.shape_cast %mul3A_773 : vector<16xf32> to vector<1x16xf32>
          tpu.vector_store %arg14[%swap3A_774, %swap3A_775], %swap3A_778 {strides = array<i32>} : memref<512x16xf32, #tpu.memory_space<vmem>>, vector<1x16xf32>,
          %mul3A_779 = arith.constant 128 : i32
          %mul3A_780 = arith.muli %scan3A_693, %mul3A_779 : i32
          %add3A_781 = arith.addi %mul3A_780, %mul3A_706 : i32
          %add3A_782 = arith.constant 4 : i32
          %add3A_783 = arith.addi %add3A_781, %add3A_782 : i32
          %get3A_784 = arith.index_cast %add3A_783 : i32 to index
          %get3A_785 = arith.constant 0 : index
          %get3A_786 = tpu.vector_load %arg14[%get3A_784, %get3A_785] {strides = array<i32>} : memref<512x16xf32, #tpu.memory_space<vmem>>, vector<1x16xf32>,
          %get3A_787 = vector.shape_cast %get3A_786 : vector<1x16xf32> to vector<16xf32>
          %slice3A_788 = vector.extract_strided_slice %get3A_709 {offsets = [4], sizes = [1], strides = [1]} : vector<16xf32> to vector<1xf32>
          %squeeze3A_789 = vector.extract %slice3A_788[0] : f32 from vector<1xf32>
          %mul3A_790 = vector.broadcast %squeeze3A_789 : f32 to vector<16xf32>
          %mul3A_791 = arith.mulf %get3A_787, %mul3A_790 : vector<16xf32>
          %swap3A_792 = arith.index_cast %add3A_783 : i32 to index
          %swap3A_793 = arith.constant 0 : index
          %swap3A_794 = tpu.vector_load %arg14[%swap3A_792, %swap3A_793] {strides = array<i32>} : memref<512x16xf32, #tpu.memory_space<vmem>>, vector<1x16xf32>,
          %swap3A_795 = vector.shape_cast %swap3A_794 : vector<1x16xf32> to vector<16xf32>
          %swap3A_796 = vector.shape_cast %mul3A_791 : vector<16xf32> to vector<1x16xf32>
          tpu.vector_store %arg14[%swap3A_792, %swap3A_793], %swap3A_796 {strides = array<i32>} : memref<512x16xf32, #tpu.memory_space<vmem>>, vector<1x16xf32>,
          %mul3A_797 = arith.constant 128 : i32
          %mul3A_798 = arith.muli %scan3A_693, %mul3A_797 : i32
          %add3A_799 = arith.addi %mul3A_798, %mul3A_706 : i32
          %add3A_800 = arith.constant 5 : i32
          %add3A_801 = arith.addi %add3A_799, %add3A_800 : i32
          %get3A_802 = arith.index_cast %add3A_801 : i32 to index
          %get3A_803 = arith.constant 0 : index
          %get3A_804 = tpu.vector_load %arg14[%get3A_802, %get3A_803] {strides = array<i32>} : memref<512x16xf32, #tpu.memory_space<vmem>>, vector<1x16xf32>,
          %get3A_805 = vector.shape_cast %get3A_804 : vector<1x16xf32> to vector<16xf32>
          %slice3A_806 = vector.extract_strided_slice %get3A_709 {offsets = [5], sizes = [1], strides = [1]} : vector<16xf32> to vector<1xf32>
          %squeeze3A_807 = vector.extract %slice3A_806[0] : f32 from vector<1xf32>
          %mul3A_808 = vector.broadcast %squeeze3A_807 : f32 to vector<16xf32>
          %mul3A_809 = arith.mulf %get3A_805, %mul3A_808 : vector<16xf32>
          %swap3A_810 = arith.index_cast %add3A_801 : i32 to index
          %swap3A_811 = arith.constant 0 : index
          %swap3A_812 = tpu.vector_load %arg14[%swap3A_810, %swap3A_811] {strides = array<i32>} : memref<512x16xf32, #tpu.memory_space<vmem>>, vector<1x16xf32>,
          %swap3A_813 = vector.shape_cast %swap3A_812 : vector<1x16xf32> to vector<16xf32>
          %swap3A_814 = vector.shape_cast %mul3A_809 : vector<16xf32> to vector<1x16xf32>
          tpu.vector_store %arg14[%swap3A_810, %swap3A_811], %swap3A_814 {strides = array<i32>} : memref<512x16xf32, #tpu.memory_space<vmem>>, vector<1x16xf32>,
          %mul3A_815 = arith.constant 128 : i32
          %mul3A_816 = arith.muli %scan3A_693, %mul3A_815 : i32
          %add3A_817 = arith.addi %mul3A_816, %mul3A_706 : i32
          %add3A_818 = arith.constant 6 : i32
          %add3A_819 = arith.addi %add3A_817, %add3A_818 : i32
          %get3A_820 = arith.index_cast %add3A_819 : i32 to index
          %get3A_821 = arith.constant 0 : index
          %get3A_822 = tpu.vector_load %arg14[%get3A_820, %get3A_821] {strides = array<i32>} : memref<512x16xf32, #tpu.memory_space<vmem>>, vector<1x16xf32>,
          %get3A_823 = vector.shape_cast %get3A_822 : vector<1x16xf32> to vector<16xf32>
          %slice3A_824 = vector.extract_strided_slice %get3A_709 {offsets = [6], sizes = [1], strides = [1]} : vector<16xf32> to vector<1xf32>
          %squeeze3A_825 = vector.extract %slice3A_824[0] : f32 from vector<1xf32>
          %mul3A_826 = vector.broadcast %squeeze3A_825 : f32 to vector<16xf32>
          %mul3A_827 = arith.mulf %get3A_823, %mul3A_826 : vector<16xf32>
          %swap3A_828 = arith.index_cast %add3A_819 : i32 to index
          %swap3A_829 = arith.constant 0 : index
          %swap3A_830 = tpu.vector_load %arg14[%swap3A_828, %swap3A_829] {strides = array<i32>} : memref<512x16xf32, #tpu.memory_space<vmem>>, vector<1x16xf32>,
          %swap3A_831 = vector.shape_cast %swap3A_830 : vector<1x16xf32> to vector<16xf32>
          %swap3A_832 = vector.shape_cast %mul3A_827 : vector<16xf32> to vector<1x16xf32>
          tpu.vector_store %arg14[%swap3A_828, %swap3A_829], %swap3A_832 {strides = array<i32>} : memref<512x16xf32, #tpu.memory_space<vmem>>, vector<1x16xf32>,
          %mul3A_833 = arith.constant 128 : i32
          %mul3A_834 = arith.muli %scan3A_693, %mul3A_833 : i32
          %add3A_835 = arith.addi %mul3A_834, %mul3A_706 : i32
          %add3A_836 = arith.constant 7 : i32
          %add3A_837 = arith.addi %add3A_835, %add3A_836 : i32
          %get3A_838 = arith.index_cast %add3A_837 : i32 to index
          %get3A_839 = arith.constant 0 : index
          %get3A_840 = tpu.vector_load %arg14[%get3A_838, %get3A_839] {strides = array<i32>} : memref<512x16xf32, #tpu.memory_space<vmem>>, vector<1x16xf32>,
          %get3A_841 = vector.shape_cast %get3A_840 : vector<1x16xf32> to vector<16xf32>
          %slice3A_842 = vector.extract_strided_slice %get3A_709 {offsets = [7], sizes = [1], strides = [1]} : vector<16xf32> to vector<1xf32>
          %squeeze3A_843 = vector.extract %slice3A_842[0] : f32 from vector<1xf32>
          %mul3A_844 = vector.broadcast %squeeze3A_843 : f32 to vector<16xf32>
          %mul3A_845 = arith.mulf %get3A_841, %mul3A_844 : vector<16xf32>
          %swap3A_846 = arith.index_cast %add3A_837 : i32 to index
          %swap3A_847 = arith.constant 0 : index
          %swap3A_848 = tpu.vector_load %arg14[%swap3A_846, %swap3A_847] {strides = array<i32>} : memref<512x16xf32, #tpu.memory_space<vmem>>, vector<1x16xf32>,
          %swap3A_849 = vector.shape_cast %swap3A_848 : vector<1x16xf32> to vector<16xf32>
          %swap3A_850 = vector.shape_cast %mul3A_845 : vector<16xf32> to vector<1x16xf32>
          tpu.vector_store %arg14[%swap3A_846, %swap3A_847], %swap3A_850 {strides = array<i32>} : memref<512x16xf32, #tpu.memory_space<vmem>>, vector<1x16xf32>,
          %mul3A_851 = arith.constant 128 : i32
          %mul3A_852 = arith.muli %scan3A_693, %mul3A_851 : i32
          %add3A_853 = arith.addi %mul3A_852, %mul3A_706 : i32
          %add3A_854 = arith.constant 8 : i32
          %add3A_855 = arith.addi %add3A_853, %add3A_854 : i32
          %get3A_856 = arith.index_cast %add3A_855 : i32 to index
          %get3A_857 = arith.constant 0 : index
          %get3A_858 = tpu.vector_load %arg14[%get3A_856, %get3A_857] {strides = array<i32>} : memref<512x16xf32, #tpu.memory_space<vmem>>, vector<1x16xf32>,
          %get3A_859 = vector.shape_cast %get3A_858 : vector<1x16xf32> to vector<16xf32>
          %slice3A_860 = vector.extract_strided_slice %get3A_709 {offsets = [8], sizes = [1], strides = [1]} : vector<16xf32> to vector<1xf32>
          %squeeze3A_861 = vector.extract %slice3A_860[0] : f32 from vector<1xf32>
          %mul3A_862 = vector.broadcast %squeeze3A_861 : f32 to vector<16xf32>
          %mul3A_863 = arith.mulf %get3A_859, %mul3A_862 : vector<16xf32>
          %swap3A_864 = arith.index_cast %add3A_855 : i32 to index
          %swap3A_865 = arith.constant 0 : index
          %swap3A_866 = tpu.vector_load %arg14[%swap3A_864, %swap3A_865] {strides = array<i32>} : memref<512x16xf32, #tpu.memory_space<vmem>>, vector<1x16xf32>,
          %swap3A_867 = vector.shape_cast %swap3A_866 : vector<1x16xf32> to vector<16xf32>
          %swap3A_868 = vector.shape_cast %mul3A_863 : vector<16xf32> to vector<1x16xf32>
          tpu.vector_store %arg14[%swap3A_864, %swap3A_865], %swap3A_868 {strides = array<i32>} : memref<512x16xf32, #tpu.memory_space<vmem>>, vector<1x16xf32>,
          %mul3A_869 = arith.constant 128 : i32
          %mul3A_870 = arith.muli %scan3A_693, %mul3A_869 : i32
          %add3A_871 = arith.addi %mul3A_870, %mul3A_706 : i32
          %add3A_872 = arith.constant 9 : i32
          %add3A_873 = arith.addi %add3A_871, %add3A_872 : i32
          %get3A_874 = arith.index_cast %add3A_873 : i32 to index
          %get3A_875 = arith.constant 0 : index
          %get3A_876 = tpu.vector_load %arg14[%get3A_874, %get3A_875] {strides = array<i32>} : memref<512x16xf32, #tpu.memory_space<vmem>>, vector<1x16xf32>,
          %get3A_877 = vector.shape_cast %get3A_876 : vector<1x16xf32> to vector<16xf32>
          %slice3A_878 = vector.extract_strided_slice %get3A_709 {offsets = [9], sizes = [1], strides = [1]} : vector<16xf32> to vector<1xf32>
          %squeeze3A_879 = vector.extract %slice3A_878[0] : f32 from vector<1xf32>
          %mul3A_880 = vector.broadcast %squeeze3A_879 : f32 to vector<16xf32>
          %mul3A_881 = arith.mulf %get3A_877, %mul3A_880 : vector<16xf32>
          %swap3A_882 = arith.index_cast %add3A_873 : i32 to index
          %swap3A_883 = arith.constant 0 : index
          %swap3A_884 = tpu.vector_load %arg14[%swap3A_882, %swap3A_883] {strides = array<i32>} : memref<512x16xf32, #tpu.memory_space<vmem>>, vector<1x16xf32>,
          %swap3A_885 = vector.shape_cast %swap3A_884 : vector<1x16xf32> to vector<16xf32>
          %swap3A_886 = vector.shape_cast %mul3A_881 : vector<16xf32> to vector<1x16xf32>
          tpu.vector_store %arg14[%swap3A_882, %swap3A_883], %swap3A_886 {strides = array<i32>} : memref<512x16xf32, #tpu.memory_space<vmem>>, vector<1x16xf32>,
          %mul3A_887 = arith.constant 128 : i32
          %mul3A_888 = arith.muli %scan3A_693, %mul3A_887 : i32
          %add3A_889 = arith.addi %mul3A_888, %mul3A_706 : i32
          %add3A_890 = arith.constant 10 : i32
          %add3A_891 = arith.addi %add3A_889, %add3A_890 : i32
          %get3A_892 = arith.index_cast %add3A_891 : i32 to index
          %get3A_893 = arith.constant 0 : index
          %get3A_894 = tpu.vector_load %arg14[%get3A_892, %get3A_893] {strides = array<i32>} : memref<512x16xf32, #tpu.memory_space<vmem>>, vector<1x16xf32>,
          %get3A_895 = vector.shape_cast %get3A_894 : vector<1x16xf32> to vector<16xf32>
          %slice3A_896 = vector.extract_strided_slice %get3A_709 {offsets = [10], sizes = [1], strides = [1]} : vector<16xf32> to vector<1xf32>
          %squeeze3A_897 = vector.extract %slice3A_896[0] : f32 from vector<1xf32>
          %mul3A_898 = vector.broadcast %squeeze3A_897 : f32 to vector<16xf32>
          %mul3A_899 = arith.mulf %get3A_895, %mul3A_898 : vector<16xf32>
          %swap3A_900 = arith.index_cast %add3A_891 : i32 to index
          %swap3A_901 = arith.constant 0 : index
          %swap3A_902 = tpu.vector_load %arg14[%swap3A_900, %swap3A_901] {strides = array<i32>} : memref<512x16xf32, #tpu.memory_space<vmem>>, vector<1x16xf32>,
          %swap3A_903 = vector.shape_cast %swap3A_902 : vector<1x16xf32> to vector<16xf32>
          %swap3A_904 = vector.shape_cast %mul3A_899 : vector<16xf32> to vector<1x16xf32>
          tpu.vector_store %arg14[%swap3A_900, %swap3A_901], %swap3A_904 {strides = array<i32>} : memref<512x16xf32, #tpu.memory_space<vmem>>, vector<1x16xf32>,
          %mul3A_905 = arith.constant 128 : i32
          %mul3A_906 = arith.muli %scan3A_693, %mul3A_905 : i32
          %add3A_907 = arith.addi %mul3A_906, %mul3A_706 : i32
          %add3A_908 = arith.constant 11 : i32
          %add3A_909 = arith.addi %add3A_907, %add3A_908 : i32
          %get3A_910 = arith.index_cast %add3A_909 : i32 to index
          %get3A_911 = arith.constant 0 : index
          %get3A_912 = tpu.vector_load %arg14[%get3A_910, %get3A_911] {strides = array<i32>} : memref<512x16xf32, #tpu.memory_space<vmem>>, vector<1x16xf32>,
          %get3A_913 = vector.shape_cast %get3A_912 : vector<1x16xf32> to vector<16xf32>
          %slice3A_914 = vector.extract_strided_slice %get3A_709 {offsets = [11], sizes = [1], strides = [1]} : vector<16xf32> to vector<1xf32>
          %squeeze3A_915 = vector.extract %slice3A_914[0] : f32 from vector<1xf32>
          %mul3A_916 = vector.broadcast %squeeze3A_915 : f32 to vector<16xf32>
          %mul3A_917 = arith.mulf %get3A_913, %mul3A_916 : vector<16xf32>
          %swap3A_918 = arith.index_cast %add3A_909 : i32 to index
          %swap3A_919 = arith.constant 0 : index
          %swap3A_920 = tpu.vector_load %arg14[%swap3A_918, %swap3A_919] {strides = array<i32>} : memref<512x16xf32, #tpu.memory_space<vmem>>, vector<1x16xf32>,
          %swap3A_921 = vector.shape_cast %swap3A_920 : vector<1x16xf32> to vector<16xf32>
          %swap3A_922 = vector.shape_cast %mul3A_917 : vector<16xf32> to vector<1x16xf32>
          tpu.vector_store %arg14[%swap3A_918, %swap3A_919], %swap3A_922 {strides = array<i32>} : memref<512x16xf32, #tpu.memory_space<vmem>>, vector<1x16xf32>,
          %mul3A_923 = arith.constant 128 : i32
          %mul3A_924 = arith.muli %scan3A_693, %mul3A_923 : i32
          %add3A_925 = arith.addi %mul3A_924, %mul3A_706 : i32
          %add3A_926 = arith.constant 12 : i32
          %add3A_927 = arith.addi %add3A_925, %add3A_926 : i32
          %get3A_928 = arith.index_cast %add3A_927 : i32 to index
          %get3A_929 = arith.constant 0 : index
          %get3A_930 = tpu.vector_load %arg14[%get3A_928, %get3A_929] {strides = array<i32>} : memref<512x16xf32, #tpu.memory_space<vmem>>, vector<1x16xf32>,
          %get3A_931 = vector.shape_cast %get3A_930 : vector<1x16xf32> to vector<16xf32>
          %slice3A_932 = vector.extract_strided_slice %get3A_709 {offsets = [12], sizes = [1], strides = [1]} : vector<16xf32> to vector<1xf32>
          %squeeze3A_933 = vector.extract %slice3A_932[0] : f32 from vector<1xf32>
          %mul3A_934 = vector.broadcast %squeeze3A_933 : f32 to vector<16xf32>
          %mul3A_935 = arith.mulf %get3A_931, %mul3A_934 : vector<16xf32>
          %swap3A_936 = arith.index_cast %add3A_927 : i32 to index
          %swap3A_937 = arith.constant 0 : index
          %swap3A_938 = tpu.vector_load %arg14[%swap3A_936, %swap3A_937] {strides = array<i32>} : memref<512x16xf32, #tpu.memory_space<vmem>>, vector<1x16xf32>,
          %swap3A_939 = vector.shape_cast %swap3A_938 : vector<1x16xf32> to vector<16xf32>
          %swap3A_940 = vector.shape_cast %mul3A_935 : vector<16xf32> to vector<1x16xf32>
          tpu.vector_store %arg14[%swap3A_936, %swap3A_937], %swap3A_940 {strides = array<i32>} : memref<512x16xf32, #tpu.memory_space<vmem>>, vector<1x16xf32>,
          %mul3A_941 = arith.constant 128 : i32
          %mul3A_942 = arith.muli %scan3A_693, %mul3A_941 : i32
          %add3A_943 = arith.addi %mul3A_942, %mul3A_706 : i32
          %add3A_944 = arith.constant 13 : i32
          %add3A_945 = arith.addi %add3A_943, %add3A_944 : i32
          %get3A_946 = arith.index_cast %add3A_945 : i32 to index
          %get3A_947 = arith.constant 0 : index
          %get3A_948 = tpu.vector_load %arg14[%get3A_946, %get3A_947] {strides = array<i32>} : memref<512x16xf32, #tpu.memory_space<vmem>>, vector<1x16xf32>,
          %get3A_949 = vector.shape_cast %get3A_948 : vector<1x16xf32> to vector<16xf32>
          %slice3A_950 = vector.extract_strided_slice %get3A_709 {offsets = [13], sizes = [1], strides = [1]} : vector<16xf32> to vector<1xf32>
          %squeeze3A_951 = vector.extract %slice3A_950[0] : f32 from vector<1xf32>
          %mul3A_952 = vector.broadcast %squeeze3A_951 : f32 to vector<16xf32>
          %mul3A_953 = arith.mulf %get3A_949, %mul3A_952 : vector<16xf32>
          %swap3A_954 = arith.index_cast %add3A_945 : i32 to index
          %swap3A_955 = arith.constant 0 : index
          %swap3A_956 = tpu.vector_load %arg14[%swap3A_954, %swap3A_955] {strides = array<i32>} : memref<512x16xf32, #tpu.memory_space<vmem>>, vector<1x16xf32>,
          %swap3A_957 = vector.shape_cast %swap3A_956 : vector<1x16xf32> to vector<16xf32>
          %swap3A_958 = vector.shape_cast %mul3A_953 : vector<16xf32> to vector<1x16xf32>
          tpu.vector_store %arg14[%swap3A_954, %swap3A_955], %swap3A_958 {strides = array<i32>} : memref<512x16xf32, #tpu.memory_space<vmem>>, vector<1x16xf32>,
          %mul3A_959 = arith.constant 128 : i32
          %mul3A_960 = arith.muli %scan3A_693, %mul3A_959 : i32
          %add3A_961 = arith.addi %mul3A_960, %mul3A_706 : i32
          %add3A_962 = arith.constant 14 : i32
          %add3A_963 = arith.addi %add3A_961, %add3A_962 : i32
          %get3A_964 = arith.index_cast %add3A_963 : i32 to index
          %get3A_965 = arith.constant 0 : index
          %get3A_966 = tpu.vector_load %arg14[%get3A_964, %get3A_965] {strides = array<i32>} : memref<512x16xf32, #tpu.memory_space<vmem>>, vector<1x16xf32>,
          %get3A_967 = vector.shape_cast %get3A_966 : vector<1x16xf32> to vector<16xf32>
          %slice3A_968 = vector.extract_strided_slice %get3A_709 {offsets = [14], sizes = [1], strides = [1]} : vector<16xf32> to vector<1xf32>
          %squeeze3A_969 = vector.extract %slice3A_968[0] : f32 from vector<1xf32>
          %mul3A_970 = vector.broadcast %squeeze3A_969 : f32 to vector<16xf32>
          %mul3A_971 = arith.mulf %get3A_967, %mul3A_970 : vector<16xf32>
          %swap3A_972 = arith.index_cast %add3A_963 : i32 to index
          %swap3A_973 = arith.constant 0 : index
          %swap3A_974 = tpu.vector_load %arg14[%swap3A_972, %swap3A_973] {strides = array<i32>} : memref<512x16xf32, #tpu.memory_space<vmem>>, vector<1x16xf32>,
          %swap3A_975 = vector.shape_cast %swap3A_974 : vector<1x16xf32> to vector<16xf32>
          %swap3A_976 = vector.shape_cast %mul3A_971 : vector<16xf32> to vector<1x16xf32>
          tpu.vector_store %arg14[%swap3A_972, %swap3A_973], %swap3A_976 {strides = array<i32>} : memref<512x16xf32, #tpu.memory_space<vmem>>, vector<1x16xf32>,
          %mul3A_977 = arith.constant 128 : i32
          %mul3A_978 = arith.muli %scan3A_693, %mul3A_977 : i32
          %add3A_979 = arith.addi %mul3A_978, %mul3A_706 : i32
          %add3A_980 = arith.constant 15 : i32
          %add3A_981 = arith.addi %add3A_979, %add3A_980 : i32
          %get3A_982 = arith.index_cast %add3A_981 : i32 to index
          %get3A_983 = arith.constant 0 : index
          %get3A_984 = tpu.vector_load %arg14[%get3A_982, %get3A_983] {strides = array<i32>} : memref<512x16xf32, #tpu.memory_space<vmem>>, vector<1x16xf32>,
          %get3A_985 = vector.shape_cast %get3A_984 : vector<1x16xf32> to vector<16xf32>
          %slice3A_986 = vector.extract_strided_slice %get3A_709 {offsets = [15], sizes = [1], strides = [1]} : vector<16xf32> to vector<1xf32>
          %squeeze3A_987 = vector.extract %slice3A_986[0] : f32 from vector<1xf32>
          %mul3A_988 = vector.broadcast %squeeze3A_987 : f32 to vector<16xf32>
          %mul3A_989 = arith.mulf %get3A_985, %mul3A_988 : vector<16xf32>
          %swap3A_990 = arith.index_cast %add3A_981 : i32 to index
          %swap3A_991 = arith.constant 0 : index
          %swap3A_992 = tpu.vector_load %arg14[%swap3A_990, %swap3A_991] {strides = array<i32>} : memref<512x16xf32, #tpu.memory_space<vmem>>, vector<1x16xf32>,
          %swap3A_993 = vector.shape_cast %swap3A_992 : vector<1x16xf32> to vector<16xf32>
          %swap3A_994 = vector.shape_cast %mul3A_989 : vector<16xf32> to vector<1x16xf32>
          tpu.vector_store %arg14[%swap3A_990, %swap3A_991], %swap3A_994 {strides = array<i32>} : memref<512x16xf32, #tpu.memory_space<vmem>>, vector<1x16xf32>,
          %scan3A_995 = arith.constant 0 : i32
          scf.yield %scan3A_995 : i32
        }
        %scan3A_701 = arith.constant 8 : i32
        %scan3A_702 = arith.constant 0 : i32
        scf.yield %scan3A_702 : i32
      }
      %scan3A_511 = arith.constant 4 : i32
      %dma_start3A_512 = arith.constant 0 : i32
      %dma_start3A_513 = arith.constant 0 : i32
      %dma_start3A_514 = arith.constant 0 : i32
      %dma_start3A_515 = tpu.memref_slice %arg14[%dma_start3A_513, %dma_start3A_514] : memref<512x16xf32, #tpu.memory_space<vmem>> -> memref<128x16xf32, #tpu.memory_space<vmem>>
      %dma_start3A_516 = arith.constant 0 : i32
      %dma_start3A_517 = tpu.memref_slice %arg12[%dma_start3A_512, %dma_start3A_516] : memref<4x128xi32, #tpu.memory_space<vmem>> -> memref<1x128xi32, #tpu.memory_space<vmem>>
      %dma_start3A_518 = tpu.memref_squeeze %dma_start3A_517 : memref<1x128xi32, #tpu.memory_space<vmem>> -> memref<128xi32, #tpu.memory_space<vmem>>
      %dma_start3A_519 = arith.constant 0 : i32
      %dma_start3A_520 = arith.constant 0 : i32
      %dma_start3A_521 = tpu.memref_slice %arg19[%dma_start3A_519, %dma_start3A_520] : memref<100096x16xf32, #tpu.memory_space<vmem_shared>> -> memref<100096x16xf32, #tpu.memory_space<vmem_shared>>
      tpu.enqueue_indirect_dma source(%dma_start3A_515 : memref<128x16xf32, #tpu.memory_space<vmem>>) target(%dma_start3A_521 : memref<100096x16xf32, #tpu.memory_space<vmem_shared>>) offsets(%dma_start3A_518 : memref<128xi32, #tpu.memory_space<vmem>>) semaphore(%arg23 : memref<!tpu.dma_semaphore, #tpu.memory_space<semaphore_mem>>) {add = true}
      %dma_start3A_522 = arith.constant 1 : i32
      %dma_start3A_523 = arith.constant 128 : i32
      %dma_start3A_524 = arith.constant 0 : i32
      %dma_start3A_525 = tpu.memref_slice %arg14[%dma_start3A_523, %dma_start3A_524] : memref<512x16xf32, #tpu.memory_space<vmem>> -> memref<128x16xf32, #tpu.memory_space<vmem>>
      %dma_start3A_526 = arith.constant 0 : i32
      %dma_start3A_527 = tpu.memref_slice %arg12[%dma_start3A_522, %dma_start3A_526] : memref<4x128xi32, #tpu.memory_space<vmem>> -> memref<1x128xi32, #tpu.memory_space<vmem>>
      %dma_start3A_528 = tpu.memref_squeeze %dma_start3A_527 : memref<1x128xi32, #tpu.memory_space<vmem>> -> memref<128xi32, #tpu.memory_space<vmem>>
      %dma_start3A_529 = arith.constant 0 : i32
      %dma_start3A_530 = arith.constant 0 : i32
      %dma_start3A_531 = tpu.memref_slice %arg19[%dma_start3A_529, %dma_start3A_530] : memref<100096x16xf32, #tpu.memory_space<vmem_shared>> -> memref<100096x16xf32, #tpu.memory_space<vmem_shared>>
      tpu.enqueue_indirect_dma source(%dma_start3A_525 : memref<128x16xf32, #tpu.memory_space<vmem>>) target(%dma_start3A_531 : memref<100096x16xf32, #tpu.memory_space<vmem_shared>>) offsets(%dma_start3A_528 : memref<128xi32, #tpu.memory_space<vmem>>) semaphore(%arg23 : memref<!tpu.dma_semaphore, #tpu.memory_space<semaphore_mem>>) {add = true}
      %dma_start3A_532 = arith.constant 2 : i32
      %dma_start3A_533 = arith.constant 256 : i32
      %dma_start3A_534 = arith.constant 0 : i32
      %dma_start3A_535 = tpu.memref_slice %arg14[%dma_start3A_533, %dma_start3A_534] : memref<512x16xf32, #tpu.memory_space<vmem>> -> memref<128x16xf32, #tpu.memory_space<vmem>>
      %dma_start3A_536 = arith.constant 0 : i32
      %dma_start3A_537 = tpu.memref_slice %arg12[%dma_start3A_532, %dma_start3A_536] : memref<4x128xi32, #tpu.memory_space<vmem>> -> memref<1x128xi32, #tpu.memory_space<vmem>>
      %dma_start3A_538 = tpu.memref_squeeze %dma_start3A_537 : memref<1x128xi32, #tpu.memory_space<vmem>> -> memref<128xi32, #tpu.memory_space<vmem>>
      %dma_start3A_539 = arith.constant 0 : i32
      %dma_start3A_540 = arith.constant 0 : i32
      %dma_start3A_541 = tpu.memref_slice %arg19[%dma_start3A_539, %dma_start3A_540] : memref<100096x16xf32, #tpu.memory_space<vmem_shared>> -> memref<100096x16xf32, #tpu.memory_space<vmem_shared>>
      tpu.enqueue_indirect_dma source(%dma_start3A_535 : memref<128x16xf32, #tpu.memory_space<vmem>>) target(%dma_start3A_541 : memref<100096x16xf32, #tpu.memory_space<vmem_shared>>) offsets(%dma_start3A_538 : memref<128xi32, #tpu.memory_space<vmem>>) semaphore(%arg23 : memref<!tpu.dma_semaphore, #tpu.memory_space<semaphore_mem>>) {add = true}
      %dma_start3A_542 = arith.constant 3 : i32
      %dma_start3A_543 = arith.constant 384 : i32
      %dma_start3A_544 = arith.constant 0 : i32
      %dma_start3A_545 = tpu.memref_slice %arg14[%dma_start3A_543, %dma_start3A_544] : memref<512x16xf32, #tpu.memory_space<vmem>> -> memref<128x16xf32, #tpu.memory_space<vmem>>
      %dma_start3A_546 = arith.constant 0 : i32
      %dma_start3A_547 = tpu.memref_slice %arg12[%dma_start3A_542, %dma_start3A_546] : memref<4x128xi32, #tpu.memory_space<vmem>> -> memref<1x128xi32, #tpu.memory_space<vmem>>
      %dma_start3A_548 = tpu.memref_squeeze %dma_start3A_547 : memref<1x128xi32, #tpu.memory_space<vmem>> -> memref<128xi32, #tpu.memory_space<vmem>>
      %dma_start3A_549 = arith.constant 0 : i32
      %dma_start3A_550 = arith.constant 0 : i32
      %dma_start3A_551 = tpu.memref_slice %arg19[%dma_start3A_549, %dma_start3A_550] : memref<100096x16xf32, #tpu.memory_space<vmem_shared>> -> memref<100096x16xf32, #tpu.memory_space<vmem_shared>>
      tpu.enqueue_indirect_dma source(%dma_start3A_545 : memref<128x16xf32, #tpu.memory_space<vmem>>) target(%dma_start3A_551 : memref<100096x16xf32, #tpu.memory_space<vmem_shared>>) offsets(%dma_start3A_548 : memref<128xi32, #tpu.memory_space<vmem>>) semaphore(%arg23 : memref<!tpu.dma_semaphore, #tpu.memory_space<semaphore_mem>>) {add = true}
      %mul3A_552 = arith.constant 3 : i32
      %mul3A_553 = arith.muli %scan3A_199, %mul3A_552 : i32
      %add3A_554 = arith.constant 2 : i32
      %add3A_555 = arith.addi %mul3A_553, %add3A_554 : i32
      %dma_wait3A_556 = arith.constant 0 : i32
      %dma_wait3A_557 = arith.constant 0 : i32
      %dma_wait3A_558 = arith.constant 0 : i32
      %dma_wait3A_559 = tpu.memref_slice %arg10[%dma_wait3A_557, %dma_wait3A_558] : memref<512x16xf32, #tpu.memory_space<vmem>> -> memref<128x16xf32, #tpu.memory_space<vmem>>
      %dma_wait3A_560 = arith.constant 0 : i32
      %dma_wait3A_561 = tpu.memref_slice %arg8[%dma_wait3A_556, %dma_wait3A_560] : memref<4x128xi32, #tpu.memory_space<vmem>> -> memref<1x128xi32, #tpu.memory_space<vmem>>
      %dma_wait3A_562 = tpu.memref_squeeze %dma_wait3A_561 : memref<1x128xi32, #tpu.memory_space<vmem>> -> memref<128xi32, #tpu.memory_space<vmem>>
      %dma_wait3A_563 = arith.constant 0 : i32
      %dma_wait3A_564 = arith.constant 0 : i32
      %dma_wait3A_565 = tpu.memref_slice %arg19[%dma_wait3A_563, %dma_wait3A_564] : memref<100096x16xf32, #tpu.memory_space<vmem_shared>> -> memref<100096x16xf32, #tpu.memory_space<vmem_shared>>
      tpu.wait_indirect_dma semaphore(%arg22 : memref<!tpu.dma_semaphore, #tpu.memory_space<semaphore_mem>>) src(%dma_wait3A_559 : memref<128x16xf32, #tpu.memory_space<vmem>>) dst(%dma_wait3A_565 : memref<100096x16xf32, #tpu.memory_space<vmem_shared>>)
      %dma_wait3A_566 = arith.constant 1 : i32
      %dma_wait3A_567 = arith.constant 128 : i32
      %dma_wait3A_568 = arith.constant 0 : i32
      %dma_wait3A_569 = tpu.memref_slice %arg10[%dma_wait3A_567, %dma_wait3A_568] : memref<512x16xf32, #tpu.memory_space<vmem>> -> memref<128x16xf32, #tpu.memory_space<vmem>>
      %dma_wait3A_570 = arith.constant 0 : i32
      %dma_wait3A_571 = tpu.memref_slice %arg8[%dma_wait3A_566, %dma_wait3A_570] : memref<4x128xi32, #tpu.memory_space<vmem>> -> memref<1x128xi32, #tpu.memory_space<vmem>>
      %dma_wait3A_572 = tpu.memref_squeeze %dma_wait3A_571 : memref<1x128xi32, #tpu.memory_space<vmem>> -> memref<128xi32, #tpu.memory_space<vmem>>
      %dma_wait3A_573 = arith.constant 0 : i32
      %dma_wait3A_574 = arith.constant 0 : i32
      %dma_wait3A_575 = tpu.memref_slice %arg19[%dma_wait3A_573, %dma_wait3A_574] : memref<100096x16xf32, #tpu.memory_space<vmem_shared>> -> memref<100096x16xf32, #tpu.memory_space<vmem_shared>>
      tpu.wait_indirect_dma semaphore(%arg22 : memref<!tpu.dma_semaphore, #tpu.memory_space<semaphore_mem>>) src(%dma_wait3A_569 : memref<128x16xf32, #tpu.memory_space<vmem>>) dst(%dma_wait3A_575 : memref<100096x16xf32, #tpu.memory_space<vmem_shared>>)
      %dma_wait3A_576 = arith.constant 2 : i32
      %dma_wait3A_577 = arith.constant 256 : i32
      %dma_wait3A_578 = arith.constant 0 : i32
      %dma_wait3A_579 = tpu.memref_slice %arg10[%dma_wait3A_577, %dma_wait3A_578] : memref<512x16xf32, #tpu.memory_space<vmem>> -> memref<128x16xf32, #tpu.memory_space<vmem>>
      %dma_wait3A_580 = arith.constant 0 : i32
      %dma_wait3A_581 = tpu.memref_slice %arg8[%dma_wait3A_576, %dma_wait3A_580] : memref<4x128xi32, #tpu.memory_space<vmem>> -> memref<1x128xi32, #tpu.memory_space<vmem>>
      %dma_wait3A_582 = tpu.memref_squeeze %dma_wait3A_581 : memref<1x128xi32, #tpu.memory_space<vmem>> -> memref<128xi32, #tpu.memory_space<vmem>>
      %dma_wait3A_583 = arith.constant 0 : i32
      %dma_wait3A_584 = arith.constant 0 : i32
      %dma_wait3A_585 = tpu.memref_slice %arg19[%dma_wait3A_583, %dma_wait3A_584] : memref<100096x16xf32, #tpu.memory_space<vmem_shared>> -> memref<100096x16xf32, #tpu.memory_space<vmem_shared>>
      tpu.wait_indirect_dma semaphore(%arg22 : memref<!tpu.dma_semaphore, #tpu.memory_space<semaphore_mem>>) src(%dma_wait3A_579 : memref<128x16xf32, #tpu.memory_space<vmem>>) dst(%dma_wait3A_585 : memref<100096x16xf32, #tpu.memory_space<vmem_shared>>)
      %dma_wait3A_586 = arith.constant 3 : i32
      %dma_wait3A_587 = arith.constant 384 : i32
      %dma_wait3A_588 = arith.constant 0 : i32
      %dma_wait3A_589 = tpu.memref_slice %arg10[%dma_wait3A_587, %dma_wait3A_588] : memref<512x16xf32, #tpu.memory_space<vmem>> -> memref<128x16xf32, #tpu.memory_space<vmem>>
      %dma_wait3A_590 = arith.constant 0 : i32
      %dma_wait3A_591 = tpu.memref_slice %arg8[%dma_wait3A_586, %dma_wait3A_590] : memref<4x128xi32, #tpu.memory_space<vmem>> -> memref<1x128xi32, #tpu.memory_space<vmem>>
      %dma_wait3A_592 = tpu.memref_squeeze %dma_wait3A_591 : memref<1x128xi32, #tpu.memory_space<vmem>> -> memref<128xi32, #tpu.memory_space<vmem>>
      %dma_wait3A_593 = arith.constant 0 : i32
      %dma_wait3A_594 = arith.constant 0 : i32
      %dma_wait3A_595 = tpu.memref_slice %arg19[%dma_wait3A_593, %dma_wait3A_594] : memref<100096x16xf32, #tpu.memory_space<vmem_shared>> -> memref<100096x16xf32, #tpu.memory_space<vmem_shared>>
      tpu.wait_indirect_dma semaphore(%arg22 : memref<!tpu.dma_semaphore, #tpu.memory_space<semaphore_mem>>) src(%dma_wait3A_589 : memref<128x16xf32, #tpu.memory_space<vmem>>) dst(%dma_wait3A_595 : memref<100096x16xf32, #tpu.memory_space<vmem_shared>>)
      %lt3A = arith.constant 65 : i32
      %lt3A_596 = arith.cmpi slt, %scan3A_199, %lt3A : i32
      %convert_element_type3A_597 = arith.extui %lt3A_596 : i1 to i32
      %cond3A_598 = arith.constant 0 : i32
      %cond3A_599 = arith.cmpi ne, %convert_element_type3A_597, %cond3A_598 : i32
      scf.if %cond3A_599 {
        %add3A_693 = arith.constant 1 : i32
        %add3A_694 = arith.addi %add3A_555, %add3A_693 : i32
        %mul3A_695 = arith.constant 4 : i32
        %mul3A_696 = arith.muli %add3A_694, %mul3A_695 : i32
        %add3A_697 = arith.addi %mul3A_0, %mul3A_696 : i32
        %dma_start3A_698 = arith.constant 0 : i32
        %dma_start3A_699 = tpu.memref_slice %arg3[%add3A_697, %dma_start3A_698] : memref<12672x128xi32, #tpu.memory_space<hbm>> -> memref<4x128xi32, #tpu.memory_space<hbm>>
        %dma_start3A_700 = arith.constant 0 : i32
        %dma_start3A_701 = tpu.memref_slice %arg3[%add3A_697, %dma_start3A_700] : memref<12672x128xi32, #tpu.memory_space<hbm>> -> memref<4x128xi32, #tpu.memory_space<hbm>>
        tpu.enqueue_dma source(%dma_start3A_701 : memref<4x128xi32, #tpu.memory_space<hbm>>) target(%arg7 : memref<4x128xi32, #tpu.memory_space<vmem>>) target_semaphore(%arg21 : memref<!tpu.dma_semaphore, #tpu.memory_space<semaphore_mem>>)
        %dma_start3A_702 = arith.constant 0 : i32
        %dma_start3A_703 = tpu.memref_slice %arg4[%add3A_697, %dma_start3A_702] : memref<12672x128xi32, #tpu.memory_space<hbm>> -> memref<4x128xi32, #tpu.memory_space<hbm>>
        %dma_start3A_704 = arith.constant 0 : i32
        %dma_start3A_705 = tpu.memref_slice %arg4[%add3A_697, %dma_start3A_704] : memref<12672x128xi32, #tpu.memory_space<hbm>> -> memref<4x128xi32, #tpu.memory_space<hbm>>
        tpu.enqueue_dma source(%dma_start3A_705 : memref<4x128xi32, #tpu.memory_space<hbm>>) target(%arg8 : memref<4x128xi32, #tpu.memory_space<vmem>>) target_semaphore(%arg21 : memref<!tpu.dma_semaphore, #tpu.memory_space<semaphore_mem>>)
        %dma_start3A_706 = arith.constant 0 : i32
        %dma_start3A_707 = tpu.memref_slice %arg5[%add3A_697, %dma_start3A_706] : memref<12672x128xf32, #tpu.memory_space<hbm>> -> memref<4x128xf32, #tpu.memory_space<hbm>>
        %dma_start3A_708 = arith.constant 0 : i32
        %dma_start3A_709 = tpu.memref_slice %arg5[%add3A_697, %dma_start3A_708] : memref<12672x128xf32, #tpu.memory_space<hbm>> -> memref<4x128xf32, #tpu.memory_space<hbm>>
        tpu.enqueue_dma source(%dma_start3A_709 : memref<4x128xf32, #tpu.memory_space<hbm>>) target(%arg9 : memref<4x128xf32, #tpu.memory_space<vmem>>) target_semaphore(%arg21 : memref<!tpu.dma_semaphore, #tpu.memory_space<semaphore_mem>>)
      } else {
      }
      %dma_wait3A_600 = arith.constant 0 : i32
      %dma_wait3A_601 = arith.constant 0 : i32
      %dma_wait3A_602 = arith.constant 0 : i32
      %dma_wait3A_603 = tpu.memref_slice %arg18[%dma_wait3A_601, %dma_wait3A_602] : memref<512x16xf32, #tpu.memory_space<vmem>> -> memref<128x16xf32, #tpu.memory_space<vmem>>
      %dma_wait3A_604 = arith.constant 0 : i32
      %dma_wait3A_605 = tpu.memref_slice %arg15[%dma_wait3A_600, %dma_wait3A_604] : memref<4x128xi32, #tpu.memory_space<vmem>> -> memref<1x128xi32, #tpu.memory_space<vmem>>
      %dma_wait3A_606 = tpu.memref_squeeze %dma_wait3A_605 : memref<1x128xi32, #tpu.memory_space<vmem>> -> memref<128xi32, #tpu.memory_space<vmem>>
      %dma_wait3A_607 = arith.constant 0 : i32
      %dma_wait3A_608 = arith.constant 0 : i32
      %dma_wait3A_609 = tpu.memref_slice %arg2[%dma_wait3A_607, %dma_wait3A_608] : memref<200000x16xf32, #tpu.memory_space<hbm>> -> memref<200000x16xf32, #tpu.memory_space<hbm>>
      tpu.wait_indirect_dma semaphore(%arg20 : memref<!tpu.dma_semaphore, #tpu.memory_space<semaphore_mem>>) src(%dma_wait3A_609 : memref<200000x16xf32, #tpu.memory_space<hbm>>) dst(%dma_wait3A_603 : memref<128x16xf32, #tpu.memory_space<vmem>>)
      %dma_wait3A_610 = arith.constant 1 : i32
      %dma_wait3A_611 = arith.constant 128 : i32
      %dma_wait3A_612 = arith.constant 0 : i32
      %dma_wait3A_613 = tpu.memref_slice %arg18[%dma_wait3A_611, %dma_wait3A_612] : memref<512x16xf32, #tpu.memory_space<vmem>> -> memref<128x16xf32, #tpu.memory_space<vmem>>
      %dma_wait3A_614 = arith.constant 0 : i32
      %dma_wait3A_615 = tpu.memref_slice %arg15[%dma_wait3A_610, %dma_wait3A_614] : memref<4x128xi32, #tpu.memory_space<vmem>> -> memref<1x128xi32, #tpu.memory_space<vmem>>
      %dma_wait3A_616 = tpu.memref_squeeze %dma_wait3A_615 : memref<1x128xi32, #tpu.memory_space<vmem>> -> memref<128xi32, #tpu.memory_space<vmem>>
      %dma_wait3A_617 = arith.constant 0 : i32
      %dma_wait3A_618 = arith.constant 0 : i32
      %dma_wait3A_619 = tpu.memref_slice %arg2[%dma_wait3A_617, %dma_wait3A_618] : memref<200000x16xf32, #tpu.memory_space<hbm>> -> memref<200000x16xf32, #tpu.memory_space<hbm>>
      tpu.wait_indirect_dma semaphore(%arg20 : memref<!tpu.dma_semaphore, #tpu.memory_space<semaphore_mem>>) src(%dma_wait3A_619 : memref<200000x16xf32, #tpu.memory_space<hbm>>) dst(%dma_wait3A_613 : memref<128x16xf32, #tpu.memory_space<vmem>>)
      %dma_wait3A_620 = arith.constant 2 : i32
      %dma_wait3A_621 = arith.constant 256 : i32
      %dma_wait3A_622 = arith.constant 0 : i32
      %dma_wait3A_623 = tpu.memref_slice %arg18[%dma_wait3A_621, %dma_wait3A_622] : memref<512x16xf32, #tpu.memory_space<vmem>> -> memref<128x16xf32, #tpu.memory_space<vmem>>
      %dma_wait3A_624 = arith.constant 0 : i32
      %dma_wait3A_625 = tpu.memref_slice %arg15[%dma_wait3A_620, %dma_wait3A_624] : memref<4x128xi32, #tpu.memory_space<vmem>> -> memref<1x128xi32, #tpu.memory_space<vmem>>
      %dma_wait3A_626 = tpu.memref_squeeze %dma_wait3A_625 : memref<1x128xi32, #tpu.memory_space<vmem>> -> memref<128xi32, #tpu.memory_space<vmem>>
      %dma_wait3A_627 = arith.constant 0 : i32
      %dma_wait3A_628 = arith.constant 0 : i32
      %dma_wait3A_629 = tpu.memref_slice %arg2[%dma_wait3A_627, %dma_wait3A_628] : memref<200000x16xf32, #tpu.memory_space<hbm>> -> memref<200000x16xf32, #tpu.memory_space<hbm>>
      tpu.wait_indirect_dma semaphore(%arg20 : memref<!tpu.dma_semaphore, #tpu.memory_space<semaphore_mem>>) src(%dma_wait3A_629 : memref<200000x16xf32, #tpu.memory_space<hbm>>) dst(%dma_wait3A_623 : memref<128x16xf32, #tpu.memory_space<vmem>>)
      %dma_wait3A_630 = arith.constant 3 : i32
      %dma_wait3A_631 = arith.constant 384 : i32
      %dma_wait3A_632 = arith.constant 0 : i32
      %dma_wait3A_633 = tpu.memref_slice %arg18[%dma_wait3A_631, %dma_wait3A_632] : memref<512x16xf32, #tpu.memory_space<vmem>> -> memref<128x16xf32, #tpu.memory_space<vmem>>
      %dma_wait3A_634 = arith.constant 0 : i32
      %dma_wait3A_635 = tpu.memref_slice %arg15[%dma_wait3A_630, %dma_wait3A_634] : memref<4x128xi32, #tpu.memory_space<vmem>> -> memref<1x128xi32, #tpu.memory_space<vmem>>
      %dma_wait3A_636 = tpu.memref_squeeze %dma_wait3A_635 : memref<1x128xi32, #tpu.memory_space<vmem>> -> memref<128xi32, #tpu.memory_space<vmem>>
      %dma_wait3A_637 = arith.constant 0 : i32
      %dma_wait3A_638 = arith.constant 0 : i32
      %dma_wait3A_639 = tpu.memref_slice %arg2[%dma_wait3A_637, %dma_wait3A_638] : memref<200000x16xf32, #tpu.memory_space<hbm>> -> memref<200000x16xf32, #tpu.memory_space<hbm>>
      tpu.wait_indirect_dma semaphore(%arg20 : memref<!tpu.dma_semaphore, #tpu.memory_space<semaphore_mem>>) src(%dma_wait3A_639 : memref<200000x16xf32, #tpu.memory_space<hbm>>) dst(%dma_wait3A_633 : memref<128x16xf32, #tpu.memory_space<vmem>>)
      %lt3A_640 = arith.constant 65 : i32
      %lt3A_641 = arith.cmpi slt, %scan3A_199, %lt3A_640 : i32
      %convert_element_type3A_642 = arith.extui %lt3A_641 : i1 to i32
      %cond3A_643 = arith.constant 0 : i32
      %cond3A_644 = arith.cmpi ne, %convert_element_type3A_642, %cond3A_643 : i32
      scf.if %cond3A_644 {
        %add3A_693 = arith.constant 1 : i32
        %add3A_694 = arith.addi %add3A_555, %add3A_693 : i32
        %mul3A_695 = arith.constant 4 : i32
        %mul3A_696 = arith.muli %add3A_694, %mul3A_695 : i32
        %add3A_697 = arith.addi %mul3A_0, %mul3A_696 : i32
        %dma_wait3A_698 = arith.constant 0 : i32
        %dma_wait3A_699 = tpu.memref_slice %arg3[%add3A_697, %dma_wait3A_698] : memref<12672x128xi32, #tpu.memory_space<hbm>> -> memref<4x128xi32, #tpu.memory_space<hbm>>
        %dma_wait3A_700 = arith.constant 0 : i32
        %dma_wait3A_701 = tpu.memref_slice %arg3[%add3A_697, %dma_wait3A_700] : memref<12672x128xi32, #tpu.memory_space<hbm>> -> memref<4x128xi32, #tpu.memory_space<hbm>>
        tpu.wait_dma2 semaphore(%arg21 : memref<!tpu.dma_semaphore, #tpu.memory_space<semaphore_mem>>) src(%dma_wait3A_701 : memref<4x128xi32, #tpu.memory_space<hbm>>) dst(%arg7 : memref<4x128xi32, #tpu.memory_space<vmem>>)
        %dma_wait3A_702 = arith.constant 0 : i32
        %dma_wait3A_703 = tpu.memref_slice %arg4[%add3A_697, %dma_wait3A_702] : memref<12672x128xi32, #tpu.memory_space<hbm>> -> memref<4x128xi32, #tpu.memory_space<hbm>>
        %dma_wait3A_704 = arith.constant 0 : i32
        %dma_wait3A_705 = tpu.memref_slice %arg4[%add3A_697, %dma_wait3A_704] : memref<12672x128xi32, #tpu.memory_space<hbm>> -> memref<4x128xi32, #tpu.memory_space<hbm>>
        tpu.wait_dma2 semaphore(%arg21 : memref<!tpu.dma_semaphore, #tpu.memory_space<semaphore_mem>>) src(%dma_wait3A_705 : memref<4x128xi32, #tpu.memory_space<hbm>>) dst(%arg8 : memref<4x128xi32, #tpu.memory_space<vmem>>)
        %dma_wait3A_706 = arith.constant 0 : i32
        %dma_wait3A_707 = tpu.memref_slice %arg5[%add3A_697, %dma_wait3A_706] : memref<12672x128xf32, #tpu.memory_space<hbm>> -> memref<4x128xf32, #tpu.memory_space<hbm>>
        %dma_wait3A_708 = arith.constant 0 : i32
        %dma_wait3A_709 = tpu.memref_slice %arg5[%add3A_697, %dma_wait3A_708] : memref<12672x128xf32, #tpu.memory_space<hbm>> -> memref<4x128xf32, #tpu.memory_space<hbm>>
        tpu.wait_dma2 semaphore(%arg21 : memref<!tpu.dma_semaphore, #tpu.memory_space<semaphore_mem>>) src(%dma_wait3A_709 : memref<4x128xf32, #tpu.memory_space<hbm>>) dst(%arg9 : memref<4x128xf32, #tpu.memory_space<vmem>>)
        %scan3A_710 = arith.constant 0 : i32
        %scan3A_711 = arith.constant 0 : i32
        %scan3A_712 = arith.constant 4 : i32
        %scan3A_713 = arith.addi %scan3A_711, %scan3A_712 : i32
        %scan3A_714 = arith.constant 1 : i32
        %scan3A_715 = scf.for %scan3A_757 = %scan3A_711 to %scan3A_713 step %scan3A_714 iter_args(%scan3A_758 = %scan3A_710) -> (i32)  : i32 {
          %get3A = arith.index_cast %scan3A_757 : i32 to index
          %get3A_759 = arith.constant 0 : index
          %get3A_760 = tpu.vector_load %arg7[%get3A, %get3A_759] {strides = array<i32>} : memref<4x128xi32, #tpu.memory_space<vmem>>, vector<1x16xi32>,
          %get3A_761 = vector.shape_cast %get3A_760 : vector<1x16xi32> to vector<16xi32>
          %mul3A_762 = arith.constant 2 : i32
          %mul3A_763 = vector.broadcast %mul3A_762 : i32 to vector<16xi32>
          %mul3A_764 = arith.muli %get3A_761, %mul3A_763 : vector<16xi32>
          %add3A_765 = vector.broadcast %arg0 : i32 to vector<16xi32>
          %add3A_766 = arith.addi %mul3A_764, %add3A_765 : vector<16xi32>
          %swap3A = arith.index_cast %scan3A_757 : i32 to index
          %swap3A_767 = arith.constant 0 : index
          %swap3A_768 = tpu.vector_load %arg7[%swap3A, %swap3A_767] {strides = array<i32>} : memref<4x128xi32, #tpu.memory_space<vmem>>, vector<1x16xi32>,
          %swap3A_769 = vector.shape_cast %swap3A_768 : vector<1x16xi32> to vector<16xi32>
          %swap3A_770 = vector.shape_cast %add3A_766 : vector<16xi32> to vector<1x16xi32>
          tpu.vector_store %arg7[%swap3A, %swap3A_767], %swap3A_770 {strides = array<i32>} : memref<4x128xi32, #tpu.memory_space<vmem>>, vector<1x16xi32>,
          %get3A_771 = arith.index_cast %scan3A_757 : i32 to index
          %get3A_772 = arith.constant 16 : index
          %get3A_773 = tpu.vector_load %arg7[%get3A_771, %get3A_772] {strides = array<i32>} : memref<4x128xi32, #tpu.memory_space<vmem>>, vector<1x16xi32>,
          %get3A_774 = vector.shape_cast %get3A_773 : vector<1x16xi32> to vector<16xi32>
          %mul3A_775 = arith.constant 2 : i32
          %mul3A_776 = vector.broadcast %mul3A_775 : i32 to vector<16xi32>
          %mul3A_777 = arith.muli %get3A_774, %mul3A_776 : vector<16xi32>
          %add3A_778 = vector.broadcast %arg0 : i32 to vector<16xi32>
          %add3A_779 = arith.addi %mul3A_777, %add3A_778 : vector<16xi32>
          %swap3A_780 = arith.index_cast %scan3A_757 : i32 to index
          %swap3A_781 = arith.constant 16 : index
          %swap3A_782 = tpu.vector_load %arg7[%swap3A_780, %swap3A_781] {strides = array<i32>} : memref<4x128xi32, #tpu.memory_space<vmem>>, vector<1x16xi32>,
          %swap3A_783 = vector.shape_cast %swap3A_782 : vector<1x16xi32> to vector<16xi32>
          %swap3A_784 = vector.shape_cast %add3A_779 : vector<16xi32> to vector<1x16xi32>
          tpu.vector_store %arg7[%swap3A_780, %swap3A_781], %swap3A_784 {strides = array<i32>} : memref<4x128xi32, #tpu.memory_space<vmem>>, vector<1x16xi32>,
          %get3A_785 = arith.index_cast %scan3A_757 : i32 to index
          %get3A_786 = arith.constant 32 : index
          %get3A_787 = tpu.vector_load %arg7[%get3A_785, %get3A_786] {strides = array<i32>} : memref<4x128xi32, #tpu.memory_space<vmem>>, vector<1x16xi32>,
          %get3A_788 = vector.shape_cast %get3A_787 : vector<1x16xi32> to vector<16xi32>
          %mul3A_789 = arith.constant 2 : i32
          %mul3A_790 = vector.broadcast %mul3A_789 : i32 to vector<16xi32>
          %mul3A_791 = arith.muli %get3A_788, %mul3A_790 : vector<16xi32>
          %add3A_792 = vector.broadcast %arg0 : i32 to vector<16xi32>
          %add3A_793 = arith.addi %mul3A_791, %add3A_792 : vector<16xi32>
          %swap3A_794 = arith.index_cast %scan3A_757 : i32 to index
          %swap3A_795 = arith.constant 32 : index
          %swap3A_796 = tpu.vector_load %arg7[%swap3A_794, %swap3A_795] {strides = array<i32>} : memref<4x128xi32, #tpu.memory_space<vmem>>, vector<1x16xi32>,
          %swap3A_797 = vector.shape_cast %swap3A_796 : vector<1x16xi32> to vector<16xi32>
          %swap3A_798 = vector.shape_cast %add3A_793 : vector<16xi32> to vector<1x16xi32>
          tpu.vector_store %arg7[%swap3A_794, %swap3A_795], %swap3A_798 {strides = array<i32>} : memref<4x128xi32, #tpu.memory_space<vmem>>, vector<1x16xi32>,
          %get3A_799 = arith.index_cast %scan3A_757 : i32 to index
          %get3A_800 = arith.constant 48 : index
          %get3A_801 = tpu.vector_load %arg7[%get3A_799, %get3A_800] {strides = array<i32>} : memref<4x128xi32, #tpu.memory_space<vmem>>, vector<1x16xi32>,
          %get3A_802 = vector.shape_cast %get3A_801 : vector<1x16xi32> to vector<16xi32>
          %mul3A_803 = arith.constant 2 : i32
          %mul3A_804 = vector.broadcast %mul3A_803 : i32 to vector<16xi32>
          %mul3A_805 = arith.muli %get3A_802, %mul3A_804 : vector<16xi32>
          %add3A_806 = vector.broadcast %arg0 : i32 to vector<16xi32>
          %add3A_807 = arith.addi %mul3A_805, %add3A_806 : vector<16xi32>
          %swap3A_808 = arith.index_cast %scan3A_757 : i32 to index
          %swap3A_809 = arith.constant 48 : index
          %swap3A_810 = tpu.vector_load %arg7[%swap3A_808, %swap3A_809] {strides = array<i32>} : memref<4x128xi32, #tpu.memory_space<vmem>>, vector<1x16xi32>,
          %swap3A_811 = vector.shape_cast %swap3A_810 : vector<1x16xi32> to vector<16xi32>
          %swap3A_812 = vector.shape_cast %add3A_807 : vector<16xi32> to vector<1x16xi32>
          tpu.vector_store %arg7[%swap3A_808, %swap3A_809], %swap3A_812 {strides = array<i32>} : memref<4x128xi32, #tpu.memory_space<vmem>>, vector<1x16xi32>,
          %get3A_813 = arith.index_cast %scan3A_757 : i32 to index
          %get3A_814 = arith.constant 64 : index
          %get3A_815 = tpu.vector_load %arg7[%get3A_813, %get3A_814] {strides = array<i32>} : memref<4x128xi32, #tpu.memory_space<vmem>>, vector<1x16xi32>,
          %get3A_816 = vector.shape_cast %get3A_815 : vector<1x16xi32> to vector<16xi32>
          %mul3A_817 = arith.constant 2 : i32
          %mul3A_818 = vector.broadcast %mul3A_817 : i32 to vector<16xi32>
          %mul3A_819 = arith.muli %get3A_816, %mul3A_818 : vector<16xi32>
          %add3A_820 = vector.broadcast %arg0 : i32 to vector<16xi32>
          %add3A_821 = arith.addi %mul3A_819, %add3A_820 : vector<16xi32>
          %swap3A_822 = arith.index_cast %scan3A_757 : i32 to index
          %swap3A_823 = arith.constant 64 : index
          %swap3A_824 = tpu.vector_load %arg7[%swap3A_822, %swap3A_823] {strides = array<i32>} : memref<4x128xi32, #tpu.memory_space<vmem>>, vector<1x16xi32>,
          %swap3A_825 = vector.shape_cast %swap3A_824 : vector<1x16xi32> to vector<16xi32>
          %swap3A_826 = vector.shape_cast %add3A_821 : vector<16xi32> to vector<1x16xi32>
          tpu.vector_store %arg7[%swap3A_822, %swap3A_823], %swap3A_826 {strides = array<i32>} : memref<4x128xi32, #tpu.memory_space<vmem>>, vector<1x16xi32>,
          %get3A_827 = arith.index_cast %scan3A_757 : i32 to index
          %get3A_828 = arith.constant 80 : index
          %get3A_829 = tpu.vector_load %arg7[%get3A_827, %get3A_828] {strides = array<i32>} : memref<4x128xi32, #tpu.memory_space<vmem>>, vector<1x16xi32>,
          %get3A_830 = vector.shape_cast %get3A_829 : vector<1x16xi32> to vector<16xi32>
          %mul3A_831 = arith.constant 2 : i32
          %mul3A_832 = vector.broadcast %mul3A_831 : i32 to vector<16xi32>
          %mul3A_833 = arith.muli %get3A_830, %mul3A_832 : vector<16xi32>
          %add3A_834 = vector.broadcast %arg0 : i32 to vector<16xi32>
          %add3A_835 = arith.addi %mul3A_833, %add3A_834 : vector<16xi32>
          %swap3A_836 = arith.index_cast %scan3A_757 : i32 to index
          %swap3A_837 = arith.constant 80 : index
          %swap3A_838 = tpu.vector_load %arg7[%swap3A_836, %swap3A_837] {strides = array<i32>} : memref<4x128xi32, #tpu.memory_space<vmem>>, vector<1x16xi32>,
          %swap3A_839 = vector.shape_cast %swap3A_838 : vector<1x16xi32> to vector<16xi32>
          %swap3A_840 = vector.shape_cast %add3A_835 : vector<16xi32> to vector<1x16xi32>
          tpu.vector_store %arg7[%swap3A_836, %swap3A_837], %swap3A_840 {strides = array<i32>} : memref<4x128xi32, #tpu.memory_space<vmem>>, vector<1x16xi32>,
          %get3A_841 = arith.index_cast %scan3A_757 : i32 to index
          %get3A_842 = arith.constant 96 : index
          %get3A_843 = tpu.vector_load %arg7[%get3A_841, %get3A_842] {strides = array<i32>} : memref<4x128xi32, #tpu.memory_space<vmem>>, vector<1x16xi32>,
          %get3A_844 = vector.shape_cast %get3A_843 : vector<1x16xi32> to vector<16xi32>
          %mul3A_845 = arith.constant 2 : i32
          %mul3A_846 = vector.broadcast %mul3A_845 : i32 to vector<16xi32>
          %mul3A_847 = arith.muli %get3A_844, %mul3A_846 : vector<16xi32>
          %add3A_848 = vector.broadcast %arg0 : i32 to vector<16xi32>
          %add3A_849 = arith.addi %mul3A_847, %add3A_848 : vector<16xi32>
          %swap3A_850 = arith.index_cast %scan3A_757 : i32 to index
          %swap3A_851 = arith.constant 96 : index
          %swap3A_852 = tpu.vector_load %arg7[%swap3A_850, %swap3A_851] {strides = array<i32>} : memref<4x128xi32, #tpu.memory_space<vmem>>, vector<1x16xi32>,
          %swap3A_853 = vector.shape_cast %swap3A_852 : vector<1x16xi32> to vector<16xi32>
          %swap3A_854 = vector.shape_cast %add3A_849 : vector<16xi32> to vector<1x16xi32>
          tpu.vector_store %arg7[%swap3A_850, %swap3A_851], %swap3A_854 {strides = array<i32>} : memref<4x128xi32, #tpu.memory_space<vmem>>, vector<1x16xi32>,
          %get3A_855 = arith.index_cast %scan3A_757 : i32 to index
          %get3A_856 = arith.constant 112 : index
          %get3A_857 = tpu.vector_load %arg7[%get3A_855, %get3A_856] {strides = array<i32>} : memref<4x128xi32, #tpu.memory_space<vmem>>, vector<1x16xi32>,
          %get3A_858 = vector.shape_cast %get3A_857 : vector<1x16xi32> to vector<16xi32>
          %mul3A_859 = arith.constant 2 : i32
          %mul3A_860 = vector.broadcast %mul3A_859 : i32 to vector<16xi32>
          %mul3A_861 = arith.muli %get3A_858, %mul3A_860 : vector<16xi32>
          %add3A_862 = vector.broadcast %arg0 : i32 to vector<16xi32>
          %add3A_863 = arith.addi %mul3A_861, %add3A_862 : vector<16xi32>
          %swap3A_864 = arith.index_cast %scan3A_757 : i32 to index
          %swap3A_865 = arith.constant 112 : index
          %swap3A_866 = tpu.vector_load %arg7[%swap3A_864, %swap3A_865] {strides = array<i32>} : memref<4x128xi32, #tpu.memory_space<vmem>>, vector<1x16xi32>,
          %swap3A_867 = vector.shape_cast %swap3A_866 : vector<1x16xi32> to vector<16xi32>
          %swap3A_868 = vector.shape_cast %add3A_863 : vector<16xi32> to vector<1x16xi32>
          tpu.vector_store %arg7[%swap3A_864, %swap3A_865], %swap3A_868 {strides = array<i32>} : memref<4x128xi32, #tpu.memory_space<vmem>>, vector<1x16xi32>,
          %scan3A_869 = arith.constant 0 : i32
          scf.yield %scan3A_869 : i32
        }
        %scan3A_716 = arith.constant 4 : i32
        %dma_start3A_717 = arith.constant 0 : i32
        %dma_start3A_718 = arith.constant 0 : i32
        %dma_start3A_719 = arith.constant 0 : i32
        %dma_start3A_720 = tpu.memref_slice %arg10[%dma_start3A_718, %dma_start3A_719] : memref<512x16xf32, #tpu.memory_space<vmem>> -> memref<128x16xf32, #tpu.memory_space<vmem>>
        %dma_start3A_721 = arith.constant 0 : i32
        %dma_start3A_722 = tpu.memref_slice %arg7[%dma_start3A_717, %dma_start3A_721] : memref<4x128xi32, #tpu.memory_space<vmem>> -> memref<1x128xi32, #tpu.memory_space<vmem>>
        %dma_start3A_723 = tpu.memref_squeeze %dma_start3A_722 : memref<1x128xi32, #tpu.memory_space<vmem>> -> memref<128xi32, #tpu.memory_space<vmem>>
        %dma_start3A_724 = arith.constant 0 : i32
        %dma_start3A_725 = arith.constant 0 : i32
        %dma_start3A_726 = tpu.memref_slice %arg2[%dma_start3A_724, %dma_start3A_725] : memref<200000x16xf32, #tpu.memory_space<hbm>> -> memref<200000x16xf32, #tpu.memory_space<hbm>>
        tpu.enqueue_indirect_dma source(%dma_start3A_726 : memref<200000x16xf32, #tpu.memory_space<hbm>>) target(%dma_start3A_720 : memref<128x16xf32, #tpu.memory_space<vmem>>) offsets(%dma_start3A_723 : memref<128xi32, #tpu.memory_space<vmem>>) semaphore(%arg20 : memref<!tpu.dma_semaphore, #tpu.memory_space<semaphore_mem>>)
        %dma_start3A_727 = arith.constant 1 : i32
        %dma_start3A_728 = arith.constant 128 : i32
        %dma_start3A_729 = arith.constant 0 : i32
        %dma_start3A_730 = tpu.memref_slice %arg10[%dma_start3A_728, %dma_start3A_729] : memref<512x16xf32, #tpu.memory_space<vmem>> -> memref<128x16xf32, #tpu.memory_space<vmem>>
        %dma_start3A_731 = arith.constant 0 : i32
        %dma_start3A_732 = tpu.memref_slice %arg7[%dma_start3A_727, %dma_start3A_731] : memref<4x128xi32, #tpu.memory_space<vmem>> -> memref<1x128xi32, #tpu.memory_space<vmem>>
        %dma_start3A_733 = tpu.memref_squeeze %dma_start3A_732 : memref<1x128xi32, #tpu.memory_space<vmem>> -> memref<128xi32, #tpu.memory_space<vmem>>
        %dma_start3A_734 = arith.constant 0 : i32
        %dma_start3A_735 = arith.constant 0 : i32
        %dma_start3A_736 = tpu.memref_slice %arg2[%dma_start3A_734, %dma_start3A_735] : memref<200000x16xf32, #tpu.memory_space<hbm>> -> memref<200000x16xf32, #tpu.memory_space<hbm>>
        tpu.enqueue_indirect_dma source(%dma_start3A_736 : memref<200000x16xf32, #tpu.memory_space<hbm>>) target(%dma_start3A_730 : memref<128x16xf32, #tpu.memory_space<vmem>>) offsets(%dma_start3A_733 : memref<128xi32, #tpu.memory_space<vmem>>) semaphore(%arg20 : memref<!tpu.dma_semaphore, #tpu.memory_space<semaphore_mem>>)
        %dma_start3A_737 = arith.constant 2 : i32
        %dma_start3A_738 = arith.constant 256 : i32
        %dma_start3A_739 = arith.constant 0 : i32
        %dma_start3A_740 = tpu.memref_slice %arg10[%dma_start3A_738, %dma_start3A_739] : memref<512x16xf32, #tpu.memory_space<vmem>> -> memref<128x16xf32, #tpu.memory_space<vmem>>
        %dma_start3A_741 = arith.constant 0 : i32
        %dma_start3A_742 = tpu.memref_slice %arg7[%dma_start3A_737, %dma_start3A_741] : memref<4x128xi32, #tpu.memory_space<vmem>> -> memref<1x128xi32, #tpu.memory_space<vmem>>
        %dma_start3A_743 = tpu.memref_squeeze %dma_start3A_742 : memref<1x128xi32, #tpu.memory_space<vmem>> -> memref<128xi32, #tpu.memory_space<vmem>>
        %dma_start3A_744 = arith.constant 0 : i32
        %dma_start3A_745 = arith.constant 0 : i32
        %dma_start3A_746 = tpu.memref_slice %arg2[%dma_start3A_744, %dma_start3A_745] : memref<200000x16xf32, #tpu.memory_space<hbm>> -> memref<200000x16xf32, #tpu.memory_space<hbm>>
        tpu.enqueue_indirect_dma source(%dma_start3A_746 : memref<200000x16xf32, #tpu.memory_space<hbm>>) target(%dma_start3A_740 : memref<128x16xf32, #tpu.memory_space<vmem>>) offsets(%dma_start3A_743 : memref<128xi32, #tpu.memory_space<vmem>>) semaphore(%arg20 : memref<!tpu.dma_semaphore, #tpu.memory_space<semaphore_mem>>)
        %dma_start3A_747 = arith.constant 3 : i32
        %dma_start3A_748 = arith.constant 384 : i32
        %dma_start3A_749 = arith.constant 0 : i32
        %dma_start3A_750 = tpu.memref_slice %arg10[%dma_start3A_748, %dma_start3A_749] : memref<512x16xf32, #tpu.memory_space<vmem>> -> memref<128x16xf32, #tpu.memory_space<vmem>>
        %dma_start3A_751 = arith.constant 0 : i32
        %dma_start3A_752 = tpu.memref_slice %arg7[%dma_start3A_747, %dma_start3A_751] : memref<4x128xi32, #tpu.memory_space<vmem>> -> memref<1x128xi32, #tpu.memory_space<vmem>>
        %dma_start3A_753 = tpu.memref_squeeze %dma_start3A_752 : memref<1x128xi32, #tpu.memory_space<vmem>> -> memref<128xi32, #tpu.memory_space<vmem>>
        %dma_start3A_754 = arith.constant 0 : i32
        %dma_start3A_755 = arith.constant 0 : i32
        %dma_start3A_756 = tpu.memref_slice %arg2[%dma_start3A_754, %dma_start3A_755] : memref<200000x16xf32, #tpu.memory_space<hbm>> -> memref<200000x16xf32, #tpu.memory_space<hbm>>
        tpu.enqueue_indirect_dma source(%dma_start3A_756 : memref<200000x16xf32, #tpu.memory_space<hbm>>) target(%dma_start3A_750 : memref<128x16xf32, #tpu.memory_space<vmem>>) offsets(%dma_start3A_753 : memref<128xi32, #tpu.memory_space<vmem>>) semaphore(%arg20 : memref<!tpu.dma_semaphore, #tpu.memory_space<semaphore_mem>>)
      } else {
      }
      %scan3A_645 = arith.constant 0 : i32
      %scan3A_646 = arith.constant 0 : i32
      %scan3A_647 = arith.constant 4 : i32
      %scan3A_648 = arith.addi %scan3A_646, %scan3A_647 : i32
      %scan3A_649 = arith.constant 1 : i32
      %scan3A_650 = scf.for %scan3A_693 = %scan3A_646 to %scan3A_648 step %scan3A_649 iter_args(%scan3A_694 = %scan3A_645) -> (i32)  : i32 {
        %scan3A_695 = arith.constant 0 : i32
        %scan3A_696 = arith.constant 0 : i32
        %scan3A_697 = arith.constant 8 : i32
        %scan3A_698 = arith.addi %scan3A_696, %scan3A_697 : i32
        %scan3A_699 = arith.constant 1 : i32
        %scan3A_700 = scf.for %scan3A_703 = %scan3A_696 to %scan3A_698 step %scan3A_699 iter_args(%scan3A_704 = %scan3A_695) -> (i32)  : i32 {
          %mul3A_705 = arith.constant 16 : i32
          %mul3A_706 = arith.muli %scan3A_703, %mul3A_705 : i32
          %get3A = arith.index_cast %scan3A_693 : i32 to index
          %get3A_707 = arith.index_cast %mul3A_706 : i32 to index
          %get3A_708 = tpu.vector_load %arg17[%get3A, %get3A_707] {strides = array<i32>} : memref<4x128xf32, #tpu.memory_space<vmem>>, vector<1x16xf32>,
          %get3A_709 = vector.shape_cast %get3A_708 : vector<1x16xf32> to vector<16xf32>
          %mul3A_710 = arith.constant 128 : i32
          %mul3A_711 = arith.muli %scan3A_693, %mul3A_710 : i32
          %add3A_712 = arith.addi %mul3A_711, %mul3A_706 : i32
          %add3A_713 = arith.constant 0 : i32
          %add3A_714 = arith.addi %add3A_712, %add3A_713 : i32
          %get3A_715 = arith.index_cast %add3A_714 : i32 to index
          %get3A_716 = arith.constant 0 : index
          %get3A_717 = tpu.vector_load %arg18[%get3A_715, %get3A_716] {strides = array<i32>} : memref<512x16xf32, #tpu.memory_space<vmem>>, vector<1x16xf32>,
          %get3A_718 = vector.shape_cast %get3A_717 : vector<1x16xf32> to vector<16xf32>
          %slice3A = vector.extract_strided_slice %get3A_709 {offsets = [0], sizes = [1], strides = [1]} : vector<16xf32> to vector<1xf32>
          %squeeze3A = vector.extract %slice3A[0] : f32 from vector<1xf32>
          %mul3A_719 = vector.broadcast %squeeze3A : f32 to vector<16xf32>
          %mul3A_720 = arith.mulf %get3A_718, %mul3A_719 : vector<16xf32>
          %swap3A = arith.index_cast %add3A_714 : i32 to index
          %swap3A_721 = arith.constant 0 : index
          %swap3A_722 = tpu.vector_load %arg18[%swap3A, %swap3A_721] {strides = array<i32>} : memref<512x16xf32, #tpu.memory_space<vmem>>, vector<1x16xf32>,
          %swap3A_723 = vector.shape_cast %swap3A_722 : vector<1x16xf32> to vector<16xf32>
          %swap3A_724 = vector.shape_cast %mul3A_720 : vector<16xf32> to vector<1x16xf32>
          tpu.vector_store %arg18[%swap3A, %swap3A_721], %swap3A_724 {strides = array<i32>} : memref<512x16xf32, #tpu.memory_space<vmem>>, vector<1x16xf32>,
          %mul3A_725 = arith.constant 128 : i32
          %mul3A_726 = arith.muli %scan3A_693, %mul3A_725 : i32
          %add3A_727 = arith.addi %mul3A_726, %mul3A_706 : i32
          %add3A_728 = arith.constant 1 : i32
          %add3A_729 = arith.addi %add3A_727, %add3A_728 : i32
          %get3A_730 = arith.index_cast %add3A_729 : i32 to index
          %get3A_731 = arith.constant 0 : index
          %get3A_732 = tpu.vector_load %arg18[%get3A_730, %get3A_731] {strides = array<i32>} : memref<512x16xf32, #tpu.memory_space<vmem>>, vector<1x16xf32>,
          %get3A_733 = vector.shape_cast %get3A_732 : vector<1x16xf32> to vector<16xf32>
          %slice3A_734 = vector.extract_strided_slice %get3A_709 {offsets = [1], sizes = [1], strides = [1]} : vector<16xf32> to vector<1xf32>
          %squeeze3A_735 = vector.extract %slice3A_734[0] : f32 from vector<1xf32>
          %mul3A_736 = vector.broadcast %squeeze3A_735 : f32 to vector<16xf32>
          %mul3A_737 = arith.mulf %get3A_733, %mul3A_736 : vector<16xf32>
          %swap3A_738 = arith.index_cast %add3A_729 : i32 to index
          %swap3A_739 = arith.constant 0 : index
          %swap3A_740 = tpu.vector_load %arg18[%swap3A_738, %swap3A_739] {strides = array<i32>} : memref<512x16xf32, #tpu.memory_space<vmem>>, vector<1x16xf32>,
          %swap3A_741 = vector.shape_cast %swap3A_740 : vector<1x16xf32> to vector<16xf32>
          %swap3A_742 = vector.shape_cast %mul3A_737 : vector<16xf32> to vector<1x16xf32>
          tpu.vector_store %arg18[%swap3A_738, %swap3A_739], %swap3A_742 {strides = array<i32>} : memref<512x16xf32, #tpu.memory_space<vmem>>, vector<1x16xf32>,
          %mul3A_743 = arith.constant 128 : i32
          %mul3A_744 = arith.muli %scan3A_693, %mul3A_743 : i32
          %add3A_745 = arith.addi %mul3A_744, %mul3A_706 : i32
          %add3A_746 = arith.constant 2 : i32
          %add3A_747 = arith.addi %add3A_745, %add3A_746 : i32
          %get3A_748 = arith.index_cast %add3A_747 : i32 to index
          %get3A_749 = arith.constant 0 : index
          %get3A_750 = tpu.vector_load %arg18[%get3A_748, %get3A_749] {strides = array<i32>} : memref<512x16xf32, #tpu.memory_space<vmem>>, vector<1x16xf32>,
          %get3A_751 = vector.shape_cast %get3A_750 : vector<1x16xf32> to vector<16xf32>
          %slice3A_752 = vector.extract_strided_slice %get3A_709 {offsets = [2], sizes = [1], strides = [1]} : vector<16xf32> to vector<1xf32>
          %squeeze3A_753 = vector.extract %slice3A_752[0] : f32 from vector<1xf32>
          %mul3A_754 = vector.broadcast %squeeze3A_753 : f32 to vector<16xf32>
          %mul3A_755 = arith.mulf %get3A_751, %mul3A_754 : vector<16xf32>
          %swap3A_756 = arith.index_cast %add3A_747 : i32 to index
          %swap3A_757 = arith.constant 0 : index
          %swap3A_758 = tpu.vector_load %arg18[%swap3A_756, %swap3A_757] {strides = array<i32>} : memref<512x16xf32, #tpu.memory_space<vmem>>, vector<1x16xf32>,
          %swap3A_759 = vector.shape_cast %swap3A_758 : vector<1x16xf32> to vector<16xf32>
          %swap3A_760 = vector.shape_cast %mul3A_755 : vector<16xf32> to vector<1x16xf32>
          tpu.vector_store %arg18[%swap3A_756, %swap3A_757], %swap3A_760 {strides = array<i32>} : memref<512x16xf32, #tpu.memory_space<vmem>>, vector<1x16xf32>,
          %mul3A_761 = arith.constant 128 : i32
          %mul3A_762 = arith.muli %scan3A_693, %mul3A_761 : i32
          %add3A_763 = arith.addi %mul3A_762, %mul3A_706 : i32
          %add3A_764 = arith.constant 3 : i32
          %add3A_765 = arith.addi %add3A_763, %add3A_764 : i32
          %get3A_766 = arith.index_cast %add3A_765 : i32 to index
          %get3A_767 = arith.constant 0 : index
          %get3A_768 = tpu.vector_load %arg18[%get3A_766, %get3A_767] {strides = array<i32>} : memref<512x16xf32, #tpu.memory_space<vmem>>, vector<1x16xf32>,
          %get3A_769 = vector.shape_cast %get3A_768 : vector<1x16xf32> to vector<16xf32>
          %slice3A_770 = vector.extract_strided_slice %get3A_709 {offsets = [3], sizes = [1], strides = [1]} : vector<16xf32> to vector<1xf32>
          %squeeze3A_771 = vector.extract %slice3A_770[0] : f32 from vector<1xf32>
          %mul3A_772 = vector.broadcast %squeeze3A_771 : f32 to vector<16xf32>
          %mul3A_773 = arith.mulf %get3A_769, %mul3A_772 : vector<16xf32>
          %swap3A_774 = arith.index_cast %add3A_765 : i32 to index
          %swap3A_775 = arith.constant 0 : index
          %swap3A_776 = tpu.vector_load %arg18[%swap3A_774, %swap3A_775] {strides = array<i32>} : memref<512x16xf32, #tpu.memory_space<vmem>>, vector<1x16xf32>,
          %swap3A_777 = vector.shape_cast %swap3A_776 : vector<1x16xf32> to vector<16xf32>
          %swap3A_778 = vector.shape_cast %mul3A_773 : vector<16xf32> to vector<1x16xf32>
          tpu.vector_store %arg18[%swap3A_774, %swap3A_775], %swap3A_778 {strides = array<i32>} : memref<512x16xf32, #tpu.memory_space<vmem>>, vector<1x16xf32>,
          %mul3A_779 = arith.constant 128 : i32
          %mul3A_780 = arith.muli %scan3A_693, %mul3A_779 : i32
          %add3A_781 = arith.addi %mul3A_780, %mul3A_706 : i32
          %add3A_782 = arith.constant 4 : i32
          %add3A_783 = arith.addi %add3A_781, %add3A_782 : i32
          %get3A_784 = arith.index_cast %add3A_783 : i32 to index
          %get3A_785 = arith.constant 0 : index
          %get3A_786 = tpu.vector_load %arg18[%get3A_784, %get3A_785] {strides = array<i32>} : memref<512x16xf32, #tpu.memory_space<vmem>>, vector<1x16xf32>,
          %get3A_787 = vector.shape_cast %get3A_786 : vector<1x16xf32> to vector<16xf32>
          %slice3A_788 = vector.extract_strided_slice %get3A_709 {offsets = [4], sizes = [1], strides = [1]} : vector<16xf32> to vector<1xf32>
          %squeeze3A_789 = vector.extract %slice3A_788[0] : f32 from vector<1xf32>
          %mul3A_790 = vector.broadcast %squeeze3A_789 : f32 to vector<16xf32>
          %mul3A_791 = arith.mulf %get3A_787, %mul3A_790 : vector<16xf32>
          %swap3A_792 = arith.index_cast %add3A_783 : i32 to index
          %swap3A_793 = arith.constant 0 : index
          %swap3A_794 = tpu.vector_load %arg18[%swap3A_792, %swap3A_793] {strides = array<i32>} : memref<512x16xf32, #tpu.memory_space<vmem>>, vector<1x16xf32>,
          %swap3A_795 = vector.shape_cast %swap3A_794 : vector<1x16xf32> to vector<16xf32>
          %swap3A_796 = vector.shape_cast %mul3A_791 : vector<16xf32> to vector<1x16xf32>
          tpu.vector_store %arg18[%swap3A_792, %swap3A_793], %swap3A_796 {strides = array<i32>} : memref<512x16xf32, #tpu.memory_space<vmem>>, vector<1x16xf32>,
          %mul3A_797 = arith.constant 128 : i32
          %mul3A_798 = arith.muli %scan3A_693, %mul3A_797 : i32
          %add3A_799 = arith.addi %mul3A_798, %mul3A_706 : i32
          %add3A_800 = arith.constant 5 : i32
          %add3A_801 = arith.addi %add3A_799, %add3A_800 : i32
          %get3A_802 = arith.index_cast %add3A_801 : i32 to index
          %get3A_803 = arith.constant 0 : index
          %get3A_804 = tpu.vector_load %arg18[%get3A_802, %get3A_803] {strides = array<i32>} : memref<512x16xf32, #tpu.memory_space<vmem>>, vector<1x16xf32>,
          %get3A_805 = vector.shape_cast %get3A_804 : vector<1x16xf32> to vector<16xf32>
          %slice3A_806 = vector.extract_strided_slice %get3A_709 {offsets = [5], sizes = [1], strides = [1]} : vector<16xf32> to vector<1xf32>
          %squeeze3A_807 = vector.extract %slice3A_806[0] : f32 from vector<1xf32>
          %mul3A_808 = vector.broadcast %squeeze3A_807 : f32 to vector<16xf32>
          %mul3A_809 = arith.mulf %get3A_805, %mul3A_808 : vector<16xf32>
          %swap3A_810 = arith.index_cast %add3A_801 : i32 to index
          %swap3A_811 = arith.constant 0 : index
          %swap3A_812 = tpu.vector_load %arg18[%swap3A_810, %swap3A_811] {strides = array<i32>} : memref<512x16xf32, #tpu.memory_space<vmem>>, vector<1x16xf32>,
          %swap3A_813 = vector.shape_cast %swap3A_812 : vector<1x16xf32> to vector<16xf32>
          %swap3A_814 = vector.shape_cast %mul3A_809 : vector<16xf32> to vector<1x16xf32>
          tpu.vector_store %arg18[%swap3A_810, %swap3A_811], %swap3A_814 {strides = array<i32>} : memref<512x16xf32, #tpu.memory_space<vmem>>, vector<1x16xf32>,
          %mul3A_815 = arith.constant 128 : i32
          %mul3A_816 = arith.muli %scan3A_693, %mul3A_815 : i32
          %add3A_817 = arith.addi %mul3A_816, %mul3A_706 : i32
          %add3A_818 = arith.constant 6 : i32
          %add3A_819 = arith.addi %add3A_817, %add3A_818 : i32
          %get3A_820 = arith.index_cast %add3A_819 : i32 to index
          %get3A_821 = arith.constant 0 : index
          %get3A_822 = tpu.vector_load %arg18[%get3A_820, %get3A_821] {strides = array<i32>} : memref<512x16xf32, #tpu.memory_space<vmem>>, vector<1x16xf32>,
          %get3A_823 = vector.shape_cast %get3A_822 : vector<1x16xf32> to vector<16xf32>
          %slice3A_824 = vector.extract_strided_slice %get3A_709 {offsets = [6], sizes = [1], strides = [1]} : vector<16xf32> to vector<1xf32>
          %squeeze3A_825 = vector.extract %slice3A_824[0] : f32 from vector<1xf32>
          %mul3A_826 = vector.broadcast %squeeze3A_825 : f32 to vector<16xf32>
          %mul3A_827 = arith.mulf %get3A_823, %mul3A_826 : vector<16xf32>
          %swap3A_828 = arith.index_cast %add3A_819 : i32 to index
          %swap3A_829 = arith.constant 0 : index
          %swap3A_830 = tpu.vector_load %arg18[%swap3A_828, %swap3A_829] {strides = array<i32>} : memref<512x16xf32, #tpu.memory_space<vmem>>, vector<1x16xf32>,
          %swap3A_831 = vector.shape_cast %swap3A_830 : vector<1x16xf32> to vector<16xf32>
          %swap3A_832 = vector.shape_cast %mul3A_827 : vector<16xf32> to vector<1x16xf32>
          tpu.vector_store %arg18[%swap3A_828, %swap3A_829], %swap3A_832 {strides = array<i32>} : memref<512x16xf32, #tpu.memory_space<vmem>>, vector<1x16xf32>,
          %mul3A_833 = arith.constant 128 : i32
          %mul3A_834 = arith.muli %scan3A_693, %mul3A_833 : i32
          %add3A_835 = arith.addi %mul3A_834, %mul3A_706 : i32
          %add3A_836 = arith.constant 7 : i32
          %add3A_837 = arith.addi %add3A_835, %add3A_836 : i32
          %get3A_838 = arith.index_cast %add3A_837 : i32 to index
          %get3A_839 = arith.constant 0 : index
          %get3A_840 = tpu.vector_load %arg18[%get3A_838, %get3A_839] {strides = array<i32>} : memref<512x16xf32, #tpu.memory_space<vmem>>, vector<1x16xf32>,
          %get3A_841 = vector.shape_cast %get3A_840 : vector<1x16xf32> to vector<16xf32>
          %slice3A_842 = vector.extract_strided_slice %get3A_709 {offsets = [7], sizes = [1], strides = [1]} : vector<16xf32> to vector<1xf32>
          %squeeze3A_843 = vector.extract %slice3A_842[0] : f32 from vector<1xf32>
          %mul3A_844 = vector.broadcast %squeeze3A_843 : f32 to vector<16xf32>
          %mul3A_845 = arith.mulf %get3A_841, %mul3A_844 : vector<16xf32>
          %swap3A_846 = arith.index_cast %add3A_837 : i32 to index
          %swap3A_847 = arith.constant 0 : index
          %swap3A_848 = tpu.vector_load %arg18[%swap3A_846, %swap3A_847] {strides = array<i32>} : memref<512x16xf32, #tpu.memory_space<vmem>>, vector<1x16xf32>,
          %swap3A_849 = vector.shape_cast %swap3A_848 : vector<1x16xf32> to vector<16xf32>
          %swap3A_850 = vector.shape_cast %mul3A_845 : vector<16xf32> to vector<1x16xf32>
          tpu.vector_store %arg18[%swap3A_846, %swap3A_847], %swap3A_850 {strides = array<i32>} : memref<512x16xf32, #tpu.memory_space<vmem>>, vector<1x16xf32>,
          %mul3A_851 = arith.constant 128 : i32
          %mul3A_852 = arith.muli %scan3A_693, %mul3A_851 : i32
          %add3A_853 = arith.addi %mul3A_852, %mul3A_706 : i32
          %add3A_854 = arith.constant 8 : i32
          %add3A_855 = arith.addi %add3A_853, %add3A_854 : i32
          %get3A_856 = arith.index_cast %add3A_855 : i32 to index
          %get3A_857 = arith.constant 0 : index
          %get3A_858 = tpu.vector_load %arg18[%get3A_856, %get3A_857] {strides = array<i32>} : memref<512x16xf32, #tpu.memory_space<vmem>>, vector<1x16xf32>,
          %get3A_859 = vector.shape_cast %get3A_858 : vector<1x16xf32> to vector<16xf32>
          %slice3A_860 = vector.extract_strided_slice %get3A_709 {offsets = [8], sizes = [1], strides = [1]} : vector<16xf32> to vector<1xf32>
          %squeeze3A_861 = vector.extract %slice3A_860[0] : f32 from vector<1xf32>
          %mul3A_862 = vector.broadcast %squeeze3A_861 : f32 to vector<16xf32>
          %mul3A_863 = arith.mulf %get3A_859, %mul3A_862 : vector<16xf32>
          %swap3A_864 = arith.index_cast %add3A_855 : i32 to index
          %swap3A_865 = arith.constant 0 : index
          %swap3A_866 = tpu.vector_load %arg18[%swap3A_864, %swap3A_865] {strides = array<i32>} : memref<512x16xf32, #tpu.memory_space<vmem>>, vector<1x16xf32>,
          %swap3A_867 = vector.shape_cast %swap3A_866 : vector<1x16xf32> to vector<16xf32>
          %swap3A_868 = vector.shape_cast %mul3A_863 : vector<16xf32> to vector<1x16xf32>
          tpu.vector_store %arg18[%swap3A_864, %swap3A_865], %swap3A_868 {strides = array<i32>} : memref<512x16xf32, #tpu.memory_space<vmem>>, vector<1x16xf32>,
          %mul3A_869 = arith.constant 128 : i32
          %mul3A_870 = arith.muli %scan3A_693, %mul3A_869 : i32
          %add3A_871 = arith.addi %mul3A_870, %mul3A_706 : i32
          %add3A_872 = arith.constant 9 : i32
          %add3A_873 = arith.addi %add3A_871, %add3A_872 : i32
          %get3A_874 = arith.index_cast %add3A_873 : i32 to index
          %get3A_875 = arith.constant 0 : index
          %get3A_876 = tpu.vector_load %arg18[%get3A_874, %get3A_875] {strides = array<i32>} : memref<512x16xf32, #tpu.memory_space<vmem>>, vector<1x16xf32>,
          %get3A_877 = vector.shape_cast %get3A_876 : vector<1x16xf32> to vector<16xf32>
          %slice3A_878 = vector.extract_strided_slice %get3A_709 {offsets = [9], sizes = [1], strides = [1]} : vector<16xf32> to vector<1xf32>
          %squeeze3A_879 = vector.extract %slice3A_878[0] : f32 from vector<1xf32>
          %mul3A_880 = vector.broadcast %squeeze3A_879 : f32 to vector<16xf32>
          %mul3A_881 = arith.mulf %get3A_877, %mul3A_880 : vector<16xf32>
          %swap3A_882 = arith.index_cast %add3A_873 : i32 to index
          %swap3A_883 = arith.constant 0 : index
          %swap3A_884 = tpu.vector_load %arg18[%swap3A_882, %swap3A_883] {strides = array<i32>} : memref<512x16xf32, #tpu.memory_space<vmem>>, vector<1x16xf32>,
          %swap3A_885 = vector.shape_cast %swap3A_884 : vector<1x16xf32> to vector<16xf32>
          %swap3A_886 = vector.shape_cast %mul3A_881 : vector<16xf32> to vector<1x16xf32>
          tpu.vector_store %arg18[%swap3A_882, %swap3A_883], %swap3A_886 {strides = array<i32>} : memref<512x16xf32, #tpu.memory_space<vmem>>, vector<1x16xf32>,
          %mul3A_887 = arith.constant 128 : i32
          %mul3A_888 = arith.muli %scan3A_693, %mul3A_887 : i32
          %add3A_889 = arith.addi %mul3A_888, %mul3A_706 : i32
          %add3A_890 = arith.constant 10 : i32
          %add3A_891 = arith.addi %add3A_889, %add3A_890 : i32
          %get3A_892 = arith.index_cast %add3A_891 : i32 to index
          %get3A_893 = arith.constant 0 : index
          %get3A_894 = tpu.vector_load %arg18[%get3A_892, %get3A_893] {strides = array<i32>} : memref<512x16xf32, #tpu.memory_space<vmem>>, vector<1x16xf32>,
          %get3A_895 = vector.shape_cast %get3A_894 : vector<1x16xf32> to vector<16xf32>
          %slice3A_896 = vector.extract_strided_slice %get3A_709 {offsets = [10], sizes = [1], strides = [1]} : vector<16xf32> to vector<1xf32>
          %squeeze3A_897 = vector.extract %slice3A_896[0] : f32 from vector<1xf32>
          %mul3A_898 = vector.broadcast %squeeze3A_897 : f32 to vector<16xf32>
          %mul3A_899 = arith.mulf %get3A_895, %mul3A_898 : vector<16xf32>
          %swap3A_900 = arith.index_cast %add3A_891 : i32 to index
          %swap3A_901 = arith.constant 0 : index
          %swap3A_902 = tpu.vector_load %arg18[%swap3A_900, %swap3A_901] {strides = array<i32>} : memref<512x16xf32, #tpu.memory_space<vmem>>, vector<1x16xf32>,
          %swap3A_903 = vector.shape_cast %swap3A_902 : vector<1x16xf32> to vector<16xf32>
          %swap3A_904 = vector.shape_cast %mul3A_899 : vector<16xf32> to vector<1x16xf32>
          tpu.vector_store %arg18[%swap3A_900, %swap3A_901], %swap3A_904 {strides = array<i32>} : memref<512x16xf32, #tpu.memory_space<vmem>>, vector<1x16xf32>,
          %mul3A_905 = arith.constant 128 : i32
          %mul3A_906 = arith.muli %scan3A_693, %mul3A_905 : i32
          %add3A_907 = arith.addi %mul3A_906, %mul3A_706 : i32
          %add3A_908 = arith.constant 11 : i32
          %add3A_909 = arith.addi %add3A_907, %add3A_908 : i32
          %get3A_910 = arith.index_cast %add3A_909 : i32 to index
          %get3A_911 = arith.constant 0 : index
          %get3A_912 = tpu.vector_load %arg18[%get3A_910, %get3A_911] {strides = array<i32>} : memref<512x16xf32, #tpu.memory_space<vmem>>, vector<1x16xf32>,
          %get3A_913 = vector.shape_cast %get3A_912 : vector<1x16xf32> to vector<16xf32>
          %slice3A_914 = vector.extract_strided_slice %get3A_709 {offsets = [11], sizes = [1], strides = [1]} : vector<16xf32> to vector<1xf32>
          %squeeze3A_915 = vector.extract %slice3A_914[0] : f32 from vector<1xf32>
          %mul3A_916 = vector.broadcast %squeeze3A_915 : f32 to vector<16xf32>
          %mul3A_917 = arith.mulf %get3A_913, %mul3A_916 : vector<16xf32>
          %swap3A_918 = arith.index_cast %add3A_909 : i32 to index
          %swap3A_919 = arith.constant 0 : index
          %swap3A_920 = tpu.vector_load %arg18[%swap3A_918, %swap3A_919] {strides = array<i32>} : memref<512x16xf32, #tpu.memory_space<vmem>>, vector<1x16xf32>,
          %swap3A_921 = vector.shape_cast %swap3A_920 : vector<1x16xf32> to vector<16xf32>
          %swap3A_922 = vector.shape_cast %mul3A_917 : vector<16xf32> to vector<1x16xf32>
          tpu.vector_store %arg18[%swap3A_918, %swap3A_919], %swap3A_922 {strides = array<i32>} : memref<512x16xf32, #tpu.memory_space<vmem>>, vector<1x16xf32>,
          %mul3A_923 = arith.constant 128 : i32
          %mul3A_924 = arith.muli %scan3A_693, %mul3A_923 : i32
          %add3A_925 = arith.addi %mul3A_924, %mul3A_706 : i32
          %add3A_926 = arith.constant 12 : i32
          %add3A_927 = arith.addi %add3A_925, %add3A_926 : i32
          %get3A_928 = arith.index_cast %add3A_927 : i32 to index
          %get3A_929 = arith.constant 0 : index
          %get3A_930 = tpu.vector_load %arg18[%get3A_928, %get3A_929] {strides = array<i32>} : memref<512x16xf32, #tpu.memory_space<vmem>>, vector<1x16xf32>,
          %get3A_931 = vector.shape_cast %get3A_930 : vector<1x16xf32> to vector<16xf32>
          %slice3A_932 = vector.extract_strided_slice %get3A_709 {offsets = [12], sizes = [1], strides = [1]} : vector<16xf32> to vector<1xf32>
          %squeeze3A_933 = vector.extract %slice3A_932[0] : f32 from vector<1xf32>
          %mul3A_934 = vector.broadcast %squeeze3A_933 : f32 to vector<16xf32>
          %mul3A_935 = arith.mulf %get3A_931, %mul3A_934 : vector<16xf32>
          %swap3A_936 = arith.index_cast %add3A_927 : i32 to index
          %swap3A_937 = arith.constant 0 : index
          %swap3A_938 = tpu.vector_load %arg18[%swap3A_936, %swap3A_937] {strides = array<i32>} : memref<512x16xf32, #tpu.memory_space<vmem>>, vector<1x16xf32>,
          %swap3A_939 = vector.shape_cast %swap3A_938 : vector<1x16xf32> to vector<16xf32>
          %swap3A_940 = vector.shape_cast %mul3A_935 : vector<16xf32> to vector<1x16xf32>
          tpu.vector_store %arg18[%swap3A_936, %swap3A_937], %swap3A_940 {strides = array<i32>} : memref<512x16xf32, #tpu.memory_space<vmem>>, vector<1x16xf32>,
          %mul3A_941 = arith.constant 128 : i32
          %mul3A_942 = arith.muli %scan3A_693, %mul3A_941 : i32
          %add3A_943 = arith.addi %mul3A_942, %mul3A_706 : i32
          %add3A_944 = arith.constant 13 : i32
          %add3A_945 = arith.addi %add3A_943, %add3A_944 : i32
          %get3A_946 = arith.index_cast %add3A_945 : i32 to index
          %get3A_947 = arith.constant 0 : index
          %get3A_948 = tpu.vector_load %arg18[%get3A_946, %get3A_947] {strides = array<i32>} : memref<512x16xf32, #tpu.memory_space<vmem>>, vector<1x16xf32>,
          %get3A_949 = vector.shape_cast %get3A_948 : vector<1x16xf32> to vector<16xf32>
          %slice3A_950 = vector.extract_strided_slice %get3A_709 {offsets = [13], sizes = [1], strides = [1]} : vector<16xf32> to vector<1xf32>
          %squeeze3A_951 = vector.extract %slice3A_950[0] : f32 from vector<1xf32>
          %mul3A_952 = vector.broadcast %squeeze3A_951 : f32 to vector<16xf32>
          %mul3A_953 = arith.mulf %get3A_949, %mul3A_952 : vector<16xf32>
          %swap3A_954 = arith.index_cast %add3A_945 : i32 to index
          %swap3A_955 = arith.constant 0 : index
          %swap3A_956 = tpu.vector_load %arg18[%swap3A_954, %swap3A_955] {strides = array<i32>} : memref<512x16xf32, #tpu.memory_space<vmem>>, vector<1x16xf32>,
          %swap3A_957 = vector.shape_cast %swap3A_956 : vector<1x16xf32> to vector<16xf32>
          %swap3A_958 = vector.shape_cast %mul3A_953 : vector<16xf32> to vector<1x16xf32>
          tpu.vector_store %arg18[%swap3A_954, %swap3A_955], %swap3A_958 {strides = array<i32>} : memref<512x16xf32, #tpu.memory_space<vmem>>, vector<1x16xf32>,
          %mul3A_959 = arith.constant 128 : i32
          %mul3A_960 = arith.muli %scan3A_693, %mul3A_959 : i32
          %add3A_961 = arith.addi %mul3A_960, %mul3A_706 : i32
          %add3A_962 = arith.constant 14 : i32
          %add3A_963 = arith.addi %add3A_961, %add3A_962 : i32
          %get3A_964 = arith.index_cast %add3A_963 : i32 to index
          %get3A_965 = arith.constant 0 : index
          %get3A_966 = tpu.vector_load %arg18[%get3A_964, %get3A_965] {strides = array<i32>} : memref<512x16xf32, #tpu.memory_space<vmem>>, vector<1x16xf32>,
          %get3A_967 = vector.shape_cast %get3A_966 : vector<1x16xf32> to vector<16xf32>
          %slice3A_968 = vector.extract_strided_slice %get3A_709 {offsets = [14], sizes = [1], strides = [1]} : vector<16xf32> to vector<1xf32>
          %squeeze3A_969 = vector.extract %slice3A_968[0] : f32 from vector<1xf32>
          %mul3A_970 = vector.broadcast %squeeze3A_969 : f32 to vector<16xf32>
          %mul3A_971 = arith.mulf %get3A_967, %mul3A_970 : vector<16xf32>
          %swap3A_972 = arith.index_cast %add3A_963 : i32 to index
          %swap3A_973 = arith.constant 0 : index
          %swap3A_974 = tpu.vector_load %arg18[%swap3A_972, %swap3A_973] {strides = array<i32>} : memref<512x16xf32, #tpu.memory_space<vmem>>, vector<1x16xf32>,
          %swap3A_975 = vector.shape_cast %swap3A_974 : vector<1x16xf32> to vector<16xf32>
          %swap3A_976 = vector.shape_cast %mul3A_971 : vector<16xf32> to vector<1x16xf32>
          tpu.vector_store %arg18[%swap3A_972, %swap3A_973], %swap3A_976 {strides = array<i32>} : memref<512x16xf32, #tpu.memory_space<vmem>>, vector<1x16xf32>,
          %mul3A_977 = arith.constant 128 : i32
          %mul3A_978 = arith.muli %scan3A_693, %mul3A_977 : i32
          %add3A_979 = arith.addi %mul3A_978, %mul3A_706 : i32
          %add3A_980 = arith.constant 15 : i32
          %add3A_981 = arith.addi %add3A_979, %add3A_980 : i32
          %get3A_982 = arith.index_cast %add3A_981 : i32 to index
          %get3A_983 = arith.constant 0 : index
          %get3A_984 = tpu.vector_load %arg18[%get3A_982, %get3A_983] {strides = array<i32>} : memref<512x16xf32, #tpu.memory_space<vmem>>, vector<1x16xf32>,
          %get3A_985 = vector.shape_cast %get3A_984 : vector<1x16xf32> to vector<16xf32>
          %slice3A_986 = vector.extract_strided_slice %get3A_709 {offsets = [15], sizes = [1], strides = [1]} : vector<16xf32> to vector<1xf32>
          %squeeze3A_987 = vector.extract %slice3A_986[0] : f32 from vector<1xf32>
          %mul3A_988 = vector.broadcast %squeeze3A_987 : f32 to vector<16xf32>
          %mul3A_989 = arith.mulf %get3A_985, %mul3A_988 : vector<16xf32>
          %swap3A_990 = arith.index_cast %add3A_981 : i32 to index
          %swap3A_991 = arith.constant 0 : index
          %swap3A_992 = tpu.vector_load %arg18[%swap3A_990, %swap3A_991] {strides = array<i32>} : memref<512x16xf32, #tpu.memory_space<vmem>>, vector<1x16xf32>,
          %swap3A_993 = vector.shape_cast %swap3A_992 : vector<1x16xf32> to vector<16xf32>
          %swap3A_994 = vector.shape_cast %mul3A_989 : vector<16xf32> to vector<1x16xf32>
          tpu.vector_store %arg18[%swap3A_990, %swap3A_991], %swap3A_994 {strides = array<i32>} : memref<512x16xf32, #tpu.memory_space<vmem>>, vector<1x16xf32>,
          %scan3A_995 = arith.constant 0 : i32
          scf.yield %scan3A_995 : i32
        }
        %scan3A_701 = arith.constant 8 : i32
        %scan3A_702 = arith.constant 0 : i32
        scf.yield %scan3A_702 : i32
      }
      %scan3A_651 = arith.constant 4 : i32
      %dma_start3A_652 = arith.constant 0 : i32
      %dma_start3A_653 = arith.constant 0 : i32
      %dma_start3A_654 = arith.constant 0 : i32
      %dma_start3A_655 = tpu.memref_slice %arg18[%dma_start3A_653, %dma_start3A_654] : memref<512x16xf32, #tpu.memory_space<vmem>> -> memref<128x16xf32, #tpu.memory_space<vmem>>
      %dma_start3A_656 = arith.constant 0 : i32
      %dma_start3A_657 = tpu.memref_slice %arg16[%dma_start3A_652, %dma_start3A_656] : memref<4x128xi32, #tpu.memory_space<vmem>> -> memref<1x128xi32, #tpu.memory_space<vmem>>
      %dma_start3A_658 = tpu.memref_squeeze %dma_start3A_657 : memref<1x128xi32, #tpu.memory_space<vmem>> -> memref<128xi32, #tpu.memory_space<vmem>>
      %dma_start3A_659 = arith.constant 0 : i32
      %dma_start3A_660 = arith.constant 0 : i32
      %dma_start3A_661 = tpu.memref_slice %arg19[%dma_start3A_659, %dma_start3A_660] : memref<100096x16xf32, #tpu.memory_space<vmem_shared>> -> memref<100096x16xf32, #tpu.memory_space<vmem_shared>>
      tpu.enqueue_indirect_dma source(%dma_start3A_655 : memref<128x16xf32, #tpu.memory_space<vmem>>) target(%dma_start3A_661 : memref<100096x16xf32, #tpu.memory_space<vmem_shared>>) offsets(%dma_start3A_658 : memref<128xi32, #tpu.memory_space<vmem>>) semaphore(%arg24 : memref<!tpu.dma_semaphore, #tpu.memory_space<semaphore_mem>>) {add = true}
      %dma_start3A_662 = arith.constant 1 : i32
      %dma_start3A_663 = arith.constant 128 : i32
      %dma_start3A_664 = arith.constant 0 : i32
      %dma_start3A_665 = tpu.memref_slice %arg18[%dma_start3A_663, %dma_start3A_664] : memref<512x16xf32, #tpu.memory_space<vmem>> -> memref<128x16xf32, #tpu.memory_space<vmem>>
      %dma_start3A_666 = arith.constant 0 : i32
      %dma_start3A_667 = tpu.memref_slice %arg16[%dma_start3A_662, %dma_start3A_666] : memref<4x128xi32, #tpu.memory_space<vmem>> -> memref<1x128xi32, #tpu.memory_space<vmem>>
      %dma_start3A_668 = tpu.memref_squeeze %dma_start3A_667 : memref<1x128xi32, #tpu.memory_space<vmem>> -> memref<128xi32, #tpu.memory_space<vmem>>
      %dma_start3A_669 = arith.constant 0 : i32
      %dma_start3A_670 = arith.constant 0 : i32
      %dma_start3A_671 = tpu.memref_slice %arg19[%dma_start3A_669, %dma_start3A_670] : memref<100096x16xf32, #tpu.memory_space<vmem_shared>> -> memref<100096x16xf32, #tpu.memory_space<vmem_shared>>
      tpu.enqueue_indirect_dma source(%dma_start3A_665 : memref<128x16xf32, #tpu.memory_space<vmem>>) target(%dma_start3A_671 : memref<100096x16xf32, #tpu.memory_space<vmem_shared>>) offsets(%dma_start3A_668 : memref<128xi32, #tpu.memory_space<vmem>>) semaphore(%arg24 : memref<!tpu.dma_semaphore, #tpu.memory_space<semaphore_mem>>) {add = true}
      %dma_start3A_672 = arith.constant 2 : i32
      %dma_start3A_673 = arith.constant 256 : i32
      %dma_start3A_674 = arith.constant 0 : i32
      %dma_start3A_675 = tpu.memref_slice %arg18[%dma_start3A_673, %dma_start3A_674] : memref<512x16xf32, #tpu.memory_space<vmem>> -> memref<128x16xf32, #tpu.memory_space<vmem>>
      %dma_start3A_676 = arith.constant 0 : i32
      %dma_start3A_677 = tpu.memref_slice %arg16[%dma_start3A_672, %dma_start3A_676] : memref<4x128xi32, #tpu.memory_space<vmem>> -> memref<1x128xi32, #tpu.memory_space<vmem>>
      %dma_start3A_678 = tpu.memref_squeeze %dma_start3A_677 : memref<1x128xi32, #tpu.memory_space<vmem>> -> memref<128xi32, #tpu.memory_space<vmem>>
      %dma_start3A_679 = arith.constant 0 : i32
      %dma_start3A_680 = arith.constant 0 : i32
      %dma_start3A_681 = tpu.memref_slice %arg19[%dma_start3A_679, %dma_start3A_680] : memref<100096x16xf32, #tpu.memory_space<vmem_shared>> -> memref<100096x16xf32, #tpu.memory_space<vmem_shared>>
      tpu.enqueue_indirect_dma source(%dma_start3A_675 : memref<128x16xf32, #tpu.memory_space<vmem>>) target(%dma_start3A_681 : memref<100096x16xf32, #tpu.memory_space<vmem_shared>>) offsets(%dma_start3A_678 : memref<128xi32, #tpu.memory_space<vmem>>) semaphore(%arg24 : memref<!tpu.dma_semaphore, #tpu.memory_space<semaphore_mem>>) {add = true}
      %dma_start3A_682 = arith.constant 3 : i32
      %dma_start3A_683 = arith.constant 384 : i32
      %dma_start3A_684 = arith.constant 0 : i32
      %dma_start3A_685 = tpu.memref_slice %arg18[%dma_start3A_683, %dma_start3A_684] : memref<512x16xf32, #tpu.memory_space<vmem>> -> memref<128x16xf32, #tpu.memory_space<vmem>>
      %dma_start3A_686 = arith.constant 0 : i32
      %dma_start3A_687 = tpu.memref_slice %arg16[%dma_start3A_682, %dma_start3A_686] : memref<4x128xi32, #tpu.memory_space<vmem>> -> memref<1x128xi32, #tpu.memory_space<vmem>>
      %dma_start3A_688 = tpu.memref_squeeze %dma_start3A_687 : memref<1x128xi32, #tpu.memory_space<vmem>> -> memref<128xi32, #tpu.memory_space<vmem>>
      %dma_start3A_689 = arith.constant 0 : i32
      %dma_start3A_690 = arith.constant 0 : i32
      %dma_start3A_691 = tpu.memref_slice %arg19[%dma_start3A_689, %dma_start3A_690] : memref<100096x16xf32, #tpu.memory_space<vmem_shared>> -> memref<100096x16xf32, #tpu.memory_space<vmem_shared>>
      tpu.enqueue_indirect_dma source(%dma_start3A_685 : memref<128x16xf32, #tpu.memory_space<vmem>>) target(%dma_start3A_691 : memref<100096x16xf32, #tpu.memory_space<vmem_shared>>) offsets(%dma_start3A_688 : memref<128xi32, #tpu.memory_space<vmem>>) semaphore(%arg24 : memref<!tpu.dma_semaphore, #tpu.memory_space<semaphore_mem>>) {add = true}
      %scan3A_692 = arith.constant 0 : i32
      scf.yield %scan3A_692 : i32
    }
    %scan3A_113 = arith.constant 66 : i32
    %dma_wait3A_114 = arith.constant 0 : i32
    %dma_wait3A_115 = arith.constant 0 : i32
    %dma_wait3A_116 = arith.constant 0 : i32
    %dma_wait3A_117 = tpu.memref_slice %arg14[%dma_wait3A_115, %dma_wait3A_116] : memref<512x16xf32, #tpu.memory_space<vmem>> -> memref<128x16xf32, #tpu.memory_space<vmem>>
    %dma_wait3A_118 = arith.constant 0 : i32
    %dma_wait3A_119 = tpu.memref_slice %arg12[%dma_wait3A_114, %dma_wait3A_118] : memref<4x128xi32, #tpu.memory_space<vmem>> -> memref<1x128xi32, #tpu.memory_space<vmem>>
    %dma_wait3A_120 = tpu.memref_squeeze %dma_wait3A_119 : memref<1x128xi32, #tpu.memory_space<vmem>> -> memref<128xi32, #tpu.memory_space<vmem>>
    %dma_wait3A_121 = arith.constant 0 : i32
    %dma_wait3A_122 = arith.constant 0 : i32
    %dma_wait3A_123 = tpu.memref_slice %arg19[%dma_wait3A_121, %dma_wait3A_122] : memref<100096x16xf32, #tpu.memory_space<vmem_shared>> -> memref<100096x16xf32, #tpu.memory_space<vmem_shared>>
    tpu.wait_indirect_dma semaphore(%arg23 : memref<!tpu.dma_semaphore, #tpu.memory_space<semaphore_mem>>) src(%dma_wait3A_117 : memref<128x16xf32, #tpu.memory_space<vmem>>) dst(%dma_wait3A_123 : memref<100096x16xf32, #tpu.memory_space<vmem_shared>>)
    %dma_wait3A_124 = arith.constant 1 : i32
    %dma_wait3A_125 = arith.constant 128 : i32
    %dma_wait3A_126 = arith.constant 0 : i32
    %dma_wait3A_127 = tpu.memref_slice %arg14[%dma_wait3A_125, %dma_wait3A_126] : memref<512x16xf32, #tpu.memory_space<vmem>> -> memref<128x16xf32, #tpu.memory_space<vmem>>
    %dma_wait3A_128 = arith.constant 0 : i32
    %dma_wait3A_129 = tpu.memref_slice %arg12[%dma_wait3A_124, %dma_wait3A_128] : memref<4x128xi32, #tpu.memory_space<vmem>> -> memref<1x128xi32, #tpu.memory_space<vmem>>
    %dma_wait3A_130 = tpu.memref_squeeze %dma_wait3A_129 : memref<1x128xi32, #tpu.memory_space<vmem>> -> memref<128xi32, #tpu.memory_space<vmem>>
    %dma_wait3A_131 = arith.constant 0 : i32
    %dma_wait3A_132 = arith.constant 0 : i32
    %dma_wait3A_133 = tpu.memref_slice %arg19[%dma_wait3A_131, %dma_wait3A_132] : memref<100096x16xf32, #tpu.memory_space<vmem_shared>> -> memref<100096x16xf32, #tpu.memory_space<vmem_shared>>
    tpu.wait_indirect_dma semaphore(%arg23 : memref<!tpu.dma_semaphore, #tpu.memory_space<semaphore_mem>>) src(%dma_wait3A_127 : memref<128x16xf32, #tpu.memory_space<vmem>>) dst(%dma_wait3A_133 : memref<100096x16xf32, #tpu.memory_space<vmem_shared>>)
    %dma_wait3A_134 = arith.constant 2 : i32
    %dma_wait3A_135 = arith.constant 256 : i32
    %dma_wait3A_136 = arith.constant 0 : i32
    %dma_wait3A_137 = tpu.memref_slice %arg14[%dma_wait3A_135, %dma_wait3A_136] : memref<512x16xf32, #tpu.memory_space<vmem>> -> memref<128x16xf32, #tpu.memory_space<vmem>>
    %dma_wait3A_138 = arith.constant 0 : i32
    %dma_wait3A_139 = tpu.memref_slice %arg12[%dma_wait3A_134, %dma_wait3A_138] : memref<4x128xi32, #tpu.memory_space<vmem>> -> memref<1x128xi32, #tpu.memory_space<vmem>>
    %dma_wait3A_140 = tpu.memref_squeeze %dma_wait3A_139 : memref<1x128xi32, #tpu.memory_space<vmem>> -> memref<128xi32, #tpu.memory_space<vmem>>
    %dma_wait3A_141 = arith.constant 0 : i32
    %dma_wait3A_142 = arith.constant 0 : i32
    %dma_wait3A_143 = tpu.memref_slice %arg19[%dma_wait3A_141, %dma_wait3A_142] : memref<100096x16xf32, #tpu.memory_space<vmem_shared>> -> memref<100096x16xf32, #tpu.memory_space<vmem_shared>>
    tpu.wait_indirect_dma semaphore(%arg23 : memref<!tpu.dma_semaphore, #tpu.memory_space<semaphore_mem>>) src(%dma_wait3A_137 : memref<128x16xf32, #tpu.memory_space<vmem>>) dst(%dma_wait3A_143 : memref<100096x16xf32, #tpu.memory_space<vmem_shared>>)
    %dma_wait3A_144 = arith.constant 3 : i32
    %dma_wait3A_145 = arith.constant 384 : i32
    %dma_wait3A_146 = arith.constant 0 : i32
    %dma_wait3A_147 = tpu.memref_slice %arg14[%dma_wait3A_145, %dma_wait3A_146] : memref<512x16xf32, #tpu.memory_space<vmem>> -> memref<128x16xf32, #tpu.memory_space<vmem>>
    %dma_wait3A_148 = arith.constant 0 : i32
    %dma_wait3A_149 = tpu.memref_slice %arg12[%dma_wait3A_144, %dma_wait3A_148] : memref<4x128xi32, #tpu.memory_space<vmem>> -> memref<1x128xi32, #tpu.memory_space<vmem>>
    %dma_wait3A_150 = tpu.memref_squeeze %dma_wait3A_149 : memref<1x128xi32, #tpu.memory_space<vmem>> -> memref<128xi32, #tpu.memory_space<vmem>>
    %dma_wait3A_151 = arith.constant 0 : i32
    %dma_wait3A_152 = arith.constant 0 : i32
    %dma_wait3A_153 = tpu.memref_slice %arg19[%dma_wait3A_151, %dma_wait3A_152] : memref<100096x16xf32, #tpu.memory_space<vmem_shared>> -> memref<100096x16xf32, #tpu.memory_space<vmem_shared>>
    tpu.wait_indirect_dma semaphore(%arg23 : memref<!tpu.dma_semaphore, #tpu.memory_space<semaphore_mem>>) src(%dma_wait3A_147 : memref<128x16xf32, #tpu.memory_space<vmem>>) dst(%dma_wait3A_153 : memref<100096x16xf32, #tpu.memory_space<vmem_shared>>)
    %dma_wait3A_154 = arith.constant 0 : i32
    %dma_wait3A_155 = arith.constant 0 : i32
    %dma_wait3A_156 = arith.constant 0 : i32
    %dma_wait3A_157 = tpu.memref_slice %arg18[%dma_wait3A_155, %dma_wait3A_156] : memref<512x16xf32, #tpu.memory_space<vmem>> -> memref<128x16xf32, #tpu.memory_space<vmem>>
    %dma_wait3A_158 = arith.constant 0 : i32
    %dma_wait3A_159 = tpu.memref_slice %arg16[%dma_wait3A_154, %dma_wait3A_158] : memref<4x128xi32, #tpu.memory_space<vmem>> -> memref<1x128xi32, #tpu.memory_space<vmem>>
    %dma_wait3A_160 = tpu.memref_squeeze %dma_wait3A_159 : memref<1x128xi32, #tpu.memory_space<vmem>> -> memref<128xi32, #tpu.memory_space<vmem>>
    %dma_wait3A_161 = arith.constant 0 : i32
    %dma_wait3A_162 = arith.constant 0 : i32
    %dma_wait3A_163 = tpu.memref_slice %arg19[%dma_wait3A_161, %dma_wait3A_162] : memref<100096x16xf32, #tpu.memory_space<vmem_shared>> -> memref<100096x16xf32, #tpu.memory_space<vmem_shared>>
    tpu.wait_indirect_dma semaphore(%arg24 : memref<!tpu.dma_semaphore, #tpu.memory_space<semaphore_mem>>) src(%dma_wait3A_157 : memref<128x16xf32, #tpu.memory_space<vmem>>) dst(%dma_wait3A_163 : memref<100096x16xf32, #tpu.memory_space<vmem_shared>>)
    %dma_wait3A_164 = arith.constant 1 : i32
    %dma_wait3A_165 = arith.constant 128 : i32
    %dma_wait3A_166 = arith.constant 0 : i32
    %dma_wait3A_167 = tpu.memref_slice %arg18[%dma_wait3A_165, %dma_wait3A_166] : memref<512x16xf32, #tpu.memory_space<vmem>> -> memref<128x16xf32, #tpu.memory_space<vmem>>
    %dma_wait3A_168 = arith.constant 0 : i32
    %dma_wait3A_169 = tpu.memref_slice %arg16[%dma_wait3A_164, %dma_wait3A_168] : memref<4x128xi32, #tpu.memory_space<vmem>> -> memref<1x128xi32, #tpu.memory_space<vmem>>
    %dma_wait3A_170 = tpu.memref_squeeze %dma_wait3A_169 : memref<1x128xi32, #tpu.memory_space<vmem>> -> memref<128xi32, #tpu.memory_space<vmem>>
    %dma_wait3A_171 = arith.constant 0 : i32
    %dma_wait3A_172 = arith.constant 0 : i32
    %dma_wait3A_173 = tpu.memref_slice %arg19[%dma_wait3A_171, %dma_wait3A_172] : memref<100096x16xf32, #tpu.memory_space<vmem_shared>> -> memref<100096x16xf32, #tpu.memory_space<vmem_shared>>
    tpu.wait_indirect_dma semaphore(%arg24 : memref<!tpu.dma_semaphore, #tpu.memory_space<semaphore_mem>>) src(%dma_wait3A_167 : memref<128x16xf32, #tpu.memory_space<vmem>>) dst(%dma_wait3A_173 : memref<100096x16xf32, #tpu.memory_space<vmem_shared>>)
    %dma_wait3A_174 = arith.constant 2 : i32
    %dma_wait3A_175 = arith.constant 256 : i32
    %dma_wait3A_176 = arith.constant 0 : i32
    %dma_wait3A_177 = tpu.memref_slice %arg18[%dma_wait3A_175, %dma_wait3A_176] : memref<512x16xf32, #tpu.memory_space<vmem>> -> memref<128x16xf32, #tpu.memory_space<vmem>>
    %dma_wait3A_178 = arith.constant 0 : i32
    %dma_wait3A_179 = tpu.memref_slice %arg16[%dma_wait3A_174, %dma_wait3A_178] : memref<4x128xi32, #tpu.memory_space<vmem>> -> memref<1x128xi32, #tpu.memory_space<vmem>>
    %dma_wait3A_180 = tpu.memref_squeeze %dma_wait3A_179 : memref<1x128xi32, #tpu.memory_space<vmem>> -> memref<128xi32, #tpu.memory_space<vmem>>
    %dma_wait3A_181 = arith.constant 0 : i32
    %dma_wait3A_182 = arith.constant 0 : i32
    %dma_wait3A_183 = tpu.memref_slice %arg19[%dma_wait3A_181, %dma_wait3A_182] : memref<100096x16xf32, #tpu.memory_space<vmem_shared>> -> memref<100096x16xf32, #tpu.memory_space<vmem_shared>>
    tpu.wait_indirect_dma semaphore(%arg24 : memref<!tpu.dma_semaphore, #tpu.memory_space<semaphore_mem>>) src(%dma_wait3A_177 : memref<128x16xf32, #tpu.memory_space<vmem>>) dst(%dma_wait3A_183 : memref<100096x16xf32, #tpu.memory_space<vmem_shared>>)
    %dma_wait3A_184 = arith.constant 3 : i32
    %dma_wait3A_185 = arith.constant 384 : i32
    %dma_wait3A_186 = arith.constant 0 : i32
    %dma_wait3A_187 = tpu.memref_slice %arg18[%dma_wait3A_185, %dma_wait3A_186] : memref<512x16xf32, #tpu.memory_space<vmem>> -> memref<128x16xf32, #tpu.memory_space<vmem>>
    %dma_wait3A_188 = arith.constant 0 : i32
    %dma_wait3A_189 = tpu.memref_slice %arg16[%dma_wait3A_184, %dma_wait3A_188] : memref<4x128xi32, #tpu.memory_space<vmem>> -> memref<1x128xi32, #tpu.memory_space<vmem>>
    %dma_wait3A_190 = tpu.memref_squeeze %dma_wait3A_189 : memref<1x128xi32, #tpu.memory_space<vmem>> -> memref<128xi32, #tpu.memory_space<vmem>>
    %dma_wait3A_191 = arith.constant 0 : i32
    %dma_wait3A_192 = arith.constant 0 : i32
    %dma_wait3A_193 = tpu.memref_slice %arg19[%dma_wait3A_191, %dma_wait3A_192] : memref<100096x16xf32, #tpu.memory_space<vmem_shared>> -> memref<100096x16xf32, #tpu.memory_space<vmem_shared>>
    tpu.wait_indirect_dma semaphore(%arg24 : memref<!tpu.dma_semaphore, #tpu.memory_space<semaphore_mem>>) src(%dma_wait3A_187 : memref<128x16xf32, #tpu.memory_space<vmem>>) dst(%dma_wait3A_193 : memref<100096x16xf32, #tpu.memory_space<vmem_shared>>)
    %barrier3A_194 = arith.constant 0 : index
    tpu.barrier barrier_id(%barrier3A_194)
    %mul3A_195 = arith.constant 6256 : i32
    %mul3A_196 = arith.muli %arg1, %mul3A_195 : i32
    %mul3A_197 = arith.constant 6256 : i32
    %mul3A_198 = arith.muli %arg1, %mul3A_197 : i32
    "tpu.region"() ({
      %run_scoped3A = tpu.sem_alloc : memref<!tpu.dma_semaphore, #tpu.memory_space<semaphore_mem>>
      %dma_start3A_199 = arith.constant 0 : i32
      %dma_start3A_200 = tpu.memref_slice %arg6[%arg0, %mul3A_198, %dma_start3A_199] : memref<2x100096x16xf32, #tpu.memory_space<hbm>> -> memref<1x6256x16xf32, #tpu.memory_space<hbm>>
      %dma_start3A_201 = tpu.memref_squeeze %dma_start3A_200 : memref<1x6256x16xf32, #tpu.memory_space<hbm>> -> memref<6256x16xf32, #tpu.memory_space<hbm>>
      %dma_start3A_202 = arith.constant 0 : i32
      %dma_start3A_203 = tpu.memref_slice %arg19[%mul3A_196, %dma_start3A_202] : memref<100096x16xf32, #tpu.memory_space<vmem_shared>> -> memref<6256x16xf32, #tpu.memory_space<vmem_shared>>
      tpu.enqueue_dma source(%dma_start3A_203 : memref<6256x16xf32, #tpu.memory_space<vmem_shared>>) target(%dma_start3A_201 : memref<6256x16xf32, #tpu.memory_space<hbm>>) target_semaphore(%run_scoped3A : memref<!tpu.dma_semaphore, #tpu.memory_space<semaphore_mem>>)
      %dma_wait3A_204 = arith.constant 0 : i32
      %dma_wait3A_205 = tpu.memref_slice %arg6[%arg0, %mul3A_198, %dma_wait3A_204] : memref<2x100096x16xf32, #tpu.memory_space<hbm>> -> memref<1x6256x16xf32, #tpu.memory_space<hbm>>
      %dma_wait3A_206 = tpu.memref_squeeze %dma_wait3A_205 : memref<1x6256x16xf32, #tpu.memory_space<hbm>> -> memref<6256x16xf32, #tpu.memory_space<hbm>>
      %dma_wait3A_207 = arith.constant 0 : i32
      %dma_wait3A_208 = tpu.memref_slice %arg19[%mul3A_196, %dma_wait3A_207] : memref<100096x16xf32, #tpu.memory_space<vmem_shared>> -> memref<6256x16xf32, #tpu.memory_space<vmem_shared>>
      tpu.wait_dma2 semaphore(%run_scoped3A : memref<!tpu.dma_semaphore, #tpu.memory_space<semaphore_mem>>) src(%dma_wait3A_208 : memref<6256x16xf32, #tpu.memory_space<vmem_shared>>) dst(%dma_wait3A_206 : memref<6256x16xf32, #tpu.memory_space<hbm>>)
      tpu.yield
    }) : () -> ()
    return
  }
}

</mosaic_0001>

<sc_bundles>
// kernel: kernel.3.cloned.1.call-start
scs
__scs_entry_jumppad:
0x0: {  	(pc) =	sbr.rel $0x88, $3  }
0x1: {  	(tag) =	ssettag $0x0;
	lr =	simm.s32 $0x1  }
0x2: {  	[smem:$0x3F9D] =	sst lr;
	_ =	strace $0xD0000000  }
0x3: {  	_ = 	snop  }
0x4: {  	_ = 	snop  }
0x5: {  	_ = 	snop  }
0x6: {  	_ = 	snop  }
0x7: {  	_ = 	snop  }
__scs_overlays_trampoline_lowered:
0x8: {  	[smem:$0x3FAC] =	sst s0  }
0x9: {  	[smem:$0x3FAD] =	sst s1  }
0xa: {  	[smem:$0x3FAE] =	sst s2  }
0xb: {  	[smem:$0x3FAF] =	sst s3  }
0xc: {  	[smem:$0x3FB0] =	sst s4  }
0xd: {  	[smem:$0x3FB1] =	sst s5  }
0xe: {  	[smem:$0x3FB2] =	sst s6  }
0xf: {  	[smem:$0x3FB3] =	sst s7  }
0x10: {  	[smem:$0x3FB4] =	sst s8  }
0x11: {  	[smem:$0x3FB5] =	sst s9;
	s0 =	simm.s32 @!p0 $0x0  }
0x12: {  	s1 =	sld [smem:$0x3F9B];
	s0 =	simm.s32 @p0 $0x1  }
0x13: {  	[smem:$0x3FB6] =	sst s0;
	s0 =	simm.s32 @!p1 $0x0  }
0x14: {  	s2 =	sld [smem:$0x3F9A];
	s0 =	simm.s32 @p1 $0x1  }
0x15: {  	[smem:$0x3FB7] =	sst s0;
	s0 =	simm.s32 @!p2 $0x0  }
0x16: {  	s3 =	sld [smem:$0x3FDB];
	s0 =	simm.s32 @p2 $0x1  }
0x17: {  	s4 =	simm.s32 $0x1BF5;
	[smem:$0x3FB9] =	sst s0  }
0x18: {  	s0 =	sld [smem:$0x3F9C];
	_ =	swait.ge [sflag:s4], $0x0  }
0x19: {  	s7 =	sld [smem:$0x3F9D]  }
0x1a: {  	s8 =	sadd.s32 $0xFFFFE003, lr  }
0x1b: {  	s9 =	sadd.s32 $0xFFFFFEF7, lr;
	s5 =	simm.s32 $0xFFFFFFFF;
	p2 =	slt.u32 s8, $0xFFFFF086  }
0x1c: {  	p1 =	slt.u32 s9, $0xF7A;
	s5 =	simm.s32 @!p2 $0x0  }
0x1d: {  	s5 =	simm.s32 @p1 $0x1;
	p0 =	seq.s32 s7, s2  }
0x1e: {  	s7 =	smul.u32 @!p0 $0xF7A, s2;
	p2 =	seq.s32 @!p0 s5, $0x0  }
0x1f: {  	s9 =	smul.u32 $0xF7A, s1;
	s8 =	simm.s32 @!p0 $0x1BF5;
	p2 =	por !p2, p0  }
0x20: {  	[sflag:s8] =	ssyncset.s32 @!p0 $0xFFFFF086;
	s6 =	sadd.s32 @!p0 s3, s7;
	s7 =	simm.s32 @!p0 $0x108  }
0x21: {  	s3 =	sadd.s32 s3, s9;
	s6 =	sadd.s32 @!p0 $0x88, s6;
	s7 =	simm.s32 @p2 $0x1082  }
0x22: {  	[simem:s7], [sflag:s8] =	dma.local @!p0 [hbm:s6], $0xF7A  }
0x23: {  	s9 =	sor.u32 $0xD0000000, s2;
	s6 =	simm.s32 $0x108;
	_ =	swait.ge @!p0 [sflag:s8], $0x0  }
0x24: {  	s3 =	sadd.s32 $0x88, s3;
	s6 =	simm.s32 @!p1 $0x1082;
	[sflag:s4] =	ssyncset.s32 $0xFFFFF086  }
0x25: {  	[simem:s6], [sflag:s4] =	dma.local [hbm:s3], $0xF7A  }
0x26: {  	[smem:$0x3F9D] =	sst s1;
	(tag) =	ssettag s2;
	_ =	strace s9  }
0x27: {  	s1 =	sld [smem:$0x3FAD]  }
0x28: {  	s2 =	sld [smem:$0x3FAE]  }
0x29: {  	s4 =	sld [smem:$0x3FB0]  }
0x2a: {  	p0 =	seq.s32 s5, $0x0;
	s5 =	sld [smem:$0x3FB1]  }
0x2b: {  	s6 =	sld [smem:$0x3FB2]  }
0x2c: {  	s7 =	sld [smem:$0x3FB3]  }
0x2d: {  	s3 =	simm.s32 $0x108;
	s8 =	sld [smem:$0x3FB4]  }
0x2e: {  	s3 =	simm.s32 @!p0 $0x1082;
	s9 =	sld [smem:$0x3FB5]  }
0x2f: {  	lr =	sadd.s32 s0, s3;
	s0 =	sld [smem:$0x3FAC]  }
0x30: {  	s3 =	sld [smem:$0x3FAF]  }
0x31: {  	[smem:$0x3FB8] =	sst s10  }
0x32: {  	s10 =	sld [smem:$0x3FB6];
	_ =	sdelay $0x3  }
0x33: {  	p0 =	seq.s32 s10, $0x1;
	s10 =	sld [smem:$0x3FB8];
	_ =	sdelay $0x3  }
0x34: {  	[smem:$0x3FB8] =	sst s10  }
0x35: {  	s10 =	sld [smem:$0x3FB7];
	_ =	sdelay $0x3  }
0x36: {  	p1 =	seq.s32 s10, $0x1;
	s10 =	sld [smem:$0x3FB8];
	_ =	sdelay $0x3  }
0x37: {  	[smem:$0x3FB8] =	sst s10  }
0x38: {  	s10 =	sld [smem:$0x3FB9]  }
0x39: {  	_ = 	snop;
	(pc) =	sbr.ind lr, $3  }
0x3a: {  	_ = 	snop  }
0x3b: {  	_ = 	snop  }
0x3c: {  	p2 =	seq.s32 s10, $0x1;
	s10 =	sld [smem:$0x3FB8]  }
0x3d: {  	_ =	shalt  }
0x3e: {  	_ =	shalt  }
0x3f: {  	_ =	shalt  }
0x40: {  	_ =	shalt  }
0x41: {  	_ =	shalt  }
0x42: {  	_ =	shalt  }
0x43: {  	_ =	shalt  }
0x44: {  	_ =	shalt  }
0x45: {  	_ =	shalt  }
0x46: {  	_ =	shalt  }
0x47: {  	_ =	shalt  }
0x48: {  	_ =	shalt  }
0x49: {  	_ =	shalt  }
0x4a: {  	_ =	shalt  }
0x4b: {  	_ =	shalt  }
0x4c: {  	_ =	shalt  }
0x4d: {  	_ =	shalt  }
0x4e: {  	_ =	shalt  }
0x4f: {  	_ =	shalt  }
0x50: {  	_ =	shalt  }
0x51: {  	_ =	shalt  }
0x52: {  	_ =	shalt  }
0x53: {  	_ =	shalt  }
0x54: {  	_ =	shalt  }
0x55: {  	_ =	shalt  }
0x56: {  	_ =	shalt  }
0x57: {  	_ =	shalt  }
0x58: {  	_ =	shalt  }
0x59: {  	_ =	shalt  }
0x5a: {  	_ =	shalt  }
0x5b: {  	_ =	shalt  }
0x5c: {  	_ =	shalt  }
0x5d: {  	_ =	shalt  }
0x5e: {  	_ =	shalt  }
0x5f: {  	_ =	shalt  }
0x60: {  	_ =	shalt  }
0x61: {  	_ =	shalt  }
0x62: {  	_ =	shalt  }
0x63: {  	_ =	shalt  }
0x64: {  	_ =	shalt  }
0x65: {  	_ =	shalt  }
0x66: {  	_ =	shalt  }
0x67: {  	_ =	shalt  }
0x68: {  	_ =	shalt  }
0x69: {  	_ =	shalt  }
0x6a: {  	_ =	shalt  }
0x6b: {  	_ =	shalt  }
0x6c: {  	_ =	shalt  }
0x6d: {  	_ =	shalt  }
0x6e: {  	_ =	shalt  }
0x6f: {  	_ =	shalt  }
0x70: {  	_ =	shalt  }
0x71: {  	_ =	shalt  }
0x72: {  	_ =	shalt  }
0x73: {  	_ =	shalt  }
0x74: {  	_ =	shalt  }
0x75: {  	_ =	shalt  }
0x76: {  	_ =	shalt  }
0x77: {  	_ =	shalt  }
0x78: {  	_ =	shalt  }
0x79: {  	_ =	shalt  }
0x7a: {  	_ =	shalt  }
0x7b: {  	_ =	shalt  }
0x7c: {  	_ =	shalt  }
0x7d: {  	_ =	shalt  }
0x7e: {  	_ =	shalt  }
0x7f: {  	_ =	shalt  }
0x80: {  	_ =	shalt  }
0x81: {  	_ =	shalt  }
0x82: {  	_ =	shalt  }
0x83: {  	_ =	shalt  }
0x84: {  	_ =	shalt  }
0x85: {  	_ =	shalt  }
0x86: {  	_ =	shalt  }
0x87: {  	_ =	shalt  }
.Lfunc_end0:
.L_simem_size_0:
called_computation_lowered:
.L_overlay_start_0:
0x88: {  	s2 =	sld [smem:$0x3FD9]  }
0x89: {  	s3 =	sld [smem:$0x3FFE];
	_ =	sdelay $0x1  }
0x8a: {  	s1 =	srdreg.scid  }
0x8b: {  	s0 =	sand.u32 $0x1, s1  }
0x8c: {  	s16 =	sshll.u32 s0, $0xA;
	s2 =	sadd.s32 s3, s2  }
0x8d: {  	s2 =	sadd.s32 s2, s16  }
0x8e: {  	[smem:$0x3FC4] =	sst s2  }
0x8f: {  	_ = 	snop  }
0x90: {  	(tm) =	ssettm $0x1  }
0x91: {  	s17 =	sld [smem:$0x3FFB];
	_ =	sdelay $0x3  }
0x92: {  	_ =	strace s17  }
0x93: {  	s2 =	sld [smem:$0x3FFC];
	_ =	sdelay $0x3  }
0x94: {  	_ =	strace s2  }
0x95: {  	s2 =	sld [smem:$0x3FFD];
	_ =	sdelay $0x3  }
0x96: {  	_ =	strace s2  }
0x97: {  	_ =	strace $0x8FFFFFFF  }
0x98: {  	s18 =	sld [smem:$0x3FDB];
	_ =	sdelay $0x1  }
0x99: {  	s19 =	simm.s32 $_scs_section_size  }
0x9a: {  	s4 =	simm.s32 $_size__tile_overlayer_lowered;
	s5 =	simm.s32 $_tile_overlayer_lowered  }
0x9b: {  	s22 =	simm.s32 $0x1BFF;
	s21 =	sshll.u32 s5, $0x1;
	s2 =	sadd.s32 s19, s18  }
0x9c: {  	s6 =	simm.s32 $0x0;
	s20 =	sshll.u32 s4, $0x1;
	s4 =	sadd.s32 s21, s2  }
0x9d: {  	[timem:s6], [sflag:s22] =	dma.local [hbm:s4], s20  }
0x9e: {  	_ =	swait.ge [sflag:s22], s20  }
0x9f: {  	s3 =	ssub.s32 $0x0, s20;
	[sflag:s22] =	ssyncset.done $0x0  }
0xa0: {  	[sflag:s22] =	ssyncadd.s32 s3;
	_ =	sdelay $0x1  }
0xa1: {  	s23 =	simm.s32 $0x1B8B  }
0xa2: {  	_ =	swait.ge [sflag:s23], $0x1  }
0xa3: {  	[sflag:s23] =	ssyncset.done $0x0  }
0xa4: {  	s25 =	simm.s32 $0x1B8E;
	s24 =	sld [smem:$0x3FFE];
	[sflag:s23] =	ssyncadd.s32 $0xFFFFFFFF  }
0xa5: {  	s26 =	simm.s32 $execute0_lowered;
	[smem:$0x3FD2] =	sst s25  }
0xa6: {  	s4 =	sshll.u32 s26, $0x1;
	_ =	strace $0x80000046;
	[dreg:$0x1] =	wrdreg $0xFFFFFFFF  }
0xa7: {  	s28 =	simm.s32 $_size_execute0_lowered;
	s2 =	sadd.s32 s2, s4;
	[dreg:$0x0] =	wrdreg $0x0  }
0xa8: {  	s4 =	sshll.u32 s28, $0x1;
	[dreg:$0x2] =	wrdreg s2  }
0xa9: {  	[dreg:$0x3] =	wrdreg s4  }
0xaa: {  	[dreg:$0x4] =	wrdreg $0xC0  }
0xab: {  	_ =	task [dreg:s6], $0x5FFFF  }
0xac: {  	[dreg:$0x1] =	wrdreg $0xFFFFFFFF  }
0xad: {  	[dreg:$0x0] =	wrdreg $0x60  }
0xae: {  	[dreg:$0x2] =	wrdreg s24  }
0xaf: {  	[dreg:$0x3] =	wrdreg $0x72000  }
0xb0: {  	[dreg:$0x4] =	wrdreg $0x9  }
0xb1: {  	_ =	task.clear_ibuf [dreg:s6], $0x5FFFF;
	_ =	strace $0x90000046  }
0xb2: {  	s29 =	simm.s32 $0x9;
	_ =	strace $0x80000048  }
0xb3: {  	_ =	swait.ge [sflag:s29], $0x1  }
0xb4: {  	[sflag:s29] =	ssyncadd.s32 $0xFFFFFFFF  }
0xb5: {  	_ =	strace $0x90000048  }
0xb6: {  	_ =	sfence  }
0xb7: {  	s30 =	sld [smem:$0x0];
	_ =	sdelay $0x2  }
0xb8: {  	s31 =	sshll.u32 s1, $0xD;
	s1 =	sshrl.u32 s1, $0x2  }
0xb9: {  	s3 =	sand.u32 $0x4000, s31;
	s1 =	sadd.s32 s1, s30  }
0xba: {  	s0 =	sor.u32 s3, s0;
	s1 =	sshll.u32 s1, $0x11  }
0xbb: {  	s0 =	sor.u32 s1, s0  }
0xbc: {  	s0 =	sadd.s32 $0x8F2B, s0  }
0xbd: {  	[sflag:s0] =	ssyncadd.remote.s32 $0x1  }
0xbe: {  	_ =	sfence.sel $0xFFFF  }
0xbf: {  	[dreg:$0x0] =	wrdreg $0xFFFFFFFF;
	(pc) =	sbr.abs _section_cstart, $3  }
0xc0: {  	[dreg:$0x1] =	wrdreg $0xFFFFFFFF  }
0xc1: {  	_ =	task.clear_ibuf [dreg:s6], $0x2FFFF;
	_ =	strace $0x9FFFFFFF  }
0xc2: {  	(tm) =	ssettm $0x7FFFFFFF  }
0xc3: {  	_ =	shalt  }
tec
execute0_lowered:
.L_overlay_start_1:
0x0: {  	(tag) =	ssettag $0x1  }
0x1: {  	s1 =	rddreg [dreg:$0x0]  }
0x2: {  	s2 =	rddreg [dreg:$0x1];
	s3 =	simm.s32 $0x0  }
0x3: {  	s0 =	srdreg.scid;
	s12 =	stileid.u32;
	s29 =	simm.s32 $0x4400  }
0x4: {  	s28 =	simm.s32 $0x6A00;
	[smem:$0x7FF] =	sst s3;
	s25 =	smul.u32 $0x18700, s12  }
0x5: {  	s0 =	sand.u32 $0x1, s0;
	s4 =	sadd.s32 $0x186E00, s1;
	s19 =	smul.u32 $0x3180, s12  }
0x6: {  	s5 =	sadd.s32 $0x63400, s1;
	s6 =	sadd.s32 $0x31C00, s1;
	s10 =	smul.u32 $0x61C00, s12  }
0x7: {  	_ =	strace $0x80000047;
	s7 =	smul.u32 $0x187000, s0;
	s23 =	sadd.s32 s5, s19  }
0x8: {  	s26 =	sshrl.u32 s10, $0x2;
	s24 =	sadd.s32 s6, s19;
	[dreg:$0x10] =	wrdreg s23  }
0x9: {  	s14 =	sadd.s32 s25, s2;
	s30 =	sadd.s32 s26, s2;
	[dreg:$0x11] =	wrdreg s24  }
0xa: {  	s9 =	ssub.s32 $0x2, s0;
	[dreg:$0x3] =	wrdreg s14;
	s31 =	sadd.s32 $0x4000, s30  }
0xb: {  	s11 =	sshrl.u32 s9, $0x1;
	s13 =	sadd.s32 $0x8000, s30;
	[dreg:$0x5] =	wrdreg s31  }
0xc: {  	s10 =	smul.u32 $0x318, s12;
	s15 =	sadd.s32 $0xA000, s30;
	[dreg:$0x7] =	wrdreg s13  }
0xd: {  	s12 =	simm.s32 $0x6;
	s16 =	sadd.s32 $0xC000, s30;
	[dreg:$0x8] =	wrdreg s15  }
0xe: {  	s8 =	sadd.s32 s25, s7;
	s17 =	sadd.s32 $0xE000, s30;
	[dreg:$0x9] =	wrdreg s16  }
0xf: {  	s7 =	sadd.s32 $0x400, s1;
	s18 =	sadd.s32 $0x10000, s30;
	[dreg:$0xa] =	wrdreg s17  }
0x10: {  	s23 =	simm.s32 $0x3C00;
	s20 =	sadd.s32 $0x12000, s30;
	[dreg:$0xb] =	wrdreg s18  }
0x11: {  	s8 =	sshrl.u32 s8, $0x3;
	s21 =	sadd.s32 $0x14000, s30;
	[dreg:$0xc] =	wrdreg s20  }
0x12: {  	s22 =	sadd.s32 $0x16000, s30;
	s3 =	sadd.s32 $0x18000, s30;
	[dreg:$0xd] =	wrdreg s21  }
0x13: {  	s25 =	sadd.s32 s7, s19;
	s26 =	sor.u32 $0x4, s10;
	[dreg:$0xe] =	wrdreg s22  }
0x14: {  	s19 =	simm.s32 $0x2C00;
	s1 =	sadd.s32 s8, s1;
	[dreg:$0xf] =	wrdreg s3  }
0x15: {  	s8 =	ssub.s32 s9, s11;
	s9 =	sadd.s32 $0x2000, s30;
	[dreg:$0x12] =	wrdreg s25  }
0x16: {  	s11 =	sadd.s32 $0x6000, s30;
	[dreg:$0x13] =	wrdreg s26;
	s30 =	sadd.s32 $0x8, s10  }
0x17: {  	s26 =	sadd.s32 $0xC, s10;
	s15 =	simm.s32 $0x2600;
	s16 =	simm.s32 $0x2800  }
0x18: {  	s18 =	simm.s32 $0x1;
	s21 =	simm.s32 $0x3400;
	s13 =	simm.s32 $0x4C00  }
0x19: {  	s17 =	simm.s32 $0x4E00;
	s22 =	simm.s32 $0x5200;
	[dreg:$0x4] =	wrdreg s9  }
0x1a: {  	s20 =	simm.s32 $0x3;
	s3 =	simm.s32 $0x0;
	[dreg:$0x6] =	wrdreg s11  }
0x1b: {  	[dreg:$0x14] =	wrdreg s30;
	s1 =	sadd.s32 $0x94C00, s1;
	s31 =	smax.u32 s8, $0x1  }
0x1c: {  	s9 =	simm.s32 $0x80;
	s8 =	simm.s32 $0x5A00;
	[dreg:$0x15] =	wrdreg s1  }
0x1d: {  	v1 =	vimm.f32 $0.0e+00;
	v0 =	vmov s0;
	s11 =	simm.s32 $0x6200;
	[dreg:$0x16] =	wrdreg s31;
	s1 =	simm.s32 $0x2  }
.LBB2_1:
0x1e: {  	s0 =	simm.s32 $0x620  }
0x1f: {  	[tilespmem:s0+$0xFFFFFFE0] =	vst v1  }
0x20: {  	[tilespmem:s0+$0x10] =	vst v1  }
0x21: {  	[dreg:$0x17] =	wrdreg s3;
	s3 =	simm.s32 $0x0;
	[tilespmem:s0+$0x0] =	vst v1  }
.LBB2_2:
0x22: {  	s3 =	sadd.s32 $0x4, s3  }
0x23: {  	[tilespmem:s0+$0xFFFFFFF0] =	vst v1;
	s0 =	sadd.s32 $0x40, s0;
	p0 =	slt.u32 s3, $0x1FC  }
.Ltmp0:
0x24: {  	[tilespmem:s0+$0xFFFFFFE0] =	vst v1;
	(pc) =	sbr.rel @p0 .LBB2_2-.Ltmp0, $3  }
0x25: {  	_ =	sdelay $0x1  }
0x26: {  	[tilespmem:s0+$0x10] =	vst v1  }
0x27: {  	[tilespmem:s0+$0x0] =	vst v1  }
0x28: {  	[tilespmem:s0+$0xFFFFFFF0] =	vst v1;
	s10 =	simm.s32 $0x600  }
0x29: {  	[spmem:s14] =	stream.linear.scatter [tilespmem:s10], [sflag:$0x6], $0x2000, $0x38;
	[tilespmem:$0x1F900] =	vst v63  }
0x2a: {  	_ =	swait.ge [sflag:s12], $0x2000  }
0x2b: {  	[sflag:s12] =	ssyncset.done $0x0  }
0x2c: {  	s14 =	rddreg [dreg:$0x4];
	[sflag:s12] =	ssyncadd.s32 $0xFFFFE000  }
0x2d: {  	[spmem:s14] =	stream.linear.scatter [tilespmem:s10], [sflag:$0x6], $0x2000, $0x38;
	[tilespmem:$0x1F900] =	vst v63  }
0x2e: {  	_ =	swait.ge [sflag:s12], $0x2000  }
0x2f: {  	[sflag:s12] =	ssyncset.done $0x0  }
0x30: {  	s24 =	rddreg [dreg:$0x5];
	[sflag:s12] =	ssyncadd.s32 $0xFFFFE000  }
0x31: {  	[spmem:s24] =	stream.linear.scatter [tilespmem:s10], [sflag:$0x6], $0x2000, $0x38;
	[tilespmem:$0x1F900] =	vst v63  }
0x32: {  	_ =	swait.ge [sflag:s12], $0x2000  }
0x33: {  	[sflag:s12] =	ssyncset.done $0x0  }
0x34: {  	s25 =	rddreg [dreg:$0x6];
	[sflag:s12] =	ssyncadd.s32 $0xFFFFE000  }
0x35: {  	[spmem:s25] =	stream.linear.scatter [tilespmem:s10], [sflag:$0x6], $0x2000, $0x38;
	[tilespmem:$0x1F900] =	vst v63  }
0x36: {  	_ =	swait.ge [sflag:s12], $0x2000  }
0x37: {  	[sflag:s12] =	ssyncset.done $0x0  }
0x38: {  	s30 =	rddreg [dreg:$0x7];
	[sflag:s12] =	ssyncadd.s32 $0xFFFFE000  }
0x39: {  	[spmem:s30] =	stream.linear.scatter [tilespmem:s10], [sflag:$0x6], $0x2000, $0x38;
	[tilespmem:$0x1F900] =	vst v63  }
0x3a: {  	_ =	swait.ge [sflag:s12], $0x2000  }
0x3b: {  	[sflag:s12] =	ssyncset.done $0x0  }
0x3c: {  	s31 =	rddreg [dreg:$0x8];
	[sflag:s12] =	ssyncadd.s32 $0xFFFFE000  }
0x3d: {  	[spmem:s31] =	stream.linear.scatter [tilespmem:s10], [sflag:$0x6], $0x2000, $0x38;
	[tilespmem:$0x1F900] =	vst v63  }
0x3e: {  	_ =	swait.ge [sflag:s12], $0x2000  }
0x3f: {  	[sflag:s12] =	ssyncset.done $0x0  }
0x40: {  	s3 =	rddreg [dreg:$0x9];
	[sflag:s12] =	ssyncadd.s32 $0xFFFFE000  }
0x41: {  	[spmem:s3] =	stream.linear.scatter [tilespmem:s10], [sflag:$0x6], $0x2000, $0x38;
	[tilespmem:$0x1F900] =	vst v63  }
0x42: {  	_ =	swait.ge [sflag:s12], $0x2000  }
0x43: {  	[sflag:s12] =	ssyncset.done $0x0  }
0x44: {  	s14 =	rddreg [dreg:$0xa];
	[sflag:s12] =	ssyncadd.s32 $0xFFFFE000  }
0x45: {  	[spmem:s14] =	stream.linear.scatter [tilespmem:s10], [sflag:$0x6], $0x2000, $0x38;
	[tilespmem:$0x1F900] =	vst v63  }
0x46: {  	_ =	swait.ge [sflag:s12], $0x2000  }
0x47: {  	[sflag:s12] =	ssyncset.done $0x0  }
0x48: {  	s24 =	rddreg [dreg:$0xb];
	[sflag:s12] =	ssyncadd.s32 $0xFFFFE000  }
0x49: {  	[spmem:s24] =	stream.linear.scatter [tilespmem:s10], [sflag:$0x6], $0x2000, $0x38;
	[tilespmem:$0x1F900] =	vst v63  }
0x4a: {  	_ =	swait.ge [sflag:s12], $0x2000  }
0x4b: {  	[sflag:s12] =	ssyncset.done $0x0  }
0x4c: {  	s25 =	rddreg [dreg:$0xc];
	[sflag:s12] =	ssyncadd.s32 $0xFFFFE000  }
0x4d: {  	[spmem:s25] =	stream.linear.scatter [tilespmem:s10], [sflag:$0x6], $0x2000, $0x38;
	[tilespmem:$0x1F900] =	vst v63  }
0x4e: {  	_ =	swait.ge [sflag:s12], $0x2000  }
0x4f: {  	[sflag:s12] =	ssyncset.done $0x0  }
0x50: {  	s30 =	rddreg [dreg:$0xd];
	[sflag:s12] =	ssyncadd.s32 $0xFFFFE000  }
0x51: {  	[spmem:s30] =	stream.linear.scatter [tilespmem:s10], [sflag:$0x6], $0x2000, $0x38;
	[tilespmem:$0x1F900] =	vst v63  }
0x52: {  	_ =	swait.ge [sflag:s12], $0x2000  }
0x53: {  	[sflag:s12] =	ssyncset.done $0x0  }
0x54: {  	s31 =	rddreg [dreg:$0xe];
	[sflag:s12] =	ssyncadd.s32 $0xFFFFE000  }
0x55: {  	[spmem:s31] =	stream.linear.scatter [tilespmem:s10], [sflag:$0x6], $0x2000, $0x38;
	[tilespmem:$0x1F900] =	vst v63  }
0x56: {  	_ =	swait.ge [sflag:s12], $0x2000  }
0x57: {  	[sflag:s12] =	ssyncset.done $0x0  }
0x58: {  	s3 =	rddreg [dreg:$0xf];
	[sflag:s12] =	ssyncadd.s32 $0xFFFFE000  }
0x59: {  	[spmem:s3] =	stream.linear.scatter [tilespmem:s10], [sflag:$0x6], $0x700, $0x38;
	[tilespmem:$0x1F900] =	vst v63  }
0x5a: {  	_ =	swait.ge [sflag:s12], $0x700  }
0x5b: {  	[sflag:s12] =	ssyncset.done $0x0  }
0x5c: {  	[sflag:s12] =	ssyncadd.s32 $0xFFFFF900  }
0x5d: {  	[bflag:$0x0] =	sbarrier.arrive $0xFFFF  }
0x5e: {  	s3 =	simm.s32 $0x0;
	s14 =	rddreg [dreg:$0x10]  }
0x5f: {  	[tilespmem:s3], [sflag:$0x2] =	stream.linear.gather [hbm4b:s14+s3], $0x200, $0x38;
	[tilespmem:$0x1F900] =	vst v63  }
0x60: {  	s25 =	simm.s32 $0x200;
	s24 =	rddreg [dreg:$0x11]  }
0x61: {  	[tilespmem:s25], [sflag:$0x2] =	stream.linear.gather [hbm4b:s24+s3], $0x200, $0x38;
	[tilespmem:$0x1F900] =	vst v63  }
0x62: {  	s31 =	simm.s32 $0x400;
	s30 =	rddreg [dreg:$0x12]  }
0x63: {  	[tilespmem:s31], [sflag:$0x2] =	stream.linear.gather [hbm4b:s30+s3], $0x200, $0x38;
	[tilespmem:$0x1F900] =	vst v63  }
0x64: {  	_ =	swait.ge [sflag:s1], $0x200  }
0x65: {  	[sflag:s1] =	ssyncset.done $0x0  }
0x66: {  	[sflag:s1] =	ssyncadd.s32 $0xFFFFFE00  }
0x67: {  	_ =	swait.ge [sflag:s1], $0x200  }
0x68: {  	[sflag:s1] =	ssyncset.done $0x0  }
0x69: {  	[sflag:s1] =	ssyncadd.s32 $0xFFFFFE00  }
0x6a: {  	_ =	swait.ge [sflag:s1], $0x200  }
0x6b: {  	[sflag:s1] =	ssyncset.done $0x0  }
0x6c: {  	[sflag:s1] =	ssyncadd.s32 $0xFFFFFE00  }
0x6d: {  	v2 =	vld [tilespmem:$0x0]  }
0x6e: {  	v3 =	vld [tilespmem:$0x10]  }
0x6f: {  	v4 =	vld [tilespmem:$0x20]  }
0x70: {  	v5 =	vld [tilespmem:$0x30]  }
0x71: {  	v6 =	vld [tilespmem:$0x40]  }
0x72: {  	v7 =	vld [tilespmem:$0x50];
	v2 =	vshll.u32 v2, $0x1  }
0x73: {  	v8 =	vld [tilespmem:$0x60];
	v3 =	vshll.u32 v3, $0x1;
	v2 =	vor.u32 v0, v2  }
0x74: {  	v39 =	vld [tilespmem:$0x70];
	[tilespmem:$0x0] =	vst v2;
	v2 =	vor.u32 v0, v3;
	v3 =	vshll.u32 v4, $0x1  }
0x75: {  	v40 =	vld [tilespmem:$0x80];
	[tilespmem:$0x10] =	vst v2;
	v2 =	vor.u32 v0, v3;
	v3 =	vshll.u32 v5, $0x1  }
0x76: {  	v41 =	vld [tilespmem:$0x90];
	[tilespmem:$0x20] =	vst v2;
	v2 =	vor.u32 v0, v3;
	v3 =	vshll.u32 v6, $0x1  }
0x77: {  	v42 =	vld [tilespmem:$0xA0];
	[tilespmem:$0x30] =	vst v2;
	v2 =	vor.u32 v0, v3;
	v3 =	vshll.u32 v7, $0x1  }
0x78: {  	v43 =	vld [tilespmem:$0xB0];
	[tilespmem:$0x40] =	vst v2;
	v2 =	vor.u32 v0, v3;
	v3 =	vshll.u32 v8, $0x1  }
0x79: {  	v44 =	vld [tilespmem:$0xC0];
	[tilespmem:$0x50] =	vst v2;
	v2 =	vor.u32 v0, v3;
	v3 =	vshll.u32 v39, $0x1  }
0x7a: {  	v45 =	vld [tilespmem:$0xD0];
	[tilespmem:$0x60] =	vst v2;
	v2 =	vor.u32 v0, v3;
	v3 =	vshll.u32 v40, $0x1  }
0x7b: {  	v46 =	vld [tilespmem:$0xE0];
	[tilespmem:$0x70] =	vst v2;
	v2 =	vor.u32 v0, v3;
	v3 =	vshll.u32 v41, $0x1  }
0x7c: {  	v47 =	vld [tilespmem:$0xF0];
	[tilespmem:$0x80] =	vst v2;
	v2 =	vor.u32 v0, v3;
	v3 =	vshll.u32 v42, $0x1  }
0x7d: {  	v48 =	vld [tilespmem:$0x100];
	[tilespmem:$0x90] =	vst v2;
	v2 =	vor.u32 v0, v3;
	v3 =	vshll.u32 v43, $0x1  }
0x7e: {  	v49 =	vld [tilespmem:$0x110];
	[tilespmem:$0xA0] =	vst v2;
	v2 =	vor.u32 v0, v3;
	v3 =	vshll.u32 v44, $0x1  }
0x7f: {  	v50 =	vld [tilespmem:$0x120];
	[tilespmem:$0xB0] =	vst v2;
	v2 =	vor.u32 v0, v3;
	v3 =	vshll.u32 v45, $0x1  }
0x80: {  	v51 =	vld [tilespmem:$0x130];
	[tilespmem:$0xC0] =	vst v2;
	v2 =	vor.u32 v0, v3;
	v3 =	vshll.u32 v46, $0x1  }
0x81: {  	v52 =	vld [tilespmem:$0x140];
	[tilespmem:$0xD0] =	vst v2;
	v2 =	vor.u32 v0, v3;
	v3 =	vshll.u32 v47, $0x1  }
0x82: {  	v53 =	vld [tilespmem:$0x150];
	[tilespmem:$0xE0] =	vst v2;
	v2 =	vor.u32 v0, v3;
	v3 =	vshll.u32 v48, $0x1  }
0x83: {  	v54 =	vld [tilespmem:$0x160];
	[tilespmem:$0xF0] =	vst v2;
	v2 =	vor.u32 v0, v3;
	v3 =	vshll.u32 v49, $0x1  }
0x84: {  	v55 =	vld [tilespmem:$0x170];
	[tilespmem:$0x100] =	vst v2;
	v2 =	vor.u32 v0, v3;
	v3 =	vshll.u32 v50, $0x1  }
0x85: {  	v56 =	vld [tilespmem:$0x180];
	[tilespmem:$0x110] =	vst v2;
	v2 =	vor.u32 v0, v3;
	v3 =	vshll.u32 v51, $0x1  }
0x86: {  	v57 =	vld [tilespmem:$0x190];
	[tilespmem:$0x120] =	vst v2;
	v2 =	vor.u32 v0, v3;
	v3 =	vshll.u32 v52, $0x1  }
0x87: {  	v58 =	vld [tilespmem:$0x1A0];
	[tilespmem:$0x130] =	vst v2;
	v2 =	vor.u32 v0, v3;
	v3 =	vshll.u32 v53, $0x1  }
0x88: {  	v59 =	vld [tilespmem:$0x1B0];
	[tilespmem:$0x140] =	vst v2;
	v2 =	vor.u32 v0, v3;
	v3 =	vshll.u32 v54, $0x1  }
0x89: {  	v60 =	vld [tilespmem:$0x1C0];
	[tilespmem:$0x150] =	vst v2;
	v2 =	vor.u32 v0, v3;
	v3 =	vshll.u32 v55, $0x1  }
0x8a: {  	v61 =	vld [tilespmem:$0x1D0];
	[tilespmem:$0x160] =	vst v2;
	v2 =	vor.u32 v0, v3;
	v3 =	vshll.u32 v56, $0x1  }
0x8b: {  	v62 =	vld [tilespmem:$0x1E0];
	[tilespmem:$0x170] =	vst v2;
	v2 =	vor.u32 v0, v3;
	v3 =	vshll.u32 v57, $0x1  }
0x8c: {  	v63 =	vld [tilespmem:$0x1F0];
	[tilespmem:$0x180] =	vst v2;
	v2 =	vor.u32 v0, v3;
	v3 =	vshll.u32 v58, $0x1  }
0x8d: {  	[tilespmem:$0x190] =	vst v2;
	v2 =	vor.u32 v0, v3;
	v3 =	vshll.u32 v59, $0x1  }
0x8e: {  	[tilespmem:$0x1A0] =	vst v2;
	v2 =	vor.u32 v0, v3;
	v3 =	vshll.u32 v60, $0x1  }
0x8f: {  	[tilespmem:$0x1B0] =	vst v2;
	v2 =	vor.u32 v0, v3;
	v3 =	vshll.u32 v61, $0x1  }
0x90: {  	[tilespmem:$0x1C0] =	vst v2;
	v2 =	vor.u32 v0, v3;
	v3 =	vshll.u32 v62, $0x1  }
0x91: {  	[tilespmem:$0x1D0] =	vst v2;
	v2 =	vor.u32 v0, v3;
	v3 =	vshll.u32 v63, $0x1  }
0x92: {  	[tilespmem:$0x1E0] =	vst v2;
	v2 =	vor.u32 v0, v3  }
0x93: {  	[tilespmem:$0x1F0] =	vst v2  }
0x94: {  	[tilespmem:s10], [sflag:$0x1] =	stream.indirect.gather [hbm4b:s4+s9], $0x10, s3, s9, $0xb8;
	[tilespmem:$0x1F900] =	vst v63  }
0x95: {  	s14 =	simm.s32 $0xE00  }
0x96: {  	[tilespmem:s14], [sflag:$0x1] =	stream.indirect.gather [hbm4b:s4+s9], $0x10, s9, s9, $0xb8;
	[tilespmem:$0x1F900] =	vst v63  }
0x97: {  	s24 =	simm.s32 $0x100;
	s25 =	simm.s32 $0x1600  }
0x98: {  	[tilespmem:s25], [sflag:$0x1] =	stream.indirect.gather [hbm4b:s4+s9], $0x10, s24, s9, $0xb8;
	[tilespmem:$0x1F900] =	vst v63  }
0x99: {  	s0 =	simm.s32 $0x0;
	s30 =	simm.s32 $0x180;
	s31 =	simm.s32 $0x1E00  }
0x9a: {  	[tilespmem:s31], [sflag:$0x1] =	stream.indirect.gather [hbm4b:s4+s9], $0x10, s30, s9, $0xb8;
	[tilespmem:$0x1F900] =	vst v63  }
.LBB2_4:
0x9b: {  	p0 =	seq.s32 s0, $0x0  }
0x9c: {  	s10 =	simm.s32 @!p0 $0x4  }
0x9d: {  	_ =	swait.ge @!p0 [sflag:s10], $0x800  }
0x9e: {  	[sflag:s10] =	ssyncset.done @!p0 $0x0  }
0x9f: {  	[sflag:s10] =	ssyncadd.s32 @!p0 $0xFFFFF800  }
0xa0: {  	_ =	swait.ge @!p0 [sflag:s10], $0x800  }
0xa1: {  	[sflag:s10] =	ssyncset.done @!p0 $0x0  }
0xa2: {  	[sflag:s10] =	ssyncadd.s32 @!p0 $0xFFFFF800  }
0xa3: {  	_ =	swait.ge @!p0 [sflag:s10], $0x800  }
0xa4: {  	[sflag:s10] =	ssyncset.done @!p0 $0x0  }
0xa5: {  	[sflag:s10] =	ssyncadd.s32 @!p0 $0xFFFFF800  }
0xa6: {  	s31 =	smul.u32 $0xC, s0;
	_ =	swait.ge @!p0 [sflag:s10], $0x800  }
0xa7: {  	s12 =	rddreg [dreg:$0x13]  }
0xa8: {  	s12 =	sadd.s32 s31, s12  }
0xa9: {  	[sflag:s10] =	ssyncset.done @!p0 $0x0;
	s12 =	sshll.u32 s12, $0x4  }
0xaa: {  	[sflag:s10] =	ssyncadd.s32 @!p0 $0xFFFFF800;
	s25 =	sadd.s32 s5, s12  }
0xab: {  	[tilespmem:s15], [sflag:$0x2] =	stream.linear.gather [hbm4b:s25+s3], $0x200, $0x38;
	[tilespmem:$0x1F900] =	vst v63  }
0xac: {  	s14 =	sadd.s32 s6, s12  }
0xad: {  	[tilespmem:s16], [sflag:$0x2] =	stream.linear.gather [hbm4b:s14+s3], $0x200, $0x38;
	[tilespmem:$0x1F900] =	vst v63  }
0xae: {  	s24 =	sadd.s32 s7, s12;
	s25 =	simm.s32 $0x2A00  }
0xaf: {  	[tilespmem:s25], [sflag:$0x2] =	stream.linear.gather [hbm4b:s24+s3], $0x200, $0x38;
	[tilespmem:$0x1F900] =	vst v63  }
0xb0: {  	_ =	swait.ge [sflag:s18], $0x800  }
0xb1: {  	[sflag:s18] =	ssyncset.done $0x0  }
0xb2: {  	[sflag:s18] =	ssyncadd.s32 $0xFFFFF800  }
0xb3: {  	_ =	swait.ge [sflag:s18], $0x800  }
0xb4: {  	[sflag:s18] =	ssyncset.done $0x0  }
0xb5: {  	[sflag:s18] =	ssyncadd.s32 $0xFFFFF800  }
0xb6: {  	_ =	swait.ge [sflag:s18], $0x800  }
0xb7: {  	[sflag:s18] =	ssyncset.done $0x0  }
0xb8: {  	[sflag:s18] =	ssyncadd.s32 $0xFFFFF800  }
0xb9: {  	_ =	swait.ge [sflag:s18], $0x800  }
0xba: {  	[sflag:s18] =	ssyncset.done $0x0  }
0xbb: {  	[sflag:s18] =	ssyncadd.s32 $0xFFFFF800  }
0xbc: {  	_ =	swait.ge [sflag:s1], $0x200  }
0xbd: {  	[sflag:s1] =	ssyncset.done $0x0  }
0xbe: {  	[sflag:s1] =	ssyncadd.s32 $0xFFFFFE00  }
0xbf: {  	_ =	swait.ge [sflag:s1], $0x200  }
0xc0: {  	[sflag:s1] =	ssyncset.done $0x0  }
0xc1: {  	[sflag:s1] =	ssyncadd.s32 $0xFFFFFE00  }
0xc2: {  	_ =	swait.ge [sflag:s1], $0x200  }
0xc3: {  	[sflag:s1] =	ssyncset.done $0x0  }
0xc4: {  	[sflag:s1] =	ssyncadd.s32 $0xFFFFFE00  }
0xc5: {  	v2 =	vld [tilespmem:$0x2600]  }
0xc6: {  	v3 =	vld [tilespmem:$0x2610]  }
0xc7: {  	v4 =	vld [tilespmem:$0x2620]  }
0xc8: {  	v5 =	vld [tilespmem:$0x2630]  }
0xc9: {  	v6 =	vld [tilespmem:$0x2640]  }
0xca: {  	v7 =	vld [tilespmem:$0x2650];
	v2 =	vshll.u32 v2, $0x1  }
0xcb: {  	v8 =	vld [tilespmem:$0x2660];
	v3 =	vshll.u32 v3, $0x1;
	v2 =	vor.u32 v0, v2  }
0xcc: {  	v39 =	vld [tilespmem:$0x2670];
	[tilespmem:$0x2600] =	vst v2;
	v2 =	vor.u32 v0, v3;
	v3 =	vshll.u32 v4, $0x1  }
0xcd: {  	v40 =	vld [tilespmem:$0x2680];
	[tilespmem:$0x2610] =	vst v2;
	v2 =	vor.u32 v0, v3;
	v3 =	vshll.u32 v5, $0x1  }
0xce: {  	v41 =	vld [tilespmem:$0x2690];
	[tilespmem:$0x2620] =	vst v2;
	v2 =	vor.u32 v0, v3;
	v3 =	vshll.u32 v6, $0x1  }
0xcf: {  	v42 =	vld [tilespmem:$0x26A0];
	[tilespmem:$0x2630] =	vst v2;
	v2 =	vor.u32 v0, v3;
	v3 =	vshll.u32 v7, $0x1  }
0xd0: {  	v43 =	vld [tilespmem:$0x26B0];
	[tilespmem:$0x2640] =	vst v2;
	v2 =	vor.u32 v0, v3;
	v3 =	vshll.u32 v8, $0x1  }
0xd1: {  	v44 =	vld [tilespmem:$0x26C0];
	[tilespmem:$0x2650] =	vst v2;
	v2 =	vor.u32 v0, v3;
	v3 =	vshll.u32 v39, $0x1  }
0xd2: {  	v45 =	vld [tilespmem:$0x26D0];
	[tilespmem:$0x2660] =	vst v2;
	v2 =	vor.u32 v0, v3;
	v3 =	vshll.u32 v40, $0x1  }
0xd3: {  	v46 =	vld [tilespmem:$0x26E0];
	[tilespmem:$0x2670] =	vst v2;
	v2 =	vor.u32 v0, v3;
	v3 =	vshll.u32 v41, $0x1  }
0xd4: {  	v47 =	vld [tilespmem:$0x26F0];
	[tilespmem:$0x2680] =	vst v2;
	v2 =	vor.u32 v0, v3;
	v3 =	vshll.u32 v42, $0x1  }
0xd5: {  	v48 =	vld [tilespmem:$0x2700];
	[tilespmem:$0x2690] =	vst v2;
	v2 =	vor.u32 v0, v3;
	v3 =	vshll.u32 v43, $0x1  }
0xd6: {  	v49 =	vld [tilespmem:$0x2710];
	[tilespmem:$0x26A0] =	vst v2;
	v2 =	vor.u32 v0, v3;
	v3 =	vshll.u32 v44, $0x1  }
0xd7: {  	v50 =	vld [tilespmem:$0x2720];
	[tilespmem:$0x26B0] =	vst v2;
	v2 =	vor.u32 v0, v3;
	v3 =	vshll.u32 v45, $0x1  }
0xd8: {  	v51 =	vld [tilespmem:$0x2730];
	[tilespmem:$0x26C0] =	vst v2;
	v2 =	vor.u32 v0, v3;
	v3 =	vshll.u32 v46, $0x1  }
0xd9: {  	v52 =	vld [tilespmem:$0x2740];
	[tilespmem:$0x26D0] =	vst v2;
	v2 =	vor.u32 v0, v3;
	v3 =	vshll.u32 v47, $0x1  }
0xda: {  	v53 =	vld [tilespmem:$0x2750];
	[tilespmem:$0x26E0] =	vst v2;
	v2 =	vor.u32 v0, v3;
	v3 =	vshll.u32 v48, $0x1  }
0xdb: {  	v54 =	vld [tilespmem:$0x2760];
	[tilespmem:$0x26F0] =	vst v2;
	v2 =	vor.u32 v0, v3;
	v3 =	vshll.u32 v49, $0x1  }
0xdc: {  	v55 =	vld [tilespmem:$0x2770];
	[tilespmem:$0x2700] =	vst v2;
	v2 =	vor.u32 v0, v3;
	v3 =	vshll.u32 v50, $0x1  }
0xdd: {  	v56 =	vld [tilespmem:$0x2780];
	[tilespmem:$0x2710] =	vst v2;
	v2 =	vor.u32 v0, v3;
	v3 =	vshll.u32 v51, $0x1  }
0xde: {  	v57 =	vld [tilespmem:$0x2790];
	[tilespmem:$0x2720] =	vst v2;
	v2 =	vor.u32 v0, v3;
	v3 =	vshll.u32 v52, $0x1  }
0xdf: {  	v58 =	vld [tilespmem:$0x27A0];
	[tilespmem:$0x2730] =	vst v2;
	v2 =	vor.u32 v0, v3;
	v3 =	vshll.u32 v53, $0x1  }
0xe0: {  	v59 =	vld [tilespmem:$0x27B0];
	[tilespmem:$0x2740] =	vst v2;
	v2 =	vor.u32 v0, v3;
	v3 =	vshll.u32 v54, $0x1  }
0xe1: {  	v60 =	vld [tilespmem:$0x27C0];
	[tilespmem:$0x2750] =	vst v2;
	v2 =	vor.u32 v0, v3;
	v3 =	vshll.u32 v55, $0x1  }
0xe2: {  	v61 =	vld [tilespmem:$0x27D0];
	[tilespmem:$0x2760] =	vst v2;
	v2 =	vor.u32 v0, v3;
	v3 =	vshll.u32 v56, $0x1  }
0xe3: {  	v62 =	vld [tilespmem:$0x27E0];
	[tilespmem:$0x2770] =	vst v2;
	v2 =	vor.u32 v0, v3;
	v3 =	vshll.u32 v57, $0x1  }
0xe4: {  	v63 =	vld [tilespmem:$0x27F0];
	[tilespmem:$0x2780] =	vst v2;
	v2 =	vor.u32 v0, v3;
	v3 =	vshll.u32 v58, $0x1  }
0xe5: {  	[tilespmem:$0x2790] =	vst v2;
	v2 =	vor.u32 v0, v3;
	v3 =	vshll.u32 v59, $0x1  }
0xe6: {  	[tilespmem:$0x27A0] =	vst v2;
	v2 =	vor.u32 v0, v3;
	v3 =	vshll.u32 v60, $0x1  }
0xe7: {  	[tilespmem:$0x27B0] =	vst v2;
	v2 =	vor.u32 v0, v3;
	v3 =	vshll.u32 v61, $0x1  }
0xe8: {  	[tilespmem:$0x27C0] =	vst v2;
	v2 =	vor.u32 v0, v3;
	v3 =	vshll.u32 v62, $0x1  }
0xe9: {  	[tilespmem:$0x27D0] =	vst v2;
	v2 =	vor.u32 v0, v3;
	v3 =	vshll.u32 v63, $0x1  }
0xea: {  	[tilespmem:$0x27E0] =	vst v2;
	v2 =	vor.u32 v0, v3  }
0xeb: {  	[tilespmem:$0x27F0] =	vst v2  }
0xec: {  	[tilespmem:s19], [sflag:$0x1] =	stream.indirect.gather [hbm4b:s4+s9], $0x10, s15, s9, $0xb8;
	[tilespmem:$0x1F900] =	vst v63  }
0xed: {  	s14 =	simm.s32 $0x2680  }
0xee: {  	[tilespmem:s21], [sflag:$0x1] =	stream.indirect.gather [hbm4b:s4+s9], $0x10, s14, s9, $0xb8;
	[tilespmem:$0x1F900] =	vst v63  }
0xef: {  	s30 =	simm.s32 $0x680;
	s24 =	simm.s32 $0x2700  }
0xf0: {  	[tilespmem:s23], [sflag:$0x1] =	stream.indirect.gather [hbm4b:s4+s9], $0x10, s24, s9, $0xb8;
	[tilespmem:$0x1F900] =	vst v63  }
0xf1: {  	s10 =	simm.s32 $0x400;
	s25 =	simm.s32 $0x2780;
	s14 =	simm.s32 $0x0  }
0xf2: {  	[tilespmem:s29], [sflag:$0x1] =	stream.indirect.gather [hbm4b:s4+s9], $0x10, s25, s9, $0xb8;
	[tilespmem:$0x1F900] =	vst v63  }
.LBB2_5:
0xf3: {  	v2 =	vmov s10;
	_ =	sdelay $0x3  }
0xf4: {  	s12 =	simm.s32 $0x0  }
0xf5: {  	v3 =	vld.idx.msk [tilespmem:v2+s12+$0x0 ss:$0x1], $0xffff;
	_ =	sdelay $0x4  }
0xf6: {  	v4 =	vld [tilespmem:s30+$0xFFFFFF80];
	v8 =	vbroadcast v3, $0x0  }
0xf7: {  	v5 =	vld [tilespmem:s30+$0xFFFFFF90];
	v9 =	vbroadcast v3, $0x1;
	v12 =	vbroadcast v3, $0x2  }
0xf8: {  	v6 =	vld [tilespmem:s30+$0xFFFFFFA0];
	v42 =	vbroadcast v3, $0x3;
	v44 =	vbroadcast v3, $0x4  }
0xf9: {  	v7 =	vld [tilespmem:s30+$0xFFFFFFB0];
	v45 =	vbroadcast v3, $0x5;
	v14 =	vbroadcast v3, $0x6  }
0xfa: {  	v11 =	vld [tilespmem:s30+$0xFFFFFFD0];
	v48 =	vbroadcast v3, $0x7;
	v51 =	vbroadcast v3, $0x8  }
0xfb: {  	v43 =	vld [tilespmem:s30+$0xFFFFFFE0];
	v52 =	vbroadcast v3, $0x9;
	v4 =	vmul.f32 v8, v4  }
0xfc: {  	v47 =	vld [tilespmem:s30+$0x10];
	v55 =	vbroadcast v3, $0xA;
	v5 =	vmul.f32 v5, v9  }
0xfd: {  	v58 =	vld [tilespmem:s30+$0x60];
	v56 =	vbroadcast v3, $0xB;
	v6 =	vmul.f32 v6, v12;
	[tilespmem:s30+$0xFFFFFF80] =	vst v4  }
0xfe: {  	v59 =	vld [tilespmem:s30+$0x70];
	v60 =	vbroadcast v3, $0xC;
	v7 =	vmul.f32 v7, v42;
	[tilespmem:s30+$0xFFFFFF90] =	vst v5  }
0xff: {  	v10 =	vld [tilespmem:s30+$0xFFFFFFC0];
	v61 =	vbroadcast v3, $0xD;
	v8 =	vmul.f32 v11, v45;
	[tilespmem:s30+$0xFFFFFFA0] =	vst v6  }
0x100: {  	v13 =	vld [tilespmem:s30+$0xFFFFFFF0];
	v62 =	vbroadcast v3, $0xE;
	v9 =	vmul.f32 v43, v14;
	[tilespmem:s30+$0xFFFFFFB0] =	vst v7  }
0x101: {  	v49 =	vld [tilespmem:s30+$0x20];
	v3 =	vbroadcast v3, $0xF;
	v57 =	vmul.f32 v47, v52;
	[tilespmem:s30+$0xFFFFFFD0] =	vst v8  }
0x102: {  	v50 =	vld [tilespmem:s30+$0x30];
	v63 =	vmul.f32 v58, v62;
	[tilespmem:s30+$0xFFFFFFE0] =	vst v9  }
0x103: {  	v46 =	vld [tilespmem:s30+$0x0];
	v3 =	vmul.f32 v59, v3;
	[tilespmem:s30+$0x10] =	vst v57  }
0x104: {  	v54 =	vld [tilespmem:s30+$0x50];
	v4 =	vmul.f32 v10, v44;
	[tilespmem:s30+$0x60] =	vst v63  }
0x105: {  	v53 =	vld [tilespmem:s30+$0x40];
	v6 =	vmul.f32 v13, v48;
	[tilespmem:s30+$0x70] =	vst v3  }
0x106: {  	v10 =	vmul.f32 v49, v55;
	[tilespmem:s30+$0xFFFFFFC0] =	vst v4  }
0x107: {  	v5 =	vmul.f32 v50, v56;
	[tilespmem:s30+$0xFFFFFFF0] =	vst v6  }
0x108: {  	v4 =	vmul.f32 v46, v51;
	[tilespmem:s30+$0x20] =	vst v10  }
0x109: {  	v7 =	vmul.f32 v54, v61;
	[tilespmem:s30+$0x30] =	vst v5  }
0x10a: {  	[tilespmem:s30+$0x0] =	vst v4;
	v4 =	vmul.f32 v53, v60  }
0x10b: {  	[tilespmem:s30+$0x50] =	vst v7  }
0x10c: {  	s25 =	simm.s32 $0x10;
	s24 =	simm.s32 $0x80;
	s12 =	smov.u32 s30;
	[tilespmem:s30+$0x40] =	vst v4  }
.LBB2_6:
0x10d: {  	p1 =	sne.s32 s24, $0x1C0;
	v3 =	vld.idx.msk [tilespmem:v2+s25+$0x0 ss:$0x1], $0xffff;
	s12 =	sadd.s32 $0x100, s12  }
0x10e: {  	v4 =	vld [tilespmem:s12+$0xFFFFFFB0]  }
0x10f: {  	v5 =	vld [tilespmem:s12+$0xFFFFFF90]  }
0x110: {  	v6 =	vld [tilespmem:s12+$0xFFFFFF80]  }
0x111: {  	v7 =	vld [tilespmem:s12+$0xFFFFFFA0]  }
0x112: {  	v8 =	vld [tilespmem:s12+$0xFFFFFFF0]  }
0x113: {  	v9 =	vbroadcast v3, $0x0;
	v10 =	vbroadcast v3, $0x1;
	v11 =	vld [tilespmem:s12+$0xFFFFFFD0]  }
0x114: {  	v12 =	vbroadcast v3, $0x2;
	v13 =	vbroadcast v3, $0x3;
	v14 =	vld [tilespmem:s12+$0xFFFFFFC0]  }
0x115: {  	v5 =	vmul.f32 v5, v10;
	v6 =	vmul.f32 v9, v6;
	v9 =	vld [tilespmem:s12+$0xFFFFFFE0]  }
0x116: {  	v4 =	vmul.f32 v4, v13;
	v7 =	vmul.f32 v7, v12;
	v10 =	vld [tilespmem:s12+$0x30]  }
0x117: {  	v12 =	vbroadcast v3, $0x5;
	[tilespmem:s12+$0xFFFFFF80] =	vst v6;
	v6 =	vbroadcast v3, $0x4;
	v13 =	vld [tilespmem:s12+$0x10]  }
0x118: {  	v15 =	vbroadcast v3, $0x7;
	[tilespmem:s12+$0xFFFFFF90] =	vst v5;
	v5 =	vbroadcast v3, $0x6;
	v16 =	vld [tilespmem:s12+$0x0]  }
0x119: {  	[tilespmem:s12+$0xFFFFFFA0] =	vst v7;
	v6 =	vmul.f32 v14, v6;
	v7 =	vmul.f32 v11, v12;
	v11 =	vld [tilespmem:s12+$0x20]  }
0x11a: {  	[tilespmem:s12+$0xFFFFFFB0] =	vst v4;
	v4 =	vmul.f32 v9, v5;
	v5 =	vmul.f32 v8, v15;
	v8 =	vld [tilespmem:s12+$0x70]  }
0x11b: {  	v9 =	vbroadcast v3, $0x9;
	[tilespmem:s12+$0xFFFFFFC0] =	vst v6;
	v6 =	vbroadcast v3, $0x8;
	v12 =	vld [tilespmem:s12+$0x50]  }
0x11c: {  	v14 =	vbroadcast v3, $0xB;
	[tilespmem:s12+$0xFFFFFFD0] =	vst v7;
	v7 =	vbroadcast v3, $0xA;
	v15 =	vld [tilespmem:s12+$0x40]  }
0x11d: {  	[tilespmem:s12+$0xFFFFFFE0] =	vst v4;
	v4 =	vmul.f32 v16, v6;
	v6 =	vmul.f32 v13, v9;
	v9 =	vld [tilespmem:s12+$0x60]  }
0x11e: {  	[tilespmem:s12+$0xFFFFFFF0] =	vst v5;
	v5 =	vmul.f32 v11, v7;
	v7 =	vmul.f32 v10, v14  }
0x11f: {  	v10 =	vbroadcast v3, $0xD;
	[tilespmem:s12+$0x0] =	vst v4;
	v4 =	vbroadcast v3, $0xC  }
0x120: {  	[tilespmem:s12+$0x10] =	vst v6;
	v6 =	vbroadcast v3, $0xE;
	v3 =	vbroadcast v3, $0xF  }
0x121: {  	[tilespmem:s12+$0x20] =	vst v5;
	v4 =	vmul.f32 v15, v4;
	v5 =	vmul.f32 v12, v10  }
.Ltmp1:
0x122: {  	[tilespmem:s12+$0x30] =	vst v7;
	v6 =	vmul.f32 v9, v6;
	v3 =	vmul.f32 v8, v3;
	(pc) =	sbr.rel @p1 .LBB2_6-.Ltmp1, $4  }
0x123: {  	[tilespmem:s12+$0x40] =	vst v4  }
0x124: {  	[tilespmem:s12+$0x50] =	vst v5  }
0x125: {  	[tilespmem:s12+$0x60] =	vst v6  }
0x126: {  	s25 =	sshra.s32 s24, $0x2;
	s24 =	sadd.s32 $0x40, s24;
	[tilespmem:s12+$0x70] =	vst v3  }
0x127: {  	_ =	sdelay $0x3  }
0x128: {  	v2 =	vld.idx.msk [tilespmem:v2+s25+$0x0 ss:$0x1], $0xffff  }
0x129: {  	s12 =	sadd.s32 $0x100, s12  }
0x12a: {  	v3 =	vld [tilespmem:s12+$0xFFFFFF80]  }
0x12b: {  	v4 =	vld [tilespmem:s12+$0xFFFFFF90]  }
0x12c: {  	v5 =	vld [tilespmem:s12+$0xFFFFFFA0]  }
0x12d: {  	v6 =	vld [tilespmem:s12+$0xFFFFFFB0];
	v7 =	vbroadcast v2, $0x0  }
0x12e: {  	v10 =	vld [tilespmem:s12+$0xFFFFFFD0];
	v8 =	vbroadcast v2, $0x1  }
0x12f: {  	v46 =	vld [tilespmem:s12+$0xFFFFFFE0];
	v11 =	vbroadcast v2, $0x2;
	v3 =	vmul.f32 v7, v3  }
0x130: {  	v9 =	vld [tilespmem:s12+$0xFFFFFFC0];
	v45 =	vbroadcast v2, $0x3;
	v4 =	vmul.f32 v4, v8  }
0x131: {  	v49 =	vld [tilespmem:s12+$0x10];
	v47 =	vbroadcast v2, $0x5;
	v5 =	vmul.f32 v5, v11;
	[tilespmem:s12+$0xFFFFFF80] =	vst v3  }
0x132: {  	v59 =	vld [tilespmem:s12+$0x60];
	v13 =	vbroadcast v2, $0x6;
	v6 =	vmul.f32 v6, v45;
	[tilespmem:s12+$0xFFFFFF90] =	vst v4  }
0x133: {  	v12 =	vld [tilespmem:s12+$0xFFFFFFF0];
	v7 =	vmul.f32 v10, v47;
	v3 =	vbroadcast v2, $0x4;
	[tilespmem:s12+$0xFFFFFFA0] =	vst v5  }
0x134: {  	v48 =	vld [tilespmem:s12+$0x0];
	v53 =	vbroadcast v2, $0x9;
	v8 =	vmul.f32 v46, v13;
	[tilespmem:s12+$0xFFFFFFB0] =	vst v6  }
0x135: {  	v52 =	vld [tilespmem:s12+$0x30];
	v62 =	vbroadcast v2, $0xE;
	[tilespmem:s12+$0xFFFFFFD0] =	vst v7;
	v3 =	vmul.f32 v9, v3  }
0x136: {  	v55 =	vld [tilespmem:s12+$0x50];
	v50 =	vbroadcast v2, $0x7;
	v58 =	vmul.f32 v49, v53;
	[tilespmem:s12+$0xFFFFFFE0] =	vst v8  }
0x137: {  	v51 =	vld [tilespmem:s12+$0x20];
	v63 =	vmul.f32 v59, v62;
	[tilespmem:s12+$0xFFFFFFC0] =	vst v3;
	v3 =	vbroadcast v2, $0x8  }
0x138: {  	v54 =	vld [tilespmem:s12+$0x40];
	v57 =	vbroadcast v2, $0xB;
	v5 =	vmul.f32 v12, v50;
	[tilespmem:s12+$0x10] =	vst v58  }
0x139: {  	v60 =	vld [tilespmem:s12+$0x70];
	v61 =	vbroadcast v2, $0xD;
	[tilespmem:s12+$0x60] =	vst v63;
	v3 =	vmul.f32 v48, v3  }
0x13a: {  	s14 =	sadd.s32 $0x1, s14;
	v56 =	vbroadcast v2, $0xA;
	v4 =	vmul.f32 v52, v57;
	[tilespmem:s12+$0xFFFFFFF0] =	vst v5  }
0x13b: {  	p1 =	sne.s32 s14, $0x4;
	v6 =	vmul.f32 v55, v61;
	[tilespmem:s12+$0x0] =	vst v3;
	v3 =	vbroadcast v2, $0xC  }
.Ltmp2:
0x13c: {  	v9 =	vmul.f32 v51, v56;
	[tilespmem:s12+$0x30] =	vst v4;
	v2 =	vbroadcast v2, $0xF;
	(pc) =	sbr.rel @p1 .LBB2_5-.Ltmp2, $4  }
0x13d: {  	[tilespmem:s12+$0x50] =	vst v6;
	v3 =	vmul.f32 v54, v3  }
0x13e: {  	[tilespmem:s12+$0x20] =	vst v9;
	v2 =	vmul.f32 v60, v2  }
0x13f: {  	[tilespmem:s12+$0x40] =	vst v3  }
0x140: {  	s10 =	sadd.s32 $0x80, s10;
	s30 =	sadd.s32 $0x800, s30;
	[tilespmem:s12+$0x70] =	vst v2  }
0x141: {  	s10 =	simm.s32 $0x600;
	s12 =	simm.s32 $0x200  }
0x142: {  	[spmem:s2] =	stream.indirect.scatter.add.f32 [tilespmem:s10], [sflag:$0x3], $0x10, s12, s9, $0xb8;
	[tilespmem:$0x1F900] =	vst v63  }
0x143: {  	s14 =	simm.s32 $0xE00;
	s24 =	simm.s32 $0x280  }
0x144: {  	[spmem:s2] =	stream.indirect.scatter.add.f32 [tilespmem:s14], [sflag:$0x3], $0x10, s24, s9, $0xb8;
	[tilespmem:$0x1F900] =	vst v63  }
0x145: {  	s25 =	simm.s32 $0x1600;
	s30 =	simm.s32 $0x300  }
0x146: {  	[spmem:s2] =	stream.indirect.scatter.add.f32 [tilespmem:s25], [sflag:$0x3], $0x10, s30, s9, $0xb8;
	[tilespmem:$0x1F900] =	vst v63  }
0x147: {  	s12 =	simm.s32 $0x1E00;
	s10 =	simm.s32 @!p0 $0x5;
	s14 =	simm.s32 $0x380  }
0x148: {  	[spmem:s2] =	stream.indirect.scatter.add.f32 [tilespmem:s12], [sflag:$0x3], $0x10, s14, s9, $0xb8;
	[tilespmem:$0x1F900] =	vst v63  }
0x149: {  	_ =	swait.ge @!p0 [sflag:s10], $0x800  }
0x14a: {  	[sflag:s10] =	ssyncset.done @!p0 $0x0  }
0x14b: {  	[sflag:s10] =	ssyncadd.s32 @!p0 $0xFFFFF800  }
0x14c: {  	_ =	swait.ge @!p0 [sflag:s10], $0x800  }
0x14d: {  	[sflag:s10] =	ssyncset.done @!p0 $0x0  }
0x14e: {  	[sflag:s10] =	ssyncadd.s32 @!p0 $0xFFFFF800  }
0x14f: {  	_ =	swait.ge @!p0 [sflag:s10], $0x800  }
0x150: {  	[sflag:s10] =	ssyncset.done @!p0 $0x0  }
0x151: {  	[sflag:s10] =	ssyncadd.s32 @!p0 $0xFFFFF800  }
0x152: {  	_ =	swait.ge @!p0 [sflag:s10], $0x800  }
0x153: {  	s24 =	rddreg [dreg:$0x14]  }
0x154: {  	s12 =	sadd.s32 s31, s24  }
0x155: {  	[sflag:s10] =	ssyncset.done @!p0 $0x0;
	s12 =	sshll.u32 s12, $0x4  }
0x156: {  	[sflag:s10] =	ssyncadd.s32 @!p0 $0xFFFFF800;
	s10 =	simm.s32 $0x0;
	s14 =	sadd.s32 s5, s12  }
0x157: {  	[tilespmem:s13], [sflag:$0x2] =	stream.linear.gather [hbm4b:s14+s10], $0x200, $0x38;
	[tilespmem:$0x1F900] =	vst v63  }
0x158: {  	s25 =	sadd.s32 s6, s12  }
0x159: {  	[tilespmem:s17], [sflag:$0x2] =	stream.linear.gather [hbm4b:s25+s10], $0x200, $0x38;
	[tilespmem:$0x1F900] =	vst v63  }
0x15a: {  	s30 =	simm.s32 $0x5000;
	s12 =	sadd.s32 s7, s12  }
0x15b: {  	[tilespmem:s30], [sflag:$0x2] =	stream.linear.gather [hbm4b:s12+s10], $0x200, $0x38;
	[tilespmem:$0x1F900] =	vst v63  }
0x15c: {  	_ =	swait.ge [sflag:s18], $0x800  }
0x15d: {  	[sflag:s18] =	ssyncset.done $0x0  }
0x15e: {  	[sflag:s18] =	ssyncadd.s32 $0xFFFFF800  }
0x15f: {  	_ =	swait.ge [sflag:s18], $0x800  }
0x160: {  	[sflag:s18] =	ssyncset.done $0x0  }
0x161: {  	[sflag:s18] =	ssyncadd.s32 $0xFFFFF800  }
0x162: {  	_ =	swait.ge [sflag:s18], $0x800  }
0x163: {  	[sflag:s18] =	ssyncset.done $0x0  }
0x164: {  	[sflag:s18] =	ssyncadd.s32 $0xFFFFF800  }
0x165: {  	_ =	swait.ge [sflag:s18], $0x800  }
0x166: {  	[sflag:s18] =	ssyncset.done $0x0  }
0x167: {  	[sflag:s18] =	ssyncadd.s32 $0xFFFFF800  }
0x168: {  	_ =	swait.ge [sflag:s1], $0x200  }
0x169: {  	[sflag:s1] =	ssyncset.done $0x0  }
0x16a: {  	[sflag:s1] =	ssyncadd.s32 $0xFFFFFE00  }
0x16b: {  	_ =	swait.ge [sflag:s1], $0x200  }
0x16c: {  	[sflag:s1] =	ssyncset.done $0x0  }
0x16d: {  	[sflag:s1] =	ssyncadd.s32 $0xFFFFFE00  }
0x16e: {  	_ =	swait.ge [sflag:s1], $0x200  }
0x16f: {  	[sflag:s1] =	ssyncset.done $0x0  }
0x170: {  	[sflag:s1] =	ssyncadd.s32 $0xFFFFFE00  }
0x171: {  	v2 =	vld [tilespmem:$0x4C00]  }
0x172: {  	v3 =	vld [tilespmem:$0x4C10]  }
0x173: {  	v4 =	vld [tilespmem:$0x4C20]  }
0x174: {  	v5 =	vld [tilespmem:$0x4C30]  }
0x175: {  	v6 =	vld [tilespmem:$0x4C40]  }
0x176: {  	v7 =	vld [tilespmem:$0x4C50];
	v2 =	vshll.u32 v2, $0x1  }
0x177: {  	v8 =	vld [tilespmem:$0x4C60];
	v3 =	vshll.u32 v3, $0x1;
	v2 =	vor.u32 v0, v2  }
0x178: {  	v39 =	vld [tilespmem:$0x4C70];
	[tilespmem:$0x4C00] =	vst v2;
	v2 =	vor.u32 v0, v3;
	v3 =	vshll.u32 v4, $0x1  }
0x179: {  	v40 =	vld [tilespmem:$0x4C80];
	[tilespmem:$0x4C10] =	vst v2;
	v2 =	vor.u32 v0, v3;
	v3 =	vshll.u32 v5, $0x1  }
0x17a: {  	v41 =	vld [tilespmem:$0x4C90];
	[tilespmem:$0x4C20] =	vst v2;
	v2 =	vor.u32 v0, v3;
	v3 =	vshll.u32 v6, $0x1  }
0x17b: {  	v42 =	vld [tilespmem:$0x4CA0];
	[tilespmem:$0x4C30] =	vst v2;
	v2 =	vor.u32 v0, v3;
	v3 =	vshll.u32 v7, $0x1  }
0x17c: {  	v43 =	vld [tilespmem:$0x4CB0];
	[tilespmem:$0x4C40] =	vst v2;
	v2 =	vor.u32 v0, v3;
	v3 =	vshll.u32 v8, $0x1  }
0x17d: {  	v44 =	vld [tilespmem:$0x4CC0];
	[tilespmem:$0x4C50] =	vst v2;
	v2 =	vor.u32 v0, v3;
	v3 =	vshll.u32 v39, $0x1  }
0x17e: {  	v45 =	vld [tilespmem:$0x4CD0];
	[tilespmem:$0x4C60] =	vst v2;
	v2 =	vor.u32 v0, v3;
	v3 =	vshll.u32 v40, $0x1  }
0x17f: {  	v46 =	vld [tilespmem:$0x4CE0];
	[tilespmem:$0x4C70] =	vst v2;
	v2 =	vor.u32 v0, v3;
	v3 =	vshll.u32 v41, $0x1  }
0x180: {  	v47 =	vld [tilespmem:$0x4CF0];
	[tilespmem:$0x4C80] =	vst v2;
	v2 =	vor.u32 v0, v3;
	v3 =	vshll.u32 v42, $0x1  }
0x181: {  	v48 =	vld [tilespmem:$0x4D00];
	[tilespmem:$0x4C90] =	vst v2;
	v2 =	vor.u32 v0, v3;
	v3 =	vshll.u32 v43, $0x1  }
0x182: {  	v49 =	vld [tilespmem:$0x4D10];
	[tilespmem:$0x4CA0] =	vst v2;
	v2 =	vor.u32 v0, v3;
	v3 =	vshll.u32 v44, $0x1  }
0x183: {  	v50 =	vld [tilespmem:$0x4D20];
	[tilespmem:$0x4CB0] =	vst v2;
	v2 =	vor.u32 v0, v3;
	v3 =	vshll.u32 v45, $0x1  }
0x184: {  	v51 =	vld [tilespmem:$0x4D30];
	[tilespmem:$0x4CC0] =	vst v2;
	v2 =	vor.u32 v0, v3;
	v3 =	vshll.u32 v46, $0x1  }
0x185: {  	v52 =	vld [tilespmem:$0x4D40];
	[tilespmem:$0x4CD0] =	vst v2;
	v2 =	vor.u32 v0, v3;
	v3 =	vshll.u32 v47, $0x1  }
0x186: {  	v53 =	vld [tilespmem:$0x4D50];
	[tilespmem:$0x4CE0] =	vst v2;
	v2 =	vor.u32 v0, v3;
	v3 =	vshll.u32 v48, $0x1  }
0x187: {  	v54 =	vld [tilespmem:$0x4D60];
	[tilespmem:$0x4CF0] =	vst v2;
	v2 =	vor.u32 v0, v3;
	v3 =	vshll.u32 v49, $0x1  }
0x188: {  	v55 =	vld [tilespmem:$0x4D70];
	[tilespmem:$0x4D00] =	vst v2;
	v2 =	vor.u32 v0, v3;
	v3 =	vshll.u32 v50, $0x1  }
0x189: {  	v56 =	vld [tilespmem:$0x4D80];
	[tilespmem:$0x4D10] =	vst v2;
	v2 =	vor.u32 v0, v3;
	v3 =	vshll.u32 v51, $0x1  }
0x18a: {  	v57 =	vld [tilespmem:$0x4D90];
	[tilespmem:$0x4D20] =	vst v2;
	v2 =	vor.u32 v0, v3;
	v3 =	vshll.u32 v52, $0x1  }
0x18b: {  	v58 =	vld [tilespmem:$0x4DA0];
	[tilespmem:$0x4D30] =	vst v2;
	v2 =	vor.u32 v0, v3;
	v3 =	vshll.u32 v53, $0x1  }
0x18c: {  	v59 =	vld [tilespmem:$0x4DB0];
	[tilespmem:$0x4D40] =	vst v2;
	v2 =	vor.u32 v0, v3;
	v3 =	vshll.u32 v54, $0x1  }
0x18d: {  	v60 =	vld [tilespmem:$0x4DC0];
	[tilespmem:$0x4D50] =	vst v2;
	v2 =	vor.u32 v0, v3;
	v3 =	vshll.u32 v55, $0x1  }
0x18e: {  	v61 =	vld [tilespmem:$0x4DD0];
	[tilespmem:$0x4D60] =	vst v2;
	v2 =	vor.u32 v0, v3;
	v3 =	vshll.u32 v56, $0x1  }
0x18f: {  	v62 =	vld [tilespmem:$0x4DE0];
	[tilespmem:$0x4D70] =	vst v2;
	v2 =	vor.u32 v0, v3;
	v3 =	vshll.u32 v57, $0x1  }
0x190: {  	v63 =	vld [tilespmem:$0x4DF0];
	[tilespmem:$0x4D80] =	vst v2;
	v2 =	vor.u32 v0, v3;
	v3 =	vshll.u32 v58, $0x1  }
0x191: {  	[tilespmem:$0x4D90] =	vst v2;
	v2 =	vor.u32 v0, v3;
	v3 =	vshll.u32 v59, $0x1  }
0x192: {  	[tilespmem:$0x4DA0] =	vst v2;
	v2 =	vor.u32 v0, v3;
	v3 =	vshll.u32 v60, $0x1  }
0x193: {  	[tilespmem:$0x4DB0] =	vst v2;
	v2 =	vor.u32 v0, v3;
	v3 =	vshll.u32 v61, $0x1  }
0x194: {  	[tilespmem:$0x4DC0] =	vst v2;
	v2 =	vor.u32 v0, v3;
	v3 =	vshll.u32 v62, $0x1  }
0x195: {  	[tilespmem:$0x4DD0] =	vst v2;
	v2 =	vor.u32 v0, v3;
	v3 =	vshll.u32 v63, $0x1  }
0x196: {  	[tilespmem:$0x4DE0] =	vst v2;
	v2 =	vor.u32 v0, v3  }
0x197: {  	[tilespmem:$0x4DF0] =	vst v2  }
0x198: {  	[tilespmem:s22], [sflag:$0x1] =	stream.indirect.gather [hbm4b:s4+s9], $0x10, s13, s9, $0xb8;
	[tilespmem:$0x1F900] =	vst v63  }
0x199: {  	s24 =	simm.s32 $0x4C80  }
0x19a: {  	[tilespmem:s8], [sflag:$0x1] =	stream.indirect.gather [hbm4b:s4+s9], $0x10, s24, s9, $0xb8;
	[tilespmem:$0x1F900] =	vst v63  }
0x19b: {  	s25 =	simm.s32 $0x4D00  }
0x19c: {  	[tilespmem:s11], [sflag:$0x1] =	stream.indirect.gather [hbm4b:s4+s9], $0x10, s25, s9, $0xb8;
	[tilespmem:$0x1F900] =	vst v63  }
0x19d: {  	s14 =	simm.s32 $0x2C80;
	s30 =	simm.s32 $0x4D80;
	s12 =	simm.s32 $0x2A00  }
0x19e: {  	[tilespmem:s28], [sflag:$0x1] =	stream.indirect.gather [hbm4b:s4+s9], $0x10, s30, s9, $0xb8;
	[tilespmem:$0x1F900] =	vst v63  }
.LBB2_9:
0x19f: {  	v2 =	vmov s12;
	_ =	sdelay $0x3  }
0x1a0: {  	s24 =	simm.s32 $0x0  }
0x1a1: {  	v3 =	vld.idx.msk [tilespmem:v2+s24+$0x0 ss:$0x1], $0xffff;
	_ =	sdelay $0x4  }
0x1a2: {  	v4 =	vld [tilespmem:s14+$0xFFFFFF80];
	v8 =	vbroadcast v3, $0x0  }
0x1a3: {  	v5 =	vld [tilespmem:s14+$0xFFFFFF90];
	v9 =	vbroadcast v3, $0x1;
	v12 =	vbroadcast v3, $0x2  }
0x1a4: {  	v6 =	vld [tilespmem:s14+$0xFFFFFFA0];
	v42 =	vbroadcast v3, $0x3;
	v44 =	vbroadcast v3, $0x4  }
0x1a5: {  	v7 =	vld [tilespmem:s14+$0xFFFFFFB0];
	v45 =	vbroadcast v3, $0x5;
	v14 =	vbroadcast v3, $0x6  }
0x1a6: {  	v11 =	vld [tilespmem:s14+$0xFFFFFFD0];
	v48 =	vbroadcast v3, $0x7;
	v51 =	vbroadcast v3, $0x8  }
0x1a7: {  	v43 =	vld [tilespmem:s14+$0xFFFFFFE0];
	v52 =	vbroadcast v3, $0x9;
	v4 =	vmul.f32 v8, v4  }
0x1a8: {  	v47 =	vld [tilespmem:s14+$0x10];
	v55 =	vbroadcast v3, $0xA;
	v5 =	vmul.f32 v5, v9  }
0x1a9: {  	v58 =	vld [tilespmem:s14+$0x60];
	v56 =	vbroadcast v3, $0xB;
	v6 =	vmul.f32 v6, v12;
	[tilespmem:s14+$0xFFFFFF80] =	vst v4  }
0x1aa: {  	v59 =	vld [tilespmem:s14+$0x70];
	v60 =	vbroadcast v3, $0xC;
	v7 =	vmul.f32 v7, v42;
	[tilespmem:s14+$0xFFFFFF90] =	vst v5  }
0x1ab: {  	v10 =	vld [tilespmem:s14+$0xFFFFFFC0];
	v61 =	vbroadcast v3, $0xD;
	v8 =	vmul.f32 v11, v45;
	[tilespmem:s14+$0xFFFFFFA0] =	vst v6  }
0x1ac: {  	v13 =	vld [tilespmem:s14+$0xFFFFFFF0];
	v62 =	vbroadcast v3, $0xE;
	v9 =	vmul.f32 v43, v14;
	[tilespmem:s14+$0xFFFFFFB0] =	vst v7  }
0x1ad: {  	v49 =	vld [tilespmem:s14+$0x20];
	v3 =	vbroadcast v3, $0xF;
	v57 =	vmul.f32 v47, v52;
	[tilespmem:s14+$0xFFFFFFD0] =	vst v8  }
0x1ae: {  	v50 =	vld [tilespmem:s14+$0x30];
	v63 =	vmul.f32 v58, v62;
	[tilespmem:s14+$0xFFFFFFE0] =	vst v9  }
0x1af: {  	v46 =	vld [tilespmem:s14+$0x0];
	v3 =	vmul.f32 v59, v3;
	[tilespmem:s14+$0x10] =	vst v57  }
0x1b0: {  	v54 =	vld [tilespmem:s14+$0x50];
	v4 =	vmul.f32 v10, v44;
	[tilespmem:s14+$0x60] =	vst v63  }
0x1b1: {  	v53 =	vld [tilespmem:s14+$0x40];
	v6 =	vmul.f32 v13, v48;
	[tilespmem:s14+$0x70] =	vst v3  }
0x1b2: {  	v10 =	vmul.f32 v49, v55;
	[tilespmem:s14+$0xFFFFFFC0] =	vst v4  }
0x1b3: {  	v5 =	vmul.f32 v50, v56;
	[tilespmem:s14+$0xFFFFFFF0] =	vst v6  }
0x1b4: {  	v4 =	vmul.f32 v46, v51;
	[tilespmem:s14+$0x20] =	vst v10  }
0x1b5: {  	v7 =	vmul.f32 v54, v61;
	[tilespmem:s14+$0x30] =	vst v5  }
0x1b6: {  	[tilespmem:s14+$0x0] =	vst v4;
	v4 =	vmul.f32 v53, v60  }
0x1b7: {  	[tilespmem:s14+$0x50] =	vst v7  }
0x1b8: {  	s25 =	simm.s32 $0x10;
	s30 =	smov.u32 s14;
	s24 =	simm.s32 $0x80;
	[tilespmem:s14+$0x40] =	vst v4  }
.LBB2_10:
0x1b9: {  	p0 =	sne.s32 s24, $0x1C0;
	v3 =	vld.idx.msk [tilespmem:v2+s25+$0x0 ss:$0x1], $0xffff;
	s30 =	sadd.s32 $0x100, s30  }
0x1ba: {  	v4 =	vld [tilespmem:s30+$0xFFFFFFB0]  }
0x1bb: {  	v5 =	vld [tilespmem:s30+$0xFFFFFF90]  }
0x1bc: {  	v6 =	vld [tilespmem:s30+$0xFFFFFF80]  }
0x1bd: {  	v7 =	vld [tilespmem:s30+$0xFFFFFFA0]  }
0x1be: {  	v8 =	vld [tilespmem:s30+$0xFFFFFFF0]  }
0x1bf: {  	v9 =	vbroadcast v3, $0x0;
	v10 =	vbroadcast v3, $0x1;
	v11 =	vld [tilespmem:s30+$0xFFFFFFD0]  }
0x1c0: {  	v12 =	vbroadcast v3, $0x2;
	v13 =	vbroadcast v3, $0x3;
	v14 =	vld [tilespmem:s30+$0xFFFFFFC0]  }
0x1c1: {  	v5 =	vmul.f32 v5, v10;
	v6 =	vmul.f32 v9, v6;
	v9 =	vld [tilespmem:s30+$0xFFFFFFE0]  }
0x1c2: {  	v4 =	vmul.f32 v4, v13;
	v7 =	vmul.f32 v7, v12;
	v10 =	vld [tilespmem:s30+$0x30]  }
0x1c3: {  	v12 =	vbroadcast v3, $0x5;
	[tilespmem:s30+$0xFFFFFF80] =	vst v6;
	v6 =	vbroadcast v3, $0x4;
	v13 =	vld [tilespmem:s30+$0x10]  }
0x1c4: {  	v15 =	vbroadcast v3, $0x7;
	[tilespmem:s30+$0xFFFFFF90] =	vst v5;
	v5 =	vbroadcast v3, $0x6;
	v16 =	vld [tilespmem:s30+$0x0]  }
0x1c5: {  	[tilespmem:s30+$0xFFFFFFA0] =	vst v7;
	v6 =	vmul.f32 v14, v6;
	v7 =	vmul.f32 v11, v12;
	v11 =	vld [tilespmem:s30+$0x20]  }
0x1c6: {  	[tilespmem:s30+$0xFFFFFFB0] =	vst v4;
	v4 =	vmul.f32 v9, v5;
	v5 =	vmul.f32 v8, v15;
	v8 =	vld [tilespmem:s30+$0x70]  }
0x1c7: {  	v9 =	vbroadcast v3, $0x9;
	[tilespmem:s30+$0xFFFFFFC0] =	vst v6;
	v6 =	vbroadcast v3, $0x8;
	v12 =	vld [tilespmem:s30+$0x50]  }
0x1c8: {  	v14 =	vbroadcast v3, $0xB;
	[tilespmem:s30+$0xFFFFFFD0] =	vst v7;
	v7 =	vbroadcast v3, $0xA;
	v15 =	vld [tilespmem:s30+$0x40]  }
0x1c9: {  	[tilespmem:s30+$0xFFFFFFE0] =	vst v4;
	v4 =	vmul.f32 v16, v6;
	v6 =	vmul.f32 v13, v9;
	v9 =	vld [tilespmem:s30+$0x60]  }
0x1ca: {  	[tilespmem:s30+$0xFFFFFFF0] =	vst v5;
	v5 =	vmul.f32 v11, v7;
	v7 =	vmul.f32 v10, v14  }
0x1cb: {  	v10 =	vbroadcast v3, $0xD;
	[tilespmem:s30+$0x0] =	vst v4;
	v4 =	vbroadcast v3, $0xC  }
0x1cc: {  	[tilespmem:s30+$0x10] =	vst v6;
	v6 =	vbroadcast v3, $0xE;
	v3 =	vbroadcast v3, $0xF  }
0x1cd: {  	[tilespmem:s30+$0x20] =	vst v5;
	v4 =	vmul.f32 v15, v4;
	v5 =	vmul.f32 v12, v10  }
.Ltmp3:
0x1ce: {  	[tilespmem:s30+$0x30] =	vst v7;
	v6 =	vmul.f32 v9, v6;
	v3 =	vmul.f32 v8, v3;
	(pc) =	sbr.rel @p0 .LBB2_10-.Ltmp3, $4  }
0x1cf: {  	[tilespmem:s30+$0x40] =	vst v4  }
0x1d0: {  	[tilespmem:s30+$0x50] =	vst v5  }
0x1d1: {  	[tilespmem:s30+$0x60] =	vst v6  }
0x1d2: {  	s25 =	sshra.s32 s24, $0x2;
	s24 =	sadd.s32 $0x40, s24;
	[tilespmem:s30+$0x70] =	vst v3  }
0x1d3: {  	_ =	sdelay $0x3  }
0x1d4: {  	v2 =	vld.idx.msk [tilespmem:v2+s25+$0x0 ss:$0x1], $0xffff  }
0x1d5: {  	s24 =	sadd.s32 $0x100, s30  }
0x1d6: {  	v3 =	vld [tilespmem:s24+$0xFFFFFF80]  }
0x1d7: {  	v4 =	vld [tilespmem:s24+$0xFFFFFF90]  }
0x1d8: {  	v5 =	vld [tilespmem:s24+$0xFFFFFFA0]  }
0x1d9: {  	v6 =	vld [tilespmem:s24+$0xFFFFFFB0];
	v7 =	vbroadcast v2, $0x0  }
0x1da: {  	v10 =	vld [tilespmem:s24+$0xFFFFFFD0];
	v8 =	vbroadcast v2, $0x1  }
0x1db: {  	v46 =	vld [tilespmem:s24+$0xFFFFFFE0];
	v11 =	vbroadcast v2, $0x2;
	v3 =	vmul.f32 v7, v3  }
0x1dc: {  	v9 =	vld [tilespmem:s24+$0xFFFFFFC0];
	v45 =	vbroadcast v2, $0x3;
	v4 =	vmul.f32 v4, v8  }
0x1dd: {  	v49 =	vld [tilespmem:s24+$0x10];
	v47 =	vbroadcast v2, $0x5;
	v5 =	vmul.f32 v5, v11;
	[tilespmem:s24+$0xFFFFFF80] =	vst v3  }
0x1de: {  	v59 =	vld [tilespmem:s24+$0x60];
	v13 =	vbroadcast v2, $0x6;
	v6 =	vmul.f32 v6, v45;
	[tilespmem:s24+$0xFFFFFF90] =	vst v4  }
0x1df: {  	v12 =	vld [tilespmem:s24+$0xFFFFFFF0];
	v7 =	vmul.f32 v10, v47;
	v3 =	vbroadcast v2, $0x4;
	[tilespmem:s24+$0xFFFFFFA0] =	vst v5  }
0x1e0: {  	v48 =	vld [tilespmem:s24+$0x0];
	v53 =	vbroadcast v2, $0x9;
	v8 =	vmul.f32 v46, v13;
	[tilespmem:s24+$0xFFFFFFB0] =	vst v6  }
0x1e1: {  	v52 =	vld [tilespmem:s24+$0x30];
	v62 =	vbroadcast v2, $0xE;
	[tilespmem:s24+$0xFFFFFFD0] =	vst v7;
	v3 =	vmul.f32 v9, v3  }
0x1e2: {  	v55 =	vld [tilespmem:s24+$0x50];
	v50 =	vbroadcast v2, $0x7;
	v58 =	vmul.f32 v49, v53;
	[tilespmem:s24+$0xFFFFFFE0] =	vst v8  }
0x1e3: {  	v51 =	vld [tilespmem:s24+$0x20];
	v63 =	vmul.f32 v59, v62;
	[tilespmem:s24+$0xFFFFFFC0] =	vst v3;
	v3 =	vbroadcast v2, $0x8  }
0x1e4: {  	v54 =	vld [tilespmem:s24+$0x40];
	v57 =	vbroadcast v2, $0xB;
	v5 =	vmul.f32 v12, v50;
	[tilespmem:s24+$0x10] =	vst v58  }
0x1e5: {  	v60 =	vld [tilespmem:s24+$0x70];
	v61 =	vbroadcast v2, $0xD;
	[tilespmem:s24+$0x60] =	vst v63;
	v3 =	vmul.f32 v48, v3  }
0x1e6: {  	s10 =	sadd.s32 $0x1, s10;
	v56 =	vbroadcast v2, $0xA;
	v4 =	vmul.f32 v52, v57;
	[tilespmem:s24+$0xFFFFFFF0] =	vst v5  }
0x1e7: {  	p0 =	sne.s32 s10, $0x4;
	v6 =	vmul.f32 v55, v61;
	[tilespmem:s24+$0x0] =	vst v3;
	v3 =	vbroadcast v2, $0xC  }
.Ltmp4:
0x1e8: {  	v9 =	vmul.f32 v51, v56;
	[tilespmem:s24+$0x30] =	vst v4;
	v2 =	vbroadcast v2, $0xF;
	(pc) =	sbr.rel @p0 .LBB2_9-.Ltmp4, $4  }
0x1e9: {  	[tilespmem:s24+$0x50] =	vst v6;
	v3 =	vmul.f32 v54, v3  }
0x1ea: {  	[tilespmem:s24+$0x20] =	vst v9;
	v2 =	vmul.f32 v60, v2  }
0x1eb: {  	[tilespmem:s24+$0x40] =	vst v3  }
0x1ec: {  	s12 =	sadd.s32 $0x80, s12;
	s14 =	sadd.s32 $0x800, s14;
	[tilespmem:s24+$0x70] =	vst v2  }
0x1ed: {  	[spmem:s2] =	stream.indirect.scatter.add.f32 [tilespmem:s19], [sflag:$0x4], $0x10, s16, s9, $0xb8;
	[tilespmem:$0x1F900] =	vst v63  }
0x1ee: {  	s10 =	simm.s32 $0x2880  }
0x1ef: {  	[spmem:s2] =	stream.indirect.scatter.add.f32 [tilespmem:s21], [sflag:$0x4], $0x10, s10, s9, $0xb8;
	[tilespmem:$0x1F900] =	vst v63  }
0x1f0: {  	s25 =	simm.s32 $0x2900  }
0x1f1: {  	[spmem:s2] =	stream.indirect.scatter.add.f32 [tilespmem:s23], [sflag:$0x4], $0x10, s25, s9, $0xb8;
	[tilespmem:$0x1F900] =	vst v63  }
0x1f2: {  	s30 =	simm.s32 $0x2980  }
0x1f3: {  	[spmem:s2] =	stream.indirect.scatter.add.f32 [tilespmem:s29], [sflag:$0x4], $0x10, s30, s9, $0xb8;
	[tilespmem:$0x1F900] =	vst v63  }
0x1f4: {  	_ =	swait.ge [sflag:s20], $0x800  }
0x1f5: {  	[sflag:s20] =	ssyncset.done $0x0  }
0x1f6: {  	[sflag:s20] =	ssyncadd.s32 $0xFFFFF800  }
0x1f7: {  	_ =	swait.ge [sflag:s20], $0x800  }
0x1f8: {  	[sflag:s20] =	ssyncset.done $0x0  }
0x1f9: {  	[sflag:s20] =	ssyncadd.s32 $0xFFFFF800  }
0x1fa: {  	_ =	swait.ge [sflag:s20], $0x800  }
0x1fb: {  	[sflag:s20] =	ssyncset.done $0x0  }
0x1fc: {  	p0 =	seq.s32 s0, $0x41;
	[sflag:s20] =	ssyncadd.s32 $0xFFFFF800  }
0x1fd: {  	s10 =	sadd.s32 @!p0 s31, s26;
	_ =	swait.ge [sflag:s20], $0x800  }
0x1fe: {  	s10 =	sshll.u32 @!p0 s10, $0x4;
	[sflag:s20] =	ssyncset.done $0x0  }
0x1ff: {  	s14 =	simm.s32 @!p0 $0x0;
	s12 =	sadd.s32 @!p0 s5, s10;
	[sflag:s20] =	ssyncadd.s32 $0xFFFFF800  }
0x200: {  	[tilespmem:s14], [sflag:$0x2] =	stream.linear.gather @!p0 [hbm4b:s12+s14], $0x200, $0x38;
	[tilespmem:$0x1F900] =	vst v63  }
0x201: {  	s24 =	simm.s32 @!p0 $0x200;
	s12 =	sadd.s32 @!p0 s6, s10  }
0x202: {  	[tilespmem:s24], [sflag:$0x2] =	stream.linear.gather @!p0 [hbm4b:s12+s14], $0x200, $0x38;
	[tilespmem:$0x1F900] =	vst v63  }
0x203: {  	s10 =	sadd.s32 @!p0 s7, s10;
	s12 =	simm.s32 @!p0 $0x400  }
0x204: {  	[tilespmem:s12], [sflag:$0x2] =	stream.linear.gather @!p0 [hbm4b:s10+s14], $0x200, $0x38;
	[tilespmem:$0x1F900] =	vst v63  }
0x205: {  	_ =	swait.ge [sflag:s18], $0x800  }
0x206: {  	[sflag:s18] =	ssyncset.done $0x0  }
0x207: {  	[sflag:s18] =	ssyncadd.s32 $0xFFFFF800  }
0x208: {  	_ =	swait.ge [sflag:s18], $0x800  }
0x209: {  	[sflag:s18] =	ssyncset.done $0x0  }
0x20a: {  	[sflag:s18] =	ssyncadd.s32 $0xFFFFF800  }
0x20b: {  	_ =	swait.ge [sflag:s18], $0x800  }
.Ltmp5:
0x20c: {  	[sflag:s18] =	ssyncset.done $0x0;
	(pc) =	sbr.rel @p0 .LBB2_14-.Ltmp5, $4  }
0x20d: {  	[sflag:s18] =	ssyncadd.s32 $0xFFFFF800  }
0x20e: {  	_ =	swait.ge [sflag:s18], $0x800  }
0x20f: {  	[sflag:s18] =	ssyncset.done $0x0  }
0x210: {  	[sflag:s18] =	ssyncadd.s32 $0xFFFFF800  }
0x211: {  	_ =	swait.ge [sflag:s1], $0x200  }
0x212: {  	[sflag:s1] =	ssyncset.done $0x0  }
0x213: {  	[sflag:s1] =	ssyncadd.s32 $0xFFFFFE00  }
0x214: {  	_ =	swait.ge [sflag:s1], $0x200  }
0x215: {  	[sflag:s1] =	ssyncset.done $0x0  }
0x216: {  	[sflag:s1] =	ssyncadd.s32 $0xFFFFFE00  }
0x217: {  	_ =	swait.ge [sflag:s1], $0x200  }
0x218: {  	[sflag:s1] =	ssyncset.done $0x0  }
0x219: {  	[sflag:s1] =	ssyncadd.s32 $0xFFFFFE00  }
0x21a: {  	v2 =	vld [tilespmem:$0x0]  }
0x21b: {  	v3 =	vld [tilespmem:$0x10]  }
0x21c: {  	v4 =	vld [tilespmem:$0x20]  }
0x21d: {  	v5 =	vld [tilespmem:$0x30]  }
0x21e: {  	v6 =	vld [tilespmem:$0x40]  }
0x21f: {  	v7 =	vld [tilespmem:$0x50];
	v2 =	vshll.u32 v2, $0x1  }
0x220: {  	v8 =	vld [tilespmem:$0x60];
	v3 =	vshll.u32 v3, $0x1;
	v2 =	vor.u32 v0, v2  }
0x221: {  	v39 =	vld [tilespmem:$0x70];
	[tilespmem:$0x0] =	vst v2;
	v2 =	vor.u32 v0, v3;
	v3 =	vshll.u32 v4, $0x1  }
0x222: {  	v40 =	vld [tilespmem:$0x80];
	[tilespmem:$0x10] =	vst v2;
	v2 =	vor.u32 v0, v3;
	v3 =	vshll.u32 v5, $0x1  }
0x223: {  	v41 =	vld [tilespmem:$0x90];
	[tilespmem:$0x20] =	vst v2;
	v2 =	vor.u32 v0, v3;
	v3 =	vshll.u32 v6, $0x1  }
0x224: {  	v42 =	vld [tilespmem:$0xA0];
	[tilespmem:$0x30] =	vst v2;
	v2 =	vor.u32 v0, v3;
	v3 =	vshll.u32 v7, $0x1  }
0x225: {  	v43 =	vld [tilespmem:$0xB0];
	[tilespmem:$0x40] =	vst v2;
	v2 =	vor.u32 v0, v3;
	v3 =	vshll.u32 v8, $0x1  }
0x226: {  	v44 =	vld [tilespmem:$0xC0];
	[tilespmem:$0x50] =	vst v2;
	v2 =	vor.u32 v0, v3;
	v3 =	vshll.u32 v39, $0x1  }
0x227: {  	v45 =	vld [tilespmem:$0xD0];
	[tilespmem:$0x60] =	vst v2;
	v2 =	vor.u32 v0, v3;
	v3 =	vshll.u32 v40, $0x1  }
0x228: {  	v46 =	vld [tilespmem:$0xE0];
	[tilespmem:$0x70] =	vst v2;
	v2 =	vor.u32 v0, v3;
	v3 =	vshll.u32 v41, $0x1  }
0x229: {  	v47 =	vld [tilespmem:$0xF0];
	[tilespmem:$0x80] =	vst v2;
	v2 =	vor.u32 v0, v3;
	v3 =	vshll.u32 v42, $0x1  }
0x22a: {  	v48 =	vld [tilespmem:$0x100];
	[tilespmem:$0x90] =	vst v2;
	v2 =	vor.u32 v0, v3;
	v3 =	vshll.u32 v43, $0x1  }
0x22b: {  	v49 =	vld [tilespmem:$0x110];
	[tilespmem:$0xA0] =	vst v2;
	v2 =	vor.u32 v0, v3;
	v3 =	vshll.u32 v44, $0x1  }
0x22c: {  	v50 =	vld [tilespmem:$0x120];
	[tilespmem:$0xB0] =	vst v2;
	v2 =	vor.u32 v0, v3;
	v3 =	vshll.u32 v45, $0x1  }
0x22d: {  	v51 =	vld [tilespmem:$0x130];
	[tilespmem:$0xC0] =	vst v2;
	v2 =	vor.u32 v0, v3;
	v3 =	vshll.u32 v46, $0x1  }
0x22e: {  	v52 =	vld [tilespmem:$0x140];
	[tilespmem:$0xD0] =	vst v2;
	v2 =	vor.u32 v0, v3;
	v3 =	vshll.u32 v47, $0x1  }
0x22f: {  	v53 =	vld [tilespmem:$0x150];
	[tilespmem:$0xE0] =	vst v2;
	v2 =	vor.u32 v0, v3;
	v3 =	vshll.u32 v48, $0x1  }
0x230: {  	v54 =	vld [tilespmem:$0x160];
	[tilespmem:$0xF0] =	vst v2;
	v2 =	vor.u32 v0, v3;
	v3 =	vshll.u32 v49, $0x1  }
0x231: {  	v55 =	vld [tilespmem:$0x170];
	[tilespmem:$0x100] =	vst v2;
	v2 =	vor.u32 v0, v3;
	v3 =	vshll.u32 v50, $0x1  }
0x232: {  	v56 =	vld [tilespmem:$0x180];
	[tilespmem:$0x110] =	vst v2;
	v2 =	vor.u32 v0, v3;
	v3 =	vshll.u32 v51, $0x1  }
0x233: {  	v57 =	vld [tilespmem:$0x190];
	[tilespmem:$0x120] =	vst v2;
	v2 =	vor.u32 v0, v3;
	v3 =	vshll.u32 v52, $0x1  }
0x234: {  	v58 =	vld [tilespmem:$0x1A0];
	[tilespmem:$0x130] =	vst v2;
	v2 =	vor.u32 v0, v3;
	v3 =	vshll.u32 v53, $0x1  }
0x235: {  	v59 =	vld [tilespmem:$0x1B0];
	[tilespmem:$0x140] =	vst v2;
	v2 =	vor.u32 v0, v3;
	v3 =	vshll.u32 v54, $0x1  }
0x236: {  	v60 =	vld [tilespmem:$0x1C0];
	[tilespmem:$0x150] =	vst v2;
	v2 =	vor.u32 v0, v3;
	v3 =	vshll.u32 v55, $0x1  }
0x237: {  	v61 =	vld [tilespmem:$0x1D0];
	[tilespmem:$0x160] =	vst v2;
	v2 =	vor.u32 v0, v3;
	v3 =	vshll.u32 v56, $0x1  }
0x238: {  	v62 =	vld [tilespmem:$0x1E0];
	[tilespmem:$0x170] =	vst v2;
	v2 =	vor.u32 v0, v3;
	v3 =	vshll.u32 v57, $0x1  }
0x239: {  	v63 =	vld [tilespmem:$0x1F0];
	[tilespmem:$0x180] =	vst v2;
	v2 =	vor.u32 v0, v3;
	v3 =	vshll.u32 v58, $0x1  }
0x23a: {  	[tilespmem:$0x190] =	vst v2;
	v2 =	vor.u32 v0, v3;
	v3 =	vshll.u32 v59, $0x1  }
0x23b: {  	[tilespmem:$0x1A0] =	vst v2;
	v2 =	vor.u32 v0, v3;
	v3 =	vshll.u32 v60, $0x1  }
0x23c: {  	[tilespmem:$0x1B0] =	vst v2;
	v2 =	vor.u32 v0, v3;
	v3 =	vshll.u32 v61, $0x1  }
0x23d: {  	[tilespmem:$0x1C0] =	vst v2;
	v2 =	vor.u32 v0, v3;
	v3 =	vshll.u32 v62, $0x1  }
0x23e: {  	[tilespmem:$0x1D0] =	vst v2;
	v2 =	vor.u32 v0, v3;
	v3 =	vshll.u32 v63, $0x1  }
0x23f: {  	[tilespmem:$0x1E0] =	vst v2;
	v2 =	vor.u32 v0, v3  }
0x240: {  	s10 =	simm.s32 $0x0;
	s12 =	simm.s32 $0x600;
	[tilespmem:$0x1F0] =	vst v2  }
0x241: {  	[tilespmem:s12], [sflag:$0x1] =	stream.indirect.gather [hbm4b:s4+s9], $0x10, s10, s9, $0xb8;
	[tilespmem:$0x1F900] =	vst v63  }
0x242: {  	s14 =	simm.s32 $0xE00  }
0x243: {  	[tilespmem:s14], [sflag:$0x1] =	stream.indirect.gather [hbm4b:s4+s9], $0x10, s9, s9, $0xb8;
	[tilespmem:$0x1F900] =	vst v63  }
0x244: {  	s24 =	simm.s32 $0x100;
	s25 =	simm.s32 $0x1600  }
0x245: {  	[tilespmem:s25], [sflag:$0x1] =	stream.indirect.gather [hbm4b:s4+s9], $0x10, s24, s9, $0xb8;
	[tilespmem:$0x1F900] =	vst v63  }
0x246: {  	s30 =	simm.s32 $0x180;
	s31 =	simm.s32 $0x1E00  }
0x247: {  	[tilespmem:s31], [sflag:$0x1] =	stream.indirect.gather [hbm4b:s4+s9], $0x10, s30, s9, $0xb8;
	[tilespmem:$0x1F900] =	vst v63  }
.LBB2_14:
0x248: {  	s10 =	simm.s32 $0x0;
	s12 =	simm.s32 $0x5000;
	s14 =	simm.s32 $0x5280  }
.LBB2_15:
0x249: {  	v2 =	vmov s12;
	_ =	sdelay $0x3  }
0x24a: {  	s24 =	simm.s32 $0x0  }
0x24b: {  	v3 =	vld.idx.msk [tilespmem:v2+s24+$0x0 ss:$0x1], $0xffff;
	_ =	sdelay $0x4  }
0x24c: {  	v4 =	vld [tilespmem:s14+$0xFFFFFF80];
	v8 =	vbroadcast v3, $0x0  }
0x24d: {  	v5 =	vld [tilespmem:s14+$0xFFFFFF90];
	v9 =	vbroadcast v3, $0x1;
	v12 =	vbroadcast v3, $0x2  }
0x24e: {  	v6 =	vld [tilespmem:s14+$0xFFFFFFA0];
	v42 =	vbroadcast v3, $0x3;
	v44 =	vbroadcast v3, $0x4  }
0x24f: {  	v7 =	vld [tilespmem:s14+$0xFFFFFFB0];
	v45 =	vbroadcast v3, $0x5;
	v14 =	vbroadcast v3, $0x6  }
0x250: {  	v11 =	vld [tilespmem:s14+$0xFFFFFFD0];
	v48 =	vbroadcast v3, $0x7;
	v51 =	vbroadcast v3, $0x8  }
0x251: {  	v43 =	vld [tilespmem:s14+$0xFFFFFFE0];
	v52 =	vbroadcast v3, $0x9;
	v4 =	vmul.f32 v8, v4  }
0x252: {  	v47 =	vld [tilespmem:s14+$0x10];
	v55 =	vbroadcast v3, $0xA;
	v5 =	vmul.f32 v5, v9  }
0x253: {  	v58 =	vld [tilespmem:s14+$0x60];
	v56 =	vbroadcast v3, $0xB;
	v6 =	vmul.f32 v6, v12;
	[tilespmem:s14+$0xFFFFFF80] =	vst v4  }
0x254: {  	v59 =	vld [tilespmem:s14+$0x70];
	v60 =	vbroadcast v3, $0xC;
	v7 =	vmul.f32 v7, v42;
	[tilespmem:s14+$0xFFFFFF90] =	vst v5  }
0x255: {  	v10 =	vld [tilespmem:s14+$0xFFFFFFC0];
	v61 =	vbroadcast v3, $0xD;
	v8 =	vmul.f32 v11, v45;
	[tilespmem:s14+$0xFFFFFFA0] =	vst v6  }
0x256: {  	v13 =	vld [tilespmem:s14+$0xFFFFFFF0];
	v62 =	vbroadcast v3, $0xE;
	v9 =	vmul.f32 v43, v14;
	[tilespmem:s14+$0xFFFFFFB0] =	vst v7  }
0x257: {  	v49 =	vld [tilespmem:s14+$0x20];
	v3 =	vbroadcast v3, $0xF;
	v57 =	vmul.f32 v47, v52;
	[tilespmem:s14+$0xFFFFFFD0] =	vst v8  }
0x258: {  	v50 =	vld [tilespmem:s14+$0x30];
	v63 =	vmul.f32 v58, v62;
	[tilespmem:s14+$0xFFFFFFE0] =	vst v9  }
0x259: {  	v46 =	vld [tilespmem:s14+$0x0];
	v3 =	vmul.f32 v59, v3;
	[tilespmem:s14+$0x10] =	vst v57  }
0x25a: {  	v54 =	vld [tilespmem:s14+$0x50];
	v4 =	vmul.f32 v10, v44;
	[tilespmem:s14+$0x60] =	vst v63  }
0x25b: {  	v53 =	vld [tilespmem:s14+$0x40];
	v6 =	vmul.f32 v13, v48;
	[tilespmem:s14+$0x70] =	vst v3  }
0x25c: {  	v10 =	vmul.f32 v49, v55;
	[tilespmem:s14+$0xFFFFFFC0] =	vst v4  }
0x25d: {  	v5 =	vmul.f32 v50, v56;
	[tilespmem:s14+$0xFFFFFFF0] =	vst v6  }
0x25e: {  	v4 =	vmul.f32 v46, v51;
	[tilespmem:s14+$0x20] =	vst v10  }
0x25f: {  	v7 =	vmul.f32 v54, v61;
	[tilespmem:s14+$0x30] =	vst v5  }
0x260: {  	[tilespmem:s14+$0x0] =	vst v4;
	v4 =	vmul.f32 v53, v60  }
0x261: {  	[tilespmem:s14+$0x50] =	vst v7  }
0x262: {  	s25 =	simm.s32 $0x10;
	s30 =	smov.u32 s14;
	s24 =	simm.s32 $0x80;
	[tilespmem:s14+$0x40] =	vst v4  }
.LBB2_16:
0x263: {  	p0 =	sne.s32 s24, $0x1C0;
	v3 =	vld.idx.msk [tilespmem:v2+s25+$0x0 ss:$0x1], $0xffff;
	s30 =	sadd.s32 $0x100, s30  }
0x264: {  	v4 =	vld [tilespmem:s30+$0xFFFFFFB0]  }
0x265: {  	v5 =	vld [tilespmem:s30+$0xFFFFFF90]  }
0x266: {  	v6 =	vld [tilespmem:s30+$0xFFFFFF80]  }
0x267: {  	v7 =	vld [tilespmem:s30+$0xFFFFFFA0]  }
0x268: {  	v8 =	vld [tilespmem:s30+$0xFFFFFFF0]  }
0x269: {  	v9 =	vbroadcast v3, $0x0;
	v10 =	vbroadcast v3, $0x1;
	v11 =	vld [tilespmem:s30+$0xFFFFFFD0]  }
0x26a: {  	v12 =	vbroadcast v3, $0x2;
	v13 =	vbroadcast v3, $0x3;
	v14 =	vld [tilespmem:s30+$0xFFFFFFC0]  }
0x26b: {  	v5 =	vmul.f32 v5, v10;
	v6 =	vmul.f32 v9, v6;
	v9 =	vld [tilespmem:s30+$0xFFFFFFE0]  }
0x26c: {  	v4 =	vmul.f32 v4, v13;
	v7 =	vmul.f32 v7, v12;
	v10 =	vld [tilespmem:s30+$0x30]  }
0x26d: {  	v12 =	vbroadcast v3, $0x5;
	[tilespmem:s30+$0xFFFFFF80] =	vst v6;
	v6 =	vbroadcast v3, $0x4;
	v13 =	vld [tilespmem:s30+$0x10]  }
0x26e: {  	v15 =	vbroadcast v3, $0x7;
	[tilespmem:s30+$0xFFFFFF90] =	vst v5;
	v5 =	vbroadcast v3, $0x6;
	v16 =	vld [tilespmem:s30+$0x0]  }
0x26f: {  	[tilespmem:s30+$0xFFFFFFA0] =	vst v7;
	v6 =	vmul.f32 v14, v6;
	v7 =	vmul.f32 v11, v12;
	v11 =	vld [tilespmem:s30+$0x20]  }
0x270: {  	[tilespmem:s30+$0xFFFFFFB0] =	vst v4;
	v4 =	vmul.f32 v9, v5;
	v5 =	vmul.f32 v8, v15;
	v8 =	vld [tilespmem:s30+$0x70]  }
0x271: {  	v9 =	vbroadcast v3, $0x9;
	[tilespmem:s30+$0xFFFFFFC0] =	vst v6;
	v6 =	vbroadcast v3, $0x8;
	v12 =	vld [tilespmem:s30+$0x50]  }
0x272: {  	v14 =	vbroadcast v3, $0xB;
	[tilespmem:s30+$0xFFFFFFD0] =	vst v7;
	v7 =	vbroadcast v3, $0xA;
	v15 =	vld [tilespmem:s30+$0x40]  }
0x273: {  	[tilespmem:s30+$0xFFFFFFE0] =	vst v4;
	v4 =	vmul.f32 v16, v6;
	v6 =	vmul.f32 v13, v9;
	v9 =	vld [tilespmem:s30+$0x60]  }
0x274: {  	[tilespmem:s30+$0xFFFFFFF0] =	vst v5;
	v5 =	vmul.f32 v11, v7;
	v7 =	vmul.f32 v10, v14  }
0x275: {  	v10 =	vbroadcast v3, $0xD;
	[tilespmem:s30+$0x0] =	vst v4;
	v4 =	vbroadcast v3, $0xC  }
0x276: {  	[tilespmem:s30+$0x10] =	vst v6;
	v6 =	vbroadcast v3, $0xE;
	v3 =	vbroadcast v3, $0xF  }
0x277: {  	[tilespmem:s30+$0x20] =	vst v5;
	v4 =	vmul.f32 v15, v4;
	v5 =	vmul.f32 v12, v10  }
.Ltmp6:
0x278: {  	[tilespmem:s30+$0x30] =	vst v7;
	v6 =	vmul.f32 v9, v6;
	v3 =	vmul.f32 v8, v3;
	(pc) =	sbr.rel @p0 .LBB2_16-.Ltmp6, $4  }
0x279: {  	[tilespmem:s30+$0x40] =	vst v4  }
0x27a: {  	[tilespmem:s30+$0x50] =	vst v5  }
0x27b: {  	[tilespmem:s30+$0x60] =	vst v6  }
0x27c: {  	s25 =	sshra.s32 s24, $0x2;
	s24 =	sadd.s32 $0x40, s24;
	[tilespmem:s30+$0x70] =	vst v3  }
0x27d: {  	_ =	sdelay $0x3  }
0x27e: {  	v2 =	vld.idx.msk [tilespmem:v2+s25+$0x0 ss:$0x1], $0xffff  }
0x27f: {  	s24 =	sadd.s32 $0x100, s30  }
0x280: {  	v3 =	vld [tilespmem:s24+$0xFFFFFF80]  }
0x281: {  	v4 =	vld [tilespmem:s24+$0xFFFFFF90]  }
0x282: {  	v5 =	vld [tilespmem:s24+$0xFFFFFFA0]  }
0x283: {  	v6 =	vld [tilespmem:s24+$0xFFFFFFB0];
	v7 =	vbroadcast v2, $0x0  }
0x284: {  	v10 =	vld [tilespmem:s24+$0xFFFFFFD0];
	v8 =	vbroadcast v2, $0x1  }
0x285: {  	v46 =	vld [tilespmem:s24+$0xFFFFFFE0];
	v11 =	vbroadcast v2, $0x2;
	v3 =	vmul.f32 v7, v3  }
0x286: {  	v9 =	vld [tilespmem:s24+$0xFFFFFFC0];
	v45 =	vbroadcast v2, $0x3;
	v4 =	vmul.f32 v4, v8  }
0x287: {  	v49 =	vld [tilespmem:s24+$0x10];
	v47 =	vbroadcast v2, $0x5;
	v5 =	vmul.f32 v5, v11;
	[tilespmem:s24+$0xFFFFFF80] =	vst v3  }
0x288: {  	v59 =	vld [tilespmem:s24+$0x60];
	v13 =	vbroadcast v2, $0x6;
	v6 =	vmul.f32 v6, v45;
	[tilespmem:s24+$0xFFFFFF90] =	vst v4  }
0x289: {  	v12 =	vld [tilespmem:s24+$0xFFFFFFF0];
	v7 =	vmul.f32 v10, v47;
	v3 =	vbroadcast v2, $0x4;
	[tilespmem:s24+$0xFFFFFFA0] =	vst v5  }
0x28a: {  	v48 =	vld [tilespmem:s24+$0x0];
	v53 =	vbroadcast v2, $0x9;
	v8 =	vmul.f32 v46, v13;
	[tilespmem:s24+$0xFFFFFFB0] =	vst v6  }
0x28b: {  	v52 =	vld [tilespmem:s24+$0x30];
	v62 =	vbroadcast v2, $0xE;
	[tilespmem:s24+$0xFFFFFFD0] =	vst v7;
	v3 =	vmul.f32 v9, v3  }
0x28c: {  	v55 =	vld [tilespmem:s24+$0x50];
	v50 =	vbroadcast v2, $0x7;
	v58 =	vmul.f32 v49, v53;
	[tilespmem:s24+$0xFFFFFFE0] =	vst v8  }
0x28d: {  	v51 =	vld [tilespmem:s24+$0x20];
	v63 =	vmul.f32 v59, v62;
	[tilespmem:s24+$0xFFFFFFC0] =	vst v3;
	v3 =	vbroadcast v2, $0x8  }
0x28e: {  	v54 =	vld [tilespmem:s24+$0x40];
	v57 =	vbroadcast v2, $0xB;
	v5 =	vmul.f32 v12, v50;
	[tilespmem:s24+$0x10] =	vst v58  }
0x28f: {  	v60 =	vld [tilespmem:s24+$0x70];
	v61 =	vbroadcast v2, $0xD;
	[tilespmem:s24+$0x60] =	vst v63;
	v3 =	vmul.f32 v48, v3  }
0x290: {  	s10 =	sadd.s32 $0x1, s10;
	v56 =	vbroadcast v2, $0xA;
	v4 =	vmul.f32 v52, v57;
	[tilespmem:s24+$0xFFFFFFF0] =	vst v5  }
0x291: {  	p0 =	sne.s32 s10, $0x4;
	v6 =	vmul.f32 v55, v61;
	[tilespmem:s24+$0x0] =	vst v3;
	v3 =	vbroadcast v2, $0xC  }
.Ltmp7:
0x292: {  	v9 =	vmul.f32 v51, v56;
	[tilespmem:s24+$0x30] =	vst v4;
	v2 =	vbroadcast v2, $0xF;
	(pc) =	sbr.rel @p0 .LBB2_15-.Ltmp7, $4  }
0x293: {  	[tilespmem:s24+$0x50] =	vst v6;
	v3 =	vmul.f32 v54, v3  }
0x294: {  	[tilespmem:s24+$0x20] =	vst v9;
	v2 =	vmul.f32 v60, v2  }
0x295: {  	[tilespmem:s24+$0x40] =	vst v3  }
0x296: {  	s12 =	sadd.s32 $0x80, s12;
	s14 =	sadd.s32 $0x800, s14;
	[tilespmem:s24+$0x70] =	vst v2  }
0x297: {  	[spmem:s2] =	stream.indirect.scatter.add.f32 [tilespmem:s22], [sflag:$0x5], $0x10, s17, s9, $0xb8;
	[tilespmem:$0x1F900] =	vst v63  }
0x298: {  	s0 =	sadd.s32 $0x1, s0  }
0x299: {  	s10 =	simm.s32 $0x4E80;
	p0 =	sne.s32 s0, $0x42  }
0x29a: {  	[spmem:s2] =	stream.indirect.scatter.add.f32 [tilespmem:s8], [sflag:$0x5], $0x10, s10, s9, $0xb8;
	[tilespmem:$0x1F900] =	vst v63  }
.Ltmp8:
0x29b: {  	_ = 	snop;
	(pc) =	sbr.rel @p0 .LBB2_4-.Ltmp8, $4  }
0x29c: {  	s30 =	simm.s32 $0x4F00  }
0x29d: {  	[spmem:s2] =	stream.indirect.scatter.add.f32 [tilespmem:s11], [sflag:$0x5], $0x10, s30, s9, $0xb8;
	[tilespmem:$0x1F900] =	vst v63  }
0x29e: {  	s31 =	simm.s32 $0x4F80  }
0x29f: {  	[spmem:s2] =	stream.indirect.scatter.add.f32 [tilespmem:s28], [sflag:$0x5], $0x10, s31, s9, $0xb8;
	[tilespmem:$0x1F900] =	vst v63  }
0x2a0: {  	s0 =	simm.s32 $0x4  }
0x2a1: {  	_ =	swait.ge [sflag:s0], $0x800  }
0x2a2: {  	[sflag:s0] =	ssyncset.done $0x0  }
0x2a3: {  	[sflag:s0] =	ssyncadd.s32 $0xFFFFF800  }
0x2a4: {  	_ =	swait.ge [sflag:s0], $0x800  }
0x2a5: {  	[sflag:s0] =	ssyncset.done $0x0  }
0x2a6: {  	[sflag:s0] =	ssyncadd.s32 $0xFFFFF800  }
0x2a7: {  	_ =	swait.ge [sflag:s0], $0x800  }
0x2a8: {  	[sflag:s0] =	ssyncset.done $0x0  }
0x2a9: {  	[sflag:s0] =	ssyncadd.s32 $0xFFFFF800  }
0x2aa: {  	_ =	swait.ge [sflag:s0], $0x800  }
0x2ab: {  	[sflag:s0] =	ssyncset.done $0x0  }
0x2ac: {  	s24 =	simm.s32 $0x5;
	[sflag:s0] =	ssyncadd.s32 $0xFFFFF800  }
0x2ad: {  	_ =	swait.ge [sflag:s24], $0x800  }
0x2ae: {  	[sflag:s24] =	ssyncset.done $0x0  }
0x2af: {  	[sflag:s24] =	ssyncadd.s32 $0xFFFFF800  }
0x2b0: {  	_ =	swait.ge [sflag:s24], $0x800  }
0x2b1: {  	[sflag:s24] =	ssyncset.done $0x0  }
0x2b2: {  	[sflag:s24] =	ssyncadd.s32 $0xFFFFF800  }
0x2b3: {  	_ =	swait.ge [sflag:s24], $0x800  }
0x2b4: {  	[sflag:s24] =	ssyncset.done $0x0  }
0x2b5: {  	[sflag:s24] =	ssyncadd.s32 $0xFFFFF800  }
0x2b6: {  	_ =	swait.ge [sflag:s24], $0x800  }
0x2b7: {  	[sflag:s24] =	ssyncset.done $0x0  }
0x2b8: {  	[sflag:s24] =	ssyncadd.s32 $0xFFFFF800  }
0x2b9: {  	s25 =	stileid.u32;
	[bflag:$0x0] =	sbarrier.arrive $0xFFFF  }
0x2ba: {  	s12 =	simm.s32 $0x6;
	s0 =	sshll.u32 s25, $0x6;
	s14 =	rddreg [dreg:$0x3]  }
0x2bb: {  	s0 =	sor.u32 $0x1C06, s0;
	s10 =	rddreg [dreg:$0x15];
	s3 =	sshrl.u32 s14, $0x3  }
0x2bc: {  	[hbm:s10], [sflag:s0] =	dma.local [spmem:s3], $0x30E0  }
0x2bd: {  	_ =	swait.ge [sflag:s12], $0x30E0  }
0x2be: {  	s30 =	rddreg [dreg:$0x17]  }
0x2bf: {  	s31 =	rddreg [dreg:$0x16];
	s3 =	sadd.s32 $0x1, s30  }
0x2c0: {  	p0 =	sne.s32 s3, s31  }
.Ltmp9:
0x2c1: {  	_ = 	snop;
	(pc) =	sbr.rel @p0 .LBB2_1-.Ltmp9, $3  }
0x2c2: {  	_ =	sdelay $0x1  }
0x2c3: {  	[sflag:s12] =	ssyncset.done $0x0  }
0x2c4: {  	[sflag:s12] =	ssyncadd.s32 $0xFFFFCF20  }
0x2c5: {  	_ =	sfence.sel $0x180000  }
0x2c6: {  	[bflag:$0x0] =	sbarrier.arrive $0xFFFF  }
0x2c7: {  	_ =	strace $0x90000047  }
0x2c8: {  	s0 =	stileid.u32;
	[bflag:$0x2] =	sbarrier.arrive $0xFFFF  }
0x2c9: {  	p0 =	sne.s32 s0, $0x0;
	s0 =	rddreg [dreg:$0x2]  }
0x2ca: {  	s0 =	sadd.s32 @!p0 $0x100000, s0  }
0x2cb: {  	[sflag:s0] =	ssyncadd.tile.s32 @!p0 $0x1;
	_ =	shalt  }
.Lfunc_end2:
_tile_overlayer_lowered:
.L_overlay_start_2:
0x2cc: {  	(tag) =	ssettag $0x2  }
0x2cd: {  	s0 =	rddreg [dreg:$0x0];
	s2 =	stileid.u32  }
0x2ce: {  	s1 =	rddreg [dreg:$0x1];
	p0 =	sne.s32 s2, $0x0  }
0x2cf: {  	s3 =	rddreg [dreg:$0x2];
	[bflag:$0x3] =	sbarrier.arrive $0xFFFF;
	s2 =	simm.s32 @!p0 $0x1C06  }
0x2d0: {  	[timem:s3], [sflag:s2] =	dma.local @!p0 [hbm:s0], s1  }
0x2d1: {  	s0 =	simm.s32 @!p0 $0x6  }
0x2d2: {  	_ =	swait.ge @!p0 [sflag:s0], s1  }
0x2d3: {  	s1 =	ssub.s32 @!p0 $0x0, s1;
	[sflag:s0] =	ssyncset.done @!p0 $0x0  }
0x2d4: {  	[sflag:s0] =	ssyncadd.s32 @!p0 s1  }
0x2d5: {  	[bflag:$0x3] =	sbarrier.arrive $0xFFFF  }
0x2d6: {  	_ =	shalt  }

</sc_bundles>
